<compile_context>
chip_gen: v7x
topology: tpu7x:2x2x1
jax: 0.10.2.dev20260603
libtpu: 0.0.44.dev20260713+nightly
codegen_flags: <defaults>
</compile_context>

<pallas_src>
import functools

import jax
import jax.numpy as jnp
from jax import lax
from jax.experimental import pallas as pl
from jax.experimental.pallas import tpu as pltpu

B = 4; T = 2048; DM = 512; H = 8; DH = 64
NLOCAL = 4; NLSH = 4; BUCKET = 64; NHASH = 4; WINDOW = 128; L = 4
V_MCC = 400; V_AMT = 100; E_MCC = 256; E_AMT = 256; FF = 2048; HH = 512
N = B * T
NB = T // BUCKET
NCH = NHASH * NB
NBKT = NHASH * NB
NT = NHASH * T
BH = B * NLSH
NW = T // WINDOW
TB = 512
NTB = N // TB


def _embed_body(mcc_ref, amt_ref, em_ref, ea_ref, pw_ref, pb_ref, pe_ref, x_ref):
    mccb = mcc_ref[...]
    amtb = amt_ref[...]
    oh_m = (lax.broadcasted_iota(jnp.int32, (TB, V_MCC), 1) == mccb
            ).astype(jnp.float32)
    oh_a = (lax.broadcasted_iota(jnp.int32, (TB, V_AMT), 1) == amtb
            ).astype(jnp.float32)
    e_m = jnp.dot(oh_m, em_ref[...], preferred_element_type=jnp.float32)
    e_a = jnp.dot(oh_a, ea_ref[...], preferred_element_type=jnp.float32)
    e = jnp.concatenate([e_m, e_a], axis=1)
    x = jnp.dot(e, pw_ref[...], preferred_element_type=jnp.float32)
    x_ref[...] = x + pb_ref[...] + pe_ref[...]


def _embed(mcc, amt, emb_mcc, emb_amt, proj_W, proj_b, pe):
    return pl.pallas_call(
        _embed_body,
        grid=(NTB,),
        in_specs=[
            pl.BlockSpec((TB, 1), lambda i: (i, 0)),
            pl.BlockSpec((TB, 1), lambda i: (i, 0)),
            pl.BlockSpec((V_MCC, E_MCC), lambda i: (0, 0)),
            pl.BlockSpec((V_AMT, E_AMT), lambda i: (0, 0)),
            pl.BlockSpec((DM, DM), lambda i: (0, 0)),
            pl.BlockSpec((1, DM), lambda i: (0, 0)),
            pl.BlockSpec((TB, DM), lambda i: (i, 0)),
        ],
        out_specs=pl.BlockSpec((TB, DM), lambda i: (i, 0)),
        out_shape=jax.ShapeDtypeStruct((N, DM), jnp.float32),
    )(mcc, amt, emb_mcc, emb_amt, proj_W, proj_b, pe)


def _qkv_body(x_ref, qw_ref, vw_ref, qkh_ref, vh_ref):
    x = x_ref[...]
    qk = jnp.dot(x, qw_ref[...], preferred_element_type=jnp.float32)
    vv = jnp.dot(x, vw_ref[...], preferred_element_type=jnp.float32)
    for h in range(H):
        qkh_ref[0, h] = qk[:, h * DH:(h + 1) * DH]
        vh_ref[0, h] = vv[:, h * DH:(h + 1) * DH]


def _qkv(x, qw, vw):
    return pl.pallas_call(
        _qkv_body,
        grid=(NTB,),
        in_specs=[
            pl.BlockSpec((TB, DM), lambda i: (i, 0)),
            pl.BlockSpec((DM, DM), lambda i: (0, 0)),
            pl.BlockSpec((DM, DM), lambda i: (0, 0)),
        ],
        out_specs=[
            pl.BlockSpec((1, H, TB, DH), lambda i: (i // 4, 0, i % 4, 0)),
            pl.BlockSpec((1, H, TB, DH), lambda i: (i // 4, 0, i % 4, 0)),
        ],
        out_shape=[
            jax.ShapeDtypeStruct((B, H, T, DH), jnp.float32),
            jax.ShapeDtypeStruct((B, H, T, DH), jnp.float32),
        ],
    )(x, qw, vw)


def _local_body(q_ref, kc_ref, kp_ref, vc_ref, vp_ref, mc_ref, mp_ref, o_ref):
    w = pl.program_id(2)
    q = q_ref[0, 0]
    kc = kc_ref[0, 0]
    kp = kp_ref[0, 0]
    vc = vc_ref[0, 0]
    vp = jnp.where(w > 0, vp_ref[0, 0], 0.0)
    dn = (((1,), (1,)), ((), ()))
    dc = lax.dot_general(q, kc, dn, preferred_element_type=jnp.float32) * 0.125
    dp = lax.dot_general(q, kp, dn, preferred_element_type=jnp.float32) * 0.125
    ii = lax.broadcasted_iota(jnp.int32, (WINDOW, WINDOW), 0)
    jj = lax.broadcasted_iota(jnp.int32, (WINDOW, WINDOW), 1)
    mcur = (mc_ref[0] == 0) & (ii >= jj)
    mprev = (mp_ref[0] == 0) & (w > 0)
    dc = jnp.where(mcur, dc, -1e9)
    dp = jnp.where(mprev, dp, -1e9)
    d = jnp.concatenate([dp, dc], axis=1)
    m = jnp.max(d, axis=1, keepdims=True)
    e = jnp.exp(d - m)
    s = jnp.sum(e, axis=1, keepdims=True)
    v2 = jnp.concatenate([vp, vc], axis=0)
    o_ref[0, 0] = jnp.dot(e, v2, preferred_element_type=jnp.float32) / s


def _local_attn(qkh, vh, mcc3):
    cur = lambda b, h, w: (b, h, w, 0)
    prv = lambda b, h, w: (b, h, jnp.maximum(w - 1, 0), 0)
    return pl.pallas_call(
        _local_body,
        grid=(B, NLOCAL, NW),
        in_specs=[
            pl.BlockSpec((1, 1, WINDOW, DH), cur),
            pl.BlockSpec((1, 1, WINDOW, DH), cur),
            pl.BlockSpec((1, 1, WINDOW, DH), prv),
            pl.BlockSpec((1, 1, WINDOW, DH), cur),
            pl.BlockSpec((1, 1, WINDOW, DH), prv),
            pl.BlockSpec((1, 1, WINDOW), lambda b, h, w: (b * NW + w, 0, 0)),
            pl.BlockSpec((1, 1, WINDOW),
                         lambda b, h, w: (b * NW + jnp.maximum(w - 1, 0), 0, 0)),
        ],
        out_specs=pl.BlockSpec((1, 1, WINDOW, DH), cur),
        out_shape=jax.ShapeDtypeStruct((B, NLOCAL, T, DH), jnp.float32),
    )(qkh, qkh, qkh, vh, vh, mcc3, mcc3)


def _bucket_body(qk_ref, rot_ref, b_ref):
    rx = jnp.dot(qk_ref[0, 0], rot_ref[0], preferred_element_type=jnp.float32)
    sc = jnp.concatenate([rx, -rx], axis=1)
    m = jnp.max(sc, axis=1, keepdims=True)
    io = lax.broadcasted_iota(jnp.int32, sc.shape, 1)
    cand = jnp.where(sc == m, io, NB)
    b_ref[0] = jnp.min(cand, axis=1, keepdims=True)


CS = 512
NCS = NT // CS


def _rank_body(b_ref, rank_ref, w_scr):
    iob = lax.broadcasted_iota(jnp.int32, (NBKT, CS), 0)
    ior = lax.broadcasted_iota(jnp.int32, (CS, CS), 0)
    ioc = lax.broadcasted_iota(jnp.int32, (CS, CS), 1)
    U = (ior < ioc).astype(jnp.float32)

    def pass1(c, prevc):
        vals = b_ref[0, :, pl.ds(c * CS, CS)]
        O = (iob == vals).astype(jnp.float32)
        C = jnp.dot(O, U, preferred_element_type=jnp.float32)
        within = jnp.sum(C * O, axis=0, keepdims=True)
        prev_ex = jnp.sum(prevc * O, axis=0, keepdims=True)
        w_scr[pl.ds(c, 1), :] = within + prev_ex
        return prevc + jnp.sum(O, axis=1, keepdims=True)

    totals = lax.fori_loop(0, NCS, pass1, jnp.zeros((NBKT, 1), jnp.float32))
    iobr = lax.broadcasted_iota(jnp.int32, (NBKT, NBKT), 0)
    iobc = lax.broadcasted_iota(jnp.int32, (NBKT, NBKT), 1)
    Ls = (iobc < iobr).astype(jnp.float32)
    offsets = jnp.dot(Ls, totals, preferred_element_type=jnp.float32)

    def pass2(c, _):
        vals = b_ref[0, :, pl.ds(c * CS, CS)]
        O = (iob == vals).astype(jnp.float32)
        off = jnp.sum(offsets * O, axis=0, keepdims=True)
        rank_ref[0, :, pl.ds(c * CS, CS)] = (
            off + w_scr[pl.ds(c, 1), :]).astype(jnp.int32)
        return 0

    lax.fori_loop(0, NCS, pass2, 0)


def _ranks(buckets):
    return pl.pallas_call(
        _rank_body,
        grid=(BH,),
        in_specs=[pl.BlockSpec((1, 1, NT), lambda i: (i, 0, 0))],
        out_specs=pl.BlockSpec((1, 1, NT), lambda i: (i, 0, 0)),
        out_shape=jax.ShapeDtypeStruct((BH, 1, NT), jnp.int32),
        scratch_shapes=[pltpu.VMEM((NCS, CS), jnp.float32)],
    )(buckets)


def _lsh_body(qc_ref, qp_ref, vc_ref, vp_ref, stc_ref, stp_ref, stq_ref,
              smc_ref, smp_ref, so_ref, sl_ref):
    q = qc_ref[0, 0]
    k2 = jnp.concatenate([qc_ref[0, 0], qp_ref[0, 0]], axis=0)
    nrm = jnp.sqrt(jnp.sum(k2 * k2, axis=1, keepdims=True))
    kn = k2 / jnp.maximum(nrm, 1e-9)
    dn = (((1,), (1,)), ((), ()))
    d = lax.dot_general(q, kn, dn, preferred_element_type=jnp.float32) * 0.125
    smkv = jnp.concatenate([smc_ref[0, 0], smp_ref[0, 0]], axis=1)
    bkv = jnp.concatenate([stc_ref[0, 0], stp_ref[0, 0]], axis=1)
    bq = stq_ref[0, 0]
    d = jnp.where(smkv > 0, d, -1e9)
    d = jnp.where(bq < bkv, -1e9, d)
    d = jnp.where(bq == bkv, -5e4, d)
    m = jnp.max(d, axis=1, keepdims=True)
    e = jnp.exp(d - m)
    s = jnp.sum(e, axis=1, keepdims=True)
    lse = jnp.log(s) + m
    sl_ref[0, 0] = lse
    p = jnp.exp(d - lse)
    v2 = jnp.concatenate([vc_ref[0, 0], vp_ref[0, 0]], axis=0)
    so_ref[0, 0] = jnp.dot(p, v2, preferred_element_type=jnp.float32)


def _lsh_attn(sqk, sv, st_row, st_col, sm_row):
    prev = lambda bh, c: (bh, (c + NCH - 1) % NCH, 0, 0)
    cur = lambda bh, c: (bh, c, 0, 0)
    return pl.pallas_call(
        _lsh_body,
        grid=(BH, NCH),
        in_specs=[
            pl.BlockSpec((1, 1, BUCKET, DH), cur),
            pl.BlockSpec((1, 1, BUCKET, DH), prev),
            pl.BlockSpec((1, 1, BUCKET, DH), cur),
            pl.BlockSpec((1, 1, BUCKET, DH), prev),
            pl.BlockSpec((1, 1, 1, BUCKET), cur),
            pl.BlockSpec((1, 1, 1, BUCKET), prev),
            pl.BlockSpec((1, 1, BUCKET, 1), cur),
            pl.BlockSpec((1, 1, 1, BUCKET), cur),
            pl.BlockSpec((1, 1, 1, BUCKET), prev),
        ],
        out_specs=[
            pl.BlockSpec((1, 1, BUCKET, DH), cur),
            pl.BlockSpec((1, 1, BUCKET, 1), cur),
        ],
        out_shape=[
            jax.ShapeDtypeStruct((BH, NCH, BUCKET, DH), jnp.float32),
            jax.ShapeDtypeStruct((BH, NCH, BUCKET, 1), jnp.float32),
        ],
    )(sqk, sqk, sv, sv, st_row, st_row, st_col, sm_row, sm_row)


def _combine_body(ou_ref, lg_ref, o_ref):
    lgs = [lg_ref[0, h] for h in range(NHASH)]
    m = lgs[0]
    for h in range(1, NHASH):
        m = jnp.maximum(m, lgs[h])
    es = [jnp.exp(g - m) for g in lgs]
    s = es[0]
    for h in range(1, NHASH):
        s = s + es[h]
    lse = jnp.log(s) + m
    o = ou_ref[0, 0] * jnp.exp(lgs[0] - lse)
    for h in range(1, NHASH):
        o = o + ou_ref[0, h] * jnp.exp(lgs[h] - lse)
    o_ref[0, 0] = o


def _lsh_combine(ou, lg):
    return pl.pallas_call(
        _combine_body,
        grid=(BH, T // TB),
        in_specs=[
            pl.BlockSpec((1, NHASH, TB, DH), lambda bh, t: (bh, 0, t, 0)),
            pl.BlockSpec((1, NHASH, TB, 1), lambda bh, t: (bh, 0, t, 0)),
        ],
        out_specs=pl.BlockSpec((1, 1, TB, DH),
                               lambda bh, t: (bh // NLSH, bh % NLSH, t, 0)),
        out_shape=jax.ShapeDtypeStruct((B, NLSH, T, DH), jnp.float32),
    )(ou, lg)


def _ln(h, g, b):
    mu = jnp.mean(h, axis=1, keepdims=True)
    xc = h - mu
    var = jnp.mean(xc * xc, axis=1, keepdims=True)
    return xc * lax.rsqrt(var + 1e-5) * g + b


def _attnout_body(l0, l1, l2, l3, s0, s1, s2, s3, x_ref, w_ref, b_ref,
                  g_ref, bb_ref, o_ref):
    attn = jnp.concatenate(
        [r[0, 0] for r in (l0, l1, l2, l3, s0, s1, s2, s3)], axis=1)
    h = jnp.dot(attn, w_ref[...], preferred_element_type=jnp.float32)
    h = h + b_ref[...] + x_ref[...]
    o_ref[...] = _ln(h, g_ref[...], bb_ref[...])


def _attnout(lo, lsho, x, w, b, g, bb):
    def hspec(h):
        return pl.BlockSpec((1, 1, TB, DH), lambda i, h=h: (i // 4, h, i % 4, 0))
    return pl.pallas_call(
        _attnout_body,
        grid=(NTB,),
        in_specs=[hspec(0), hspec(1), hspec(2), hspec(3),
                  hspec(0), hspec(1), hspec(2), hspec(3),
                  pl.BlockSpec((TB, DM), lambda i: (i, 0)),
                  pl.BlockSpec((DM, DM), lambda i: (0, 0)),
                  pl.BlockSpec((1, DM), lambda i: (0, 0)),
                  pl.BlockSpec((1, DM), lambda i: (0, 0)),
                  pl.BlockSpec((1, DM), lambda i: (0, 0))],
        out_specs=pl.BlockSpec((TB, DM), lambda i: (i, 0)),
        out_shape=jax.ShapeDtypeStruct((N, DM), jnp.float32),
    )(lo, lo, lo, lo, lsho, lsho, lsho, lsho, x, w, b, g, bb)


def _gelu(x):
    return 0.5 * x * (1.0 + lax.erf(x * 0.7071067811865476))


def _ffn_body(x_ref, w1_ref, b1_ref, w2_ref, b2_ref, g_ref, bb_ref, o_ref):
    x = x_ref[...]
    h = jnp.dot(x, w1_ref[...], preferred_element_type=jnp.float32) + b1_ref[...]
    h = _gelu(h)
    h = jnp.dot(h, w2_ref[...], preferred_element_type=jnp.float32) + b2_ref[...]
    o_ref[...] = _ln(h + x, g_ref[...], bb_ref[...])


def _ffn(x, w1, b1, w2, b2, g, bb):
    return pl.pallas_call(
        _ffn_body,
        grid=(NTB,),
        in_specs=[
            pl.BlockSpec((TB, DM), lambda i: (i, 0)),
            pl.BlockSpec((DM, FF), lambda i: (0, 0)),
            pl.BlockSpec((1, FF), lambda i: (0, 0)),
            pl.BlockSpec((FF, DM), lambda i: (0, 0)),
            pl.BlockSpec((1, DM), lambda i: (0, 0)),
            pl.BlockSpec((1, DM), lambda i: (0, 0)),
            pl.BlockSpec((1, DM), lambda i: (0, 0)),
        ],
        out_specs=pl.BlockSpec((TB, DM), lambda i: (i, 0)),
        out_shape=jax.ShapeDtypeStruct((N, DM), jnp.float32),
    )(x, w1, b1, w2, b2, g, bb)


def _heads_body(x_ref, mw1_ref, mb1_ref, mw2_ref, mb2_ref,
                aw1_ref, ab1_ref, aw2_ref, ab2_ref, lm_ref, la_ref):
    x = x_ref[...]
    hm = _gelu(jnp.dot(x, mw1_ref[...], preferred_element_type=jnp.float32)
               + mb1_ref[...])
    lm_ref[...] = jnp.dot(hm, mw2_ref[...],
                          preferred_element_type=jnp.float32) + mb2_ref[...]
    ha = _gelu(jnp.dot(x, aw1_ref[...], preferred_element_type=jnp.float32)
               + ab1_ref[...])
    la_ref[...] = jnp.dot(ha, aw2_ref[...],
                          preferred_element_type=jnp.float32) + ab2_ref[...]


def _heads(x, mw1, mb1, mw2, mb2, aw1, ab1, aw2, ab2):
    return pl.pallas_call(
        _heads_body,
        grid=(NTB,),
        in_specs=[
            pl.BlockSpec((TB, DM), lambda i: (i, 0)),
            pl.BlockSpec((DM, HH), lambda i: (0, 0)),
            pl.BlockSpec((1, HH), lambda i: (0, 0)),
            pl.BlockSpec((HH, V_MCC), lambda i: (0, 0)),
            pl.BlockSpec((1, V_MCC), lambda i: (0, 0)),
            pl.BlockSpec((DM, HH), lambda i: (0, 0)),
            pl.BlockSpec((1, HH), lambda i: (0, 0)),
            pl.BlockSpec((HH, V_AMT), lambda i: (0, 0)),
            pl.BlockSpec((1, V_AMT), lambda i: (0, 0)),
        ],
        out_specs=[
            pl.BlockSpec((TB, V_MCC), lambda i: (i, 0)),
            pl.BlockSpec((TB, V_AMT), lambda i: (i, 0)),
        ],
        out_shape=[
            jax.ShapeDtypeStruct((N, V_MCC), jnp.float32),
            jax.ShapeDtypeStruct((N, V_AMT), jnp.float32),
        ],
    )(x, mw1, mb1, mw2, mb2, aw1, ab1, aw2, ab2)


def kernel(mcc, amount_bin, emb_mcc, emb_amt, proj_W, proj_b, qk_W, v_W,
           out_W, out_b, ff1_W, ff1_b, ff2_W, ff2_b, ln1_g, ln1_b, ln2_g,
           ln2_b, hm_W1, hm_b1, hm_W2, hm_b2, ha_W1, ha_b1, ha_W2, ha_b2):
    mcc = mcc.astype(jnp.int32)
    amount_bin = amount_bin.astype(jnp.int32)

    pos = jnp.arange(T)[:, None].astype(jnp.float32)
    div = jnp.exp(jnp.arange(0, DM, 2).astype(jnp.float32) * (-9.21034037198 / DM))
    pe = jnp.zeros((T, DM))
    pe = pe.at[:, 0::2].set(jnp.sin(pos * div))
    pe = pe.at[:, 1::2].set(jnp.cos(pos * div))
    pe_full = jnp.broadcast_to(pe[None], (B, T, DM)).reshape(N, DM)
    rkey = jax.random.key(42)
    rots = jnp.stack([
        jax.random.normal(jax.random.fold_in(rkey, l), (DH, NHASH, NB // 2))
        for l in range(L)])
    rots = rots.transpose(0, 2, 1, 3)

    mcc3 = mcc.reshape(B * NW, 1, WINDOW)
    x = _embed(mcc.reshape(N, 1), amount_bin.reshape(N, 1),
               emb_mcc, emb_amt, proj_W, proj_b[None], pe_full)

    for l in range(L):
        qkh, vh = _qkv(x, qk_W[l], v_W[l])
        lo = _local_attn(qkh, vh, mcc3)

        bc = pl.pallas_call(
            _bucket_body,
            grid=(B, NLSH, NHASH),
            in_specs=[
                pl.BlockSpec((1, 1, T, DH), lambda b, h, j: (b, NLOCAL + h, 0, 0)),
                pl.BlockSpec((1, DH, NB // 2), lambda b, h, j: (j, 0, 0)),
            ],
            out_specs=pl.BlockSpec(
                (1, T, 1), lambda b, h, j: ((b * NLSH + h) * NHASH + j, 0, 0)),
            out_shape=jax.ShapeDtypeStruct((BH * NHASH, T, 1), jnp.int32),
        )(qkh, rots[l])
        bl = bc.reshape(BH, NHASH, T) + (jnp.arange(NHASH) * NB)[None, :, None]
        buckets = bl.reshape(BH, 1, NT)

        rank = _ranks(buckets).reshape(BH, NT)

        iota_r = jnp.arange(NT, dtype=jnp.int32)[None, :]
        sticker = jnp.zeros((BH, NT), jnp.int32).at[
            jnp.arange(BH)[:, None], rank].set(
                jnp.broadcast_to(iota_r, (BH, NT)))
        st = sticker % T
        qk_lsh = qkh[:, NLOCAL:].reshape(BH, T, DH)
        v_lsh = vh[:, NLOCAL:].reshape(BH, T, DH)
        sqk = jnp.take_along_axis(qk_lsh, st[..., None], axis=1)
        sv = jnp.take_along_axis(v_lsh, st[..., None], axis=1)
        mask_h = jnp.repeat(mcc == 0, NLSH, axis=0)
        sm = jnp.take_along_axis(mask_h, st, axis=1).astype(jnp.float32)

        sqk4 = sqk.reshape(BH, NCH, BUCKET, DH)
        sv4 = sv.reshape(BH, NCH, BUCKET, DH)
        st_row = st.reshape(BH, NCH, 1, BUCKET)
        st_col = st.reshape(BH, NCH, BUCKET, 1)
        sm_row = sm.reshape(BH, NCH, 1, BUCKET)
        so, sl = _lsh_attn(sqk4, sv4, st_row, st_col, sm_row)

        so2 = so.reshape(BH, NT, DH)
        sl2 = sl.reshape(BH, NT)
        ou = jnp.take_along_axis(so2, rank[..., None], axis=1)
        lg = jnp.take_along_axis(sl2, rank, axis=1)
        ou4 = ou.reshape(BH, NHASH, T, DH)
        lg4 = lg.reshape(BH, NHASH, T, 1)
        lsho = _lsh_combine(ou4, lg4)

        x = _attnout(lo, lsho, x, out_W[l], out_b[l][None], ln1_g[l][None],
                     ln1_b[l][None])
        x = _ffn(x, ff1_W[l], ff1_b[l][None], ff2_W[l], ff2_b[l][None],
                 ln2_g[l][None], ln2_b[l][None])

    lm, la = _heads(x, hm_W1, hm_b1[None], hm_W2, hm_b2[None],
                    ha_W1, ha_b1[None], ha_W2, ha_b2[None])
    return lm.reshape(B, T, V_MCC), la.reshape(B, T, V_AMT)

# --- scband reference (transcript-rebuilt; emitter-appended) ---
"""Pipeline reference for scband-reformer-model-38079180047132 (READ-ONLY COPY).

The authoritative reference and input builder live on the scoring server;
editing this copy changes nothing except your own understanding.
"""

import jax, jax.numpy as jnp
import numpy as np
from jax.scipy.special import logsumexp

B=4; T=2048; DM=512; H=8; DH=64; NLOCAL=4; NLSH=4; BUCKET=64; NHASH=4; WINDOW=128; L=4
V_MCC=400; V_AMT=100; E_MCC=256; E_AMT=256; FF=2048; HH=512

def _ln(x, g, b, eps=1e-5):
    mu = jnp.mean(x, -1, keepdims=True)
    var = jnp.mean((x - mu) ** 2, -1, keepdims=True)
    return (x - mu) / jnp.sqrt(var + eps) * g + b

def _look_back(x):
    return jnp.concatenate([x, jnp.roll(x, 1, axis=1)], axis=2)

def _lsh_attention(qk, v, mask, key):
    bh, t, d = qk.shape
    nb = t // BUCKET
    rot = jax.random.normal(key, (d, NHASH, nb // 2))
    rx = jnp.einsum('btf,fhi->bhti', qk, rot)
    rx = jnp.concatenate([rx, -rx], axis=-1)
    buckets = jnp.argmax(rx, axis=-1)
    buckets = (buckets + (jnp.arange(NHASH) * nb)[None, :, None]).reshape(bh, -1)
    ticker = jnp.arange(NHASH * t)[None, :]
    bat = t * buckets + (ticker % t)
    sticker = jnp.argsort(bat, axis=-1)
    undo = jnp.argsort(sticker, axis=-1)
    st = sticker % t
    sqk = jnp.take_along_axis(qk, st[..., None], axis=1)
    sv = jnp.take_along_axis(v, st[..., None], axis=1)
    nch = NHASH * nb
    bq_t = st.reshape(bh, nch, BUCKET)
    bqk = sqk.reshape(bh, nch, BUCKET, d)
    bv = sv.reshape(bh, nch, BUCKET, d)
    bq = bqk
    bk = bqk / jnp.maximum(jnp.linalg.norm(bqk, axis=-1, keepdims=True), 1e-9)
    bk = _look_back(bk); bv2 = _look_back(bv); bkv_t = _look_back(bq_t)
    dots = jnp.einsum('bcid,bcjd->bcij', bq, bk) * (d ** -0.5)
    sm = jnp.take_along_axis(mask, st, axis=1).reshape(bh, nch, BUCKET)
    mkv = _look_back(sm)
    dots = jnp.where(mkv[:, :, None, :], dots, -1e9)
    dots = jnp.where(bq_t[:, :, :, None] < bkv_t[:, :, None, :], -1e9, dots)
    dots = jnp.where(bq_t[:, :, :, None] == bkv_t[:, :, None, :], -5e4, dots)
    lse = logsumexp(dots, axis=-1, keepdims=True)
    p = jnp.exp(dots - lse)
    bo = jnp.einsum('bcij,bcjd->bcid', p, bv2)
    so = bo.reshape(bh, NHASH * t, d)
    sl = lse.reshape(bh, NHASH * t)
    o = jnp.take_along_axis(so, undo[..., None], axis=1).reshape(bh, NHASH, t, d)
    lg = jnp.take_along_axis(sl, undo, axis=1).reshape(bh, NHASH, t, 1)
    pr = jnp.exp(lg - logsumexp(lg, axis=1, keepdims=True))
    return jnp.sum(o * pr, axis=1)

def _local_attention(q, k, v, mask):
    bh, t, d = q.shape
    nw = t // WINDOW
    pos = jnp.arange(t).reshape(1, nw, WINDOW)
    bq = q.reshape(bh, nw, WINDOW, d)
    bk = k.reshape(bh, nw, WINDOW, d)
    bv = v.reshape(bh, nw, WINDOW, d)
    pk = jnp.concatenate([jnp.zeros_like(bk[:, :1]), bk[:, :-1]], axis=1)
    pv = jnp.concatenate([jnp.zeros_like(bv[:, :1]), bv[:, :-1]], axis=1)
    bk2 = jnp.concatenate([pk, bk], axis=2)
    bv2 = jnp.concatenate([pv, bv], axis=2)
    ppos = jnp.concatenate([jnp.full((1, 1, WINDOW), -1), pos[:, :-1]], axis=1)
    kpos = jnp.concatenate([ppos, pos], axis=2)
    bm = mask.reshape(bh, nw, WINDOW)
    pm = jnp.concatenate([jnp.zeros_like(bm[:, :1]), bm[:, :-1]], axis=1)
    km = jnp.concatenate([pm, bm], axis=2)
    dots = jnp.einsum('bnid,bnjd->bnij', bq, bk2) * (d ** -0.5)
    valid = km[:, :, None, :] & (kpos[:, :, None, :] >= 0) & (pos[:, :, :, None] >= kpos[:, :, None, :])
    dots = jnp.where(valid, dots, -1e9)
    a = jax.nn.softmax(dots, axis=-1)
    o = jnp.einsum('bnij,bnjd->bnid', a, bv2)
    return o.reshape(bh, t, d)

def _forward(mcc, amount_bin, P):
    (emb_mcc, emb_amt, proj_W, proj_b, qk_W, v_W, out_W, out_b,
     ff1_W, ff1_b, ff2_W, ff2_b, ln1_g, ln1_b, ln2_g, ln2_b,
     hm_W1, hm_b1, hm_W2, hm_b2, ha_W1, ha_b1, ha_W2, ha_b2) = P
    e = jnp.concatenate([emb_mcc[mcc], emb_amt[amount_bin]], axis=-1)
    x = e @ proj_W + proj_b
    pos = jnp.arange(T)[:, None].astype(jnp.float32)
    div = jnp.exp(jnp.arange(0, DM, 2).astype(jnp.float32) * (-9.21034037198 / DM))
    pe = jnp.zeros((T, DM))
    pe = pe.at[:, 0::2].set(jnp.sin(pos * div))
    pe = pe.at[:, 1::2].set(jnp.cos(pos * div))
    x = x + pe[None]
    mask = (mcc == 0)
    mask_h = jnp.repeat(mask, NLOCAL, axis=0)
    rkey = jax.random.key(42)
    for l in range(L):
        qk = x @ qk_W[l]
        vv = x @ v_W[l]
        qk_h = qk.reshape(B, T, H, DH).transpose(0, 2, 1, 3)
        v_h = vv.reshape(B, T, H, DH).transpose(0, 2, 1, 3)
        lqk = qk_h[:, :NLOCAL].reshape(B * NLOCAL, T, DH)
        lv = v_h[:, :NLOCAL].reshape(B * NLOCAL, T, DH)
        sqk = qk_h[:, NLOCAL:].reshape(B * NLSH, T, DH)
        svv = v_h[:, NLOCAL:].reshape(B * NLSH, T, DH)
        lo = _local_attention(lqk, lqk, lv, mask_h)
        so = _lsh_attention(sqk, svv, mask_h, jax.random.fold_in(rkey, l))
        attn = jnp.concatenate([lo.reshape(B, NLOCAL, T, DH), so.reshape(B, NLSH, T, DH)], axis=1)
        attn = attn.transpose(0, 2, 1, 3).reshape(B, T, DM)
        attn = attn @ out_W[l] + out_b[l]
        x = _ln(x + attn, ln1_g[l], ln1_b[l])
        ff = jax.nn.gelu(x @ ff1_W[l] + ff1_b[l], approximate=False) @ ff2_W[l] + ff2_b[l]
        x = _ln(x + ff, ln2_g[l], ln2_b[l])
    lm = jax.nn.gelu(x @ hm_W1 + hm_b1, approximate=False) @ hm_W2 + hm_b2
    la = jax.nn.gelu(x @ ha_W1 + ha_b1, approximate=False) @ ha_W2 + ha_b2
    return lm, la

def setup_inputs(seed: int = 0):
    key = jax.random.key(seed)
    ks = jax.random.split(key, 32)
    g = lambda i, shape: (jax.random.normal(ks[i], shape) * 0.02).astype(jnp.float32)
    inp = {}
    inp['mcc'] = jax.random.randint(ks[0], (B, T), 0, V_MCC)
    inp['amount_bin'] = jax.random.randint(ks[1], (B, T), 0, V_AMT)
    inp['emb_mcc'] = g(2, (V_MCC, E_MCC))
    inp['emb_amt'] = g(3, (V_AMT, E_AMT))
    inp['proj_W'] = g(4, (E_MCC + E_AMT, DM))
    inp['proj_b'] = jnp.zeros((DM,))
    inp['qk_W'] = g(5, (L, DM, DM))
    inp['v_W'] = g(6, (L, DM, DM))
    inp['out_W'] = g(7, (L, DM, DM))
    inp['out_b'] = jnp.zeros((L, DM))
    inp['ff1_W'] = g(8, (L, DM, FF))
    inp['ff1_b'] = jnp.zeros((L, FF))
    inp['ff2_W'] = g(9, (L, FF, DM))
    inp['ff2_b'] = jnp.zeros((L, DM))
    inp['ln1_g'] = jnp.ones((L, DM))
    inp['ln1_b'] = jnp.zeros((L, DM))
    inp['ln2_g'] = jnp.ones((L, DM))
    inp['ln2_b'] = jnp.zeros((L, DM))
    inp['hm_W1'] = g(10, (DM, HH))
    inp['hm_b1'] = jnp.zeros((HH,))
    inp['hm_W2'] = g(11, (HH, V_MCC))
    inp['hm_b2'] = jnp.zeros((V_MCC,))
    inp['ha_W1'] = g(12, (DM, HH))
    inp['ha_b1'] = jnp.zeros((HH,))
    inp['ha_W2'] = g(13, (HH, V_AMT))
    inp['ha_b2'] = jnp.zeros((V_AMT,))
    return inp

def reference(mcc, amount_bin, emb_mcc, emb_amt, proj_W, proj_b, qk_W, v_W, out_W, out_b, ff1_W, ff1_b, ff2_W, ff2_b, ln1_g, ln1_b, ln2_g, ln2_b, hm_W1, hm_b1, hm_W2, hm_b2, ha_W1, ha_b1, ha_W2, ha_b2):
    P = (emb_mcc, emb_amt, proj_W, proj_b, qk_W, v_W, out_W, out_b, ff1_W, ff1_b, ff2_W, ff2_b, ln1_g, ln1_b, ln2_g, ln2_b, hm_W1, hm_b1, hm_W2, hm_b2, ha_W1, ha_b1, ha_W2, ha_b2)
    return _forward(mcc, amount_bin, P)

if __name__ == "__main__":
    import jax
    _d = setup_inputs()
    print(jax.jit(kernel)(*tuple(_d.values())))

</pallas_src>

<mosaic_0001>
module attributes {stable_mosaic.version = 14 : i64} {
  func.func @_embed_body(%arg0: i32, %arg1: memref<512x1xi32, #tpu.memory_space<vmem>>, %arg2: memref<512x1xi32, #tpu.memory_space<vmem>>, %arg3: memref<400x256xf32, #tpu.memory_space<vmem>>, %arg4: memref<100x256xf32, #tpu.memory_space<vmem>>, %arg5: memref<512x512xf32, #tpu.memory_space<vmem>>, %arg6: memref<1x512xf32, #tpu.memory_space<vmem>>, %arg7: memref<512x512xf32, #tpu.memory_space<vmem>>, %arg8: memref<512x512xf32, #tpu.memory_space<vmem>>) attributes {dimension_semantics = [#tpu.dimension_semantics<arbitrary>], iteration_bounds = array<i64: 16>, scalar_prefetch = 0 : i64, scratch_operands = 0 : i64, tpu.core_type = #tpu.core_type<tc>, window_params = [{transform_indices = @transform_0, window_bounds = array<i64: 512, 1>}, {transform_indices = @transform_1, window_bounds = array<i64: 512, 1>}, {pipeline_mode = #tpu.pipeline_mode<synchronous>, transform_indices = @transform_2, window_bounds = array<i64: 400, 256>}, {pipeline_mode = #tpu.pipeline_mode<synchronous>, transform_indices = @transform_3, window_bounds = array<i64: 100, 256>}, {pipeline_mode = #tpu.pipeline_mode<synchronous>, transform_indices = @transform_4, window_bounds = array<i64: 512, 512>}, {pipeline_mode = #tpu.pipeline_mode<synchronous>, transform_indices = @transform_5, window_bounds = array<i64: 1, 512>}, {transform_indices = @transform_6, window_bounds = array<i64: 512, 512>}, {transform_indices = @transform_7, window_bounds = array<i64: 512, 512>}]} {
    %get3A = arith.constant 0 : index
    %get3A_0 = arith.constant 0 : index
    %get3A_1 = vector.load %arg1[%get3A, %get3A_0] : memref<512x1xi32, #tpu.memory_space<vmem>>, vector<512x1xi32>
    %get3A_2 = arith.constant 0 : index
    %get3A_3 = arith.constant 0 : index
    %get3A_4 = vector.load %arg2[%get3A_2, %get3A_3] : memref<512x1xi32, #tpu.memory_space<vmem>>, vector<512x1xi32>
    %iota3A = tpu.iota {dimensions = array<i32: 1>} : vector<512x400xi32>
    %eq3A = vector.broadcast %get3A_1 : vector<512x1xi32> to vector<512x400xi32>
    %eq3A_5 = arith.cmpi eq, %iota3A, %eq3A : vector<512x400xi32>
    %convert_element_type3A = arith.extui %eq3A_5 : vector<512x400xi1> to vector<512x400xi32>
    %convert_element_type3A_6 = arith.sitofp %convert_element_type3A : vector<512x400xi32> to vector<512x400xf32>
    %iota3A_7 = tpu.iota {dimensions = array<i32: 1>} : vector<512x100xi32>
    %eq3A_8 = vector.broadcast %get3A_4 : vector<512x1xi32> to vector<512x100xi32>
    %eq3A_9 = arith.cmpi eq, %iota3A_7, %eq3A_8 : vector<512x100xi32>
    %convert_element_type3A_10 = arith.extui %eq3A_9 : vector<512x100xi1> to vector<512x100xi32>
    %convert_element_type3A_11 = arith.sitofp %convert_element_type3A_10 : vector<512x100xi32> to vector<512x100xf32>
    %get3A_12 = arith.constant 0 : index
    %get3A_13 = arith.constant 0 : index
    %get3A_14 = vector.load %arg3[%get3A_12, %get3A_13] : memref<400x256xf32, #tpu.memory_space<vmem>>, vector<400x256xf32>
    %dot_general3A = arith.constant dense<0.000000e+00> : vector<512x256xf32>
    %dot_general3A_15 = tpu.matmul %convert_element_type3A_6, %get3A_14, %dot_general3A {dimension_numbers = #tpu.dot_dimension_numbers<[1], [0], [0], [1], [0, 0, 1, 1], [], []>, transpose_lhs_hint = false} : vector<512x400xf32>, vector<400x256xf32>, vector<512x256xf32> -> vector<512x256xf32>
    %get3A_16 = arith.constant 0 : index
    %get3A_17 = arith.constant 0 : index
    %get3A_18 = vector.load %arg4[%get3A_16, %get3A_17] : memref<100x256xf32, #tpu.memory_space<vmem>>, vector<100x256xf32>
    %dot_general3A_19 = arith.constant dense<0.000000e+00> : vector<512x256xf32>
    %dot_general3A_20 = tpu.matmul %convert_element_type3A_11, %get3A_18, %dot_general3A_19 {dimension_numbers = #tpu.dot_dimension_numbers<[1], [0], [0], [1], [0, 0, 1, 1], [], []>, transpose_lhs_hint = false} : vector<512x100xf32>, vector<100x256xf32>, vector<512x256xf32> -> vector<512x256xf32>
    %concatenate3A = tpu.concatenate %dot_general3A_15, %dot_general3A_20 in 1 : vector<512x256xf32>, vector<512x256xf32> -> vector<512x512xf32>
    %get3A_21 = arith.constant 0 : index
    %get3A_22 = arith.constant 0 : index
    %get3A_23 = vector.load %arg5[%get3A_21, %get3A_22] : memref<512x512xf32, #tpu.memory_space<vmem>>, vector<512x512xf32>
    %dot_general3A_24 = arith.constant dense<0.000000e+00> : vector<512x512xf32>
    %dot_general3A_25 = tpu.matmul %concatenate3A, %get3A_23, %dot_general3A_24 {dimension_numbers = #tpu.dot_dimension_numbers<[1], [0], [0], [1], [0, 0, 1, 1], [], []>, transpose_lhs_hint = false} : vector<512x512xf32>, vector<512x512xf32>, vector<512x512xf32> -> vector<512x512xf32>
    %get3A_26 = arith.constant 0 : index
    %get3A_27 = arith.constant 0 : index
    %get3A_28 = vector.load %arg6[%get3A_26, %get3A_27] : memref<1x512xf32, #tpu.memory_space<vmem>>, vector<1x512xf32>
    %add3A = vector.broadcast %get3A_28 : vector<1x512xf32> to vector<512x512xf32>
    %add3A_29 = arith.addf %dot_general3A_25, %add3A : vector<512x512xf32>
    %get3A_30 = arith.constant 0 : index
    %get3A_31 = arith.constant 0 : index
    %get3A_32 = vector.load %arg7[%get3A_30, %get3A_31] : memref<512x512xf32, #tpu.memory_space<vmem>>, vector<512x512xf32>
    %add3A_33 = arith.addf %add3A_29, %get3A_32 : vector<512x512xf32>
    %swap3A = arith.constant 0 : index
    %swap3A_34 = arith.constant 0 : index
    %swap3A_35 = vector.load %arg8[%swap3A, %swap3A_34] : memref<512x512xf32, #tpu.memory_space<vmem>>, vector<512x512xf32>
    tpu.vector_store %arg8[%swap3A, %swap3A_34], %add3A_33 {strides = array<i32>} : memref<512x512xf32, #tpu.memory_space<vmem>>, vector<512x512xf32>,
    return
  }
  func.func @transform_0(%arg0: i32) -> (i32, i32) {
    %c0_i32 = arith.constant 0 : i32
    %c0_i32_0 = arith.constant 0 : i32
    return %arg0, %c0_i32 : i32, i32
  }
  func.func @transform_1(%arg0: i32) -> (i32, i32) {
    %c0_i32 = arith.constant 0 : i32
    %c0_i32_0 = arith.constant 0 : i32
    return %arg0, %c0_i32 : i32, i32
  }
  func.func @transform_2(%arg0: i32) -> (i32, i32) {
    %c0_i32 = arith.constant 0 : i32
    %c0_i32_0 = arith.constant 0 : i32
    %c0_i32_1 = arith.constant 0 : i32
    return %c0_i32, %c0_i32_0 : i32, i32
  }
  func.func @transform_3(%arg0: i32) -> (i32, i32) {
    %c0_i32 = arith.constant 0 : i32
    %c0_i32_0 = arith.constant 0 : i32
    %c0_i32_1 = arith.constant 0 : i32
    return %c0_i32, %c0_i32_0 : i32, i32
  }
  func.func @transform_4(%arg0: i32) -> (i32, i32) {
    %c0_i32 = arith.constant 0 : i32
    %c0_i32_0 = arith.constant 0 : i32
    %c0_i32_1 = arith.constant 0 : i32
    return %c0_i32, %c0_i32_0 : i32, i32
  }
  func.func @transform_5(%arg0: i32) -> (i32, i32) {
    %c0_i32 = arith.constant 0 : i32
    %c0_i32_0 = arith.constant 0 : i32
    %c0_i32_1 = arith.constant 0 : i32
    return %c0_i32, %c0_i32_0 : i32, i32
  }
  func.func @transform_6(%arg0: i32) -> (i32, i32) {
    %c0_i32 = arith.constant 0 : i32
    %c0_i32_0 = arith.constant 0 : i32
    return %arg0, %c0_i32 : i32, i32
  }
  func.func @transform_7(%arg0: i32) -> (i32, i32) {
    %c0_i32 = arith.constant 0 : i32
    %c0_i32_0 = arith.constant 0 : i32
    return %arg0, %c0_i32 : i32, i32
  }
}

module attributes {stable_mosaic.version = 14 : i64} {
  func.func @_qkv_body(%arg0: i32, %arg1: memref<512x512xf32, #tpu.memory_space<vmem>>, %arg2: memref<512x512xf32, #tpu.memory_space<vmem>>, %arg3: memref<512x512xf32, #tpu.memory_space<vmem>>, %arg4: memref<1x8x512x64xf32, #tpu.memory_space<vmem>>, %arg5: memref<1x8x512x64xf32, #tpu.memory_space<vmem>>) attributes {dimension_semantics = [#tpu.dimension_semantics<arbitrary>], iteration_bounds = array<i64: 16>, scalar_prefetch = 0 : i64, scratch_operands = 0 : i64, tpu.core_type = #tpu.core_type<tc>, window_params = [{transform_indices = @transform_0, window_bounds = array<i64: 512, 512>}, {pipeline_mode = #tpu.pipeline_mode<synchronous>, transform_indices = @transform_1, window_bounds = array<i64: 512, 512>}, {pipeline_mode = #tpu.pipeline_mode<synchronous>, transform_indices = @transform_2, window_bounds = array<i64: 512, 512>}, {transform_indices = @transform_3, window_bounds = array<i64: 1, 8, 512, 64>}, {transform_indices = @transform_4, window_bounds = array<i64: 1, 8, 512, 64>}]} {
    %get3A = arith.constant 0 : index
    %get3A_0 = arith.constant 0 : index
    %get3A_1 = vector.load %arg1[%get3A, %get3A_0] : memref<512x512xf32, #tpu.memory_space<vmem>>, vector<512x512xf32>
    %get3A_2 = arith.constant 0 : index
    %get3A_3 = arith.constant 0 : index
    %get3A_4 = vector.load %arg2[%get3A_2, %get3A_3] : memref<512x512xf32, #tpu.memory_space<vmem>>, vector<512x512xf32>
    %dot_general3A = arith.constant dense<0.000000e+00> : vector<512x512xf32>
    %dot_general3A_5 = tpu.matmul %get3A_1, %get3A_4, %dot_general3A {dimension_numbers = #tpu.dot_dimension_numbers<[1], [0], [0], [1], [0, 0, 1, 1], [], []>, transpose_lhs_hint = false} : vector<512x512xf32>, vector<512x512xf32>, vector<512x512xf32> -> vector<512x512xf32>
    %get3A_6 = arith.constant 0 : index
    %get3A_7 = arith.constant 0 : index
    %get3A_8 = vector.load %arg3[%get3A_6, %get3A_7] : memref<512x512xf32, #tpu.memory_space<vmem>>, vector<512x512xf32>
    %dot_general3A_9 = arith.constant dense<0.000000e+00> : vector<512x512xf32>
    %dot_general3A_10 = tpu.matmul %get3A_1, %get3A_8, %dot_general3A_9 {dimension_numbers = #tpu.dot_dimension_numbers<[1], [0], [0], [1], [0, 0, 1, 1], [], []>, transpose_lhs_hint = false} : vector<512x512xf32>, vector<512x512xf32>, vector<512x512xf32> -> vector<512x512xf32>
    %slice3A = vector.extract_strided_slice %dot_general3A_5 {offsets = [0, 0], sizes = [512, 64], strides = [1, 1]} : vector<512x512xf32> to vector<512x64xf32>
    %swap3A = arith.constant 0 : index
    %swap3A_11 = arith.constant 0 : index
    %swap3A_12 = arith.constant 0 : index
    %swap3A_13 = arith.constant 0 : index
    %swap3A_14 = vector.load %arg4[%swap3A, %swap3A_11, %swap3A_12, %swap3A_13] : memref<1x8x512x64xf32, #tpu.memory_space<vmem>>, vector<1x1x512x64xf32>
    %swap3A_15 = vector.shape_cast %swap3A_14 : vector<1x1x512x64xf32> to vector<512x64xf32>
    %swap3A_16 = vector.shape_cast %slice3A : vector<512x64xf32> to vector<1x1x512x64xf32>
    tpu.vector_store %arg4[%swap3A, %swap3A_11, %swap3A_12, %swap3A_13], %swap3A_16 {strides = array<i32>} : memref<1x8x512x64xf32, #tpu.memory_space<vmem>>, vector<1x1x512x64xf32>,
    %slice3A_17 = vector.extract_strided_slice %dot_general3A_10 {offsets = [0, 0], sizes = [512, 64], strides = [1, 1]} : vector<512x512xf32> to vector<512x64xf32>
    %swap3A_18 = arith.constant 0 : index
    %swap3A_19 = arith.constant 0 : index
    %swap3A_20 = arith.constant 0 : index
    %swap3A_21 = arith.constant 0 : index
    %swap3A_22 = vector.load %arg5[%swap3A_18, %swap3A_19, %swap3A_20, %swap3A_21] : memref<1x8x512x64xf32, #tpu.memory_space<vmem>>, vector<1x1x512x64xf32>
    %swap3A_23 = vector.shape_cast %swap3A_22 : vector<1x1x512x64xf32> to vector<512x64xf32>
    %swap3A_24 = vector.shape_cast %slice3A_17 : vector<512x64xf32> to vector<1x1x512x64xf32>
    tpu.vector_store %arg5[%swap3A_18, %swap3A_19, %swap3A_20, %swap3A_21], %swap3A_24 {strides = array<i32>} : memref<1x8x512x64xf32, #tpu.memory_space<vmem>>, vector<1x1x512x64xf32>,
    %slice3A_25 = vector.extract_strided_slice %dot_general3A_5 {offsets = [0, 64], sizes = [512, 64], strides = [1, 1]} : vector<512x512xf32> to vector<512x64xf32>
    %swap3A_26 = arith.constant 0 : index
    %swap3A_27 = arith.constant 1 : index
    %swap3A_28 = arith.constant 0 : index
    %swap3A_29 = arith.constant 0 : index
    %swap3A_30 = vector.load %arg4[%swap3A_26, %swap3A_27, %swap3A_28, %swap3A_29] : memref<1x8x512x64xf32, #tpu.memory_space<vmem>>, vector<1x1x512x64xf32>
    %swap3A_31 = vector.shape_cast %swap3A_30 : vector<1x1x512x64xf32> to vector<512x64xf32>
    %swap3A_32 = vector.shape_cast %slice3A_25 : vector<512x64xf32> to vector<1x1x512x64xf32>
    tpu.vector_store %arg4[%swap3A_26, %swap3A_27, %swap3A_28, %swap3A_29], %swap3A_32 {strides = array<i32>} : memref<1x8x512x64xf32, #tpu.memory_space<vmem>>, vector<1x1x512x64xf32>,
    %slice3A_33 = vector.extract_strided_slice %dot_general3A_10 {offsets = [0, 64], sizes = [512, 64], strides = [1, 1]} : vector<512x512xf32> to vector<512x64xf32>
    %swap3A_34 = arith.constant 0 : index
    %swap3A_35 = arith.constant 1 : index
    %swap3A_36 = arith.constant 0 : index
    %swap3A_37 = arith.constant 0 : index
    %swap3A_38 = vector.load %arg5[%swap3A_34, %swap3A_35, %swap3A_36, %swap3A_37] : memref<1x8x512x64xf32, #tpu.memory_space<vmem>>, vector<1x1x512x64xf32>
    %swap3A_39 = vector.shape_cast %swap3A_38 : vector<1x1x512x64xf32> to vector<512x64xf32>
    %swap3A_40 = vector.shape_cast %slice3A_33 : vector<512x64xf32> to vector<1x1x512x64xf32>
    tpu.vector_store %arg5[%swap3A_34, %swap3A_35, %swap3A_36, %swap3A_37], %swap3A_40 {strides = array<i32>} : memref<1x8x512x64xf32, #tpu.memory_space<vmem>>, vector<1x1x512x64xf32>,
    %slice3A_41 = vector.extract_strided_slice %dot_general3A_5 {offsets = [0, 128], sizes = [512, 64], strides = [1, 1]} : vector<512x512xf32> to vector<512x64xf32>
    %swap3A_42 = arith.constant 0 : index
    %swap3A_43 = arith.constant 2 : index
    %swap3A_44 = arith.constant 0 : index
    %swap3A_45 = arith.constant 0 : index
    %swap3A_46 = vector.load %arg4[%swap3A_42, %swap3A_43, %swap3A_44, %swap3A_45] : memref<1x8x512x64xf32, #tpu.memory_space<vmem>>, vector<1x1x512x64xf32>
    %swap3A_47 = vector.shape_cast %swap3A_46 : vector<1x1x512x64xf32> to vector<512x64xf32>
    %swap3A_48 = vector.shape_cast %slice3A_41 : vector<512x64xf32> to vector<1x1x512x64xf32>
    tpu.vector_store %arg4[%swap3A_42, %swap3A_43, %swap3A_44, %swap3A_45], %swap3A_48 {strides = array<i32>} : memref<1x8x512x64xf32, #tpu.memory_space<vmem>>, vector<1x1x512x64xf32>,
    %slice3A_49 = vector.extract_strided_slice %dot_general3A_10 {offsets = [0, 128], sizes = [512, 64], strides = [1, 1]} : vector<512x512xf32> to vector<512x64xf32>
    %swap3A_50 = arith.constant 0 : index
    %swap3A_51 = arith.constant 2 : index
    %swap3A_52 = arith.constant 0 : index
    %swap3A_53 = arith.constant 0 : index
    %swap3A_54 = vector.load %arg5[%swap3A_50, %swap3A_51, %swap3A_52, %swap3A_53] : memref<1x8x512x64xf32, #tpu.memory_space<vmem>>, vector<1x1x512x64xf32>
    %swap3A_55 = vector.shape_cast %swap3A_54 : vector<1x1x512x64xf32> to vector<512x64xf32>
    %swap3A_56 = vector.shape_cast %slice3A_49 : vector<512x64xf32> to vector<1x1x512x64xf32>
    tpu.vector_store %arg5[%swap3A_50, %swap3A_51, %swap3A_52, %swap3A_53], %swap3A_56 {strides = array<i32>} : memref<1x8x512x64xf32, #tpu.memory_space<vmem>>, vector<1x1x512x64xf32>,
    %slice3A_57 = vector.extract_strided_slice %dot_general3A_5 {offsets = [0, 192], sizes = [512, 64], strides = [1, 1]} : vector<512x512xf32> to vector<512x64xf32>
    %swap3A_58 = arith.constant 0 : index
    %swap3A_59 = arith.constant 3 : index
    %swap3A_60 = arith.constant 0 : index
    %swap3A_61 = arith.constant 0 : index
    %swap3A_62 = vector.load %arg4[%swap3A_58, %swap3A_59, %swap3A_60, %swap3A_61] : memref<1x8x512x64xf32, #tpu.memory_space<vmem>>, vector<1x1x512x64xf32>
    %swap3A_63 = vector.shape_cast %swap3A_62 : vector<1x1x512x64xf32> to vector<512x64xf32>
    %swap3A_64 = vector.shape_cast %slice3A_57 : vector<512x64xf32> to vector<1x1x512x64xf32>
    tpu.vector_store %arg4[%swap3A_58, %swap3A_59, %swap3A_60, %swap3A_61], %swap3A_64 {strides = array<i32>} : memref<1x8x512x64xf32, #tpu.memory_space<vmem>>, vector<1x1x512x64xf32>,
    %slice3A_65 = vector.extract_strided_slice %dot_general3A_10 {offsets = [0, 192], sizes = [512, 64], strides = [1, 1]} : vector<512x512xf32> to vector<512x64xf32>
    %swap3A_66 = arith.constant 0 : index
    %swap3A_67 = arith.constant 3 : index
    %swap3A_68 = arith.constant 0 : index
    %swap3A_69 = arith.constant 0 : index
    %swap3A_70 = vector.load %arg5[%swap3A_66, %swap3A_67, %swap3A_68, %swap3A_69] : memref<1x8x512x64xf32, #tpu.memory_space<vmem>>, vector<1x1x512x64xf32>
    %swap3A_71 = vector.shape_cast %swap3A_70 : vector<1x1x512x64xf32> to vector<512x64xf32>
    %swap3A_72 = vector.shape_cast %slice3A_65 : vector<512x64xf32> to vector<1x1x512x64xf32>
    tpu.vector_store %arg5[%swap3A_66, %swap3A_67, %swap3A_68, %swap3A_69], %swap3A_72 {strides = array<i32>} : memref<1x8x512x64xf32, #tpu.memory_space<vmem>>, vector<1x1x512x64xf32>,
    %slice3A_73 = vector.extract_strided_slice %dot_general3A_5 {offsets = [0, 256], sizes = [512, 64], strides = [1, 1]} : vector<512x512xf32> to vector<512x64xf32>
    %swap3A_74 = arith.constant 0 : index
    %swap3A_75 = arith.constant 4 : index
    %swap3A_76 = arith.constant 0 : index
    %swap3A_77 = arith.constant 0 : index
    %swap3A_78 = vector.load %arg4[%swap3A_74, %swap3A_75, %swap3A_76, %swap3A_77] : memref<1x8x512x64xf32, #tpu.memory_space<vmem>>, vector<1x1x512x64xf32>
    %swap3A_79 = vector.shape_cast %swap3A_78 : vector<1x1x512x64xf32> to vector<512x64xf32>
    %swap3A_80 = vector.shape_cast %slice3A_73 : vector<512x64xf32> to vector<1x1x512x64xf32>
    tpu.vector_store %arg4[%swap3A_74, %swap3A_75, %swap3A_76, %swap3A_77], %swap3A_80 {strides = array<i32>} : memref<1x8x512x64xf32, #tpu.memory_space<vmem>>, vector<1x1x512x64xf32>,
    %slice3A_81 = vector.extract_strided_slice %dot_general3A_10 {offsets = [0, 256], sizes = [512, 64], strides = [1, 1]} : vector<512x512xf32> to vector<512x64xf32>
    %swap3A_82 = arith.constant 0 : index
    %swap3A_83 = arith.constant 4 : index
    %swap3A_84 = arith.constant 0 : index
    %swap3A_85 = arith.constant 0 : index
    %swap3A_86 = vector.load %arg5[%swap3A_82, %swap3A_83, %swap3A_84, %swap3A_85] : memref<1x8x512x64xf32, #tpu.memory_space<vmem>>, vector<1x1x512x64xf32>
    %swap3A_87 = vector.shape_cast %swap3A_86 : vector<1x1x512x64xf32> to vector<512x64xf32>
    %swap3A_88 = vector.shape_cast %slice3A_81 : vector<512x64xf32> to vector<1x1x512x64xf32>
    tpu.vector_store %arg5[%swap3A_82, %swap3A_83, %swap3A_84, %swap3A_85], %swap3A_88 {strides = array<i32>} : memref<1x8x512x64xf32, #tpu.memory_space<vmem>>, vector<1x1x512x64xf32>,
    %slice3A_89 = vector.extract_strided_slice %dot_general3A_5 {offsets = [0, 320], sizes = [512, 64], strides = [1, 1]} : vector<512x512xf32> to vector<512x64xf32>
    %swap3A_90 = arith.constant 0 : index
    %swap3A_91 = arith.constant 5 : index
    %swap3A_92 = arith.constant 0 : index
    %swap3A_93 = arith.constant 0 : index
    %swap3A_94 = vector.load %arg4[%swap3A_90, %swap3A_91, %swap3A_92, %swap3A_93] : memref<1x8x512x64xf32, #tpu.memory_space<vmem>>, vector<1x1x512x64xf32>
    %swap3A_95 = vector.shape_cast %swap3A_94 : vector<1x1x512x64xf32> to vector<512x64xf32>
    %swap3A_96 = vector.shape_cast %slice3A_89 : vector<512x64xf32> to vector<1x1x512x64xf32>
    tpu.vector_store %arg4[%swap3A_90, %swap3A_91, %swap3A_92, %swap3A_93], %swap3A_96 {strides = array<i32>} : memref<1x8x512x64xf32, #tpu.memory_space<vmem>>, vector<1x1x512x64xf32>,
    %slice3A_97 = vector.extract_strided_slice %dot_general3A_10 {offsets = [0, 320], sizes = [512, 64], strides = [1, 1]} : vector<512x512xf32> to vector<512x64xf32>
    %swap3A_98 = arith.constant 0 : index
    %swap3A_99 = arith.constant 5 : index
    %swap3A_100 = arith.constant 0 : index
    %swap3A_101 = arith.constant 0 : index
    %swap3A_102 = vector.load %arg5[%swap3A_98, %swap3A_99, %swap3A_100, %swap3A_101] : memref<1x8x512x64xf32, #tpu.memory_space<vmem>>, vector<1x1x512x64xf32>
    %swap3A_103 = vector.shape_cast %swap3A_102 : vector<1x1x512x64xf32> to vector<512x64xf32>
    %swap3A_104 = vector.shape_cast %slice3A_97 : vector<512x64xf32> to vector<1x1x512x64xf32>
    tpu.vector_store %arg5[%swap3A_98, %swap3A_99, %swap3A_100, %swap3A_101], %swap3A_104 {strides = array<i32>} : memref<1x8x512x64xf32, #tpu.memory_space<vmem>>, vector<1x1x512x64xf32>,
    %slice3A_105 = vector.extract_strided_slice %dot_general3A_5 {offsets = [0, 384], sizes = [512, 64], strides = [1, 1]} : vector<512x512xf32> to vector<512x64xf32>
    %swap3A_106 = arith.constant 0 : index
    %swap3A_107 = arith.constant 6 : index
    %swap3A_108 = arith.constant 0 : index
    %swap3A_109 = arith.constant 0 : index
    %swap3A_110 = vector.load %arg4[%swap3A_106, %swap3A_107, %swap3A_108, %swap3A_109] : memref<1x8x512x64xf32, #tpu.memory_space<vmem>>, vector<1x1x512x64xf32>
    %swap3A_111 = vector.shape_cast %swap3A_110 : vector<1x1x512x64xf32> to vector<512x64xf32>
    %swap3A_112 = vector.shape_cast %slice3A_105 : vector<512x64xf32> to vector<1x1x512x64xf32>
    tpu.vector_store %arg4[%swap3A_106, %swap3A_107, %swap3A_108, %swap3A_109], %swap3A_112 {strides = array<i32>} : memref<1x8x512x64xf32, #tpu.memory_space<vmem>>, vector<1x1x512x64xf32>,
    %slice3A_113 = vector.extract_strided_slice %dot_general3A_10 {offsets = [0, 384], sizes = [512, 64], strides = [1, 1]} : vector<512x512xf32> to vector<512x64xf32>
    %swap3A_114 = arith.constant 0 : index
    %swap3A_115 = arith.constant 6 : index
    %swap3A_116 = arith.constant 0 : index
    %swap3A_117 = arith.constant 0 : index
    %swap3A_118 = vector.load %arg5[%swap3A_114, %swap3A_115, %swap3A_116, %swap3A_117] : memref<1x8x512x64xf32, #tpu.memory_space<vmem>>, vector<1x1x512x64xf32>
    %swap3A_119 = vector.shape_cast %swap3A_118 : vector<1x1x512x64xf32> to vector<512x64xf32>
    %swap3A_120 = vector.shape_cast %slice3A_113 : vector<512x64xf32> to vector<1x1x512x64xf32>
    tpu.vector_store %arg5[%swap3A_114, %swap3A_115, %swap3A_116, %swap3A_117], %swap3A_120 {strides = array<i32>} : memref<1x8x512x64xf32, #tpu.memory_space<vmem>>, vector<1x1x512x64xf32>,
    %slice3A_121 = vector.extract_strided_slice %dot_general3A_5 {offsets = [0, 448], sizes = [512, 64], strides = [1, 1]} : vector<512x512xf32> to vector<512x64xf32>
    %swap3A_122 = arith.constant 0 : index
    %swap3A_123 = arith.constant 7 : index
    %swap3A_124 = arith.constant 0 : index
    %swap3A_125 = arith.constant 0 : index
    %swap3A_126 = vector.load %arg4[%swap3A_122, %swap3A_123, %swap3A_124, %swap3A_125] : memref<1x8x512x64xf32, #tpu.memory_space<vmem>>, vector<1x1x512x64xf32>
    %swap3A_127 = vector.shape_cast %swap3A_126 : vector<1x1x512x64xf32> to vector<512x64xf32>
    %swap3A_128 = vector.shape_cast %slice3A_121 : vector<512x64xf32> to vector<1x1x512x64xf32>
    tpu.vector_store %arg4[%swap3A_122, %swap3A_123, %swap3A_124, %swap3A_125], %swap3A_128 {strides = array<i32>} : memref<1x8x512x64xf32, #tpu.memory_space<vmem>>, vector<1x1x512x64xf32>,
    %slice3A_129 = vector.extract_strided_slice %dot_general3A_10 {offsets = [0, 448], sizes = [512, 64], strides = [1, 1]} : vector<512x512xf32> to vector<512x64xf32>
    %swap3A_130 = arith.constant 0 : index
    %swap3A_131 = arith.constant 7 : index
    %swap3A_132 = arith.constant 0 : index
    %swap3A_133 = arith.constant 0 : index
    %swap3A_134 = vector.load %arg5[%swap3A_130, %swap3A_131, %swap3A_132, %swap3A_133] : memref<1x8x512x64xf32, #tpu.memory_space<vmem>>, vector<1x1x512x64xf32>
    %swap3A_135 = vector.shape_cast %swap3A_134 : vector<1x1x512x64xf32> to vector<512x64xf32>
    %swap3A_136 = vector.shape_cast %slice3A_129 : vector<512x64xf32> to vector<1x1x512x64xf32>
    tpu.vector_store %arg5[%swap3A_130, %swap3A_131, %swap3A_132, %swap3A_133], %swap3A_136 {strides = array<i32>} : memref<1x8x512x64xf32, #tpu.memory_space<vmem>>, vector<1x1x512x64xf32>,
    return
  }
  func.func @transform_0(%arg0: i32) -> (i32, i32) {
    %c0_i32 = arith.constant 0 : i32
    %c0_i32_0 = arith.constant 0 : i32
    return %arg0, %c0_i32 : i32, i32
  }
  func.func @transform_1(%arg0: i32) -> (i32, i32) {
    %c0_i32 = arith.constant 0 : i32
    %c0_i32_0 = arith.constant 0 : i32
    %c0_i32_1 = arith.constant 0 : i32
    return %c0_i32, %c0_i32_0 : i32, i32
  }
  func.func @transform_2(%arg0: i32) -> (i32, i32) {
    %c0_i32 = arith.constant 0 : i32
    %c0_i32_0 = arith.constant 0 : i32
    %c0_i32_1 = arith.constant 0 : i32
    return %c0_i32, %c0_i32_0 : i32, i32
  }
  func.func @transform_3(%arg0: i32) -> (i32, i32, i32, i32) {
    %jit3A = arith.constant 4 : i32
    %div3A = arith.divsi %arg0, %jit3A : i32
    %sign3A = arith.constant 0 : i32
    %sign3A_0 = arith.cmpi sgt, %arg0, %sign3A : i32
    %sign3A_1 = arith.extui %sign3A_0 : i1 to i32
    %sign3A_2 = arith.constant 0 : i32
    %sign3A_3 = arith.cmpi slt, %arg0, %sign3A_2 : i32
    %sign3A_4 = arith.extui %sign3A_3 : i1 to i32
    %sign3A_5 = arith.subi %sign3A_1, %sign3A_4 : i32
    %sign3A_6 = arith.constant 0 : i32
    %sign3A_7 = arith.cmpi sgt, %jit3A, %sign3A_6 : i32
    %sign3A_8 = arith.extui %sign3A_7 : i1 to i32
    %sign3A_9 = arith.constant 0 : i32
    %sign3A_10 = arith.cmpi slt, %jit3A, %sign3A_9 : i32
    %sign3A_11 = arith.extui %sign3A_10 : i1 to i32
    %sign3A_12 = arith.subi %sign3A_8, %sign3A_11 : i32
    %ne3A = arith.cmpi ne, %sign3A_5, %sign3A_12 : i32
    %rem3A = arith.remsi %arg0, %jit3A : i32
    %ne3A_13 = arith.constant 0 : i32
    %ne3A_14 = arith.cmpi ne, %rem3A, %ne3A_13 : i32
    %and3A = arith.andi %ne3A, %ne3A_14 : i1
    %sub3A = arith.constant 1 : i32
    %sub3A_15 = arith.subi %div3A, %sub3A : i32
    %select_n3A = arith.select %and3A, %sub3A_15, %div3A : i32
    %jit3A_16 = arith.constant 4 : i32
    %eq3A = arith.constant 0 : i32
    %eq3A_17 = arith.cmpi eq, %jit3A_16, %eq3A : i32
    %jit3A_18 = arith.constant 1 : i32
    %select_n3A_19 = arith.select %eq3A_17, %jit3A_18, %jit3A_16 : i32
    %rem3A_20 = arith.remsi %arg0, %select_n3A_19 : i32
    %ne3A_21 = arith.constant 0 : i32
    %ne3A_22 = arith.cmpi ne, %rem3A_20, %ne3A_21 : i32
    %lt3A = arith.constant 0 : i32
    %lt3A_23 = arith.cmpi slt, %rem3A_20, %lt3A : i32
    %lt3A_24 = arith.constant 0 : i32
    %lt3A_25 = arith.cmpi slt, %select_n3A_19, %lt3A_24 : i32
    %ne3A_26 = arith.xori %lt3A_23, %lt3A_25 : i1
    %and3A_27 = arith.andi %ne3A_26, %ne3A_22 : i1
    %add3A = arith.addi %rem3A_20, %select_n3A_19 : i32
    %select_n3A_28 = arith.select %and3A_27, %add3A, %rem3A_20 : i32
    %c0_i32 = arith.constant 0 : i32
    %c0_i32_29 = arith.constant 0 : i32
    %c0_i32_30 = arith.constant 0 : i32
    return %select_n3A, %c0_i32, %select_n3A_28, %c0_i32_29 : i32, i32, i32, i32
  }
  func.func @transform_4(%arg0: i32) -> (i32, i32, i32, i32) {
    %jit3A = arith.constant 4 : i32
    %div3A = arith.divsi %arg0, %jit3A : i32
    %sign3A = arith.constant 0 : i32
    %sign3A_0 = arith.cmpi sgt, %arg0, %sign3A : i32
    %sign3A_1 = arith.extui %sign3A_0 : i1 to i32
    %sign3A_2 = arith.constant 0 : i32
    %sign3A_3 = arith.cmpi slt, %arg0, %sign3A_2 : i32
    %sign3A_4 = arith.extui %sign3A_3 : i1 to i32
    %sign3A_5 = arith.subi %sign3A_1, %sign3A_4 : i32
    %sign3A_6 = arith.constant 0 : i32
    %sign3A_7 = arith.cmpi sgt, %jit3A, %sign3A_6 : i32
    %sign3A_8 = arith.extui %sign3A_7 : i1 to i32
    %sign3A_9 = arith.constant 0 : i32
    %sign3A_10 = arith.cmpi slt, %jit3A, %sign3A_9 : i32
    %sign3A_11 = arith.extui %sign3A_10 : i1 to i32
    %sign3A_12 = arith.subi %sign3A_8, %sign3A_11 : i32
    %ne3A = arith.cmpi ne, %sign3A_5, %sign3A_12 : i32
    %rem3A = arith.remsi %arg0, %jit3A : i32
    %ne3A_13 = arith.constant 0 : i32
    %ne3A_14 = arith.cmpi ne, %rem3A, %ne3A_13 : i32
    %and3A = arith.andi %ne3A, %ne3A_14 : i1
    %sub3A = arith.constant 1 : i32
    %sub3A_15 = arith.subi %div3A, %sub3A : i32
    %select_n3A = arith.select %and3A, %sub3A_15, %div3A : i32
    %jit3A_16 = arith.constant 4 : i32
    %eq3A = arith.constant 0 : i32
    %eq3A_17 = arith.cmpi eq, %jit3A_16, %eq3A : i32
    %jit3A_18 = arith.constant 1 : i32
    %select_n3A_19 = arith.select %eq3A_17, %jit3A_18, %jit3A_16 : i32
    %rem3A_20 = arith.remsi %arg0, %select_n3A_19 : i32
    %ne3A_21 = arith.constant 0 : i32
    %ne3A_22 = arith.cmpi ne, %rem3A_20, %ne3A_21 : i32
    %lt3A = arith.constant 0 : i32
    %lt3A_23 = arith.cmpi slt, %rem3A_20, %lt3A : i32
    %lt3A_24 = arith.constant 0 : i32
    %lt3A_25 = arith.cmpi slt, %select_n3A_19, %lt3A_24 : i32
    %ne3A_26 = arith.xori %lt3A_23, %lt3A_25 : i1
    %and3A_27 = arith.andi %ne3A_26, %ne3A_22 : i1
    %add3A = arith.addi %rem3A_20, %select_n3A_19 : i32
    %select_n3A_28 = arith.select %and3A_27, %add3A, %rem3A_20 : i32
    %c0_i32 = arith.constant 0 : i32
    %c0_i32_29 = arith.constant 0 : i32
    %c0_i32_30 = arith.constant 0 : i32
    return %select_n3A, %c0_i32, %select_n3A_28, %c0_i32_29 : i32, i32, i32, i32
  }
}

module attributes {stable_mosaic.version = 14 : i64} {
  func.func @_bucket_body(%arg0: i32, %arg1: i32, %arg2: i32, %arg3: memref<1x1x2048x64xf32, #tpu.memory_space<vmem>>, %arg4: memref<1x64x16xf32, #tpu.memory_space<vmem>>, %arg5: memref<1x2048x1xi32, #tpu.memory_space<vmem>>) attributes {dimension_semantics = [#tpu.dimension_semantics<arbitrary>, #tpu.dimension_semantics<arbitrary>, #tpu.dimension_semantics<arbitrary>], iteration_bounds = array<i64: 4, 4, 4>, scalar_prefetch = 0 : i64, scratch_operands = 0 : i64, tpu.core_type = #tpu.core_type<tc>, window_params = [{transform_indices = @transform_0, window_bounds = array<i64: 1, 1, 2048, 64>}, {transform_indices = @transform_1, window_bounds = array<i64: 1, 64, 16>}, {transform_indices = @transform_2, window_bounds = array<i64: 1, 2048, 1>}]} {
    %get3A = arith.constant 0 : index
    %get3A_0 = arith.constant 0 : index
    %get3A_1 = arith.constant 0 : index
    %get3A_2 = arith.constant 0 : index
    %get3A_3 = vector.load %arg3[%get3A, %get3A_0, %get3A_1, %get3A_2] : memref<1x1x2048x64xf32, #tpu.memory_space<vmem>>, vector<1x1x2048x64xf32>
    %get3A_4 = vector.shape_cast %get3A_3 : vector<1x1x2048x64xf32> to vector<2048x64xf32>
    %get3A_5 = arith.constant 0 : index
    %get3A_6 = arith.constant 0 : index
    %get3A_7 = arith.constant 0 : index
    %get3A_8 = vector.load %arg4[%get3A_5, %get3A_6, %get3A_7] : memref<1x64x16xf32, #tpu.memory_space<vmem>>, vector<1x64x16xf32>
    %get3A_9 = vector.shape_cast %get3A_8 : vector<1x64x16xf32> to vector<64x16xf32>
    %dot_general3A = arith.constant dense<0.000000e+00> : vector<2048x16xf32>
    %dot_general3A_10 = tpu.matmul %get3A_4, %get3A_9, %dot_general3A {dimension_numbers = #tpu.dot_dimension_numbers<[1], [0], [0], [1], [0, 0, 1, 1], [], []>, transpose_lhs_hint = false} : vector<2048x64xf32>, vector<64x16xf32>, vector<2048x16xf32> -> vector<2048x16xf32>
    %neg3A = arith.constant 0.000000e+00 : f32
    %neg3A_11 = vector.broadcast %neg3A : f32 to vector<2048x16xf32>
    %neg3A_12 = arith.subf %neg3A_11, %dot_general3A_10 : vector<2048x16xf32>
    %concatenate3A = tpu.concatenate %dot_general3A_10, %neg3A_12 in 1 : vector<2048x16xf32>, vector<2048x16xf32> -> vector<2048x32xf32>
    %reduce_max3A = arith.constant dense<0xFF800000> : vector<2048xf32>
    %reduce_max3A_13 = vector.multi_reduction <maximumf>, %concatenate3A, %reduce_max3A [1] : vector<2048x32xf32> to vector<2048xf32>
    %broadcast_in_dim3A = vector.shape_cast %reduce_max3A_13 : vector<2048xf32> to vector<2048x1xf32>
    %iota3A = tpu.iota {dimensions = array<i32: 1>} : vector<2048x32xi32>
    %eq3A = vector.broadcast %broadcast_in_dim3A : vector<2048x1xf32> to vector<2048x32xf32>
    %eq3A_14 = arith.cmpf oeq, %concatenate3A, %eq3A : vector<2048x32xf32>
    %jit3A = arith.constant 32 : i32
    %broadcast_in_dim3A_15 = vector.broadcast %jit3A : i32 to vector<2048x32xi32>
    %select_n3A = arith.select %eq3A_14, %iota3A, %broadcast_in_dim3A_15 : vector<2048x32xi1>, vector<2048x32xi32>
    %reduce_min3A = arith.constant dense<2147483647> : vector<2048xi32>
    %reduce_min3A_16 = vector.multi_reduction <minsi>, %select_n3A, %reduce_min3A [1] : vector<2048x32xi32> to vector<2048xi32>
    %broadcast_in_dim3A_17 = vector.shape_cast %reduce_min3A_16 : vector<2048xi32> to vector<2048x1xi32>
    %swap3A = arith.constant 0 : index
    %swap3A_18 = arith.constant 0 : index
    %swap3A_19 = arith.constant 0 : index
    %swap3A_20 = vector.load %arg5[%swap3A, %swap3A_18, %swap3A_19] : memref<1x2048x1xi32, #tpu.memory_space<vmem>>, vector<1x2048x1xi32>
    %swap3A_21 = vector.shape_cast %swap3A_20 : vector<1x2048x1xi32> to vector<2048x1xi32>
    %swap3A_22 = vector.shape_cast %broadcast_in_dim3A_17 : vector<2048x1xi32> to vector<1x2048x1xi32>
    tpu.vector_store %arg5[%swap3A, %swap3A_18, %swap3A_19], %swap3A_22 {strides = array<i32>} : memref<1x2048x1xi32, #tpu.memory_space<vmem>>, vector<1x2048x1xi32>,
    return
  }
  func.func @transform_0(%arg0: i32, %arg1: i32, %arg2: i32) -> (i32, i32, i32, i32) {
    %add3A = arith.constant 4 : i32
    %add3A_0 = arith.addi %add3A, %arg1 : i32
    %c0_i32 = arith.constant 0 : i32
    %c0_i32_1 = arith.constant 0 : i32
    %c0_i32_2 = arith.constant 0 : i32
    return %arg0, %add3A_0, %c0_i32, %c0_i32_1 : i32, i32, i32, i32
  }
  func.func @transform_1(%arg0: i32, %arg1: i32, %arg2: i32) -> (i32, i32, i32) {
    %c0_i32 = arith.constant 0 : i32
    %c0_i32_0 = arith.constant 0 : i32
    %c0_i32_1 = arith.constant 0 : i32
    return %arg2, %c0_i32, %c0_i32_0 : i32, i32, i32
  }
  func.func @transform_2(%arg0: i32, %arg1: i32, %arg2: i32) -> (i32, i32, i32) {
    %mul3A = arith.constant 4 : i32
    %mul3A_0 = arith.muli %arg0, %mul3A : i32
    %add3A = arith.addi %mul3A_0, %arg1 : i32
    %mul3A_1 = arith.constant 4 : i32
    %mul3A_2 = arith.muli %add3A, %mul3A_1 : i32
    %add3A_3 = arith.addi %mul3A_2, %arg2 : i32
    %c0_i32 = arith.constant 0 : i32
    %c0_i32_4 = arith.constant 0 : i32
    %c0_i32_5 = arith.constant 0 : i32
    return %add3A_3, %c0_i32, %c0_i32_4 : i32, i32, i32
  }
}

module attributes {stable_mosaic.version = 14 : i64} {
  func.func @_rank_body(%arg0: i32, %arg1: memref<1x1x8192xi32, #tpu.memory_space<vmem>>, %arg2: memref<1x1x8192xi32, #tpu.memory_space<vmem>>, %arg3: memref<16x512xf32, #tpu.memory_space<vmem>>) attributes {dimension_semantics = [#tpu.dimension_semantics<arbitrary>], iteration_bounds = array<i64: 16>, scalar_prefetch = 0 : i64, scratch_operands = 1 : i64, tpu.core_type = #tpu.core_type<tc>, window_params = [{transform_indices = @transform_0, window_bounds = array<i64: 1, 1, 8192>}, {transform_indices = @transform_1, window_bounds = array<i64: 1, 1, 8192>}]} {
    %iota3A = tpu.iota {dimensions = array<i32: 0>} : vector<128x512xi32>
    %iota3A_0 = tpu.iota {dimensions = array<i32: 0>} : vector<512x512xi32>
    %iota3A_1 = tpu.iota {dimensions = array<i32: 1>} : vector<512x512xi32>
    %lt3A = arith.cmpi slt, %iota3A_0, %iota3A_1 : vector<512x512xi32>
    %convert_element_type3A = arith.extui %lt3A : vector<512x512xi1> to vector<512x512xi32>
    %convert_element_type3A_2 = arith.sitofp %convert_element_type3A : vector<512x512xi32> to vector<512x512xf32>
    %broadcast_in_dim3A = arith.constant 0.000000e+00 : f32
    %broadcast_in_dim3A_3 = vector.broadcast %broadcast_in_dim3A : f32 to vector<128x1xf32>
    %scan3A = arith.constant 0 : i32
    %scan3A_4 = arith.constant 16 : i32
    %scan3A_5 = arith.addi %scan3A, %scan3A_4 : i32
    %scan3A_6 = arith.constant 1 : i32
    %scan3A_7 = scf.for %scan3A_20 = %scan3A to %scan3A_5 step %scan3A_6 iter_args(%scan3A_21 = %broadcast_in_dim3A_3) -> (vector<128x1xf32>)  : i32 {
      %mul3A = arith.constant 512 : i32
      %mul3A_22 = arith.muli %scan3A_20, %mul3A : i32
      %get3A = arith.constant 0 : index
      %get3A_23 = arith.constant 0 : index
      %get3A_24 = arith.index_cast %mul3A_22 : i32 to index
      %get3A_25 = vector.load %arg1[%get3A, %get3A_23, %get3A_24] : memref<1x1x8192xi32, #tpu.memory_space<vmem>>, vector<1x1x512xi32>
      %get3A_26 = vector.shape_cast %get3A_25 : vector<1x1x512xi32> to vector<1x512xi32>
      %eq3A = vector.broadcast %get3A_26 : vector<1x512xi32> to vector<128x512xi32>
      %eq3A_27 = arith.cmpi eq, %iota3A, %eq3A : vector<128x512xi32>
      %convert_element_type3A_28 = arith.extui %eq3A_27 : vector<128x512xi1> to vector<128x512xi32>
      %convert_element_type3A_29 = arith.sitofp %convert_element_type3A_28 : vector<128x512xi32> to vector<128x512xf32>
      %dot_general3A_30 = arith.constant dense<0.000000e+00> : vector<128x512xf32>
      %dot_general3A_31 = tpu.matmul %convert_element_type3A_29, %convert_element_type3A_2, %dot_general3A_30 {dimension_numbers = #tpu.dot_dimension_numbers<[1], [0], [0], [1], [0, 0, 1, 1], [], []>, transpose_lhs_hint = false} : vector<128x512xf32>, vector<512x512xf32>, vector<128x512xf32> -> vector<128x512xf32>
      %mul3A_32 = arith.mulf %dot_general3A_31, %convert_element_type3A_29 : vector<128x512xf32>
      %reduce_sum3A = arith.constant dense<0.000000e+00> : vector<512xf32>
      %reduce_sum3A_33 = vector.multi_reduction <add>, %mul3A_32, %reduce_sum3A [0] : vector<128x512xf32> to vector<512xf32>
      %broadcast_in_dim3A_34 = vector.shape_cast %reduce_sum3A_33 : vector<512xf32> to vector<1x512xf32>
      %mul3A_35 = vector.broadcast %scan3A_21 : vector<128x1xf32> to vector<128x512xf32>
      %mul3A_36 = arith.mulf %mul3A_35, %convert_element_type3A_29 : vector<128x512xf32>
      %reduce_sum3A_37 = arith.constant dense<0.000000e+00> : vector<512xf32>
      %reduce_sum3A_38 = vector.multi_reduction <add>, %mul3A_36, %reduce_sum3A_37 [0] : vector<128x512xf32> to vector<512xf32>
      %broadcast_in_dim3A_39 = vector.shape_cast %reduce_sum3A_38 : vector<512xf32> to vector<1x512xf32>
      %add3A = arith.addf %broadcast_in_dim3A_34, %broadcast_in_dim3A_39 : vector<1x512xf32>
      %swap3A = arith.index_cast %scan3A_20 : i32 to index
      %swap3A_40 = arith.constant 0 : index
      %swap3A_41 = vector.load %arg3[%swap3A, %swap3A_40] : memref<16x512xf32, #tpu.memory_space<vmem>>, vector<1x512xf32>
      tpu.vector_store %arg3[%swap3A, %swap3A_40], %add3A {strides = array<i32>} : memref<16x512xf32, #tpu.memory_space<vmem>>, vector<1x512xf32>,
      %reduce_sum3A_42 = arith.constant dense<0.000000e+00> : vector<128xf32>
      %reduce_sum3A_43 = vector.multi_reduction <add>, %convert_element_type3A_29, %reduce_sum3A_42 [1] : vector<128x512xf32> to vector<128xf32>
      %broadcast_in_dim3A_44 = vector.shape_cast %reduce_sum3A_43 : vector<128xf32> to vector<128x1xf32>
      %add3A_45 = arith.addf %scan3A_21, %broadcast_in_dim3A_44 : vector<128x1xf32>
      scf.yield %add3A_45 : vector<128x1xf32>
    }
    %scan3A_8 = arith.constant 16 : i32
    %iota3A_9 = tpu.iota {dimensions = array<i32: 0>} : vector<128x128xi32>
    %iota3A_10 = tpu.iota {dimensions = array<i32: 1>} : vector<128x128xi32>
    %lt3A_11 = arith.cmpi slt, %iota3A_10, %iota3A_9 : vector<128x128xi32>
    %convert_element_type3A_12 = arith.extui %lt3A_11 : vector<128x128xi1> to vector<128x128xi32>
    %convert_element_type3A_13 = arith.sitofp %convert_element_type3A_12 : vector<128x128xi32> to vector<128x128xf32>
    %dot_general3A = arith.constant dense<0.000000e+00> : vector<128x1xf32>
    %dot_general3A_14 = tpu.matmul %convert_element_type3A_13, %scan3A_7, %dot_general3A {dimension_numbers = #tpu.dot_dimension_numbers<[1], [0], [0], [1], [0, 0, 1, 1], [], []>, transpose_lhs_hint = false} : vector<128x128xf32>, vector<128x1xf32>, vector<128x1xf32> -> vector<128x1xf32>
    %scan3A_15 = arith.constant 0 : i32
    %scan3A_16 = arith.constant 16 : i32
    %scan3A_17 = arith.addi %scan3A_15, %scan3A_16 : i32
    %scan3A_18 = arith.constant 1 : i32
    scf.for %scan3A_20 = %scan3A_15 to %scan3A_17 step %scan3A_18  : i32 {
      %mul3A = arith.constant 512 : i32
      %mul3A_21 = arith.muli %scan3A_20, %mul3A : i32
      %get3A = arith.constant 0 : index
      %get3A_22 = arith.constant 0 : index
      %get3A_23 = arith.index_cast %mul3A_21 : i32 to index
      %get3A_24 = vector.load %arg1[%get3A, %get3A_22, %get3A_23] : memref<1x1x8192xi32, #tpu.memory_space<vmem>>, vector<1x1x512xi32>
      %get3A_25 = vector.shape_cast %get3A_24 : vector<1x1x512xi32> to vector<1x512xi32>
      %eq3A = vector.broadcast %get3A_25 : vector<1x512xi32> to vector<128x512xi32>
      %eq3A_26 = arith.cmpi eq, %iota3A, %eq3A : vector<128x512xi32>
      %convert_element_type3A_27 = arith.extui %eq3A_26 : vector<128x512xi1> to vector<128x512xi32>
      %convert_element_type3A_28 = arith.sitofp %convert_element_type3A_27 : vector<128x512xi32> to vector<128x512xf32>
      %mul3A_29 = vector.broadcast %dot_general3A_14 : vector<128x1xf32> to vector<128x512xf32>
      %mul3A_30 = arith.mulf %mul3A_29, %convert_element_type3A_28 : vector<128x512xf32>
      %reduce_sum3A = arith.constant dense<0.000000e+00> : vector<512xf32>
      %reduce_sum3A_31 = vector.multi_reduction <add>, %mul3A_30, %reduce_sum3A [0] : vector<128x512xf32> to vector<512xf32>
      %broadcast_in_dim3A_32 = vector.shape_cast %reduce_sum3A_31 : vector<512xf32> to vector<1x512xf32>
      %get3A_33 = arith.index_cast %scan3A_20 : i32 to index
      %get3A_34 = arith.constant 0 : index
      %get3A_35 = vector.load %arg3[%get3A_33, %get3A_34] : memref<16x512xf32, #tpu.memory_space<vmem>>, vector<1x512xf32>
      %add3A = arith.addf %broadcast_in_dim3A_32, %get3A_35 : vector<1x512xf32>
      %convert_element_type3A_36 = arith.fptosi %add3A : vector<1x512xf32> to vector<1x512xi32>
      %mul3A_37 = arith.constant 512 : i32
      %mul3A_38 = arith.muli %scan3A_20, %mul3A_37 : i32
      %swap3A = arith.constant 0 : index
      %swap3A_39 = arith.constant 0 : index
      %swap3A_40 = arith.index_cast %mul3A_38 : i32 to index
      %swap3A_41 = vector.load %arg2[%swap3A, %swap3A_39, %swap3A_40] : memref<1x1x8192xi32, #tpu.memory_space<vmem>>, vector<1x1x512xi32>
      %swap3A_42 = vector.shape_cast %swap3A_41 : vector<1x1x512xi32> to vector<1x512xi32>
      %swap3A_43 = vector.shape_cast %convert_element_type3A_36 : vector<1x512xi32> to vector<1x1x512xi32>
      tpu.vector_store %arg2[%swap3A, %swap3A_39, %swap3A_40], %swap3A_43 {strides = array<i32>} : memref<1x1x8192xi32, #tpu.memory_space<vmem>>, vector<1x1x512xi32>,
    }
    %scan3A_19 = arith.constant 16 : i32
    return
  }
  func.func @transform_0(%arg0: i32) -> (i32, i32, i32) {
    %c0_i32 = arith.constant 0 : i32
    %c0_i32_0 = arith.constant 0 : i32
    %c0_i32_1 = arith.constant 0 : i32
    return %arg0, %c0_i32, %c0_i32_0 : i32, i32, i32
  }
  func.func @transform_1(%arg0: i32) -> (i32, i32, i32) {
    %c0_i32 = arith.constant 0 : i32
    %c0_i32_0 = arith.constant 0 : i32
    %c0_i32_1 = arith.constant 0 : i32
    return %arg0, %c0_i32, %c0_i32_0 : i32, i32, i32
  }
}

module attributes {stable_mosaic.version = 14 : i64} {
  func.func @_lsh_body(%arg0: i32, %arg1: i32, %arg2: memref<1x1x64x64xf32, #tpu.memory_space<vmem>>, %arg3: memref<1x1x64x64xf32, #tpu.memory_space<vmem>>, %arg4: memref<1x1x64x64xf32, #tpu.memory_space<vmem>>, %arg5: memref<1x1x64x64xf32, #tpu.memory_space<vmem>>, %arg6: memref<1x1x1x64xi32, #tpu.memory_space<vmem>>, %arg7: memref<1x1x1x64xi32, #tpu.memory_space<vmem>>, %arg8: memref<1x1x64x1xi32, #tpu.memory_space<vmem>>, %arg9: memref<1x1x1x64xf32, #tpu.memory_space<vmem>>, %arg10: memref<1x1x1x64xf32, #tpu.memory_space<vmem>>, %arg11: memref<1x1x64x64xf32, #tpu.memory_space<vmem>>, %arg12: memref<1x1x64x1xf32, #tpu.memory_space<vmem>>) attributes {dimension_semantics = [#tpu.dimension_semantics<arbitrary>, #tpu.dimension_semantics<arbitrary>], iteration_bounds = array<i64: 16, 128>, scalar_prefetch = 0 : i64, scratch_operands = 0 : i64, tpu.core_type = #tpu.core_type<tc>, window_params = [{transform_indices = @transform_0, window_bounds = array<i64: 1, 1, 64, 64>}, {transform_indices = @transform_1, window_bounds = array<i64: 1, 1, 64, 64>}, {transform_indices = @transform_2, window_bounds = array<i64: 1, 1, 64, 64>}, {transform_indices = @transform_3, window_bounds = array<i64: 1, 1, 64, 64>}, {transform_indices = @transform_4, window_bounds = array<i64: 1, 1, 1, 64>}, {transform_indices = @transform_5, window_bounds = array<i64: 1, 1, 1, 64>}, {transform_indices = @transform_6, window_bounds = array<i64: 1, 1, 64, 1>}, {transform_indices = @transform_7, window_bounds = array<i64: 1, 1, 1, 64>}, {transform_indices = @transform_8, window_bounds = array<i64: 1, 1, 1, 64>}, {transform_indices = @transform_9, window_bounds = array<i64: 1, 1, 64, 64>}, {transform_indices = @transform_10, window_bounds = array<i64: 1, 1, 64, 1>}]} {
    %get3A = arith.constant 0 : index
    %get3A_0 = arith.constant 0 : index
    %get3A_1 = arith.constant 0 : index
    %get3A_2 = arith.constant 0 : index
    %get3A_3 = vector.load %arg2[%get3A, %get3A_0, %get3A_1, %get3A_2] : memref<1x1x64x64xf32, #tpu.memory_space<vmem>>, vector<1x1x64x64xf32>
    %get3A_4 = vector.shape_cast %get3A_3 : vector<1x1x64x64xf32> to vector<64x64xf32>
    %get3A_5 = arith.constant 0 : index
    %get3A_6 = arith.constant 0 : index
    %get3A_7 = arith.constant 0 : index
    %get3A_8 = arith.constant 0 : index
    %get3A_9 = vector.load %arg2[%get3A_5, %get3A_6, %get3A_7, %get3A_8] : memref<1x1x64x64xf32, #tpu.memory_space<vmem>>, vector<1x1x64x64xf32>
    %get3A_10 = vector.shape_cast %get3A_9 : vector<1x1x64x64xf32> to vector<64x64xf32>
    %get3A_11 = arith.constant 0 : index
    %get3A_12 = arith.constant 0 : index
    %get3A_13 = arith.constant 0 : index
    %get3A_14 = arith.constant 0 : index
    %get3A_15 = vector.load %arg3[%get3A_11, %get3A_12, %get3A_13, %get3A_14] : memref<1x1x64x64xf32, #tpu.memory_space<vmem>>, vector<1x1x64x64xf32>
    %get3A_16 = vector.shape_cast %get3A_15 : vector<1x1x64x64xf32> to vector<64x64xf32>
    %concatenate3A = tpu.concatenate %get3A_10, %get3A_16 in 0 : vector<64x64xf32>, vector<64x64xf32> -> vector<128x64xf32>
    %mul3A = arith.mulf %concatenate3A, %concatenate3A : vector<128x64xf32>
    %reduce_sum3A = arith.constant dense<0.000000e+00> : vector<128xf32>
    %reduce_sum3A_17 = vector.multi_reduction <add>, %mul3A, %reduce_sum3A [1] : vector<128x64xf32> to vector<128xf32>
    %broadcast_in_dim3A = vector.shape_cast %reduce_sum3A_17 : vector<128xf32> to vector<128x1xf32>
    %sqrt3A = math.sqrt %broadcast_in_dim3A : vector<128x1xf32>
    %max3A = arith.constant 9.99999971E-10 : f32
    %max3A_18 = vector.broadcast %max3A : f32 to vector<128x1xf32>
    %max3A_19 = arith.maximumf %sqrt3A, %max3A_18 : vector<128x1xf32>
    %div3A = vector.broadcast %max3A_19 : vector<128x1xf32> to vector<128x64xf32>
    %div3A_20 = arith.divf %concatenate3A, %div3A : vector<128x64xf32>
    %dot_general3A = arith.constant dense<0.000000e+00> : vector<64x128xf32>
    %dot_general3A_21 = tpu.matmul %get3A_4, %div3A_20, %dot_general3A {dimension_numbers = #tpu.dot_dimension_numbers<[1], [1], [0], [0], [0, 0, 1, 0], [], []>, transpose_lhs_hint = false} : vector<64x64xf32>, vector<128x64xf32>, vector<64x128xf32> -> vector<64x128xf32>
    %mul3A_22 = arith.constant 1.250000e-01 : f32
    %mul3A_23 = vector.broadcast %mul3A_22 : f32 to vector<64x128xf32>
    %mul3A_24 = arith.mulf %dot_general3A_21, %mul3A_23 : vector<64x128xf32>
    %get3A_25 = arith.constant 0 : index
    %get3A_26 = arith.constant 0 : index
    %get3A_27 = arith.constant 0 : index
    %get3A_28 = arith.constant 0 : index
    %get3A_29 = vector.load %arg9[%get3A_25, %get3A_26, %get3A_27, %get3A_28] : memref<1x1x1x64xf32, #tpu.memory_space<vmem>>, vector<1x1x1x64xf32>
    %get3A_30 = vector.shape_cast %get3A_29 : vector<1x1x1x64xf32> to vector<1x64xf32>
    %get3A_31 = arith.constant 0 : index
    %get3A_32 = arith.constant 0 : index
    %get3A_33 = arith.constant 0 : index
    %get3A_34 = arith.constant 0 : index
    %get3A_35 = vector.load %arg10[%get3A_31, %get3A_32, %get3A_33, %get3A_34] : memref<1x1x1x64xf32, #tpu.memory_space<vmem>>, vector<1x1x1x64xf32>
    %get3A_36 = vector.shape_cast %get3A_35 : vector<1x1x1x64xf32> to vector<1x64xf32>
    %concatenate3A_37 = tpu.concatenate %get3A_30, %get3A_36 in 1 : vector<1x64xf32>, vector<1x64xf32> -> vector<1x128xf32>
    %get3A_38 = arith.constant 0 : index
    %get3A_39 = arith.constant 0 : index
    %get3A_40 = arith.constant 0 : index
    %get3A_41 = arith.constant 0 : index
    %get3A_42 = vector.load %arg6[%get3A_38, %get3A_39, %get3A_40, %get3A_41] : memref<1x1x1x64xi32, #tpu.memory_space<vmem>>, vector<1x1x1x64xi32>
    %get3A_43 = vector.shape_cast %get3A_42 : vector<1x1x1x64xi32> to vector<1x64xi32>
    %get3A_44 = arith.constant 0 : index
    %get3A_45 = arith.constant 0 : index
    %get3A_46 = arith.constant 0 : index
    %get3A_47 = arith.constant 0 : index
    %get3A_48 = vector.load %arg7[%get3A_44, %get3A_45, %get3A_46, %get3A_47] : memref<1x1x1x64xi32, #tpu.memory_space<vmem>>, vector<1x1x1x64xi32>
    %get3A_49 = vector.shape_cast %get3A_48 : vector<1x1x1x64xi32> to vector<1x64xi32>
    %concatenate3A_50 = tpu.concatenate %get3A_43, %get3A_49 in 1 : vector<1x64xi32>, vector<1x64xi32> -> vector<1x128xi32>
    %get3A_51 = arith.constant 0 : index
    %get3A_52 = arith.constant 0 : index
    %get3A_53 = arith.constant 0 : index
    %get3A_54 = arith.constant 0 : index
    %get3A_55 = vector.load %arg8[%get3A_51, %get3A_52, %get3A_53, %get3A_54] : memref<1x1x64x1xi32, #tpu.memory_space<vmem>>, vector<1x1x64x1xi32>
    %get3A_56 = vector.shape_cast %get3A_55 : vector<1x1x64x1xi32> to vector<64x1xi32>
    %gt3A = arith.constant 0.000000e+00 : f32
    %gt3A_57 = vector.broadcast %gt3A : f32 to vector<1x128xf32>
    %gt3A_58 = arith.cmpf ogt, %concatenate3A_37, %gt3A_57 : vector<1x128xf32>
    %jit3A = arith.constant -1.000000e+09 : f32
    %broadcast_in_dim3A_59 = vector.shape_cast %gt3A_58 : vector<1x128xi1> to vector<1x128xi1>
    %broadcast_in_dim3A_60 = vector.broadcast %broadcast_in_dim3A_59 : vector<1x128xi1> to vector<64x128xi1>
    %broadcast_in_dim3A_61 = vector.broadcast %jit3A : f32 to vector<64x128xf32>
    %select_n3A = arith.select %broadcast_in_dim3A_60, %mul3A_24, %broadcast_in_dim3A_61 : vector<64x128xi1>, vector<64x128xf32>
    %lt3A = vector.broadcast %get3A_56 : vector<64x1xi32> to vector<64x128xi32>
    %lt3A_62 = vector.broadcast %concatenate3A_50 : vector<1x128xi32> to vector<64x128xi32>
    %lt3A_63 = arith.cmpi slt, %lt3A, %lt3A_62 : vector<64x128xi32>
    %jit3A_64 = arith.constant -1.000000e+09 : f32
    %broadcast_in_dim3A_65 = vector.broadcast %jit3A_64 : f32 to vector<64x128xf32>
    %select_n3A_66 = arith.select %lt3A_63, %broadcast_in_dim3A_65, %select_n3A : vector<64x128xi1>, vector<64x128xf32>
    %eq3A = vector.broadcast %get3A_56 : vector<64x1xi32> to vector<64x128xi32>
    %eq3A_67 = vector.broadcast %concatenate3A_50 : vector<1x128xi32> to vector<64x128xi32>
    %eq3A_68 = arith.cmpi eq, %eq3A, %eq3A_67 : vector<64x128xi32>
    %jit3A_69 = arith.constant -5.000000e+04 : f32
    %broadcast_in_dim3A_70 = vector.broadcast %jit3A_69 : f32 to vector<64x128xf32>
    %select_n3A_71 = arith.select %eq3A_68, %broadcast_in_dim3A_70, %select_n3A_66 : vector<64x128xi1>, vector<64x128xf32>
    %reduce_max3A = arith.constant dense<0xFF800000> : vector<64xf32>
    %reduce_max3A_72 = vector.multi_reduction <maximumf>, %select_n3A_71, %reduce_max3A [1] : vector<64x128xf32> to vector<64xf32>
    %broadcast_in_dim3A_73 = vector.shape_cast %reduce_max3A_72 : vector<64xf32> to vector<64x1xf32>
    %sub3A = vector.broadcast %broadcast_in_dim3A_73 : vector<64x1xf32> to vector<64x128xf32>
    %sub3A_74 = arith.subf %select_n3A_71, %sub3A : vector<64x128xf32>
    %exp3A = math.exp %sub3A_74 : vector<64x128xf32>
    %reduce_sum3A_75 = arith.constant dense<0.000000e+00> : vector<64xf32>
    %reduce_sum3A_76 = vector.multi_reduction <add>, %exp3A, %reduce_sum3A_75 [1] : vector<64x128xf32> to vector<64xf32>
    %broadcast_in_dim3A_77 = vector.shape_cast %reduce_sum3A_76 : vector<64xf32> to vector<64x1xf32>
    %log3A = math.log %broadcast_in_dim3A_77 : vector<64x1xf32>
    %add3A = arith.addf %log3A, %broadcast_in_dim3A_73 : vector<64x1xf32>
    %swap3A = arith.constant 0 : index
    %swap3A_78 = arith.constant 0 : index
    %swap3A_79 = arith.constant 0 : index
    %swap3A_80 = arith.constant 0 : index
    %swap3A_81 = vector.load %arg12[%swap3A, %swap3A_78, %swap3A_79, %swap3A_80] : memref<1x1x64x1xf32, #tpu.memory_space<vmem>>, vector<1x1x64x1xf32>
    %swap3A_82 = vector.shape_cast %swap3A_81 : vector<1x1x64x1xf32> to vector<64x1xf32>
    %swap3A_83 = vector.shape_cast %add3A : vector<64x1xf32> to vector<1x1x64x1xf32>
    tpu.vector_store %arg12[%swap3A, %swap3A_78, %swap3A_79, %swap3A_80], %swap3A_83 {strides = array<i32>} : memref<1x1x64x1xf32, #tpu.memory_space<vmem>>, vector<1x1x64x1xf32>,
    %sub3A_84 = vector.broadcast %add3A : vector<64x1xf32> to vector<64x128xf32>
    %sub3A_85 = arith.subf %select_n3A_71, %sub3A_84 : vector<64x128xf32>
    %exp3A_86 = math.exp %sub3A_85 : vector<64x128xf32>
    %get3A_87 = arith.constant 0 : index
    %get3A_88 = arith.constant 0 : index
    %get3A_89 = arith.constant 0 : index
    %get3A_90 = arith.constant 0 : index
    %get3A_91 = vector.load %arg4[%get3A_87, %get3A_88, %get3A_89, %get3A_90] : memref<1x1x64x64xf32, #tpu.memory_space<vmem>>, vector<1x1x64x64xf32>
    %get3A_92 = vector.shape_cast %get3A_91 : vector<1x1x64x64xf32> to vector<64x64xf32>
    %get3A_93 = arith.constant 0 : index
    %get3A_94 = arith.constant 0 : index
    %get3A_95 = arith.constant 0 : index
    %get3A_96 = arith.constant 0 : index
    %get3A_97 = vector.load %arg5[%get3A_93, %get3A_94, %get3A_95, %get3A_96] : memref<1x1x64x64xf32, #tpu.memory_space<vmem>>, vector<1x1x64x64xf32>
    %get3A_98 = vector.shape_cast %get3A_97 : vector<1x1x64x64xf32> to vector<64x64xf32>
    %concatenate3A_99 = tpu.concatenate %get3A_92, %get3A_98 in 0 : vector<64x64xf32>, vector<64x64xf32> -> vector<128x64xf32>
    %dot_general3A_100 = arith.constant dense<0.000000e+00> : vector<64x64xf32>
    %dot_general3A_101 = tpu.matmul %exp3A_86, %concatenate3A_99, %dot_general3A_100 {dimension_numbers = #tpu.dot_dimension_numbers<[1], [0], [0], [1], [0, 0, 1, 1], [], []>, transpose_lhs_hint = false} : vector<64x128xf32>, vector<128x64xf32>, vector<64x64xf32> -> vector<64x64xf32>
    %swap3A_102 = arith.constant 0 : index
    %swap3A_103 = arith.constant 0 : index
    %swap3A_104 = arith.constant 0 : index
    %swap3A_105 = arith.constant 0 : index
    %swap3A_106 = vector.load %arg11[%swap3A_102, %swap3A_103, %swap3A_104, %swap3A_105] : memref<1x1x64x64xf32, #tpu.memory_space<vmem>>, vector<1x1x64x64xf32>
    %swap3A_107 = vector.shape_cast %swap3A_106 : vector<1x1x64x64xf32> to vector<64x64xf32>
    %swap3A_108 = vector.shape_cast %dot_general3A_101 : vector<64x64xf32> to vector<1x1x64x64xf32>
    tpu.vector_store %arg11[%swap3A_102, %swap3A_103, %swap3A_104, %swap3A_105], %swap3A_108 {strides = array<i32>} : memref<1x1x64x64xf32, #tpu.memory_space<vmem>>, vector<1x1x64x64xf32>,
    return
  }
  func.func @transform_0(%arg0: i32, %arg1: i32) -> (i32, i32, i32, i32) {
    %c0_i32 = arith.constant 0 : i32
    %c0_i32_0 = arith.constant 0 : i32
    %c0_i32_1 = arith.constant 0 : i32
    return %arg0, %arg1, %c0_i32, %c0_i32_0 : i32, i32, i32, i32
  }
  func.func @transform_1(%arg0: i32, %arg1: i32) -> (i32, i32, i32, i32) {
    %add3A = arith.constant 128 : i32
    %add3A_0 = arith.addi %arg1, %add3A : i32
    %sub3A = arith.constant 1 : i32
    %sub3A_1 = arith.subi %add3A_0, %sub3A : i32
    %jit3A = arith.constant 128 : i32
    %eq3A = arith.constant 0 : i32
    %eq3A_2 = arith.cmpi eq, %jit3A, %eq3A : i32
    %jit3A_3 = arith.constant 1 : i32
    %select_n3A = arith.select %eq3A_2, %jit3A_3, %jit3A : i32
    %rem3A = arith.remsi %sub3A_1, %select_n3A : i32
    %ne3A = arith.constant 0 : i32
    %ne3A_4 = arith.cmpi ne, %rem3A, %ne3A : i32
    %lt3A = arith.constant 0 : i32
    %lt3A_5 = arith.cmpi slt, %rem3A, %lt3A : i32
    %lt3A_6 = arith.constant 0 : i32
    %lt3A_7 = arith.cmpi slt, %select_n3A, %lt3A_6 : i32
    %ne3A_8 = arith.xori %lt3A_5, %lt3A_7 : i1
    %and3A = arith.andi %ne3A_8, %ne3A_4 : i1
    %add3A_9 = arith.addi %rem3A, %select_n3A : i32
    %select_n3A_10 = arith.select %and3A, %add3A_9, %rem3A : i32
    %c0_i32 = arith.constant 0 : i32
    %c0_i32_11 = arith.constant 0 : i32
    %c0_i32_12 = arith.constant 0 : i32
    return %arg0, %select_n3A_10, %c0_i32, %c0_i32_11 : i32, i32, i32, i32
  }
  func.func @transform_2(%arg0: i32, %arg1: i32) -> (i32, i32, i32, i32) {
    %c0_i32 = arith.constant 0 : i32
    %c0_i32_0 = arith.constant 0 : i32
    %c0_i32_1 = arith.constant 0 : i32
    return %arg0, %arg1, %c0_i32, %c0_i32_0 : i32, i32, i32, i32
  }
  func.func @transform_3(%arg0: i32, %arg1: i32) -> (i32, i32, i32, i32) {
    %add3A = arith.constant 128 : i32
    %add3A_0 = arith.addi %arg1, %add3A : i32
    %sub3A = arith.constant 1 : i32
    %sub3A_1 = arith.subi %add3A_0, %sub3A : i32
    %jit3A = arith.constant 128 : i32
    %eq3A = arith.constant 0 : i32
    %eq3A_2 = arith.cmpi eq, %jit3A, %eq3A : i32
    %jit3A_3 = arith.constant 1 : i32
    %select_n3A = arith.select %eq3A_2, %jit3A_3, %jit3A : i32
    %rem3A = arith.remsi %sub3A_1, %select_n3A : i32
    %ne3A = arith.constant 0 : i32
    %ne3A_4 = arith.cmpi ne, %rem3A, %ne3A : i32
    %lt3A = arith.constant 0 : i32
    %lt3A_5 = arith.cmpi slt, %rem3A, %lt3A : i32
    %lt3A_6 = arith.constant 0 : i32
    %lt3A_7 = arith.cmpi slt, %select_n3A, %lt3A_6 : i32
    %ne3A_8 = arith.xori %lt3A_5, %lt3A_7 : i1
    %and3A = arith.andi %ne3A_8, %ne3A_4 : i1
    %add3A_9 = arith.addi %rem3A, %select_n3A : i32
    %select_n3A_10 = arith.select %and3A, %add3A_9, %rem3A : i32
    %c0_i32 = arith.constant 0 : i32
    %c0_i32_11 = arith.constant 0 : i32
    %c0_i32_12 = arith.constant 0 : i32
    return %arg0, %select_n3A_10, %c0_i32, %c0_i32_11 : i32, i32, i32, i32
  }
  func.func @transform_4(%arg0: i32, %arg1: i32) -> (i32, i32, i32, i32) {
    %c0_i32 = arith.constant 0 : i32
    %c0_i32_0 = arith.constant 0 : i32
    %c0_i32_1 = arith.constant 0 : i32
    return %arg0, %arg1, %c0_i32, %c0_i32_0 : i32, i32, i32, i32
  }
  func.func @transform_5(%arg0: i32, %arg1: i32) -> (i32, i32, i32, i32) {
    %add3A = arith.constant 128 : i32
    %add3A_0 = arith.addi %arg1, %add3A : i32
    %sub3A = arith.constant 1 : i32
    %sub3A_1 = arith.subi %add3A_0, %sub3A : i32
    %jit3A = arith.constant 128 : i32
    %eq3A = arith.constant 0 : i32
    %eq3A_2 = arith.cmpi eq, %jit3A, %eq3A : i32
    %jit3A_3 = arith.constant 1 : i32
    %select_n3A = arith.select %eq3A_2, %jit3A_3, %jit3A : i32
    %rem3A = arith.remsi %sub3A_1, %select_n3A : i32
    %ne3A = arith.constant 0 : i32
    %ne3A_4 = arith.cmpi ne, %rem3A, %ne3A : i32
    %lt3A = arith.constant 0 : i32
    %lt3A_5 = arith.cmpi slt, %rem3A, %lt3A : i32
    %lt3A_6 = arith.constant 0 : i32
    %lt3A_7 = arith.cmpi slt, %select_n3A, %lt3A_6 : i32
    %ne3A_8 = arith.xori %lt3A_5, %lt3A_7 : i1
    %and3A = arith.andi %ne3A_8, %ne3A_4 : i1
    %add3A_9 = arith.addi %rem3A, %select_n3A : i32
    %select_n3A_10 = arith.select %and3A, %add3A_9, %rem3A : i32
    %c0_i32 = arith.constant 0 : i32
    %c0_i32_11 = arith.constant 0 : i32
    %c0_i32_12 = arith.constant 0 : i32
    return %arg0, %select_n3A_10, %c0_i32, %c0_i32_11 : i32, i32, i32, i32
  }
  func.func @transform_6(%arg0: i32, %arg1: i32) -> (i32, i32, i32, i32) {
    %c0_i32 = arith.constant 0 : i32
    %c0_i32_0 = arith.constant 0 : i32
    %c0_i32_1 = arith.constant 0 : i32
    return %arg0, %arg1, %c0_i32, %c0_i32_0 : i32, i32, i32, i32
  }
  func.func @transform_7(%arg0: i32, %arg1: i32) -> (i32, i32, i32, i32) {
    %c0_i32 = arith.constant 0 : i32
    %c0_i32_0 = arith.constant 0 : i32
    %c0_i32_1 = arith.constant 0 : i32
    return %arg0, %arg1, %c0_i32, %c0_i32_0 : i32, i32, i32, i32
  }
  func.func @transform_8(%arg0: i32, %arg1: i32) -> (i32, i32, i32, i32) {
    %add3A = arith.constant 128 : i32
    %add3A_0 = arith.addi %arg1, %add3A : i32
    %sub3A = arith.constant 1 : i32
    %sub3A_1 = arith.subi %add3A_0, %sub3A : i32
    %jit3A = arith.constant 128 : i32
    %eq3A = arith.constant 0 : i32
    %eq3A_2 = arith.cmpi eq, %jit3A, %eq3A : i32
    %jit3A_3 = arith.constant 1 : i32
    %select_n3A = arith.select %eq3A_2, %jit3A_3, %jit3A : i32
    %rem3A = arith.remsi %sub3A_1, %select_n3A : i32
    %ne3A = arith.constant 0 : i32
    %ne3A_4 = arith.cmpi ne, %rem3A, %ne3A : i32
    %lt3A = arith.constant 0 : i32
    %lt3A_5 = arith.cmpi slt, %rem3A, %lt3A : i32
    %lt3A_6 = arith.constant 0 : i32
    %lt3A_7 = arith.cmpi slt, %select_n3A, %lt3A_6 : i32
    %ne3A_8 = arith.xori %lt3A_5, %lt3A_7 : i1
    %and3A = arith.andi %ne3A_8, %ne3A_4 : i1
    %add3A_9 = arith.addi %rem3A, %select_n3A : i32
    %select_n3A_10 = arith.select %and3A, %add3A_9, %rem3A : i32
    %c0_i32 = arith.constant 0 : i32
    %c0_i32_11 = arith.constant 0 : i32
    %c0_i32_12 = arith.constant 0 : i32
    return %arg0, %select_n3A_10, %c0_i32, %c0_i32_11 : i32, i32, i32, i32
  }
  func.func @transform_9(%arg0: i32, %arg1: i32) -> (i32, i32, i32, i32) {
    %c0_i32 = arith.constant 0 : i32
    %c0_i32_0 = arith.constant 0 : i32
    %c0_i32_1 = arith.constant 0 : i32
    return %arg0, %arg1, %c0_i32, %c0_i32_0 : i32, i32, i32, i32
  }
  func.func @transform_10(%arg0: i32, %arg1: i32) -> (i32, i32, i32, i32) {
    %c0_i32 = arith.constant 0 : i32
    %c0_i32_0 = arith.constant 0 : i32
    %c0_i32_1 = arith.constant 0 : i32
    return %arg0, %arg1, %c0_i32, %c0_i32_0 : i32, i32, i32, i32
  }
}

module attributes {stable_mosaic.version = 14 : i64} {
  func.func @_local_body(%arg0: i32, %arg1: i32, %arg2: i32, %arg3: memref<1x1x128x64xf32, #tpu.memory_space<vmem>>, %arg4: memref<1x1x128x64xf32, #tpu.memory_space<vmem>>, %arg5: memref<1x1x128x64xf32, #tpu.memory_space<vmem>>, %arg6: memref<1x1x128x64xf32, #tpu.memory_space<vmem>>, %arg7: memref<1x1x128x64xf32, #tpu.memory_space<vmem>>, %arg8: memref<1x1x128xi32, #tpu.memory_space<vmem>>, %arg9: memref<1x1x128xi32, #tpu.memory_space<vmem>>, %arg10: memref<1x1x128x64xf32, #tpu.memory_space<vmem>>) attributes {dimension_semantics = [#tpu.dimension_semantics<arbitrary>, #tpu.dimension_semantics<arbitrary>, #tpu.dimension_semantics<arbitrary>], iteration_bounds = array<i64: 4, 4, 16>, scalar_prefetch = 0 : i64, scratch_operands = 0 : i64, tpu.core_type = #tpu.core_type<tc>, window_params = [{transform_indices = @transform_0, window_bounds = array<i64: 1, 1, 128, 64>}, {transform_indices = @transform_1, window_bounds = array<i64: 1, 1, 128, 64>}, {transform_indices = @transform_2, window_bounds = array<i64: 1, 1, 128, 64>}, {transform_indices = @transform_3, window_bounds = array<i64: 1, 1, 128, 64>}, {transform_indices = @transform_4, window_bounds = array<i64: 1, 1, 128, 64>}, {transform_indices = @transform_5, window_bounds = array<i64: 1, 1, 128>}, {transform_indices = @transform_6, window_bounds = array<i64: 1, 1, 128>}, {transform_indices = @transform_7, window_bounds = array<i64: 1, 1, 128, 64>}]} {
    %get3A = arith.constant 0 : index
    %get3A_0 = arith.constant 0 : index
    %get3A_1 = arith.constant 0 : index
    %get3A_2 = arith.constant 0 : index
    %get3A_3 = vector.load %arg3[%get3A, %get3A_0, %get3A_1, %get3A_2] : memref<1x1x128x64xf32, #tpu.memory_space<vmem>>, vector<1x1x128x64xf32>
    %get3A_4 = vector.shape_cast %get3A_3 : vector<1x1x128x64xf32> to vector<128x64xf32>
    %get3A_5 = arith.constant 0 : index
    %get3A_6 = arith.constant 0 : index
    %get3A_7 = arith.constant 0 : index
    %get3A_8 = arith.constant 0 : index
    %get3A_9 = vector.load %arg4[%get3A_5, %get3A_6, %get3A_7, %get3A_8] : memref<1x1x128x64xf32, #tpu.memory_space<vmem>>, vector<1x1x128x64xf32>
    %get3A_10 = vector.shape_cast %get3A_9 : vector<1x1x128x64xf32> to vector<128x64xf32>
    %get3A_11 = arith.constant 0 : index
    %get3A_12 = arith.constant 0 : index
    %get3A_13 = arith.constant 0 : index
    %get3A_14 = arith.constant 0 : index
    %get3A_15 = vector.load %arg5[%get3A_11, %get3A_12, %get3A_13, %get3A_14] : memref<1x1x128x64xf32, #tpu.memory_space<vmem>>, vector<1x1x128x64xf32>
    %get3A_16 = vector.shape_cast %get3A_15 : vector<1x1x128x64xf32> to vector<128x64xf32>
    %get3A_17 = arith.constant 0 : index
    %get3A_18 = arith.constant 0 : index
    %get3A_19 = arith.constant 0 : index
    %get3A_20 = arith.constant 0 : index
    %get3A_21 = vector.load %arg6[%get3A_17, %get3A_18, %get3A_19, %get3A_20] : memref<1x1x128x64xf32, #tpu.memory_space<vmem>>, vector<1x1x128x64xf32>
    %get3A_22 = vector.shape_cast %get3A_21 : vector<1x1x128x64xf32> to vector<128x64xf32>
    %gt3A = arith.constant 0 : i32
    %gt3A_23 = arith.cmpi sgt, %arg2, %gt3A : i32
    %get3A_24 = arith.constant 0 : index
    %get3A_25 = arith.constant 0 : index
    %get3A_26 = arith.constant 0 : index
    %get3A_27 = arith.constant 0 : index
    %get3A_28 = vector.load %arg7[%get3A_24, %get3A_25, %get3A_26, %get3A_27] : memref<1x1x128x64xf32, #tpu.memory_space<vmem>>, vector<1x1x128x64xf32>
    %get3A_29 = vector.shape_cast %get3A_28 : vector<1x1x128x64xf32> to vector<128x64xf32>
    %jit3A = arith.constant 0.000000e+00 : f32
    %broadcast_in_dim3A = vector.broadcast %jit3A : f32 to vector<128x64xf32>
    %select_n3A = arith.select %gt3A_23, %get3A_29, %broadcast_in_dim3A : vector<128x64xf32>
    %dot_general3A = arith.constant dense<0.000000e+00> : vector<128x128xf32>
    %dot_general3A_30 = tpu.matmul %get3A_4, %get3A_10, %dot_general3A {dimension_numbers = #tpu.dot_dimension_numbers<[1], [1], [0], [0], [0, 0, 1, 0], [], []>, transpose_lhs_hint = false} : vector<128x64xf32>, vector<128x64xf32>, vector<128x128xf32> -> vector<128x128xf32>
    %mul3A = arith.constant 1.250000e-01 : f32
    %mul3A_31 = vector.broadcast %mul3A : f32 to vector<128x128xf32>
    %mul3A_32 = arith.mulf %dot_general3A_30, %mul3A_31 : vector<128x128xf32>
    %dot_general3A_33 = arith.constant dense<0.000000e+00> : vector<128x128xf32>
    %dot_general3A_34 = tpu.matmul %get3A_4, %get3A_16, %dot_general3A_33 {dimension_numbers = #tpu.dot_dimension_numbers<[1], [1], [0], [0], [0, 0, 1, 0], [], []>, transpose_lhs_hint = false} : vector<128x64xf32>, vector<128x64xf32>, vector<128x128xf32> -> vector<128x128xf32>
    %mul3A_35 = arith.constant 1.250000e-01 : f32
    %mul3A_36 = vector.broadcast %mul3A_35 : f32 to vector<128x128xf32>
    %mul3A_37 = arith.mulf %dot_general3A_34, %mul3A_36 : vector<128x128xf32>
    %iota3A = tpu.iota {dimensions = array<i32: 0>} : vector<128x128xi32>
    %iota3A_38 = tpu.iota {dimensions = array<i32: 1>} : vector<128x128xi32>
    %get3A_39 = arith.constant 0 : index
    %get3A_40 = arith.constant 0 : index
    %get3A_41 = arith.constant 0 : index
    %get3A_42 = vector.load %arg8[%get3A_39, %get3A_40, %get3A_41] : memref<1x1x128xi32, #tpu.memory_space<vmem>>, vector<1x1x128xi32>
    %get3A_43 = vector.shape_cast %get3A_42 : vector<1x1x128xi32> to vector<1x128xi32>
    %eq3A = arith.constant 0 : i32
    %eq3A_44 = vector.broadcast %eq3A : i32 to vector<1x128xi32>
    %eq3A_45 = arith.cmpi eq, %get3A_43, %eq3A_44 : vector<1x128xi32>
    %ge3A = arith.cmpi sge, %iota3A, %iota3A_38 : vector<128x128xi32>
    %and3A = vector.broadcast %eq3A_45 : vector<1x128xi1> to vector<128x128xi1>
    %and3A_46 = arith.andi %and3A, %ge3A : vector<128x128xi1>
    %get3A_47 = arith.constant 0 : index
    %get3A_48 = arith.constant 0 : index
    %get3A_49 = arith.constant 0 : index
    %get3A_50 = vector.load %arg9[%get3A_47, %get3A_48, %get3A_49] : memref<1x1x128xi32, #tpu.memory_space<vmem>>, vector<1x1x128xi32>
    %get3A_51 = vector.shape_cast %get3A_50 : vector<1x1x128xi32> to vector<1x128xi32>
    %eq3A_52 = arith.constant 0 : i32
    %eq3A_53 = vector.broadcast %eq3A_52 : i32 to vector<1x128xi32>
    %eq3A_54 = arith.cmpi eq, %get3A_51, %eq3A_53 : vector<1x128xi32>
    %gt3A_55 = arith.constant 0 : i32
    %gt3A_56 = arith.cmpi sgt, %arg2, %gt3A_55 : i32
    %and3A_57 = vector.broadcast %gt3A_56 : i1 to vector<1x128xi1>
    %and3A_58 = arith.andi %eq3A_54, %and3A_57 : vector<1x128xi1>
    %jit3A_59 = arith.constant -1.000000e+09 : f32
    %broadcast_in_dim3A_60 = vector.broadcast %jit3A_59 : f32 to vector<128x128xf32>
    %select_n3A_61 = arith.select %and3A_46, %mul3A_32, %broadcast_in_dim3A_60 : vector<128x128xi1>, vector<128x128xf32>
    %jit3A_62 = arith.constant -1.000000e+09 : f32
    %broadcast_in_dim3A_63 = vector.shape_cast %and3A_58 : vector<1x128xi1> to vector<1x128xi1>
    %broadcast_in_dim3A_64 = vector.broadcast %broadcast_in_dim3A_63 : vector<1x128xi1> to vector<128x128xi1>
    %broadcast_in_dim3A_65 = vector.broadcast %jit3A_62 : f32 to vector<128x128xf32>
    %select_n3A_66 = arith.select %broadcast_in_dim3A_64, %mul3A_37, %broadcast_in_dim3A_65 : vector<128x128xi1>, vector<128x128xf32>
    %concatenate3A = tpu.concatenate %select_n3A_66, %select_n3A_61 in 1 : vector<128x128xf32>, vector<128x128xf32> -> vector<128x256xf32>
    %reduce_max3A = arith.constant dense<0xFF800000> : vector<128xf32>
    %reduce_max3A_67 = vector.multi_reduction <maximumf>, %concatenate3A, %reduce_max3A [1] : vector<128x256xf32> to vector<128xf32>
    %broadcast_in_dim3A_68 = vector.shape_cast %reduce_max3A_67 : vector<128xf32> to vector<128x1xf32>
    %sub3A = vector.broadcast %broadcast_in_dim3A_68 : vector<128x1xf32> to vector<128x256xf32>
    %sub3A_69 = arith.subf %concatenate3A, %sub3A : vector<128x256xf32>
    %exp3A = math.exp %sub3A_69 : vector<128x256xf32>
    %reduce_sum3A = arith.constant dense<0.000000e+00> : vector<128xf32>
    %reduce_sum3A_70 = vector.multi_reduction <add>, %exp3A, %reduce_sum3A [1] : vector<128x256xf32> to vector<128xf32>
    %broadcast_in_dim3A_71 = vector.shape_cast %reduce_sum3A_70 : vector<128xf32> to vector<128x1xf32>
    %concatenate3A_72 = tpu.concatenate %select_n3A, %get3A_22 in 0 : vector<128x64xf32>, vector<128x64xf32> -> vector<256x64xf32>
    %dot_general3A_73 = arith.constant dense<0.000000e+00> : vector<128x64xf32>
    %dot_general3A_74 = tpu.matmul %exp3A, %concatenate3A_72, %dot_general3A_73 {dimension_numbers = #tpu.dot_dimension_numbers<[1], [0], [0], [1], [0, 0, 1, 1], [], []>, transpose_lhs_hint = false} : vector<128x256xf32>, vector<256x64xf32>, vector<128x64xf32> -> vector<128x64xf32>
    %div3A = vector.broadcast %broadcast_in_dim3A_71 : vector<128x1xf32> to vector<128x64xf32>
    %div3A_75 = arith.divf %dot_general3A_74, %div3A : vector<128x64xf32>
    %swap3A = arith.constant 0 : index
    %swap3A_76 = arith.constant 0 : index
    %swap3A_77 = arith.constant 0 : index
    %swap3A_78 = arith.constant 0 : index
    %swap3A_79 = vector.load %arg10[%swap3A, %swap3A_76, %swap3A_77, %swap3A_78] : memref<1x1x128x64xf32, #tpu.memory_space<vmem>>, vector<1x1x128x64xf32>
    %swap3A_80 = vector.shape_cast %swap3A_79 : vector<1x1x128x64xf32> to vector<128x64xf32>
    %swap3A_81 = vector.shape_cast %div3A_75 : vector<128x64xf32> to vector<1x1x128x64xf32>
    tpu.vector_store %arg10[%swap3A, %swap3A_76, %swap3A_77, %swap3A_78], %swap3A_81 {strides = array<i32>} : memref<1x1x128x64xf32, #tpu.memory_space<vmem>>, vector<1x1x128x64xf32>,
    return
  }
  func.func @transform_0(%arg0: i32, %arg1: i32, %arg2: i32) -> (i32, i32, i32, i32) {
    %c0_i32 = arith.constant 0 : i32
    %c0_i32_0 = arith.constant 0 : i32
    return %arg0, %arg1, %arg2, %c0_i32 : i32, i32, i32, i32
  }
  func.func @transform_1(%arg0: i32, %arg1: i32, %arg2: i32) -> (i32, i32, i32, i32) {
    %c0_i32 = arith.constant 0 : i32
    %c0_i32_0 = arith.constant 0 : i32
    return %arg0, %arg1, %arg2, %c0_i32 : i32, i32, i32, i32
  }
  func.func @transform_2(%arg0: i32, %arg1: i32, %arg2: i32) -> (i32, i32, i32, i32) {
    %sub3A = arith.constant 1 : i32
    %sub3A_0 = arith.subi %arg2, %sub3A : i32
    %max3A = arith.constant 0 : i32
    %max3A_1 = arith.maxsi %sub3A_0, %max3A : i32
    %c0_i32 = arith.constant 0 : i32
    %c0_i32_2 = arith.constant 0 : i32
    return %arg0, %arg1, %max3A_1, %c0_i32 : i32, i32, i32, i32
  }
  func.func @transform_3(%arg0: i32, %arg1: i32, %arg2: i32) -> (i32, i32, i32, i32) {
    %c0_i32 = arith.constant 0 : i32
    %c0_i32_0 = arith.constant 0 : i32
    return %arg0, %arg1, %arg2, %c0_i32 : i32, i32, i32, i32
  }
  func.func @transform_4(%arg0: i32, %arg1: i32, %arg2: i32) -> (i32, i32, i32, i32) {
    %sub3A = arith.constant 1 : i32
    %sub3A_0 = arith.subi %arg2, %sub3A : i32
    %max3A = arith.constant 0 : i32
    %max3A_1 = arith.maxsi %sub3A_0, %max3A : i32
    %c0_i32 = arith.constant 0 : i32
    %c0_i32_2 = arith.constant 0 : i32
    return %arg0, %arg1, %max3A_1, %c0_i32 : i32, i32, i32, i32
  }
  func.func @transform_5(%arg0: i32, %arg1: i32, %arg2: i32) -> (i32, i32, i32) {
    %mul3A = arith.constant 16 : i32
    %mul3A_0 = arith.muli %arg0, %mul3A : i32
    %add3A = arith.addi %mul3A_0, %arg2 : i32
    %c0_i32 = arith.constant 0 : i32
    %c0_i32_1 = arith.constant 0 : i32
    %c0_i32_2 = arith.constant 0 : i32
    return %add3A, %c0_i32, %c0_i32_1 : i32, i32, i32
  }
  func.func @transform_6(%arg0: i32, %arg1: i32, %arg2: i32) -> (i32, i32, i32) {
    %mul3A = arith.constant 16 : i32
    %mul3A_0 = arith.muli %arg0, %mul3A : i32
    %sub3A = arith.constant 1 : i32
    %sub3A_1 = arith.subi %arg2, %sub3A : i32
    %max3A = arith.constant 0 : i32
    %max3A_2 = arith.maxsi %sub3A_1, %max3A : i32
    %add3A = arith.addi %mul3A_0, %max3A_2 : i32
    %c0_i32 = arith.constant 0 : i32
    %c0_i32_3 = arith.constant 0 : i32
    %c0_i32_4 = arith.constant 0 : i32
    return %add3A, %c0_i32, %c0_i32_3 : i32, i32, i32
  }
  func.func @transform_7(%arg0: i32, %arg1: i32, %arg2: i32) -> (i32, i32, i32, i32) {
    %c0_i32 = arith.constant 0 : i32
    %c0_i32_0 = arith.constant 0 : i32
    return %arg0, %arg1, %arg2, %c0_i32 : i32, i32, i32, i32
  }
}

module attributes {stable_mosaic.version = 14 : i64} {
  func.func @_combine_body(%arg0: i32, %arg1: i32, %arg2: memref<1x4x512x64xf32, #tpu.memory_space<vmem>>, %arg3: memref<1x4x512x1xf32, #tpu.memory_space<vmem>>, %arg4: memref<1x1x512x64xf32, #tpu.memory_space<vmem>>) attributes {dimension_semantics = [#tpu.dimension_semantics<arbitrary>, #tpu.dimension_semantics<arbitrary>], iteration_bounds = array<i64: 16, 4>, scalar_prefetch = 0 : i64, scratch_operands = 0 : i64, tpu.core_type = #tpu.core_type<tc>, window_params = [{transform_indices = @transform_0, window_bounds = array<i64: 1, 4, 512, 64>}, {transform_indices = @transform_1, window_bounds = array<i64: 1, 4, 512, 1>}, {transform_indices = @transform_2, window_bounds = array<i64: 1, 1, 512, 64>}]} {
    %get3A = arith.constant 0 : index
    %get3A_0 = arith.constant 0 : index
    %get3A_1 = arith.constant 0 : index
    %get3A_2 = arith.constant 0 : index
    %get3A_3 = vector.load %arg3[%get3A, %get3A_0, %get3A_1, %get3A_2] : memref<1x4x512x1xf32, #tpu.memory_space<vmem>>, vector<1x1x512x1xf32>
    %get3A_4 = vector.shape_cast %get3A_3 : vector<1x1x512x1xf32> to vector<512x1xf32>
    %get3A_5 = arith.constant 0 : index
    %get3A_6 = arith.constant 1 : index
    %get3A_7 = arith.constant 0 : index
    %get3A_8 = arith.constant 0 : index
    %get3A_9 = vector.load %arg3[%get3A_5, %get3A_6, %get3A_7, %get3A_8] : memref<1x4x512x1xf32, #tpu.memory_space<vmem>>, vector<1x1x512x1xf32>
    %get3A_10 = vector.shape_cast %get3A_9 : vector<1x1x512x1xf32> to vector<512x1xf32>
    %get3A_11 = arith.constant 0 : index
    %get3A_12 = arith.constant 2 : index
    %get3A_13 = arith.constant 0 : index
    %get3A_14 = arith.constant 0 : index
    %get3A_15 = vector.load %arg3[%get3A_11, %get3A_12, %get3A_13, %get3A_14] : memref<1x4x512x1xf32, #tpu.memory_space<vmem>>, vector<1x1x512x1xf32>
    %get3A_16 = vector.shape_cast %get3A_15 : vector<1x1x512x1xf32> to vector<512x1xf32>
    %get3A_17 = arith.constant 0 : index
    %get3A_18 = arith.constant 3 : index
    %get3A_19 = arith.constant 0 : index
    %get3A_20 = arith.constant 0 : index
    %get3A_21 = vector.load %arg3[%get3A_17, %get3A_18, %get3A_19, %get3A_20] : memref<1x4x512x1xf32, #tpu.memory_space<vmem>>, vector<1x1x512x1xf32>
    %get3A_22 = vector.shape_cast %get3A_21 : vector<1x1x512x1xf32> to vector<512x1xf32>
    %max3A = arith.maximumf %get3A_4, %get3A_10 : vector<512x1xf32>
    %max3A_23 = arith.maximumf %max3A, %get3A_16 : vector<512x1xf32>
    %max3A_24 = arith.maximumf %max3A_23, %get3A_22 : vector<512x1xf32>
    %sub3A = arith.subf %get3A_4, %max3A_24 : vector<512x1xf32>
    %exp3A = math.exp %sub3A : vector<512x1xf32>
    %sub3A_25 = arith.subf %get3A_10, %max3A_24 : vector<512x1xf32>
    %exp3A_26 = math.exp %sub3A_25 : vector<512x1xf32>
    %sub3A_27 = arith.subf %get3A_16, %max3A_24 : vector<512x1xf32>
    %exp3A_28 = math.exp %sub3A_27 : vector<512x1xf32>
    %sub3A_29 = arith.subf %get3A_22, %max3A_24 : vector<512x1xf32>
    %exp3A_30 = math.exp %sub3A_29 : vector<512x1xf32>
    %add3A = arith.addf %exp3A, %exp3A_26 : vector<512x1xf32>
    %add3A_31 = arith.addf %add3A, %exp3A_28 : vector<512x1xf32>
    %add3A_32 = arith.addf %add3A_31, %exp3A_30 : vector<512x1xf32>
    %log3A = math.log %add3A_32 : vector<512x1xf32>
    %add3A_33 = arith.addf %log3A, %max3A_24 : vector<512x1xf32>
    %get3A_34 = arith.constant 0 : index
    %get3A_35 = arith.constant 0 : index
    %get3A_36 = arith.constant 0 : index
    %get3A_37 = arith.constant 0 : index
    %get3A_38 = vector.load %arg2[%get3A_34, %get3A_35, %get3A_36, %get3A_37] : memref<1x4x512x64xf32, #tpu.memory_space<vmem>>, vector<1x1x512x64xf32>
    %get3A_39 = vector.shape_cast %get3A_38 : vector<1x1x512x64xf32> to vector<512x64xf32>
    %sub3A_40 = arith.subf %get3A_4, %add3A_33 : vector<512x1xf32>
    %exp3A_41 = math.exp %sub3A_40 : vector<512x1xf32>
    %mul3A = vector.broadcast %exp3A_41 : vector<512x1xf32> to vector<512x64xf32>
    %mul3A_42 = arith.mulf %get3A_39, %mul3A : vector<512x64xf32>
    %get3A_43 = arith.constant 0 : index
    %get3A_44 = arith.constant 1 : index
    %get3A_45 = arith.constant 0 : index
    %get3A_46 = arith.constant 0 : index
    %get3A_47 = vector.load %arg2[%get3A_43, %get3A_44, %get3A_45, %get3A_46] : memref<1x4x512x64xf32, #tpu.memory_space<vmem>>, vector<1x1x512x64xf32>
    %get3A_48 = vector.shape_cast %get3A_47 : vector<1x1x512x64xf32> to vector<512x64xf32>
    %sub3A_49 = arith.subf %get3A_10, %add3A_33 : vector<512x1xf32>
    %exp3A_50 = math.exp %sub3A_49 : vector<512x1xf32>
    %mul3A_51 = vector.broadcast %exp3A_50 : vector<512x1xf32> to vector<512x64xf32>
    %mul3A_52 = arith.mulf %get3A_48, %mul3A_51 : vector<512x64xf32>
    %add3A_53 = arith.addf %mul3A_42, %mul3A_52 : vector<512x64xf32>
    %get3A_54 = arith.constant 0 : index
    %get3A_55 = arith.constant 2 : index
    %get3A_56 = arith.constant 0 : index
    %get3A_57 = arith.constant 0 : index
    %get3A_58 = vector.load %arg2[%get3A_54, %get3A_55, %get3A_56, %get3A_57] : memref<1x4x512x64xf32, #tpu.memory_space<vmem>>, vector<1x1x512x64xf32>
    %get3A_59 = vector.shape_cast %get3A_58 : vector<1x1x512x64xf32> to vector<512x64xf32>
    %sub3A_60 = arith.subf %get3A_16, %add3A_33 : vector<512x1xf32>
    %exp3A_61 = math.exp %sub3A_60 : vector<512x1xf32>
    %mul3A_62 = vector.broadcast %exp3A_61 : vector<512x1xf32> to vector<512x64xf32>
    %mul3A_63 = arith.mulf %get3A_59, %mul3A_62 : vector<512x64xf32>
    %add3A_64 = arith.addf %add3A_53, %mul3A_63 : vector<512x64xf32>
    %get3A_65 = arith.constant 0 : index
    %get3A_66 = arith.constant 3 : index
    %get3A_67 = arith.constant 0 : index
    %get3A_68 = arith.constant 0 : index
    %get3A_69 = vector.load %arg2[%get3A_65, %get3A_66, %get3A_67, %get3A_68] : memref<1x4x512x64xf32, #tpu.memory_space<vmem>>, vector<1x1x512x64xf32>
    %get3A_70 = vector.shape_cast %get3A_69 : vector<1x1x512x64xf32> to vector<512x64xf32>
    %sub3A_71 = arith.subf %get3A_22, %add3A_33 : vector<512x1xf32>
    %exp3A_72 = math.exp %sub3A_71 : vector<512x1xf32>
    %mul3A_73 = vector.broadcast %exp3A_72 : vector<512x1xf32> to vector<512x64xf32>
    %mul3A_74 = arith.mulf %get3A_70, %mul3A_73 : vector<512x64xf32>
    %add3A_75 = arith.addf %add3A_64, %mul3A_74 : vector<512x64xf32>
    %swap3A = arith.constant 0 : index
    %swap3A_76 = arith.constant 0 : index
    %swap3A_77 = arith.constant 0 : index
    %swap3A_78 = arith.constant 0 : index
    %swap3A_79 = vector.load %arg4[%swap3A, %swap3A_76, %swap3A_77, %swap3A_78] : memref<1x1x512x64xf32, #tpu.memory_space<vmem>>, vector<1x1x512x64xf32>
    %swap3A_80 = vector.shape_cast %swap3A_79 : vector<1x1x512x64xf32> to vector<512x64xf32>
    %swap3A_81 = vector.shape_cast %add3A_75 : vector<512x64xf32> to vector<1x1x512x64xf32>
    tpu.vector_store %arg4[%swap3A, %swap3A_76, %swap3A_77, %swap3A_78], %swap3A_81 {strides = array<i32>} : memref<1x1x512x64xf32, #tpu.memory_space<vmem>>, vector<1x1x512x64xf32>,
    return
  }
  func.func @transform_0(%arg0: i32, %arg1: i32) -> (i32, i32, i32, i32) {
    %c0_i32 = arith.constant 0 : i32
    %c0_i32_0 = arith.constant 0 : i32
    %c0_i32_1 = arith.constant 0 : i32
    return %arg0, %c0_i32, %arg1, %c0_i32_0 : i32, i32, i32, i32
  }
  func.func @transform_1(%arg0: i32, %arg1: i32) -> (i32, i32, i32, i32) {
    %c0_i32 = arith.constant 0 : i32
    %c0_i32_0 = arith.constant 0 : i32
    %c0_i32_1 = arith.constant 0 : i32
    return %arg0, %c0_i32, %arg1, %c0_i32_0 : i32, i32, i32, i32
  }
  func.func @transform_2(%arg0: i32, %arg1: i32) -> (i32, i32, i32, i32) {
    %jit3A = arith.constant 4 : i32
    %div3A = arith.divsi %arg0, %jit3A : i32
    %sign3A = arith.constant 0 : i32
    %sign3A_0 = arith.cmpi sgt, %arg0, %sign3A : i32
    %sign3A_1 = arith.extui %sign3A_0 : i1 to i32
    %sign3A_2 = arith.constant 0 : i32
    %sign3A_3 = arith.cmpi slt, %arg0, %sign3A_2 : i32
    %sign3A_4 = arith.extui %sign3A_3 : i1 to i32
    %sign3A_5 = arith.subi %sign3A_1, %sign3A_4 : i32
    %sign3A_6 = arith.constant 0 : i32
    %sign3A_7 = arith.cmpi sgt, %jit3A, %sign3A_6 : i32
    %sign3A_8 = arith.extui %sign3A_7 : i1 to i32
    %sign3A_9 = arith.constant 0 : i32
    %sign3A_10 = arith.cmpi slt, %jit3A, %sign3A_9 : i32
    %sign3A_11 = arith.extui %sign3A_10 : i1 to i32
    %sign3A_12 = arith.subi %sign3A_8, %sign3A_11 : i32
    %ne3A = arith.cmpi ne, %sign3A_5, %sign3A_12 : i32
    %rem3A = arith.remsi %arg0, %jit3A : i32
    %ne3A_13 = arith.constant 0 : i32
    %ne3A_14 = arith.cmpi ne, %rem3A, %ne3A_13 : i32
    %and3A = arith.andi %ne3A, %ne3A_14 : i1
    %sub3A = arith.constant 1 : i32
    %sub3A_15 = arith.subi %div3A, %sub3A : i32
    %select_n3A = arith.select %and3A, %sub3A_15, %div3A : i32
    %jit3A_16 = arith.constant 4 : i32
    %eq3A = arith.constant 0 : i32
    %eq3A_17 = arith.cmpi eq, %jit3A_16, %eq3A : i32
    %jit3A_18 = arith.constant 1 : i32
    %select_n3A_19 = arith.select %eq3A_17, %jit3A_18, %jit3A_16 : i32
    %rem3A_20 = arith.remsi %arg0, %select_n3A_19 : i32
    %ne3A_21 = arith.constant 0 : i32
    %ne3A_22 = arith.cmpi ne, %rem3A_20, %ne3A_21 : i32
    %lt3A = arith.constant 0 : i32
    %lt3A_23 = arith.cmpi slt, %rem3A_20, %lt3A : i32
    %lt3A_24 = arith.constant 0 : i32
    %lt3A_25 = arith.cmpi slt, %select_n3A_19, %lt3A_24 : i32
    %ne3A_26 = arith.xori %lt3A_23, %lt3A_25 : i1
    %and3A_27 = arith.andi %ne3A_26, %ne3A_22 : i1
    %add3A = arith.addi %rem3A_20, %select_n3A_19 : i32
    %select_n3A_28 = arith.select %and3A_27, %add3A, %rem3A_20 : i32
    %c0_i32 = arith.constant 0 : i32
    %c0_i32_29 = arith.constant 0 : i32
    return %select_n3A, %select_n3A_28, %arg1, %c0_i32 : i32, i32, i32, i32
  }
}

module attributes {stable_mosaic.version = 14 : i64} {
  func.func @_attnout_body(%arg0: i32, %arg1: memref<1x1x512x64xf32, #tpu.memory_space<vmem>>, %arg2: memref<1x1x512x64xf32, #tpu.memory_space<vmem>>, %arg3: memref<1x1x512x64xf32, #tpu.memory_space<vmem>>, %arg4: memref<1x1x512x64xf32, #tpu.memory_space<vmem>>, %arg5: memref<1x1x512x64xf32, #tpu.memory_space<vmem>>, %arg6: memref<1x1x512x64xf32, #tpu.memory_space<vmem>>, %arg7: memref<1x1x512x64xf32, #tpu.memory_space<vmem>>, %arg8: memref<1x1x512x64xf32, #tpu.memory_space<vmem>>, %arg9: memref<512x512xf32, #tpu.memory_space<vmem>>, %arg10: memref<512x512xf32, #tpu.memory_space<vmem>>, %arg11: memref<1x512xf32, #tpu.memory_space<vmem>>, %arg12: memref<1x512xf32, #tpu.memory_space<vmem>>, %arg13: memref<1x512xf32, #tpu.memory_space<vmem>>, %arg14: memref<512x512xf32, #tpu.memory_space<vmem>>) attributes {dimension_semantics = [#tpu.dimension_semantics<arbitrary>], iteration_bounds = array<i64: 16>, scalar_prefetch = 0 : i64, scratch_operands = 0 : i64, tpu.core_type = #tpu.core_type<tc>, window_params = [{transform_indices = @transform_0, window_bounds = array<i64: 1, 1, 512, 64>}, {transform_indices = @transform_1, window_bounds = array<i64: 1, 1, 512, 64>}, {transform_indices = @transform_2, window_bounds = array<i64: 1, 1, 512, 64>}, {transform_indices = @transform_3, window_bounds = array<i64: 1, 1, 512, 64>}, {transform_indices = @transform_4, window_bounds = array<i64: 1, 1, 512, 64>}, {transform_indices = @transform_5, window_bounds = array<i64: 1, 1, 512, 64>}, {transform_indices = @transform_6, window_bounds = array<i64: 1, 1, 512, 64>}, {transform_indices = @transform_7, window_bounds = array<i64: 1, 1, 512, 64>}, {transform_indices = @transform_8, window_bounds = array<i64: 512, 512>}, {pipeline_mode = #tpu.pipeline_mode<synchronous>, transform_indices = @transform_9, window_bounds = array<i64: 512, 512>}, {pipeline_mode = #tpu.pipeline_mode<synchronous>, transform_indices = @transform_10, window_bounds = array<i64: 1, 512>}, {pipeline_mode = #tpu.pipeline_mode<synchronous>, transform_indices = @transform_11, window_bounds = array<i64: 1, 512>}, {pipeline_mode = #tpu.pipeline_mode<synchronous>, transform_indices = @transform_12, window_bounds = array<i64: 1, 512>}, {transform_indices = @transform_13, window_bounds = array<i64: 512, 512>}]} {
    %get3A = arith.constant 0 : index
    %get3A_0 = arith.constant 0 : index
    %get3A_1 = arith.constant 0 : index
    %get3A_2 = arith.constant 0 : index
    %get3A_3 = vector.load %arg1[%get3A, %get3A_0, %get3A_1, %get3A_2] : memref<1x1x512x64xf32, #tpu.memory_space<vmem>>, vector<1x1x512x64xf32>
    %get3A_4 = vector.shape_cast %get3A_3 : vector<1x1x512x64xf32> to vector<512x64xf32>
    %get3A_5 = arith.constant 0 : index
    %get3A_6 = arith.constant 0 : index
    %get3A_7 = arith.constant 0 : index
    %get3A_8 = arith.constant 0 : index
    %get3A_9 = vector.load %arg2[%get3A_5, %get3A_6, %get3A_7, %get3A_8] : memref<1x1x512x64xf32, #tpu.memory_space<vmem>>, vector<1x1x512x64xf32>
    %get3A_10 = vector.shape_cast %get3A_9 : vector<1x1x512x64xf32> to vector<512x64xf32>
    %get3A_11 = arith.constant 0 : index
    %get3A_12 = arith.constant 0 : index
    %get3A_13 = arith.constant 0 : index
    %get3A_14 = arith.constant 0 : index
    %get3A_15 = vector.load %arg3[%get3A_11, %get3A_12, %get3A_13, %get3A_14] : memref<1x1x512x64xf32, #tpu.memory_space<vmem>>, vector<1x1x512x64xf32>
    %get3A_16 = vector.shape_cast %get3A_15 : vector<1x1x512x64xf32> to vector<512x64xf32>
    %get3A_17 = arith.constant 0 : index
    %get3A_18 = arith.constant 0 : index
    %get3A_19 = arith.constant 0 : index
    %get3A_20 = arith.constant 0 : index
    %get3A_21 = vector.load %arg4[%get3A_17, %get3A_18, %get3A_19, %get3A_20] : memref<1x1x512x64xf32, #tpu.memory_space<vmem>>, vector<1x1x512x64xf32>
    %get3A_22 = vector.shape_cast %get3A_21 : vector<1x1x512x64xf32> to vector<512x64xf32>
    %get3A_23 = arith.constant 0 : index
    %get3A_24 = arith.constant 0 : index
    %get3A_25 = arith.constant 0 : index
    %get3A_26 = arith.constant 0 : index
    %get3A_27 = vector.load %arg5[%get3A_23, %get3A_24, %get3A_25, %get3A_26] : memref<1x1x512x64xf32, #tpu.memory_space<vmem>>, vector<1x1x512x64xf32>
    %get3A_28 = vector.shape_cast %get3A_27 : vector<1x1x512x64xf32> to vector<512x64xf32>
    %get3A_29 = arith.constant 0 : index
    %get3A_30 = arith.constant 0 : index
    %get3A_31 = arith.constant 0 : index
    %get3A_32 = arith.constant 0 : index
    %get3A_33 = vector.load %arg6[%get3A_29, %get3A_30, %get3A_31, %get3A_32] : memref<1x1x512x64xf32, #tpu.memory_space<vmem>>, vector<1x1x512x64xf32>
    %get3A_34 = vector.shape_cast %get3A_33 : vector<1x1x512x64xf32> to vector<512x64xf32>
    %get3A_35 = arith.constant 0 : index
    %get3A_36 = arith.constant 0 : index
    %get3A_37 = arith.constant 0 : index
    %get3A_38 = arith.constant 0 : index
    %get3A_39 = vector.load %arg7[%get3A_35, %get3A_36, %get3A_37, %get3A_38] : memref<1x1x512x64xf32, #tpu.memory_space<vmem>>, vector<1x1x512x64xf32>
    %get3A_40 = vector.shape_cast %get3A_39 : vector<1x1x512x64xf32> to vector<512x64xf32>
    %get3A_41 = arith.constant 0 : index
    %get3A_42 = arith.constant 0 : index
    %get3A_43 = arith.constant 0 : index
    %get3A_44 = arith.constant 0 : index
    %get3A_45 = vector.load %arg8[%get3A_41, %get3A_42, %get3A_43, %get3A_44] : memref<1x1x512x64xf32, #tpu.memory_space<vmem>>, vector<1x1x512x64xf32>
    %get3A_46 = vector.shape_cast %get3A_45 : vector<1x1x512x64xf32> to vector<512x64xf32>
    %concatenate3A = tpu.concatenate %get3A_4, %get3A_10, %get3A_16, %get3A_22, %get3A_28, %get3A_34, %get3A_40, %get3A_46 in 1 : vector<512x64xf32>, vector<512x64xf32>, vector<512x64xf32>, vector<512x64xf32>, vector<512x64xf32>, vector<512x64xf32>, vector<512x64xf32>, vector<512x64xf32> -> vector<512x512xf32>
    %get3A_47 = arith.constant 0 : index
    %get3A_48 = arith.constant 0 : index
    %get3A_49 = vector.load %arg10[%get3A_47, %get3A_48] : memref<512x512xf32, #tpu.memory_space<vmem>>, vector<512x512xf32>
    %dot_general3A = arith.constant dense<0.000000e+00> : vector<512x512xf32>
    %dot_general3A_50 = tpu.matmul %concatenate3A, %get3A_49, %dot_general3A {dimension_numbers = #tpu.dot_dimension_numbers<[1], [0], [0], [1], [0, 0, 1, 1], [], []>, transpose_lhs_hint = false} : vector<512x512xf32>, vector<512x512xf32>, vector<512x512xf32> -> vector<512x512xf32>
    %get3A_51 = arith.constant 0 : index
    %get3A_52 = arith.constant 0 : index
    %get3A_53 = vector.load %arg11[%get3A_51, %get3A_52] : memref<1x512xf32, #tpu.memory_space<vmem>>, vector<1x512xf32>
    %add3A = vector.broadcast %get3A_53 : vector<1x512xf32> to vector<512x512xf32>
    %add3A_54 = arith.addf %dot_general3A_50, %add3A : vector<512x512xf32>
    %get3A_55 = arith.constant 0 : index
    %get3A_56 = arith.constant 0 : index
    %get3A_57 = vector.load %arg9[%get3A_55, %get3A_56] : memref<512x512xf32, #tpu.memory_space<vmem>>, vector<512x512xf32>
    %add3A_58 = arith.addf %add3A_54, %get3A_57 : vector<512x512xf32>
    %get3A_59 = arith.constant 0 : index
    %get3A_60 = arith.constant 0 : index
    %get3A_61 = vector.load %arg12[%get3A_59, %get3A_60] : memref<1x512xf32, #tpu.memory_space<vmem>>, vector<1x512xf32>
    %get3A_62 = arith.constant 0 : index
    %get3A_63 = arith.constant 0 : index
    %get3A_64 = vector.load %arg13[%get3A_62, %get3A_63] : memref<1x512xf32, #tpu.memory_space<vmem>>, vector<1x512xf32>
    %reduce_sum3A = arith.constant dense<0.000000e+00> : vector<512xf32>
    %reduce_sum3A_65 = vector.multi_reduction <add>, %add3A_58, %reduce_sum3A [1] : vector<512x512xf32> to vector<512xf32>
    %broadcast_in_dim3A = vector.shape_cast %reduce_sum3A_65 : vector<512xf32> to vector<512x1xf32>
    %div3A = arith.constant 5.120000e+02 : f32
    %div3A_66 = vector.broadcast %div3A : f32 to vector<512x1xf32>
    %div3A_67 = arith.divf %broadcast_in_dim3A, %div3A_66 : vector<512x1xf32>
    %sub3A = vector.broadcast %div3A_67 : vector<512x1xf32> to vector<512x512xf32>
    %sub3A_68 = arith.subf %add3A_58, %sub3A : vector<512x512xf32>
    %integer_pow3A = arith.mulf %sub3A_68, %sub3A_68 : vector<512x512xf32>
    %reduce_sum3A_69 = arith.constant dense<0.000000e+00> : vector<512xf32>
    %reduce_sum3A_70 = vector.multi_reduction <add>, %integer_pow3A, %reduce_sum3A_69 [1] : vector<512x512xf32> to vector<512xf32>
    %broadcast_in_dim3A_71 = vector.shape_cast %reduce_sum3A_70 : vector<512xf32> to vector<512x1xf32>
    %div3A_72 = arith.constant 5.120000e+02 : f32
    %div3A_73 = vector.broadcast %div3A_72 : f32 to vector<512x1xf32>
    %div3A_74 = arith.divf %broadcast_in_dim3A_71, %div3A_73 : vector<512x1xf32>
    %sub3A_75 = vector.broadcast %div3A_67 : vector<512x1xf32> to vector<512x512xf32>
    %sub3A_76 = arith.subf %add3A_58, %sub3A_75 : vector<512x512xf32>
    %add3A_77 = arith.constant 9.99999974E-6 : f32
    %add3A_78 = vector.broadcast %add3A_77 : f32 to vector<512x1xf32>
    %add3A_79 = arith.addf %div3A_74, %add3A_78 : vector<512x1xf32>
    %sqrt3A = math.sqrt %add3A_79 : vector<512x1xf32>
    %div3A_80 = vector.broadcast %sqrt3A : vector<512x1xf32> to vector<512x512xf32>
    %div3A_81 = arith.divf %sub3A_76, %div3A_80 : vector<512x512xf32>
    %mul3A = vector.broadcast %get3A_61 : vector<1x512xf32> to vector<512x512xf32>
    %mul3A_82 = arith.mulf %div3A_81, %mul3A : vector<512x512xf32>
    %add3A_83 = vector.broadcast %get3A_64 : vector<1x512xf32> to vector<512x512xf32>
    %add3A_84 = arith.addf %mul3A_82, %add3A_83 : vector<512x512xf32>
    %swap3A = arith.constant 0 : index
    %swap3A_85 = arith.constant 0 : index
    %swap3A_86 = vector.load %arg14[%swap3A, %swap3A_85] : memref<512x512xf32, #tpu.memory_space<vmem>>, vector<512x512xf32>
    tpu.vector_store %arg14[%swap3A, %swap3A_85], %add3A_84 {strides = array<i32>} : memref<512x512xf32, #tpu.memory_space<vmem>>, vector<512x512xf32>,
    return
  }
  func.func @transform_0(%arg0: i32) -> (i32, i32, i32, i32) {
    %jit3A = arith.constant 4 : i32
    %div3A = arith.divsi %arg0, %jit3A : i32
    %sign3A = arith.constant 0 : i32
    %sign3A_0 = arith.cmpi sgt, %arg0, %sign3A : i32
    %sign3A_1 = arith.extui %sign3A_0 : i1 to i32
    %sign3A_2 = arith.constant 0 : i32
    %sign3A_3 = arith.cmpi slt, %arg0, %sign3A_2 : i32
    %sign3A_4 = arith.extui %sign3A_3 : i1 to i32
    %sign3A_5 = arith.subi %sign3A_1, %sign3A_4 : i32
    %sign3A_6 = arith.constant 0 : i32
    %sign3A_7 = arith.cmpi sgt, %jit3A, %sign3A_6 : i32
    %sign3A_8 = arith.extui %sign3A_7 : i1 to i32
    %sign3A_9 = arith.constant 0 : i32
    %sign3A_10 = arith.cmpi slt, %jit3A, %sign3A_9 : i32
    %sign3A_11 = arith.extui %sign3A_10 : i1 to i32
    %sign3A_12 = arith.subi %sign3A_8, %sign3A_11 : i32
    %ne3A = arith.cmpi ne, %sign3A_5, %sign3A_12 : i32
    %rem3A = arith.remsi %arg0, %jit3A : i32
    %ne3A_13 = arith.constant 0 : i32
    %ne3A_14 = arith.cmpi ne, %rem3A, %ne3A_13 : i32
    %and3A = arith.andi %ne3A, %ne3A_14 : i1
    %sub3A = arith.constant 1 : i32
    %sub3A_15 = arith.subi %div3A, %sub3A : i32
    %select_n3A = arith.select %and3A, %sub3A_15, %div3A : i32
    %jit3A_16 = arith.constant 4 : i32
    %eq3A = arith.constant 0 : i32
    %eq3A_17 = arith.cmpi eq, %jit3A_16, %eq3A : i32
    %jit3A_18 = arith.constant 1 : i32
    %select_n3A_19 = arith.select %eq3A_17, %jit3A_18, %jit3A_16 : i32
    %rem3A_20 = arith.remsi %arg0, %select_n3A_19 : i32
    %ne3A_21 = arith.constant 0 : i32
    %ne3A_22 = arith.cmpi ne, %rem3A_20, %ne3A_21 : i32
    %lt3A = arith.constant 0 : i32
    %lt3A_23 = arith.cmpi slt, %rem3A_20, %lt3A : i32
    %lt3A_24 = arith.constant 0 : i32
    %lt3A_25 = arith.cmpi slt, %select_n3A_19, %lt3A_24 : i32
    %ne3A_26 = arith.xori %lt3A_23, %lt3A_25 : i1
    %and3A_27 = arith.andi %ne3A_26, %ne3A_22 : i1
    %add3A = arith.addi %rem3A_20, %select_n3A_19 : i32
    %select_n3A_28 = arith.select %and3A_27, %add3A, %rem3A_20 : i32
    %c0_i32 = arith.constant 0 : i32
    %c0_i32_29 = arith.constant 0 : i32
    %c0_i32_30 = arith.constant 0 : i32
    return %select_n3A, %c0_i32, %select_n3A_28, %c0_i32_29 : i32, i32, i32, i32
  }
  func.func @transform_1(%arg0: i32) -> (i32, i32, i32, i32) {
    %jit3A = arith.constant 4 : i32
    %div3A = arith.divsi %arg0, %jit3A : i32
    %sign3A = arith.constant 0 : i32
    %sign3A_0 = arith.cmpi sgt, %arg0, %sign3A : i32
    %sign3A_1 = arith.extui %sign3A_0 : i1 to i32
    %sign3A_2 = arith.constant 0 : i32
    %sign3A_3 = arith.cmpi slt, %arg0, %sign3A_2 : i32
    %sign3A_4 = arith.extui %sign3A_3 : i1 to i32
    %sign3A_5 = arith.subi %sign3A_1, %sign3A_4 : i32
    %sign3A_6 = arith.constant 0 : i32
    %sign3A_7 = arith.cmpi sgt, %jit3A, %sign3A_6 : i32
    %sign3A_8 = arith.extui %sign3A_7 : i1 to i32
    %sign3A_9 = arith.constant 0 : i32
    %sign3A_10 = arith.cmpi slt, %jit3A, %sign3A_9 : i32
    %sign3A_11 = arith.extui %sign3A_10 : i1 to i32
    %sign3A_12 = arith.subi %sign3A_8, %sign3A_11 : i32
    %ne3A = arith.cmpi ne, %sign3A_5, %sign3A_12 : i32
    %rem3A = arith.remsi %arg0, %jit3A : i32
    %ne3A_13 = arith.constant 0 : i32
    %ne3A_14 = arith.cmpi ne, %rem3A, %ne3A_13 : i32
    %and3A = arith.andi %ne3A, %ne3A_14 : i1
    %sub3A = arith.constant 1 : i32
    %sub3A_15 = arith.subi %div3A, %sub3A : i32
    %select_n3A = arith.select %and3A, %sub3A_15, %div3A : i32
    %jit3A_16 = arith.constant 4 : i32
    %eq3A = arith.constant 0 : i32
    %eq3A_17 = arith.cmpi eq, %jit3A_16, %eq3A : i32
    %jit3A_18 = arith.constant 1 : i32
    %select_n3A_19 = arith.select %eq3A_17, %jit3A_18, %jit3A_16 : i32
    %rem3A_20 = arith.remsi %arg0, %select_n3A_19 : i32
    %ne3A_21 = arith.constant 0 : i32
    %ne3A_22 = arith.cmpi ne, %rem3A_20, %ne3A_21 : i32
    %lt3A = arith.constant 0 : i32
    %lt3A_23 = arith.cmpi slt, %rem3A_20, %lt3A : i32
    %lt3A_24 = arith.constant 0 : i32
    %lt3A_25 = arith.cmpi slt, %select_n3A_19, %lt3A_24 : i32
    %ne3A_26 = arith.xori %lt3A_23, %lt3A_25 : i1
    %and3A_27 = arith.andi %ne3A_26, %ne3A_22 : i1
    %add3A = arith.addi %rem3A_20, %select_n3A_19 : i32
    %select_n3A_28 = arith.select %and3A_27, %add3A, %rem3A_20 : i32
    %c1_i32 = arith.constant 1 : i32
    %c0_i32 = arith.constant 0 : i32
    %c0_i32_29 = arith.constant 0 : i32
    return %select_n3A, %c1_i32, %select_n3A_28, %c0_i32 : i32, i32, i32, i32
  }
  func.func @transform_2(%arg0: i32) -> (i32, i32, i32, i32) {
    %jit3A = arith.constant 4 : i32
    %div3A = arith.divsi %arg0, %jit3A : i32
    %sign3A = arith.constant 0 : i32
    %sign3A_0 = arith.cmpi sgt, %arg0, %sign3A : i32
    %sign3A_1 = arith.extui %sign3A_0 : i1 to i32
    %sign3A_2 = arith.constant 0 : i32
    %sign3A_3 = arith.cmpi slt, %arg0, %sign3A_2 : i32
    %sign3A_4 = arith.extui %sign3A_3 : i1 to i32
    %sign3A_5 = arith.subi %sign3A_1, %sign3A_4 : i32
    %sign3A_6 = arith.constant 0 : i32
    %sign3A_7 = arith.cmpi sgt, %jit3A, %sign3A_6 : i32
    %sign3A_8 = arith.extui %sign3A_7 : i1 to i32
    %sign3A_9 = arith.constant 0 : i32
    %sign3A_10 = arith.cmpi slt, %jit3A, %sign3A_9 : i32
    %sign3A_11 = arith.extui %sign3A_10 : i1 to i32
    %sign3A_12 = arith.subi %sign3A_8, %sign3A_11 : i32
    %ne3A = arith.cmpi ne, %sign3A_5, %sign3A_12 : i32
    %rem3A = arith.remsi %arg0, %jit3A : i32
    %ne3A_13 = arith.constant 0 : i32
    %ne3A_14 = arith.cmpi ne, %rem3A, %ne3A_13 : i32
    %and3A = arith.andi %ne3A, %ne3A_14 : i1
    %sub3A = arith.constant 1 : i32
    %sub3A_15 = arith.subi %div3A, %sub3A : i32
    %select_n3A = arith.select %and3A, %sub3A_15, %div3A : i32
    %jit3A_16 = arith.constant 4 : i32
    %eq3A = arith.constant 0 : i32
    %eq3A_17 = arith.cmpi eq, %jit3A_16, %eq3A : i32
    %jit3A_18 = arith.constant 1 : i32
    %select_n3A_19 = arith.select %eq3A_17, %jit3A_18, %jit3A_16 : i32
    %rem3A_20 = arith.remsi %arg0, %select_n3A_19 : i32
    %ne3A_21 = arith.constant 0 : i32
    %ne3A_22 = arith.cmpi ne, %rem3A_20, %ne3A_21 : i32
    %lt3A = arith.constant 0 : i32
    %lt3A_23 = arith.cmpi slt, %rem3A_20, %lt3A : i32
    %lt3A_24 = arith.constant 0 : i32
    %lt3A_25 = arith.cmpi slt, %select_n3A_19, %lt3A_24 : i32
    %ne3A_26 = arith.xori %lt3A_23, %lt3A_25 : i1
    %and3A_27 = arith.andi %ne3A_26, %ne3A_22 : i1
    %add3A = arith.addi %rem3A_20, %select_n3A_19 : i32
    %select_n3A_28 = arith.select %and3A_27, %add3A, %rem3A_20 : i32
    %c2_i32 = arith.constant 2 : i32
    %c0_i32 = arith.constant 0 : i32
    %c0_i32_29 = arith.constant 0 : i32
    return %select_n3A, %c2_i32, %select_n3A_28, %c0_i32 : i32, i32, i32, i32
  }
  func.func @transform_3(%arg0: i32) -> (i32, i32, i32, i32) {
    %jit3A = arith.constant 4 : i32
    %div3A = arith.divsi %arg0, %jit3A : i32
    %sign3A = arith.constant 0 : i32
    %sign3A_0 = arith.cmpi sgt, %arg0, %sign3A : i32
    %sign3A_1 = arith.extui %sign3A_0 : i1 to i32
    %sign3A_2 = arith.constant 0 : i32
    %sign3A_3 = arith.cmpi slt, %arg0, %sign3A_2 : i32
    %sign3A_4 = arith.extui %sign3A_3 : i1 to i32
    %sign3A_5 = arith.subi %sign3A_1, %sign3A_4 : i32
    %sign3A_6 = arith.constant 0 : i32
    %sign3A_7 = arith.cmpi sgt, %jit3A, %sign3A_6 : i32
    %sign3A_8 = arith.extui %sign3A_7 : i1 to i32
    %sign3A_9 = arith.constant 0 : i32
    %sign3A_10 = arith.cmpi slt, %jit3A, %sign3A_9 : i32
    %sign3A_11 = arith.extui %sign3A_10 : i1 to i32
    %sign3A_12 = arith.subi %sign3A_8, %sign3A_11 : i32
    %ne3A = arith.cmpi ne, %sign3A_5, %sign3A_12 : i32
    %rem3A = arith.remsi %arg0, %jit3A : i32
    %ne3A_13 = arith.constant 0 : i32
    %ne3A_14 = arith.cmpi ne, %rem3A, %ne3A_13 : i32
    %and3A = arith.andi %ne3A, %ne3A_14 : i1
    %sub3A = arith.constant 1 : i32
    %sub3A_15 = arith.subi %div3A, %sub3A : i32
    %select_n3A = arith.select %and3A, %sub3A_15, %div3A : i32
    %jit3A_16 = arith.constant 4 : i32
    %eq3A = arith.constant 0 : i32
    %eq3A_17 = arith.cmpi eq, %jit3A_16, %eq3A : i32
    %jit3A_18 = arith.constant 1 : i32
    %select_n3A_19 = arith.select %eq3A_17, %jit3A_18, %jit3A_16 : i32
    %rem3A_20 = arith.remsi %arg0, %select_n3A_19 : i32
    %ne3A_21 = arith.constant 0 : i32
    %ne3A_22 = arith.cmpi ne, %rem3A_20, %ne3A_21 : i32
    %lt3A = arith.constant 0 : i32
    %lt3A_23 = arith.cmpi slt, %rem3A_20, %lt3A : i32
    %lt3A_24 = arith.constant 0 : i32
    %lt3A_25 = arith.cmpi slt, %select_n3A_19, %lt3A_24 : i32
    %ne3A_26 = arith.xori %lt3A_23, %lt3A_25 : i1
    %and3A_27 = arith.andi %ne3A_26, %ne3A_22 : i1
    %add3A = arith.addi %rem3A_20, %select_n3A_19 : i32
    %select_n3A_28 = arith.select %and3A_27, %add3A, %rem3A_20 : i32
    %c3_i32 = arith.constant 3 : i32
    %c0_i32 = arith.constant 0 : i32
    %c0_i32_29 = arith.constant 0 : i32
    return %select_n3A, %c3_i32, %select_n3A_28, %c0_i32 : i32, i32, i32, i32
  }
  func.func @transform_4(%arg0: i32) -> (i32, i32, i32, i32) {
    %jit3A = arith.constant 4 : i32
    %div3A = arith.divsi %arg0, %jit3A : i32
    %sign3A = arith.constant 0 : i32
    %sign3A_0 = arith.cmpi sgt, %arg0, %sign3A : i32
    %sign3A_1 = arith.extui %sign3A_0 : i1 to i32
    %sign3A_2 = arith.constant 0 : i32
    %sign3A_3 = arith.cmpi slt, %arg0, %sign3A_2 : i32
    %sign3A_4 = arith.extui %sign3A_3 : i1 to i32
    %sign3A_5 = arith.subi %sign3A_1, %sign3A_4 : i32
    %sign3A_6 = arith.constant 0 : i32
    %sign3A_7 = arith.cmpi sgt, %jit3A, %sign3A_6 : i32
    %sign3A_8 = arith.extui %sign3A_7 : i1 to i32
    %sign3A_9 = arith.constant 0 : i32
    %sign3A_10 = arith.cmpi slt, %jit3A, %sign3A_9 : i32
    %sign3A_11 = arith.extui %sign3A_10 : i1 to i32
    %sign3A_12 = arith.subi %sign3A_8, %sign3A_11 : i32
    %ne3A = arith.cmpi ne, %sign3A_5, %sign3A_12 : i32
    %rem3A = arith.remsi %arg0, %jit3A : i32
    %ne3A_13 = arith.constant 0 : i32
    %ne3A_14 = arith.cmpi ne, %rem3A, %ne3A_13 : i32
    %and3A = arith.andi %ne3A, %ne3A_14 : i1
    %sub3A = arith.constant 1 : i32
    %sub3A_15 = arith.subi %div3A, %sub3A : i32
    %select_n3A = arith.select %and3A, %sub3A_15, %div3A : i32
    %jit3A_16 = arith.constant 4 : i32
    %eq3A = arith.constant 0 : i32
    %eq3A_17 = arith.cmpi eq, %jit3A_16, %eq3A : i32
    %jit3A_18 = arith.constant 1 : i32
    %select_n3A_19 = arith.select %eq3A_17, %jit3A_18, %jit3A_16 : i32
    %rem3A_20 = arith.remsi %arg0, %select_n3A_19 : i32
    %ne3A_21 = arith.constant 0 : i32
    %ne3A_22 = arith.cmpi ne, %rem3A_20, %ne3A_21 : i32
    %lt3A = arith.constant 0 : i32
    %lt3A_23 = arith.cmpi slt, %rem3A_20, %lt3A : i32
    %lt3A_24 = arith.constant 0 : i32
    %lt3A_25 = arith.cmpi slt, %select_n3A_19, %lt3A_24 : i32
    %ne3A_26 = arith.xori %lt3A_23, %lt3A_25 : i1
    %and3A_27 = arith.andi %ne3A_26, %ne3A_22 : i1
    %add3A = arith.addi %rem3A_20, %select_n3A_19 : i32
    %select_n3A_28 = arith.select %and3A_27, %add3A, %rem3A_20 : i32
    %c0_i32 = arith.constant 0 : i32
    %c0_i32_29 = arith.constant 0 : i32
    %c0_i32_30 = arith.constant 0 : i32
    return %select_n3A, %c0_i32, %select_n3A_28, %c0_i32_29 : i32, i32, i32, i32
  }
  func.func @transform_5(%arg0: i32) -> (i32, i32, i32, i32) {
    %jit3A = arith.constant 4 : i32
    %div3A = arith.divsi %arg0, %jit3A : i32
    %sign3A = arith.constant 0 : i32
    %sign3A_0 = arith.cmpi sgt, %arg0, %sign3A : i32
    %sign3A_1 = arith.extui %sign3A_0 : i1 to i32
    %sign3A_2 = arith.constant 0 : i32
    %sign3A_3 = arith.cmpi slt, %arg0, %sign3A_2 : i32
    %sign3A_4 = arith.extui %sign3A_3 : i1 to i32
    %sign3A_5 = arith.subi %sign3A_1, %sign3A_4 : i32
    %sign3A_6 = arith.constant 0 : i32
    %sign3A_7 = arith.cmpi sgt, %jit3A, %sign3A_6 : i32
    %sign3A_8 = arith.extui %sign3A_7 : i1 to i32
    %sign3A_9 = arith.constant 0 : i32
    %sign3A_10 = arith.cmpi slt, %jit3A, %sign3A_9 : i32
    %sign3A_11 = arith.extui %sign3A_10 : i1 to i32
    %sign3A_12 = arith.subi %sign3A_8, %sign3A_11 : i32
    %ne3A = arith.cmpi ne, %sign3A_5, %sign3A_12 : i32
    %rem3A = arith.remsi %arg0, %jit3A : i32
    %ne3A_13 = arith.constant 0 : i32
    %ne3A_14 = arith.cmpi ne, %rem3A, %ne3A_13 : i32
    %and3A = arith.andi %ne3A, %ne3A_14 : i1
    %sub3A = arith.constant 1 : i32
    %sub3A_15 = arith.subi %div3A, %sub3A : i32
    %select_n3A = arith.select %and3A, %sub3A_15, %div3A : i32
    %jit3A_16 = arith.constant 4 : i32
    %eq3A = arith.constant 0 : i32
    %eq3A_17 = arith.cmpi eq, %jit3A_16, %eq3A : i32
    %jit3A_18 = arith.constant 1 : i32
    %select_n3A_19 = arith.select %eq3A_17, %jit3A_18, %jit3A_16 : i32
    %rem3A_20 = arith.remsi %arg0, %select_n3A_19 : i32
    %ne3A_21 = arith.constant 0 : i32
    %ne3A_22 = arith.cmpi ne, %rem3A_20, %ne3A_21 : i32
    %lt3A = arith.constant 0 : i32
    %lt3A_23 = arith.cmpi slt, %rem3A_20, %lt3A : i32
    %lt3A_24 = arith.constant 0 : i32
    %lt3A_25 = arith.cmpi slt, %select_n3A_19, %lt3A_24 : i32
    %ne3A_26 = arith.xori %lt3A_23, %lt3A_25 : i1
    %and3A_27 = arith.andi %ne3A_26, %ne3A_22 : i1
    %add3A = arith.addi %rem3A_20, %select_n3A_19 : i32
    %select_n3A_28 = arith.select %and3A_27, %add3A, %rem3A_20 : i32
    %c1_i32 = arith.constant 1 : i32
    %c0_i32 = arith.constant 0 : i32
    %c0_i32_29 = arith.constant 0 : i32
    return %select_n3A, %c1_i32, %select_n3A_28, %c0_i32 : i32, i32, i32, i32
  }
  func.func @transform_6(%arg0: i32) -> (i32, i32, i32, i32) {
    %jit3A = arith.constant 4 : i32
    %div3A = arith.divsi %arg0, %jit3A : i32
    %sign3A = arith.constant 0 : i32
    %sign3A_0 = arith.cmpi sgt, %arg0, %sign3A : i32
    %sign3A_1 = arith.extui %sign3A_0 : i1 to i32
    %sign3A_2 = arith.constant 0 : i32
    %sign3A_3 = arith.cmpi slt, %arg0, %sign3A_2 : i32
    %sign3A_4 = arith.extui %sign3A_3 : i1 to i32
    %sign3A_5 = arith.subi %sign3A_1, %sign3A_4 : i32
    %sign3A_6 = arith.constant 0 : i32
    %sign3A_7 = arith.cmpi sgt, %jit3A, %sign3A_6 : i32
    %sign3A_8 = arith.extui %sign3A_7 : i1 to i32
    %sign3A_9 = arith.constant 0 : i32
    %sign3A_10 = arith.cmpi slt, %jit3A, %sign3A_9 : i32
    %sign3A_11 = arith.extui %sign3A_10 : i1 to i32
    %sign3A_12 = arith.subi %sign3A_8, %sign3A_11 : i32
    %ne3A = arith.cmpi ne, %sign3A_5, %sign3A_12 : i32
    %rem3A = arith.remsi %arg0, %jit3A : i32
    %ne3A_13 = arith.constant 0 : i32
    %ne3A_14 = arith.cmpi ne, %rem3A, %ne3A_13 : i32
    %and3A = arith.andi %ne3A, %ne3A_14 : i1
    %sub3A = arith.constant 1 : i32
    %sub3A_15 = arith.subi %div3A, %sub3A : i32
    %select_n3A = arith.select %and3A, %sub3A_15, %div3A : i32
    %jit3A_16 = arith.constant 4 : i32
    %eq3A = arith.constant 0 : i32
    %eq3A_17 = arith.cmpi eq, %jit3A_16, %eq3A : i32
    %jit3A_18 = arith.constant 1 : i32
    %select_n3A_19 = arith.select %eq3A_17, %jit3A_18, %jit3A_16 : i32
    %rem3A_20 = arith.remsi %arg0, %select_n3A_19 : i32
    %ne3A_21 = arith.constant 0 : i32
    %ne3A_22 = arith.cmpi ne, %rem3A_20, %ne3A_21 : i32
    %lt3A = arith.constant 0 : i32
    %lt3A_23 = arith.cmpi slt, %rem3A_20, %lt3A : i32
    %lt3A_24 = arith.constant 0 : i32
    %lt3A_25 = arith.cmpi slt, %select_n3A_19, %lt3A_24 : i32
    %ne3A_26 = arith.xori %lt3A_23, %lt3A_25 : i1
    %and3A_27 = arith.andi %ne3A_26, %ne3A_22 : i1
    %add3A = arith.addi %rem3A_20, %select_n3A_19 : i32
    %select_n3A_28 = arith.select %and3A_27, %add3A, %rem3A_20 : i32
    %c2_i32 = arith.constant 2 : i32
    %c0_i32 = arith.constant 0 : i32
    %c0_i32_29 = arith.constant 0 : i32
    return %select_n3A, %c2_i32, %select_n3A_28, %c0_i32 : i32, i32, i32, i32
  }
  func.func @transform_7(%arg0: i32) -> (i32, i32, i32, i32) {
    %jit3A = arith.constant 4 : i32
    %div3A = arith.divsi %arg0, %jit3A : i32
    %sign3A = arith.constant 0 : i32
    %sign3A_0 = arith.cmpi sgt, %arg0, %sign3A : i32
    %sign3A_1 = arith.extui %sign3A_0 : i1 to i32
    %sign3A_2 = arith.constant 0 : i32
    %sign3A_3 = arith.cmpi slt, %arg0, %sign3A_2 : i32
    %sign3A_4 = arith.extui %sign3A_3 : i1 to i32
    %sign3A_5 = arith.subi %sign3A_1, %sign3A_4 : i32
    %sign3A_6 = arith.constant 0 : i32
    %sign3A_7 = arith.cmpi sgt, %jit3A, %sign3A_6 : i32
    %sign3A_8 = arith.extui %sign3A_7 : i1 to i32
    %sign3A_9 = arith.constant 0 : i32
    %sign3A_10 = arith.cmpi slt, %jit3A, %sign3A_9 : i32
    %sign3A_11 = arith.extui %sign3A_10 : i1 to i32
    %sign3A_12 = arith.subi %sign3A_8, %sign3A_11 : i32
    %ne3A = arith.cmpi ne, %sign3A_5, %sign3A_12 : i32
    %rem3A = arith.remsi %arg0, %jit3A : i32
    %ne3A_13 = arith.constant 0 : i32
    %ne3A_14 = arith.cmpi ne, %rem3A, %ne3A_13 : i32
    %and3A = arith.andi %ne3A, %ne3A_14 : i1
    %sub3A = arith.constant 1 : i32
    %sub3A_15 = arith.subi %div3A, %sub3A : i32
    %select_n3A = arith.select %and3A, %sub3A_15, %div3A : i32
    %jit3A_16 = arith.constant 4 : i32
    %eq3A = arith.constant 0 : i32
    %eq3A_17 = arith.cmpi eq, %jit3A_16, %eq3A : i32
    %jit3A_18 = arith.constant 1 : i32
    %select_n3A_19 = arith.select %eq3A_17, %jit3A_18, %jit3A_16 : i32
    %rem3A_20 = arith.remsi %arg0, %select_n3A_19 : i32
    %ne3A_21 = arith.constant 0 : i32
    %ne3A_22 = arith.cmpi ne, %rem3A_20, %ne3A_21 : i32
    %lt3A = arith.constant 0 : i32
    %lt3A_23 = arith.cmpi slt, %rem3A_20, %lt3A : i32
    %lt3A_24 = arith.constant 0 : i32
    %lt3A_25 = arith.cmpi slt, %select_n3A_19, %lt3A_24 : i32
    %ne3A_26 = arith.xori %lt3A_23, %lt3A_25 : i1
    %and3A_27 = arith.andi %ne3A_26, %ne3A_22 : i1
    %add3A = arith.addi %rem3A_20, %select_n3A_19 : i32
    %select_n3A_28 = arith.select %and3A_27, %add3A, %rem3A_20 : i32
    %c3_i32 = arith.constant 3 : i32
    %c0_i32 = arith.constant 0 : i32
    %c0_i32_29 = arith.constant 0 : i32
    return %select_n3A, %c3_i32, %select_n3A_28, %c0_i32 : i32, i32, i32, i32
  }
  func.func @transform_8(%arg0: i32) -> (i32, i32) {
    %c0_i32 = arith.constant 0 : i32
    %c0_i32_0 = arith.constant 0 : i32
    return %arg0, %c0_i32 : i32, i32
  }
  func.func @transform_9(%arg0: i32) -> (i32, i32) {
    %c0_i32 = arith.constant 0 : i32
    %c0_i32_0 = arith.constant 0 : i32
    %c0_i32_1 = arith.constant 0 : i32
    return %c0_i32, %c0_i32_0 : i32, i32
  }
  func.func @transform_10(%arg0: i32) -> (i32, i32) {
    %c0_i32 = arith.constant 0 : i32
    %c0_i32_0 = arith.constant 0 : i32
    %c0_i32_1 = arith.constant 0 : i32
    return %c0_i32, %c0_i32_0 : i32, i32
  }
  func.func @transform_11(%arg0: i32) -> (i32, i32) {
    %c0_i32 = arith.constant 0 : i32
    %c0_i32_0 = arith.constant 0 : i32
    %c0_i32_1 = arith.constant 0 : i32
    return %c0_i32, %c0_i32_0 : i32, i32
  }
  func.func @transform_12(%arg0: i32) -> (i32, i32) {
    %c0_i32 = arith.constant 0 : i32
    %c0_i32_0 = arith.constant 0 : i32
    %c0_i32_1 = arith.constant 0 : i32
    return %c0_i32, %c0_i32_0 : i32, i32
  }
  func.func @transform_13(%arg0: i32) -> (i32, i32) {
    %c0_i32 = arith.constant 0 : i32
    %c0_i32_0 = arith.constant 0 : i32
    return %arg0, %c0_i32 : i32, i32
  }
}

module attributes {stable_mosaic.version = 14 : i64} {
  func.func @_ffn_body(%arg0: i32, %arg1: memref<512x512xf32, #tpu.memory_space<vmem>>, %arg2: memref<512x2048xf32, #tpu.memory_space<vmem>>, %arg3: memref<1x2048xf32, #tpu.memory_space<vmem>>, %arg4: memref<2048x512xf32, #tpu.memory_space<vmem>>, %arg5: memref<1x512xf32, #tpu.memory_space<vmem>>, %arg6: memref<1x512xf32, #tpu.memory_space<vmem>>, %arg7: memref<1x512xf32, #tpu.memory_space<vmem>>, %arg8: memref<512x512xf32, #tpu.memory_space<vmem>>) attributes {dimension_semantics = [#tpu.dimension_semantics<arbitrary>], iteration_bounds = array<i64: 16>, scalar_prefetch = 0 : i64, scratch_operands = 0 : i64, tpu.core_type = #tpu.core_type<tc>, window_params = [{transform_indices = @transform_0, window_bounds = array<i64: 512, 512>}, {pipeline_mode = #tpu.pipeline_mode<synchronous>, transform_indices = @transform_1, window_bounds = array<i64: 512, 2048>}, {pipeline_mode = #tpu.pipeline_mode<synchronous>, transform_indices = @transform_2, window_bounds = array<i64: 1, 2048>}, {pipeline_mode = #tpu.pipeline_mode<synchronous>, transform_indices = @transform_3, window_bounds = array<i64: 2048, 512>}, {pipeline_mode = #tpu.pipeline_mode<synchronous>, transform_indices = @transform_4, window_bounds = array<i64: 1, 512>}, {pipeline_mode = #tpu.pipeline_mode<synchronous>, transform_indices = @transform_5, window_bounds = array<i64: 1, 512>}, {pipeline_mode = #tpu.pipeline_mode<synchronous>, transform_indices = @transform_6, window_bounds = array<i64: 1, 512>}, {transform_indices = @transform_7, window_bounds = array<i64: 512, 512>}]} {
    %get3A = arith.constant 0 : index
    %get3A_0 = arith.constant 0 : index
    %get3A_1 = vector.load %arg1[%get3A, %get3A_0] : memref<512x512xf32, #tpu.memory_space<vmem>>, vector<512x512xf32>
    %get3A_2 = arith.constant 0 : index
    %get3A_3 = arith.constant 0 : index
    %get3A_4 = vector.load %arg2[%get3A_2, %get3A_3] : memref<512x2048xf32, #tpu.memory_space<vmem>>, vector<512x2048xf32>
    %dot_general3A = arith.constant dense<0.000000e+00> : vector<512x2048xf32>
    %dot_general3A_5 = tpu.matmul %get3A_1, %get3A_4, %dot_general3A {dimension_numbers = #tpu.dot_dimension_numbers<[1], [0], [0], [1], [0, 0, 1, 1], [], []>, transpose_lhs_hint = false} : vector<512x512xf32>, vector<512x2048xf32>, vector<512x2048xf32> -> vector<512x2048xf32>
    %get3A_6 = arith.constant 0 : index
    %get3A_7 = arith.constant 0 : index
    %get3A_8 = vector.load %arg3[%get3A_6, %get3A_7] : memref<1x2048xf32, #tpu.memory_space<vmem>>, vector<1x2048xf32>
    %add3A = vector.broadcast %get3A_8 : vector<1x2048xf32> to vector<512x2048xf32>
    %add3A_9 = arith.addf %dot_general3A_5, %add3A : vector<512x2048xf32>
    %mul3A = arith.constant 5.000000e-01 : f32
    %mul3A_10 = vector.broadcast %mul3A : f32 to vector<512x2048xf32>
    %mul3A_11 = arith.mulf %mul3A_10, %add3A_9 : vector<512x2048xf32>
    %mul3A_12 = arith.constant 0.707106769 : f32
    %mul3A_13 = vector.broadcast %mul3A_12 : f32 to vector<512x2048xf32>
    %mul3A_14 = arith.mulf %add3A_9, %mul3A_13 : vector<512x2048xf32>
    %erf3A = math.erf %mul3A_14 : vector<512x2048xf32>
    %add3A_15 = arith.constant 1.000000e+00 : f32
    %add3A_16 = vector.broadcast %add3A_15 : f32 to vector<512x2048xf32>
    %add3A_17 = arith.addf %add3A_16, %erf3A : vector<512x2048xf32>
    %mul3A_18 = arith.mulf %mul3A_11, %add3A_17 : vector<512x2048xf32>
    %get3A_19 = arith.constant 0 : index
    %get3A_20 = arith.constant 0 : index
    %get3A_21 = vector.load %arg4[%get3A_19, %get3A_20] : memref<2048x512xf32, #tpu.memory_space<vmem>>, vector<2048x512xf32>
    %dot_general3A_22 = arith.constant dense<0.000000e+00> : vector<512x512xf32>
    %dot_general3A_23 = tpu.matmul %mul3A_18, %get3A_21, %dot_general3A_22 {dimension_numbers = #tpu.dot_dimension_numbers<[1], [0], [0], [1], [0, 0, 1, 1], [], []>, transpose_lhs_hint = false} : vector<512x2048xf32>, vector<2048x512xf32>, vector<512x512xf32> -> vector<512x512xf32>
    %get3A_24 = arith.constant 0 : index
    %get3A_25 = arith.constant 0 : index
    %get3A_26 = vector.load %arg5[%get3A_24, %get3A_25] : memref<1x512xf32, #tpu.memory_space<vmem>>, vector<1x512xf32>
    %add3A_27 = vector.broadcast %get3A_26 : vector<1x512xf32> to vector<512x512xf32>
    %add3A_28 = arith.addf %dot_general3A_23, %add3A_27 : vector<512x512xf32>
    %add3A_29 = arith.addf %add3A_28, %get3A_1 : vector<512x512xf32>
    %get3A_30 = arith.constant 0 : index
    %get3A_31 = arith.constant 0 : index
    %get3A_32 = vector.load %arg6[%get3A_30, %get3A_31] : memref<1x512xf32, #tpu.memory_space<vmem>>, vector<1x512xf32>
    %get3A_33 = arith.constant 0 : index
    %get3A_34 = arith.constant 0 : index
    %get3A_35 = vector.load %arg7[%get3A_33, %get3A_34] : memref<1x512xf32, #tpu.memory_space<vmem>>, vector<1x512xf32>
    %reduce_sum3A = arith.constant dense<0.000000e+00> : vector<512xf32>
    %reduce_sum3A_36 = vector.multi_reduction <add>, %add3A_29, %reduce_sum3A [1] : vector<512x512xf32> to vector<512xf32>
    %broadcast_in_dim3A = vector.shape_cast %reduce_sum3A_36 : vector<512xf32> to vector<512x1xf32>
    %div3A = arith.constant 5.120000e+02 : f32
    %div3A_37 = vector.broadcast %div3A : f32 to vector<512x1xf32>
    %div3A_38 = arith.divf %broadcast_in_dim3A, %div3A_37 : vector<512x1xf32>
    %sub3A = vector.broadcast %div3A_38 : vector<512x1xf32> to vector<512x512xf32>
    %sub3A_39 = arith.subf %add3A_29, %sub3A : vector<512x512xf32>
    %integer_pow3A = arith.mulf %sub3A_39, %sub3A_39 : vector<512x512xf32>
    %reduce_sum3A_40 = arith.constant dense<0.000000e+00> : vector<512xf32>
    %reduce_sum3A_41 = vector.multi_reduction <add>, %integer_pow3A, %reduce_sum3A_40 [1] : vector<512x512xf32> to vector<512xf32>
    %broadcast_in_dim3A_42 = vector.shape_cast %reduce_sum3A_41 : vector<512xf32> to vector<512x1xf32>
    %div3A_43 = arith.constant 5.120000e+02 : f32
    %div3A_44 = vector.broadcast %div3A_43 : f32 to vector<512x1xf32>
    %div3A_45 = arith.divf %broadcast_in_dim3A_42, %div3A_44 : vector<512x1xf32>
    %sub3A_46 = vector.broadcast %div3A_38 : vector<512x1xf32> to vector<512x512xf32>
    %sub3A_47 = arith.subf %add3A_29, %sub3A_46 : vector<512x512xf32>
    %add3A_48 = arith.constant 9.99999974E-6 : f32
    %add3A_49 = vector.broadcast %add3A_48 : f32 to vector<512x1xf32>
    %add3A_50 = arith.addf %div3A_45, %add3A_49 : vector<512x1xf32>
    %sqrt3A = math.sqrt %add3A_50 : vector<512x1xf32>
    %div3A_51 = vector.broadcast %sqrt3A : vector<512x1xf32> to vector<512x512xf32>
    %div3A_52 = arith.divf %sub3A_47, %div3A_51 : vector<512x512xf32>
    %mul3A_53 = vector.broadcast %get3A_32 : vector<1x512xf32> to vector<512x512xf32>
    %mul3A_54 = arith.mulf %div3A_52, %mul3A_53 : vector<512x512xf32>
    %add3A_55 = vector.broadcast %get3A_35 : vector<1x512xf32> to vector<512x512xf32>
    %add3A_56 = arith.addf %mul3A_54, %add3A_55 : vector<512x512xf32>
    %swap3A = arith.constant 0 : index
    %swap3A_57 = arith.constant 0 : index
    %swap3A_58 = vector.load %arg8[%swap3A, %swap3A_57] : memref<512x512xf32, #tpu.memory_space<vmem>>, vector<512x512xf32>
    tpu.vector_store %arg8[%swap3A, %swap3A_57], %add3A_56 {strides = array<i32>} : memref<512x512xf32, #tpu.memory_space<vmem>>, vector<512x512xf32>,
    return
  }
  func.func @transform_0(%arg0: i32) -> (i32, i32) {
    %c0_i32 = arith.constant 0 : i32
    %c0_i32_0 = arith.constant 0 : i32
    return %arg0, %c0_i32 : i32, i32
  }
  func.func @transform_1(%arg0: i32) -> (i32, i32) {
    %c0_i32 = arith.constant 0 : i32
    %c0_i32_0 = arith.constant 0 : i32
    %c0_i32_1 = arith.constant 0 : i32
    return %c0_i32, %c0_i32_0 : i32, i32
  }
  func.func @transform_2(%arg0: i32) -> (i32, i32) {
    %c0_i32 = arith.constant 0 : i32
    %c0_i32_0 = arith.constant 0 : i32
    %c0_i32_1 = arith.constant 0 : i32
    return %c0_i32, %c0_i32_0 : i32, i32
  }
  func.func @transform_3(%arg0: i32) -> (i32, i32) {
    %c0_i32 = arith.constant 0 : i32
    %c0_i32_0 = arith.constant 0 : i32
    %c0_i32_1 = arith.constant 0 : i32
    return %c0_i32, %c0_i32_0 : i32, i32
  }
  func.func @transform_4(%arg0: i32) -> (i32, i32) {
    %c0_i32 = arith.constant 0 : i32
    %c0_i32_0 = arith.constant 0 : i32
    %c0_i32_1 = arith.constant 0 : i32
    return %c0_i32, %c0_i32_0 : i32, i32
  }
  func.func @transform_5(%arg0: i32) -> (i32, i32) {
    %c0_i32 = arith.constant 0 : i32
    %c0_i32_0 = arith.constant 0 : i32
    %c0_i32_1 = arith.constant 0 : i32
    return %c0_i32, %c0_i32_0 : i32, i32
  }
  func.func @transform_6(%arg0: i32) -> (i32, i32) {
    %c0_i32 = arith.constant 0 : i32
    %c0_i32_0 = arith.constant 0 : i32
    %c0_i32_1 = arith.constant 0 : i32
    return %c0_i32, %c0_i32_0 : i32, i32
  }
  func.func @transform_7(%arg0: i32) -> (i32, i32) {
    %c0_i32 = arith.constant 0 : i32
    %c0_i32_0 = arith.constant 0 : i32
    return %arg0, %c0_i32 : i32, i32
  }
}

module attributes {stable_mosaic.version = 14 : i64} {
  func.func @_heads_body(%arg0: i32, %arg1: memref<512x512xf32, #tpu.memory_space<vmem>>, %arg2: memref<512x512xf32, #tpu.memory_space<vmem>>, %arg3: memref<1x512xf32, #tpu.memory_space<vmem>>, %arg4: memref<512x400xf32, #tpu.memory_space<vmem>>, %arg5: memref<1x400xf32, #tpu.memory_space<vmem>>, %arg6: memref<512x512xf32, #tpu.memory_space<vmem>>, %arg7: memref<1x512xf32, #tpu.memory_space<vmem>>, %arg8: memref<512x100xf32, #tpu.memory_space<vmem>>, %arg9: memref<1x100xf32, #tpu.memory_space<vmem>>, %arg10: memref<512x400xf32, #tpu.memory_space<vmem>>, %arg11: memref<512x100xf32, #tpu.memory_space<vmem>>) attributes {dimension_semantics = [#tpu.dimension_semantics<arbitrary>], iteration_bounds = array<i64: 16>, scalar_prefetch = 0 : i64, scratch_operands = 0 : i64, tpu.core_type = #tpu.core_type<tc>, window_params = [{transform_indices = @transform_0, window_bounds = array<i64: 512, 512>}, {pipeline_mode = #tpu.pipeline_mode<synchronous>, transform_indices = @transform_1, window_bounds = array<i64: 512, 512>}, {pipeline_mode = #tpu.pipeline_mode<synchronous>, transform_indices = @transform_2, window_bounds = array<i64: 1, 512>}, {pipeline_mode = #tpu.pipeline_mode<synchronous>, transform_indices = @transform_3, window_bounds = array<i64: 512, 400>}, {pipeline_mode = #tpu.pipeline_mode<synchronous>, transform_indices = @transform_4, window_bounds = array<i64: 1, 400>}, {pipeline_mode = #tpu.pipeline_mode<synchronous>, transform_indices = @transform_5, window_bounds = array<i64: 512, 512>}, {pipeline_mode = #tpu.pipeline_mode<synchronous>, transform_indices = @transform_6, window_bounds = array<i64: 1, 512>}, {pipeline_mode = #tpu.pipeline_mode<synchronous>, transform_indices = @transform_7, window_bounds = array<i64: 512, 100>}, {pipeline_mode = #tpu.pipeline_mode<synchronous>, transform_indices = @transform_8, window_bounds = array<i64: 1, 100>}, {transform_indices = @transform_9, window_bounds = array<i64: 512, 400>}, {transform_indices = @transform_10, window_bounds = array<i64: 512, 100>}]} {
    %get3A = arith.constant 0 : index
    %get3A_0 = arith.constant 0 : index
    %get3A_1 = vector.load %arg1[%get3A, %get3A_0] : memref<512x512xf32, #tpu.memory_space<vmem>>, vector<512x512xf32>
    %get3A_2 = arith.constant 0 : index
    %get3A_3 = arith.constant 0 : index
    %get3A_4 = vector.load %arg2[%get3A_2, %get3A_3] : memref<512x512xf32, #tpu.memory_space<vmem>>, vector<512x512xf32>
    %dot_general3A = arith.constant dense<0.000000e+00> : vector<512x512xf32>
    %dot_general3A_5 = tpu.matmul %get3A_1, %get3A_4, %dot_general3A {dimension_numbers = #tpu.dot_dimension_numbers<[1], [0], [0], [1], [0, 0, 1, 1], [], []>, transpose_lhs_hint = false} : vector<512x512xf32>, vector<512x512xf32>, vector<512x512xf32> -> vector<512x512xf32>
    %get3A_6 = arith.constant 0 : index
    %get3A_7 = arith.constant 0 : index
    %get3A_8 = vector.load %arg3[%get3A_6, %get3A_7] : memref<1x512xf32, #tpu.memory_space<vmem>>, vector<1x512xf32>
    %add3A = vector.broadcast %get3A_8 : vector<1x512xf32> to vector<512x512xf32>
    %add3A_9 = arith.addf %dot_general3A_5, %add3A : vector<512x512xf32>
    %mul3A = arith.constant 5.000000e-01 : f32
    %mul3A_10 = vector.broadcast %mul3A : f32 to vector<512x512xf32>
    %mul3A_11 = arith.mulf %mul3A_10, %add3A_9 : vector<512x512xf32>
    %mul3A_12 = arith.constant 0.707106769 : f32
    %mul3A_13 = vector.broadcast %mul3A_12 : f32 to vector<512x512xf32>
    %mul3A_14 = arith.mulf %add3A_9, %mul3A_13 : vector<512x512xf32>
    %erf3A = math.erf %mul3A_14 : vector<512x512xf32>
    %add3A_15 = arith.constant 1.000000e+00 : f32
    %add3A_16 = vector.broadcast %add3A_15 : f32 to vector<512x512xf32>
    %add3A_17 = arith.addf %add3A_16, %erf3A : vector<512x512xf32>
    %mul3A_18 = arith.mulf %mul3A_11, %add3A_17 : vector<512x512xf32>
    %get3A_19 = arith.constant 0 : index
    %get3A_20 = arith.constant 0 : index
    %get3A_21 = vector.load %arg4[%get3A_19, %get3A_20] : memref<512x400xf32, #tpu.memory_space<vmem>>, vector<512x400xf32>
    %dot_general3A_22 = arith.constant dense<0.000000e+00> : vector<512x400xf32>
    %dot_general3A_23 = tpu.matmul %mul3A_18, %get3A_21, %dot_general3A_22 {dimension_numbers = #tpu.dot_dimension_numbers<[1], [0], [0], [1], [0, 0, 1, 1], [], []>, transpose_lhs_hint = false} : vector<512x512xf32>, vector<512x400xf32>, vector<512x400xf32> -> vector<512x400xf32>
    %get3A_24 = arith.constant 0 : index
    %get3A_25 = arith.constant 0 : index
    %get3A_26 = vector.load %arg5[%get3A_24, %get3A_25] : memref<1x400xf32, #tpu.memory_space<vmem>>, vector<1x400xf32>
    %add3A_27 = vector.broadcast %get3A_26 : vector<1x400xf32> to vector<512x400xf32>
    %add3A_28 = arith.addf %dot_general3A_23, %add3A_27 : vector<512x400xf32>
    %swap3A = arith.constant 0 : index
    %swap3A_29 = arith.constant 0 : index
    %swap3A_30 = vector.load %arg10[%swap3A, %swap3A_29] : memref<512x400xf32, #tpu.memory_space<vmem>>, vector<512x400xf32>
    tpu.vector_store %arg10[%swap3A, %swap3A_29], %add3A_28 {strides = array<i32>} : memref<512x400xf32, #tpu.memory_space<vmem>>, vector<512x400xf32>,
    %get3A_31 = arith.constant 0 : index
    %get3A_32 = arith.constant 0 : index
    %get3A_33 = vector.load %arg6[%get3A_31, %get3A_32] : memref<512x512xf32, #tpu.memory_space<vmem>>, vector<512x512xf32>
    %dot_general3A_34 = arith.constant dense<0.000000e+00> : vector<512x512xf32>
    %dot_general3A_35 = tpu.matmul %get3A_1, %get3A_33, %dot_general3A_34 {dimension_numbers = #tpu.dot_dimension_numbers<[1], [0], [0], [1], [0, 0, 1, 1], [], []>, transpose_lhs_hint = false} : vector<512x512xf32>, vector<512x512xf32>, vector<512x512xf32> -> vector<512x512xf32>
    %get3A_36 = arith.constant 0 : index
    %get3A_37 = arith.constant 0 : index
    %get3A_38 = vector.load %arg7[%get3A_36, %get3A_37] : memref<1x512xf32, #tpu.memory_space<vmem>>, vector<1x512xf32>
    %add3A_39 = vector.broadcast %get3A_38 : vector<1x512xf32> to vector<512x512xf32>
    %add3A_40 = arith.addf %dot_general3A_35, %add3A_39 : vector<512x512xf32>
    %mul3A_41 = arith.constant 5.000000e-01 : f32
    %mul3A_42 = vector.broadcast %mul3A_41 : f32 to vector<512x512xf32>
    %mul3A_43 = arith.mulf %mul3A_42, %add3A_40 : vector<512x512xf32>
    %mul3A_44 = arith.constant 0.707106769 : f32
    %mul3A_45 = vector.broadcast %mul3A_44 : f32 to vector<512x512xf32>
    %mul3A_46 = arith.mulf %add3A_40, %mul3A_45 : vector<512x512xf32>
    %erf3A_47 = math.erf %mul3A_46 : vector<512x512xf32>
    %add3A_48 = arith.constant 1.000000e+00 : f32
    %add3A_49 = vector.broadcast %add3A_48 : f32 to vector<512x512xf32>
    %add3A_50 = arith.addf %add3A_49, %erf3A_47 : vector<512x512xf32>
    %mul3A_51 = arith.mulf %mul3A_43, %add3A_50 : vector<512x512xf32>
    %get3A_52 = arith.constant 0 : index
    %get3A_53 = arith.constant 0 : index
    %get3A_54 = vector.load %arg8[%get3A_52, %get3A_53] : memref<512x100xf32, #tpu.memory_space<vmem>>, vector<512x100xf32>
    %dot_general3A_55 = arith.constant dense<0.000000e+00> : vector<512x100xf32>
    %dot_general3A_56 = tpu.matmul %mul3A_51, %get3A_54, %dot_general3A_55 {dimension_numbers = #tpu.dot_dimension_numbers<[1], [0], [0], [1], [0, 0, 1, 1], [], []>, transpose_lhs_hint = false} : vector<512x512xf32>, vector<512x100xf32>, vector<512x100xf32> -> vector<512x100xf32>
    %get3A_57 = arith.constant 0 : index
    %get3A_58 = arith.constant 0 : index
    %get3A_59 = vector.load %arg9[%get3A_57, %get3A_58] : memref<1x100xf32, #tpu.memory_space<vmem>>, vector<1x100xf32>
    %add3A_60 = vector.broadcast %get3A_59 : vector<1x100xf32> to vector<512x100xf32>
    %add3A_61 = arith.addf %dot_general3A_56, %add3A_60 : vector<512x100xf32>
    %swap3A_62 = arith.constant 0 : index
    %swap3A_63 = arith.constant 0 : index
    %swap3A_64 = vector.load %arg11[%swap3A_62, %swap3A_63] : memref<512x100xf32, #tpu.memory_space<vmem>>, vector<512x100xf32>
    tpu.vector_store %arg11[%swap3A_62, %swap3A_63], %add3A_61 {strides = array<i32>} : memref<512x100xf32, #tpu.memory_space<vmem>>, vector<512x100xf32>,
    return
  }
  func.func @transform_0(%arg0: i32) -> (i32, i32) {
    %c0_i32 = arith.constant 0 : i32
    %c0_i32_0 = arith.constant 0 : i32
    return %arg0, %c0_i32 : i32, i32
  }
  func.func @transform_1(%arg0: i32) -> (i32, i32) {
    %c0_i32 = arith.constant 0 : i32
    %c0_i32_0 = arith.constant 0 : i32
    %c0_i32_1 = arith.constant 0 : i32
    return %c0_i32, %c0_i32_0 : i32, i32
  }
  func.func @transform_2(%arg0: i32) -> (i32, i32) {
    %c0_i32 = arith.constant 0 : i32
    %c0_i32_0 = arith.constant 0 : i32
    %c0_i32_1 = arith.constant 0 : i32
    return %c0_i32, %c0_i32_0 : i32, i32
  }
  func.func @transform_3(%arg0: i32) -> (i32, i32) {
    %c0_i32 = arith.constant 0 : i32
    %c0_i32_0 = arith.constant 0 : i32
    %c0_i32_1 = arith.constant 0 : i32
    return %c0_i32, %c0_i32_0 : i32, i32
  }
  func.func @transform_4(%arg0: i32) -> (i32, i32) {
    %c0_i32 = arith.constant 0 : i32
    %c0_i32_0 = arith.constant 0 : i32
    %c0_i32_1 = arith.constant 0 : i32
    return %c0_i32, %c0_i32_0 : i32, i32
  }
  func.func @transform_5(%arg0: i32) -> (i32, i32) {
    %c0_i32 = arith.constant 0 : i32
    %c0_i32_0 = arith.constant 0 : i32
    %c0_i32_1 = arith.constant 0 : i32
    return %c0_i32, %c0_i32_0 : i32, i32
  }
  func.func @transform_6(%arg0: i32) -> (i32, i32) {
    %c0_i32 = arith.constant 0 : i32
    %c0_i32_0 = arith.constant 0 : i32
    %c0_i32_1 = arith.constant 0 : i32
    return %c0_i32, %c0_i32_0 : i32, i32
  }
  func.func @transform_7(%arg0: i32) -> (i32, i32) {
    %c0_i32 = arith.constant 0 : i32
    %c0_i32_0 = arith.constant 0 : i32
    %c0_i32_1 = arith.constant 0 : i32
    return %c0_i32, %c0_i32_0 : i32, i32
  }
  func.func @transform_8(%arg0: i32) -> (i32, i32) {
    %c0_i32 = arith.constant 0 : i32
    %c0_i32_0 = arith.constant 0 : i32
    %c0_i32_1 = arith.constant 0 : i32
    return %c0_i32, %c0_i32_0 : i32, i32
  }
  func.func @transform_9(%arg0: i32) -> (i32, i32) {
    %c0_i32 = arith.constant 0 : i32
    %c0_i32_0 = arith.constant 0 : i32
    return %arg0, %c0_i32 : i32, i32
  }
  func.func @transform_10(%arg0: i32) -> (i32, i32) {
    %c0_i32 = arith.constant 0 : i32
    %c0_i32_0 = arith.constant 0 : i32
    return %arg0, %c0_i32 : i32, i32
  }
}

</mosaic_0001>

<sc_bundles>
// kernel: gather_offload_async_start.1
scs
__scs_entry_jumppad:
0x0: {  	(pc) =	sbr.rel $0x88, $3  }
0x1: {  	(tag) =	ssettag $0x0;
	lr =	simm.s32 $0x1  }
0x2: {  	[smem:$0x3F87] =	sst lr;
	_ =	strace $0xD0000000  }
0x3: {  	_ = 	snop  }
0x4: {  	_ = 	snop  }
0x5: {  	_ = 	snop  }
0x6: {  	_ = 	snop  }
0x7: {  	_ = 	snop  }
__scs_overlays_trampoline_lowered:
0x8: {  	[smem:$0x3F96] =	sst s0  }
0x9: {  	[smem:$0x3F97] =	sst s1  }
0xa: {  	[smem:$0x3F98] =	sst s2  }
0xb: {  	[smem:$0x3F99] =	sst s3  }
0xc: {  	[smem:$0x3F9A] =	sst s4  }
0xd: {  	[smem:$0x3F9B] =	sst s5  }
0xe: {  	[smem:$0x3F9C] =	sst s6  }
0xf: {  	[smem:$0x3F9D] =	sst s7  }
0x10: {  	[smem:$0x3F9E] =	sst s8  }
0x11: {  	[smem:$0x3F9F] =	sst s9;
	s0 =	simm.s32 @!p0 $0x0  }
0x12: {  	s1 =	sld [smem:$0x3F85];
	s0 =	simm.s32 @p0 $0x1  }
0x13: {  	[smem:$0x3FA0] =	sst s0;
	s0 =	simm.s32 @!p1 $0x0  }
0x14: {  	s2 =	sld [smem:$0x3F84];
	s0 =	simm.s32 @p1 $0x1  }
0x15: {  	[smem:$0x3FA1] =	sst s0;
	s0 =	simm.s32 @!p2 $0x0  }
0x16: {  	s3 =	sld [smem:$0x3FDB];
	s0 =	simm.s32 @p2 $0x1  }
0x17: {  	s4 =	simm.s32 $0x1BF5;
	[smem:$0x3FA3] =	sst s0  }
0x18: {  	s0 =	sld [smem:$0x3F86];
	_ =	swait.ge [sflag:s4], $0x0  }
0x19: {  	s7 =	sld [smem:$0x3F87]  }
0x1a: {  	s8 =	sadd.s32 $0xFFFFE003, lr  }
0x1b: {  	s9 =	sadd.s32 $0xFFFFFEF7, lr;
	s5 =	simm.s32 $0xFFFFFFFF;
	p2 =	slt.u32 s8, $0xFFFFF086  }
0x1c: {  	p1 =	slt.u32 s9, $0xF7A;
	s5 =	simm.s32 @!p2 $0x0  }
0x1d: {  	s5 =	simm.s32 @p1 $0x1;
	p0 =	seq.s32 s7, s2  }
0x1e: {  	s7 =	smul.u32 @!p0 $0xF7A, s2;
	p2 =	seq.s32 @!p0 s5, $0x0  }
0x1f: {  	s9 =	smul.u32 $0xF7A, s1;
	s8 =	simm.s32 @!p0 $0x1BF5;
	p2 =	por !p2, p0  }
0x20: {  	[sflag:s8] =	ssyncset.s32 @!p0 $0xFFFFF086;
	s6 =	sadd.s32 @!p0 s3, s7;
	s7 =	simm.s32 @!p0 $0x108  }
0x21: {  	s3 =	sadd.s32 s3, s9;
	s6 =	sadd.s32 @!p0 $0x88, s6;
	s7 =	simm.s32 @p2 $0x1082  }
0x22: {  	[simem:s7], [sflag:s8] =	dma.local @!p0 [hbm:s6], $0xF7A  }
0x23: {  	s9 =	sor.u32 $0xD0000000, s2;
	s6 =	simm.s32 $0x108;
	_ =	swait.ge @!p0 [sflag:s8], $0x0  }
0x24: {  	s3 =	sadd.s32 $0x88, s3;
	s6 =	simm.s32 @!p1 $0x1082;
	[sflag:s4] =	ssyncset.s32 $0xFFFFF086  }
0x25: {  	[simem:s6], [sflag:s4] =	dma.local [hbm:s3], $0xF7A  }
0x26: {  	[smem:$0x3F87] =	sst s1;
	(tag) =	ssettag s2;
	_ =	strace s9  }
0x27: {  	s1 =	sld [smem:$0x3F97]  }
0x28: {  	s2 =	sld [smem:$0x3F98]  }
0x29: {  	s4 =	sld [smem:$0x3F9A]  }
0x2a: {  	p0 =	seq.s32 s5, $0x0;
	s5 =	sld [smem:$0x3F9B]  }
0x2b: {  	s6 =	sld [smem:$0x3F9C]  }
0x2c: {  	s7 =	sld [smem:$0x3F9D]  }
0x2d: {  	s3 =	simm.s32 $0x108;
	s8 =	sld [smem:$0x3F9E]  }
0x2e: {  	s3 =	simm.s32 @!p0 $0x1082;
	s9 =	sld [smem:$0x3F9F]  }
0x2f: {  	lr =	sadd.s32 s0, s3;
	s0 =	sld [smem:$0x3F96]  }
0x30: {  	s3 =	sld [smem:$0x3F99]  }
0x31: {  	[smem:$0x3FA2] =	sst s10  }
0x32: {  	s10 =	sld [smem:$0x3FA0];
	_ =	sdelay $0x3  }
0x33: {  	p0 =	seq.s32 s10, $0x1;
	s10 =	sld [smem:$0x3FA2];
	_ =	sdelay $0x3  }
0x34: {  	[smem:$0x3FA2] =	sst s10  }
0x35: {  	s10 =	sld [smem:$0x3FA1];
	_ =	sdelay $0x3  }
0x36: {  	p1 =	seq.s32 s10, $0x1;
	s10 =	sld [smem:$0x3FA2];
	_ =	sdelay $0x3  }
0x37: {  	[smem:$0x3FA2] =	sst s10  }
0x38: {  	s10 =	sld [smem:$0x3FA3]  }
0x39: {  	_ = 	snop;
	(pc) =	sbr.ind lr, $3  }
0x3a: {  	_ = 	snop  }
0x3b: {  	_ = 	snop  }
0x3c: {  	p2 =	seq.s32 s10, $0x1;
	s10 =	sld [smem:$0x3FA2]  }
0x3d: {  	_ =	shalt  }
0x3e: {  	_ =	shalt  }
0x3f: {  	_ =	shalt  }
0x40: {  	_ =	shalt  }
0x41: {  	_ =	shalt  }
0x42: {  	_ =	shalt  }
0x43: {  	_ =	shalt  }
0x44: {  	_ =	shalt  }
0x45: {  	_ =	shalt  }
0x46: {  	_ =	shalt  }
0x47: {  	_ =	shalt  }
0x48: {  	_ =	shalt  }
0x49: {  	_ =	shalt  }
0x4a: {  	_ =	shalt  }
0x4b: {  	_ =	shalt  }
0x4c: {  	_ =	shalt  }
0x4d: {  	_ =	shalt  }
0x4e: {  	_ =	shalt  }
0x4f: {  	_ =	shalt  }
0x50: {  	_ =	shalt  }
0x51: {  	_ =	shalt  }
0x52: {  	_ =	shalt  }
0x53: {  	_ =	shalt  }
0x54: {  	_ =	shalt  }
0x55: {  	_ =	shalt  }
0x56: {  	_ =	shalt  }
0x57: {  	_ =	shalt  }
0x58: {  	_ =	shalt  }
0x59: {  	_ =	shalt  }
0x5a: {  	_ =	shalt  }
0x5b: {  	_ =	shalt  }
0x5c: {  	_ =	shalt  }
0x5d: {  	_ =	shalt  }
0x5e: {  	_ =	shalt  }
0x5f: {  	_ =	shalt  }
0x60: {  	_ =	shalt  }
0x61: {  	_ =	shalt  }
0x62: {  	_ =	shalt  }
0x63: {  	_ =	shalt  }
0x64: {  	_ =	shalt  }
0x65: {  	_ =	shalt  }
0x66: {  	_ =	shalt  }
0x67: {  	_ =	shalt  }
0x68: {  	_ =	shalt  }
0x69: {  	_ =	shalt  }
0x6a: {  	_ =	shalt  }
0x6b: {  	_ =	shalt  }
0x6c: {  	_ =	shalt  }
0x6d: {  	_ =	shalt  }
0x6e: {  	_ =	shalt  }
0x6f: {  	_ =	shalt  }
0x70: {  	_ =	shalt  }
0x71: {  	_ =	shalt  }
0x72: {  	_ =	shalt  }
0x73: {  	_ =	shalt  }
0x74: {  	_ =	shalt  }
0x75: {  	_ =	shalt  }
0x76: {  	_ =	shalt  }
0x77: {  	_ =	shalt  }
0x78: {  	_ =	shalt  }
0x79: {  	_ =	shalt  }
0x7a: {  	_ =	shalt  }
0x7b: {  	_ =	shalt  }
0x7c: {  	_ =	shalt  }
0x7d: {  	_ =	shalt  }
0x7e: {  	_ =	shalt  }
0x7f: {  	_ =	shalt  }
0x80: {  	_ =	shalt  }
0x81: {  	_ =	shalt  }
0x82: {  	_ =	shalt  }
0x83: {  	_ =	shalt  }
0x84: {  	_ =	shalt  }
0x85: {  	_ =	shalt  }
0x86: {  	_ =	shalt  }
0x87: {  	_ =	shalt  }
.Lfunc_end0:
.L_simem_size_0:
called_computation.1_lowered:
.L_overlay_start_0:
0x88: {  	s2 =	sld [smem:$0x3FD9]  }
0x89: {  	s3 =	sld [smem:$0x3FFE];
	_ =	sdelay $0x1  }
0x8a: {  	s1 =	srdreg.scid  }
0x8b: {  	s0 =	sand.u32 $0x1, s1  }
0x8c: {  	s16 =	sshll.u32 s0, $0xA;
	s2 =	sadd.s32 s3, s2  }
0x8d: {  	s2 =	sadd.s32 s2, s16  }
0x8e: {  	[smem:$0x3FAE] =	sst s2  }
0x8f: {  	_ = 	snop  }
0x90: {  	(tm) =	ssettm $0x1  }
0x91: {  	s17 =	sld [smem:$0x3FFB];
	_ =	sdelay $0x3  }
0x92: {  	_ =	strace s17  }
0x93: {  	s2 =	sld [smem:$0x3FFC];
	_ =	sdelay $0x3  }
0x94: {  	_ =	strace s2  }
0x95: {  	s2 =	sld [smem:$0x3FFD];
	_ =	sdelay $0x3  }
0x96: {  	_ =	strace s2  }
0x97: {  	_ =	strace $0x8FFFFFFF  }
0x98: {  	s18 =	sld [smem:$0x3FDB];
	_ =	sdelay $0x1  }
0x99: {  	s19 =	simm.s32 $_scs_section_size  }
0x9a: {  	s4 =	simm.s32 $_size__tile_overlayer_lowered;
	s5 =	simm.s32 $_tile_overlayer_lowered  }
0x9b: {  	s22 =	simm.s32 $0x1BFF;
	s21 =	sshll.u32 s5, $0x1;
	s2 =	sadd.s32 s19, s18  }
0x9c: {  	s6 =	simm.s32 $0x0;
	s20 =	sshll.u32 s4, $0x1;
	s4 =	sadd.s32 s21, s2  }
0x9d: {  	[timem:s6], [sflag:s22] =	dma.local [hbm:s4], s20  }
0x9e: {  	_ =	swait.ge [sflag:s22], s20  }
0x9f: {  	s3 =	ssub.s32 $0x0, s20;
	[sflag:s22] =	ssyncset.done $0x0  }
0xa0: {  	[sflag:s22] =	ssyncadd.s32 s3;
	_ =	sdelay $0x1  }
0xa1: {  	s23 =	simm.s32 $0x1B8B  }
0xa2: {  	_ =	swait.ge [sflag:s23], $0x1  }
0xa3: {  	[sflag:s23] =	ssyncset.done $0x0  }
0xa4: {  	s25 =	simm.s32 $0x1B8E;
	s24 =	sld [smem:$0x3FFE];
	[sflag:s23] =	ssyncadd.s32 $0xFFFFFFFF  }
0xa5: {  	s26 =	simm.s32 $execute0_lowered;
	[smem:$0x3FD2] =	sst s25  }
0xa6: {  	s4 =	sshll.u32 s26, $0x1;
	_ =	strace $0x80000046;
	[dreg:$0x1] =	wrdreg $0xFFFFFFFF  }
0xa7: {  	s28 =	simm.s32 $_size_execute0_lowered;
	s2 =	sadd.s32 s2, s4;
	[dreg:$0x0] =	wrdreg $0x0  }
0xa8: {  	s4 =	sshll.u32 s28, $0x1;
	[dreg:$0x2] =	wrdreg s2  }
0xa9: {  	[dreg:$0x3] =	wrdreg s4  }
0xaa: {  	[dreg:$0x4] =	wrdreg $0xC0  }
0xab: {  	_ =	task [dreg:s6], $0x5FFFF  }
0xac: {  	[dreg:$0x1] =	wrdreg $0xFFFFFFFF  }
0xad: {  	[dreg:$0x0] =	wrdreg $0x60  }
0xae: {  	[dreg:$0x2] =	wrdreg s24  }
0xaf: {  	[dreg:$0x3] =	wrdreg $0xA  }
0xb0: {  	_ =	task.clear_ibuf [dreg:s6], $0x4FFFF;
	_ =	strace $0x90000046  }
0xb1: {  	s29 =	simm.s32 $0xA;
	_ =	strace $0x80000048  }
0xb2: {  	_ =	swait.ge [sflag:s29], $0x1  }
0xb3: {  	[sflag:s29] =	ssyncadd.s32 $0xFFFFFFFF  }
0xb4: {  	_ =	strace $0x90000048  }
0xb5: {  	_ =	sfence  }
0xb6: {  	s30 =	sld [smem:$0x0];
	_ =	sdelay $0x2  }
0xb7: {  	s31 =	sshll.u32 s1, $0xD;
	s1 =	sshrl.u32 s1, $0x2  }
0xb8: {  	s3 =	sand.u32 $0x4000, s31;
	s1 =	sadd.s32 s1, s30  }
0xb9: {  	s0 =	sor.u32 s3, s0;
	s1 =	sshll.u32 s1, $0x11  }
0xba: {  	s0 =	sor.u32 s1, s0  }
0xbb: {  	s0 =	sadd.s32 $0x8F2B, s0  }
0xbc: {  	[sflag:s0] =	ssyncadd.remote.s32 $0x1  }
0xbd: {  	_ =	sfence.sel $0xFFFF  }
0xbe: {  	[dreg:$0x0] =	wrdreg $0xFFFFFFFF;
	(pc) =	sbr.abs _section_cstart, $3  }
0xbf: {  	[dreg:$0x1] =	wrdreg $0xFFFFFFFF  }
0xc0: {  	_ =	task.clear_ibuf [dreg:s6], $0x2FFFF;
	_ =	strace $0x9FFFFFFF  }
0xc1: {  	(tm) =	ssettm $0x7FFFFFFF  }
tec
execute0_lowered:
.L_overlay_start_1:
0x0: {  	(tag) =	ssettag $0x1  }
0x1: {  	s0 =	srdreg.scid;
	s5 =	rddreg [dreg:$0x0]  }
0x2: {  	s1 =	stileid.u32;
	s6 =	simm.s32 $0x1;
	s9 =	simm.s32 $0x1  }
0x3: {  	s10 =	simm.s32 $0x3;
	s13 =	simm.s32 $0x0;
	s2 =	sshll.u32 s0, $0xB  }
0x4: {  	s12 =	simm.s32 $0x0;
	s3 =	sshll.u32 s1, $0xC;
	s2 =	sand.u32 $0x800, s2  }
0x5: {  	s0 =	rddreg [dreg:$0x1];
	_ =	strace $0x80000047;
	s2 =	sor.u32 s3, s2  }
0x6: {  	s4 =	sadd.s32 $0x5A600, s5;
	[sflag:s6] =	ssyncpa.u1 $0x0;
	s8 =	ssub.s32 $0x20000, s2  }
.Ltmp0:
0x7: {  	s3 =	sadd.s32 $0x4D400, s5;
	s7 =	sand.u32 $0xF800, s8;
	(pc) =	sbr.rel .LBB2_1-.Ltmp0, $4  }
0x8: {  	s5 =	sadd.s32 $0x5EA00, s5;
	s11 =	smov.u32 s2;
	p0 =	sne.s32 s7, $0x0  }
0x9: {  	s8 =	sshrl.u32 s8, $0x10;
	s7 =	simm.s32 $0x2;
	s9 =	simm.s32 @!p0 $0x0  }
0xa: {  	[sflag:s7] =	ssyncpa.u1 $0x0;
	p0 =	por $0x0, $0x0;
	s8 =	sadd.s32 s9, s8  }
0xb: {  	vm0 =	vmmov $0xffff;
	[sflag:s10] =	ssyncpa.u1 $0x0;
	s10 =	simm.s32 $0x0;
	s9 =	sadd.s32 $0x1, s8  }
.LBB2_4:
0xc: {  	vm1 =	veq.s32 v0, $0x80000000;
	v63 =	vand.u32 $0xF, v0;
	v2 =	vand.u32 $0x1FFF, v2  }
0xd: {  	v0 =	vsel vm1, $0xFFFFFFFF, v63;
	v2 =	vsel vm1, $0xFFFFFFFF, v2  }
0xe: {  	v3 =	vshll.u32 v0, $0xD;
	v4 =	vshll.u32 v2, $0x3  }
0xf: {  	v0 =	vshll.u32 v0, $0x7;
	v3 =	vand.u32 $0xFFFF0000, v3;
	v4 =	vand.u32 $0xFFFFFC00, v4  }
0x10: {  	v0 =	vand.u32 $0x380, v0;
	v3 =	vadd.s32 v3, v4  }
0x11: {  	v2 =	vand.u32 $0x7F, v2;
	v0 =	vor.u32 v0, v3  }
0x12: {  	v0 =	vor.u32 v2, v0;
	_ =	sdelay $0x1  }
0x13: {  	(ifvalue) =	ssetifvalue $0x7FFFFFFF;
	s14 =	sadd.s32 $0x10, s14  }
0x14: {  	[tilespmem:s14], [sflag:$0x1] =	stream.indirect_vreg.gather [hbm4b:s3+s10], $0x1, v1, vm0, $0x4038;
	[tilespmem:$0x2000] =	vst v63  }
0x15: {  	(ifvalue) =	ssetifvalue $0x7FFFFFFF;
	s14 =	sadd.s32 $0x10, s14  }
0x16: {  	[tilespmem:s14], [sflag:$0x1] =	stream.indirect_vreg.gather [hbm4b:s3+s10], $0x1, v0, vm0, $0x4038;
	[tilespmem:$0x2000] =	vst v63  }
0x17: {  	_ =	swait.ge [sflag:s6], $0x800  }
0x18: {  	s30 =	sshrl.u32 s13, $0x3;
	[sflag:s6] =	ssyncset.done $0x0  }
0x19: {  	s31 =	sand.u32 $0x7, s13;
	s14 =	sadd.s32 s5, s30;
	[sflag:s6] =	ssyncadd.s32 $0xFFFFF800  }
0x1a: {  	[hbm4b:s14+s31] =	stream.linear.scatter [tilespmem:s15], [sflag:$0x3], $0x800, $0x38;
	[tilespmem:$0x2000] =	vst v63  }
.LBB2_5:
0x1b: {  	s15 =	sadd.s32 $0x10000, s11  }
0x1c: {  	p2 =	sgt.s32 s15, $0x1FFFF  }
0x1d: {  	s15 =	smov.u32 @p2 s2;
	p2 =	sne.s32 s12, s9  }
.Ltmp1:
0x1e: {  	p1 =	slt.u32 s12, $0x2;
	(pc) =	sbr.rel @!p2 .LBB2_6-.Ltmp1, $4  }
0x1f: {  	s14 =	simm.s32 @!p1 $0x3  }
0x20: {  	s16 =	sadd.s32 $0x1, s12;
	_ =	swait.ge @!p1 [sflag:s14], $0x800  }
0x21: {  	s13 =	smov.u32 s11;
	p0 =	por !p0, !p0;
	[sflag:s14] =	ssyncset.done @!p1 $0x0  }
0x22: {  	s12 =	smov.u32 s16;
	s11 =	smov.u32 s15;
	[sflag:s14] =	ssyncadd.s32 @!p1 $0xFFFFF800  }
.LBB2_1:
0x23: {  	p1 =	sge.u32 s12, s8  }
0x24: {  	s14 =	sxor.u32 @!p1 $0xFFFFFFFF, s12  }
0x25: {  	s31 =	sadd.s32 $0xFFFFFFFF, s12;
	s15 =	sshrl.u32 @!p1 s11, $0x3;
	s14 =	sshll.u32 @!p1 s14, $0xB  }
0x26: {  	s16 =	sand.u32 @!p1 $0x7, s11;
	s15 =	sadd.s32 @!p1 s4, s15;
	s14 =	sand.u32 @!p1 $0x800, s14  }
0x27: {  	[tilespmem:s14], [sflag:$0x2] =	stream.linear.gather @!p1 [hbm4b:s15+s16], $0x800, $0x38;
	[tilespmem:$0x2000] =	vst v63  }
0x28: {  	p1 =	sge.u32 s31, s8  }
.Ltmp2:
0x29: {  	_ = 	snop;
	(pc) =	sbr.rel @p1 .LBB2_5-.Ltmp2, $1  }
0x2a: {  	_ =	sdelay $0x3  }
0x2b: {  	s14 =	simm.s32 $0x1  }
0x2c: {  	_ =	swait.ge [sflag:s7], $0x800;
	s14 =	simm.s32 @!p0 $0x0  }
0x2d: {  	[sflag:s7] =	ssyncset.done $0x0;
	s14 =	sshll.u32 s14, $0xB  }
0x2e: {  	[sflag:s7] =	ssyncadd.s32 $0xFFFFF800;
	(ifvalue) =	ssetifvalue $0x7FFFFFFF;
	v0 =	vld.msk [tilespmem:s14+$0x0 ss:$0x1], $0xffff;
	_ =	sdelay $0x3  }
0x2f: {  	s15 =	sadd.s32 $0x10, s14  }
0x30: {  	v2 =	vld.msk [tilespmem:s15+$0x0 ss:$0x1], $0xffff;
	v1 =	vshrl.u32 v0, $0x4  }
0x31: {  	vm1 =	veq.s32 v0, $0x80000000;
	v0 =	vand.u32 $0xF, v0;
	v1 =	vand.u32 $0x1FFF, v1  }
0x32: {  	v0 =	vsel vm1, $0xFFFFFFFF, v0;
	v1 =	vsel vm1, $0xFFFFFFFF, v1  }
0x33: {  	v3 =	vshll.u32 v0, $0xD;
	v4 =	vshll.u32 v1, $0x3  }
0x34: {  	v0 =	vshll.u32 v0, $0x7;
	v3 =	vand.u32 $0xFFFF0000, v3;
	v4 =	vand.u32 $0xFFFFFC00, v4  }
0x35: {  	vm1 =	veq.s32 v2, $0x80000000;
	v0 =	vand.u32 $0x380, v0;
	v3 =	vadd.s32 v3, v4  }
0x36: {  	v1 =	vand.u32 $0x7F, v1;
	v0 =	vor.u32 v0, v3;
	v3 =	vshrl.u32 v2, $0x4  }
0x37: {  	s17 =	sadd.s32 $0x10, s15;
	v2 =	vand.u32 $0xF, v2;
	v1 =	vor.u32 v1, v0;
	v3 =	vand.u32 $0x1FFF, v3  }
0x38: {  	v0 =	vld.msk [tilespmem:s17+$0x0 ss:$0x1], $0xffff;
	v2 =	vsel vm1, $0xFFFFFFFF, v2;
	v3 =	vsel vm1, $0xFFFFFFFF, v3  }
0x39: {  	v63 =	vshll.u32 v2, $0xD;
	v5 =	vshll.u32 v3, $0x3  }
0x3a: {  	s31 =	sshll.u32 s12, $0xB;
	v2 =	vshll.u32 v2, $0x7;
	v4 =	vand.u32 $0xFFFF0000, v63;
	v5 =	vand.u32 $0xFFFFFC00, v5  }
0x3b: {  	s14 =	sor.u32 $0x1000, s14;
	s15 =	sand.u32 $0x800, s31;
	(ifvalue) =	ssetifvalue $0x7FFFFFFF;
	v2 =	vand.u32 $0x380, v2;
	v4 =	vadd.s32 v4, v5  }
0x3c: {  	[tilespmem:s14], [sflag:$0x1] =	stream.indirect_vreg.gather [hbm4b:s3+s10], $0x1, v1, vm0, $0x4038;
	v1 =	vand.u32 $0x7F, v3;
	v3 =	vor.u32 v2, v4;
	[tilespmem:$0x2000] =	vst v63  }
0x3d: {  	s16 =	simm.s32 $0x20;
	s15 =	sor.u32 $0x1000, s15;
	s17 =	sadd.s32 $0x10, s17;
	v2 =	vshrl.u32 v0, $0x4;
	v1 =	vor.u32 v1, v3  }
.LBB2_3:
0x3e: {  	s16 =	sadd.s32 $0x10, s16;
	vm1 =	veq.s32 v0, $0x80000000;
	v3 =	vand.u32 $0xF, v0;
	v0 =	vld.msk [tilespmem:s17+$0x0 ss:$0x1], $0xffff;
	v2 =	vand.u32 $0x1FFF, v2  }
0x3f: {  	p1 =	slt.u32 s16, $0x7F0;
	v3 =	vsel vm1, $0xFFFFFFFF, v3;
	v2 =	vsel vm1, $0xFFFFFFFF, v2  }
.Ltmp3:
0x40: {  	v4 =	vshll.u32 v3, $0xD;
	v5 =	vshll.u32 v2, $0x3;
	(pc) =	sbr.rel @p1 .LBB2_3-.Ltmp3, $4  }
0x41: {  	s14 =	sadd.s32 $0x10, s14;
	v3 =	vshll.u32 v3, $0x7;
	v4 =	vand.u32 $0xFFFF0000, v4;
	v5 =	vand.u32 $0xFFFFFC00, v5;
	(ifvalue) =	ssetifvalue $0x7FFFFFFF  }
0x42: {  	v3 =	vand.u32 $0x380, v3;
	v4 =	vadd.s32 v4, v5;
	[tilespmem:s14], [sflag:$0x1] =	stream.indirect_vreg.gather [hbm4b:s3+s10], $0x1, v1, vm0, $0x4038;
	[tilespmem:$0x2000] =	vst v63  }
0x43: {  	v1 =	vand.u32 $0x7F, v2;
	v3 =	vor.u32 v3, v4  }
0x44: {  	s17 =	sadd.s32 $0x10, s17;
	v2 =	vshrl.u32 v0, $0x4;
	v1 =	vor.u32 v1, v3  }
.Ltmp4:
0x45: {  	_ = 	snop;
	(pc) =	sbr.rel .LBB2_4-.Ltmp4, $1  }
0x46: {  	_ =	sdelay $0x3  }
.LBB2_6:
0x47: {  	_ =	sfence.sel $0x180000  }
0x48: {  	s2 =	simm.s32 $0x2;
	[bflag:$0x0] =	sbarrier.arrive $0xFFFF  }
0x49: {  	s30 =	simm.s32 $0x3;
	[sflag:s2] =	ssyncpa.u1 $0x1  }
0x4a: {  	s31 =	simm.s32 $0x1;
	[sflag:s30] =	ssyncpa.u1 $0x1  }
0x4b: {  	[sflag:s31] =	ssyncpa.u1 $0x1  }
0x4c: {  	p0 =	sne.s32 s1, $0x0;
	_ =	strace $0x90000047  }
0x4d: {  	s0 =	sadd.s32 @!p0 $0x100000, s0;
	[bflag:$0x2] =	sbarrier.arrive $0xFFFF  }
0x4e: {  	[sflag:s0] =	ssyncadd.tile.s32 @!p0 $0x1;
	_ =	shalt  }
.Lfunc_end2:
_tile_overlayer_lowered:
.L_overlay_start_2:
0x4f: {  	(tag) =	ssettag $0x2  }
0x50: {  	s0 =	rddreg [dreg:$0x0];
	s2 =	stileid.u32  }
0x51: {  	s1 =	rddreg [dreg:$0x1];
	p0 =	sne.s32 s2, $0x0  }
0x52: {  	s3 =	rddreg [dreg:$0x2];
	[bflag:$0x3] =	sbarrier.arrive $0xFFFF;
	s2 =	simm.s32 @!p0 $0x1C01  }
0x53: {  	[timem:s3], [sflag:s2] =	dma.local @!p0 [hbm:s0], s1  }
0x54: {  	s0 =	simm.s32 @!p0 $0x1  }
0x55: {  	_ =	swait.ge @!p0 [sflag:s0], s1  }
0x56: {  	s1 =	ssub.s32 @!p0 $0x0, s1;
	[sflag:s0] =	ssyncset.done @!p0 $0x0  }
0x57: {  	[sflag:s0] =	ssyncadd.s32 @!p0 s1  }
0x58: {  	[bflag:$0x3] =	sbarrier.arrive $0xFFFF  }
0x59: {  	_ =	shalt  }

// kernel: gather_offload_async_start.2
scs
__scs_entry_jumppad:
0x0: {  	(pc) =	sbr.rel $0x88, $3  }
0x1: {  	(tag) =	ssettag $0x0;
	lr =	simm.s32 $0x1  }
0x2: {  	[smem:$0x3F87] =	sst lr;
	_ =	strace $0xD0000000  }
0x3: {  	_ = 	snop  }
0x4: {  	_ = 	snop  }
0x5: {  	_ = 	snop  }
0x6: {  	_ = 	snop  }
0x7: {  	_ = 	snop  }
__scs_overlays_trampoline_lowered:
0x8: {  	[smem:$0x3F96] =	sst s0  }
0x9: {  	[smem:$0x3F97] =	sst s1  }
0xa: {  	[smem:$0x3F98] =	sst s2  }
0xb: {  	[smem:$0x3F99] =	sst s3  }
0xc: {  	[smem:$0x3F9A] =	sst s4  }
0xd: {  	[smem:$0x3F9B] =	sst s5  }
0xe: {  	[smem:$0x3F9C] =	sst s6  }
0xf: {  	[smem:$0x3F9D] =	sst s7  }
0x10: {  	[smem:$0x3F9E] =	sst s8  }
0x11: {  	[smem:$0x3F9F] =	sst s9;
	s0 =	simm.s32 @!p0 $0x0  }
0x12: {  	s1 =	sld [smem:$0x3F85];
	s0 =	simm.s32 @p0 $0x1  }
0x13: {  	[smem:$0x3FA0] =	sst s0;
	s0 =	simm.s32 @!p1 $0x0  }
0x14: {  	s2 =	sld [smem:$0x3F84];
	s0 =	simm.s32 @p1 $0x1  }
0x15: {  	[smem:$0x3FA1] =	sst s0;
	s0 =	simm.s32 @!p2 $0x0  }
0x16: {  	s3 =	sld [smem:$0x3FDB];
	s0 =	simm.s32 @p2 $0x1  }
0x17: {  	s4 =	simm.s32 $0x1BF5;
	[smem:$0x3FA3] =	sst s0  }
0x18: {  	s0 =	sld [smem:$0x3F86];
	_ =	swait.ge [sflag:s4], $0x0  }
0x19: {  	s7 =	sld [smem:$0x3F87]  }
0x1a: {  	s8 =	sadd.s32 $0xFFFFE003, lr  }
0x1b: {  	s9 =	sadd.s32 $0xFFFFFEF7, lr;
	s5 =	simm.s32 $0xFFFFFFFF;
	p2 =	slt.u32 s8, $0xFFFFF086  }
0x1c: {  	p1 =	slt.u32 s9, $0xF7A;
	s5 =	simm.s32 @!p2 $0x0  }
0x1d: {  	s5 =	simm.s32 @p1 $0x1;
	p0 =	seq.s32 s7, s2  }
0x1e: {  	s7 =	smul.u32 @!p0 $0xF7A, s2;
	p2 =	seq.s32 @!p0 s5, $0x0  }
0x1f: {  	s9 =	smul.u32 $0xF7A, s1;
	s8 =	simm.s32 @!p0 $0x1BF5;
	p2 =	por !p2, p0  }
0x20: {  	[sflag:s8] =	ssyncset.s32 @!p0 $0xFFFFF086;
	s6 =	sadd.s32 @!p0 s3, s7;
	s7 =	simm.s32 @!p0 $0x108  }
0x21: {  	s3 =	sadd.s32 s3, s9;
	s6 =	sadd.s32 @!p0 $0x88, s6;
	s7 =	simm.s32 @p2 $0x1082  }
0x22: {  	[simem:s7], [sflag:s8] =	dma.local @!p0 [hbm:s6], $0xF7A  }
0x23: {  	s9 =	sor.u32 $0xD0000000, s2;
	s6 =	simm.s32 $0x108;
	_ =	swait.ge @!p0 [sflag:s8], $0x0  }
0x24: {  	s3 =	sadd.s32 $0x88, s3;
	s6 =	simm.s32 @!p1 $0x1082;
	[sflag:s4] =	ssyncset.s32 $0xFFFFF086  }
0x25: {  	[simem:s6], [sflag:s4] =	dma.local [hbm:s3], $0xF7A  }
0x26: {  	[smem:$0x3F87] =	sst s1;
	(tag) =	ssettag s2;
	_ =	strace s9  }
0x27: {  	s1 =	sld [smem:$0x3F97]  }
0x28: {  	s2 =	sld [smem:$0x3F98]  }
0x29: {  	s4 =	sld [smem:$0x3F9A]  }
0x2a: {  	p0 =	seq.s32 s5, $0x0;
	s5 =	sld [smem:$0x3F9B]  }
0x2b: {  	s6 =	sld [smem:$0x3F9C]  }
0x2c: {  	s7 =	sld [smem:$0x3F9D]  }
0x2d: {  	s3 =	simm.s32 $0x108;
	s8 =	sld [smem:$0x3F9E]  }
0x2e: {  	s3 =	simm.s32 @!p0 $0x1082;
	s9 =	sld [smem:$0x3F9F]  }
0x2f: {  	lr =	sadd.s32 s0, s3;
	s0 =	sld [smem:$0x3F96]  }
0x30: {  	s3 =	sld [smem:$0x3F99]  }
0x31: {  	[smem:$0x3FA2] =	sst s10  }
0x32: {  	s10 =	sld [smem:$0x3FA0];
	_ =	sdelay $0x3  }
0x33: {  	p0 =	seq.s32 s10, $0x1;
	s10 =	sld [smem:$0x3FA2];
	_ =	sdelay $0x3  }
0x34: {  	[smem:$0x3FA2] =	sst s10  }
0x35: {  	s10 =	sld [smem:$0x3FA1];
	_ =	sdelay $0x3  }
0x36: {  	p1 =	seq.s32 s10, $0x1;
	s10 =	sld [smem:$0x3FA2];
	_ =	sdelay $0x3  }
0x37: {  	[smem:$0x3FA2] =	sst s10  }
0x38: {  	s10 =	sld [smem:$0x3FA3]  }
0x39: {  	_ = 	snop;
	(pc) =	sbr.ind lr, $3  }
0x3a: {  	_ = 	snop  }
0x3b: {  	_ = 	snop  }
0x3c: {  	p2 =	seq.s32 s10, $0x1;
	s10 =	sld [smem:$0x3FA2]  }
0x3d: {  	_ =	shalt  }
0x3e: {  	_ =	shalt  }
0x3f: {  	_ =	shalt  }
0x40: {  	_ =	shalt  }
0x41: {  	_ =	shalt  }
0x42: {  	_ =	shalt  }
0x43: {  	_ =	shalt  }
0x44: {  	_ =	shalt  }
0x45: {  	_ =	shalt  }
0x46: {  	_ =	shalt  }
0x47: {  	_ =	shalt  }
0x48: {  	_ =	shalt  }
0x49: {  	_ =	shalt  }
0x4a: {  	_ =	shalt  }
0x4b: {  	_ =	shalt  }
0x4c: {  	_ =	shalt  }
0x4d: {  	_ =	shalt  }
0x4e: {  	_ =	shalt  }
0x4f: {  	_ =	shalt  }
0x50: {  	_ =	shalt  }
0x51: {  	_ =	shalt  }
0x52: {  	_ =	shalt  }
0x53: {  	_ =	shalt  }
0x54: {  	_ =	shalt  }
0x55: {  	_ =	shalt  }
0x56: {  	_ =	shalt  }
0x57: {  	_ =	shalt  }
0x58: {  	_ =	shalt  }
0x59: {  	_ =	shalt  }
0x5a: {  	_ =	shalt  }
0x5b: {  	_ =	shalt  }
0x5c: {  	_ =	shalt  }
0x5d: {  	_ =	shalt  }
0x5e: {  	_ =	shalt  }
0x5f: {  	_ =	shalt  }
0x60: {  	_ =	shalt  }
0x61: {  	_ =	shalt  }
0x62: {  	_ =	shalt  }
0x63: {  	_ =	shalt  }
0x64: {  	_ =	shalt  }
0x65: {  	_ =	shalt  }
0x66: {  	_ =	shalt  }
0x67: {  	_ =	shalt  }
0x68: {  	_ =	shalt  }
0x69: {  	_ =	shalt  }
0x6a: {  	_ =	shalt  }
0x6b: {  	_ =	shalt  }
0x6c: {  	_ =	shalt  }
0x6d: {  	_ =	shalt  }
0x6e: {  	_ =	shalt  }
0x6f: {  	_ =	shalt  }
0x70: {  	_ =	shalt  }
0x71: {  	_ =	shalt  }
0x72: {  	_ =	shalt  }
0x73: {  	_ =	shalt  }
0x74: {  	_ =	shalt  }
0x75: {  	_ =	shalt  }
0x76: {  	_ =	shalt  }
0x77: {  	_ =	shalt  }
0x78: {  	_ =	shalt  }
0x79: {  	_ =	shalt  }
0x7a: {  	_ =	shalt  }
0x7b: {  	_ =	shalt  }
0x7c: {  	_ =	shalt  }
0x7d: {  	_ =	shalt  }
0x7e: {  	_ =	shalt  }
0x7f: {  	_ =	shalt  }
0x80: {  	_ =	shalt  }
0x81: {  	_ =	shalt  }
0x82: {  	_ =	shalt  }
0x83: {  	_ =	shalt  }
0x84: {  	_ =	shalt  }
0x85: {  	_ =	shalt  }
0x86: {  	_ =	shalt  }
0x87: {  	_ =	shalt  }
.Lfunc_end0:
.L_simem_size_0:
called_computation.2_lowered:
.L_overlay_start_0:
0x88: {  	s2 =	sld [smem:$0x3FD9]  }
0x89: {  	s3 =	sld [smem:$0x3FFE];
	_ =	sdelay $0x1  }
0x8a: {  	s1 =	srdreg.scid  }
0x8b: {  	s0 =	sand.u32 $0x1, s1  }
0x8c: {  	s17 =	sshll.u32 s0, $0xA;
	s2 =	sadd.s32 s3, s2  }
0x8d: {  	s2 =	sadd.s32 s2, s17  }
0x8e: {  	[smem:$0x3FAE] =	sst s2  }
0x8f: {  	_ = 	snop  }
0x90: {  	(tm) =	ssettm $0x1  }
0x91: {  	s18 =	sld [smem:$0x3FFB];
	_ =	sdelay $0x3  }
0x92: {  	_ =	strace s18  }
0x93: {  	s2 =	sld [smem:$0x3FFC];
	_ =	sdelay $0x3  }
0x94: {  	_ =	strace s2  }
0x95: {  	s2 =	sld [smem:$0x3FFD];
	_ =	sdelay $0x3  }
0x96: {  	_ =	strace s2  }
0x97: {  	_ =	strace $0x8FFFFFFF  }
0x98: {  	s19 =	sld [smem:$0x3FDB];
	_ =	sdelay $0x1  }
0x99: {  	s20 =	simm.s32 $_scs_section_size  }
0x9a: {  	s4 =	simm.s32 $_size__tile_overlayer_lowered;
	s5 =	simm.s32 $_tile_overlayer_lowered  }
0x9b: {  	s6 =	simm.s32 $0x1BFF;
	s21 =	sshll.u32 s5, $0x1;
	s3 =	sadd.s32 s20, s19  }
0x9c: {  	s22 =	simm.s32 $0x0;
	s4 =	sshll.u32 s4, $0x1;
	s5 =	sadd.s32 s21, s3  }
0x9d: {  	[timem:s22], [sflag:s6] =	dma.local [hbm:s5], s4  }
0x9e: {  	_ =	swait.ge [sflag:s6], s4  }
0x9f: {  	s4 =	ssub.s32 $0x0, s4;
	[sflag:s6] =	ssyncset.done $0x0  }
0xa0: {  	[sflag:s6] =	ssyncadd.s32 s4;
	_ =	sdelay $0x1  }
0xa1: {  	s23 =	simm.s32 $0x1B8B  }
0xa2: {  	_ =	swait.ge [sflag:s23], $0x1  }
0xa3: {  	[sflag:s23] =	ssyncset.done $0x0  }
0xa4: {  	[sflag:s23] =	ssyncadd.s32 $0xFFFFFFFF  }
0xa5: {  	s4 =	sld [smem:$0x0]  }
0xa6: {  	s5 =	sand.u32 $0xFFFFFFFE, s1  }
0xa7: {  	p0 =	sne.s32 s1, s5  }
0xa8: {  	s5 =	sshll.u32 @p0 s5, $0xE  }
0xa9: {  	s5 =	sadd.s32 @p0 $0x11B8D, s5;
	s6 =	sshll.u32 @p0 s4, $0x11  }
0xaa: {  	s5 =	sor.u32 @p0 s6, s5  }
0xab: {  	[sflag:s5] =	ssyncadd.remote.s32 @p0 $0x1;
	_ =	sdelay $0x1  }
0xac: {  	s5 =	simm.s32 @p0 $0x1B8D  }
0xad: {  	_ =	swait.eq @p0 [sflag:s5], $0x1  }
0xae: {  	[sflag:s5] =	ssyncadd.s32 @p0 $0xFFFFFFFF  }
0xaf: {  	s6 =	sshll.u32 @!p0 s1, $0xE  }
0xb0: {  	s6 =	sor.u32 @!p0 $0x4000, s6;
	s5 =	simm.s32 @!p0 $0x1B8D  }
0xb1: {  	s4 =	sshll.u32 @!p0 s4, $0x11;
	s6 =	sadd.s32 @!p0 $0x11B8D, s6;
	_ =	swait.eq @!p0 [sflag:s5], $0x1  }
0xb2: {  	s4 =	sor.u32 @!p0 s4, s6;
	[sflag:s5] =	ssyncadd.s32 @!p0 $0xFFFFFFFF  }
0xb3: {  	s25 =	simm.s32 $0x1B8E;
	s24 =	sld [smem:$0x3FFE];
	[sflag:s4] =	ssyncadd.remote.s32 @!p0 $0x1  }
0xb4: {  	s26 =	simm.s32 $execute0_lowered;
	[smem:$0x3FD2] =	sst s25  }
0xb5: {  	s5 =	sshll.u32 s26, $0x1;
	_ =	strace $0x8000004F;
	[dreg:$0x1] =	wrdreg $0xFFFFFFFF  }
0xb6: {  	s28 =	simm.s32 $_size_execute0_lowered;
	s3 =	sadd.s32 s3, s5;
	[dreg:$0x0] =	wrdreg $0x0  }
0xb7: {  	s5 =	sshll.u32 s28, $0x1;
	[dreg:$0x2] =	wrdreg s3  }
0xb8: {  	[dreg:$0x3] =	wrdreg s5  }
0xb9: {  	[dreg:$0x4] =	wrdreg $0xC0  }
0xba: {  	_ =	task [dreg:s22], $0x5FFFF  }
0xbb: {  	[dreg:$0x1] =	wrdreg $0xFFFFFFFF  }
0xbc: {  	[dreg:$0x0] =	wrdreg $0x60  }
0xbd: {  	[dreg:$0x2] =	wrdreg s24  }
0xbe: {  	[dreg:$0x3] =	wrdreg $0x9  }
0xbf: {  	_ =	task.clear_ibuf [dreg:s22], $0x4FFFF;
	_ =	strace $0x9000004F  }
0xc0: {  	s29 =	simm.s32 $0x9;
	_ =	strace $0x80000051  }
0xc1: {  	_ =	swait.ge [sflag:s29], $0x1  }
0xc2: {  	[sflag:s29] =	ssyncadd.s32 $0xFFFFFFFF  }
0xc3: {  	_ =	strace $0x90000051  }
0xc4: {  	_ =	sfence  }
0xc5: {  	s30 =	sld [smem:$0x0];
	_ =	sdelay $0x2  }
0xc6: {  	s31 =	sshll.u32 s1, $0xD;
	s1 =	sshrl.u32 s1, $0x2  }
0xc7: {  	s4 =	sand.u32 $0x4000, s31;
	s1 =	sadd.s32 s1, s30  }
0xc8: {  	s0 =	sor.u32 s4, s0;
	s1 =	sshll.u32 s1, $0x11  }
0xc9: {  	s0 =	sor.u32 s1, s0  }
0xca: {  	s0 =	sadd.s32 $0x8F2B, s0  }
0xcb: {  	[sflag:s0] =	ssyncadd.remote.s32 $0x1  }
0xcc: {  	_ =	sfence.sel $0xFFFF  }
0xcd: {  	[dreg:$0x0] =	wrdreg $0xFFFFFFFF;
	(pc) =	sbr.abs _section_cstart, $3  }
0xce: {  	[dreg:$0x1] =	wrdreg $0xFFFFFFFF  }
0xcf: {  	_ =	task.clear_ibuf [dreg:s22], $0x2FFFF;
	_ =	strace $0x9FFFFFFF  }
0xd0: {  	(tm) =	ssettm $0x7FFFFFFF  }
0xd1: {  	_ =	shalt  }
tec
execute0_lowered:
.L_overlay_start_1:
0x0: {  	(tag) =	ssettag $0x1  }
0x1: {  	s7 =	rddreg [dreg:$0x0]  }
0x2: {  	s0 =	rddreg [dreg:$0x1];
	_ =	strace $0x80000050  }
0x3: {  	s1 =	srdreg.scid;
	s4 =	simm.s32 $0x1;
	s9 =	simm.s32 $0x3  }
0x4: {  	s11 =	simm.s32 $0x0;
	p0 =	por $0x0, $0x0;
	s5 =	sshll.u32 s1, $0x4  }
.Ltmp0:
0x5: {  	s1 =	stileid.u32;
	s5 =	sand.u32 $0x10, s5;
	(pc) =	sbr.rel .LBB2_1-.Ltmp0, $4  }
0x6: {  	s2 =	sadd.s32 $0x83D000, s7;
	s3 =	sadd.s32 $0x15000, s7;
	s6 =	sor.u32 s1, s5  }
0x7: {  	[sflag:s4] =	ssyncpa.u1 $0x0;
	s5 =	simm.s32 $0x2;
	s6 =	sshll.u32 s6, $0xC  }
0x8: {  	s7 =	sadd.s32 $0x43D000, s7;
	[sflag:s5] =	ssyncpa.u1 $0x0;
	s8 =	sadd.s32 $0x1000, s6  }
0x9: {  	vm0 =	vmmov $0xff;
	vm1 =	vcmask $0x3F20;
	[sflag:s9] =	ssyncpa.u1 $0x0;
	s10 =	smov.u32 s6;
	s9 =	simm.s32 $0x0  }
.LBB2_7:
0xa: {  	p1 =	slt.u32 s9, $0x2;
	s11 =	sadd.s32 $0x100, s10  }
0xb: {  	s13 =	smov.u32 s6;
	s9 =	sadd.s32 $0x1, s9;
	p2 =	slt.s32 s11, s8  }
0xc: {  	s13 =	smov.u32 @p2 s11;
	p2 =	sne.s32 s9, $0x12  }
.Ltmp1:
0xd: {  	_ = 	snop;
	(pc) =	sbr.rel @!p2 .LBB2_8-.Ltmp1, $4  }
0xe: {  	s12 =	simm.s32 @!p1 $0x3  }
0xf: {  	_ =	swait.ge @!p1 [sflag:s12], $0x8000  }
0x10: {  	p0 =	por !p0, !p0;
	[sflag:s12] =	ssyncset.done @!p1 $0x0  }
0x11: {  	s11 =	smov.u32 s10;
	s10 =	smov.u32 s13;
	[sflag:s12] =	ssyncadd.s32 @!p1 $0xFFFF8000  }
.LBB2_1:
0x12: {  	p1 =	sgt.u32 s9, $0xF  }
0x13: {  	s12 =	sxor.u32 @!p1 $0xFFFFFFFF, s9  }
0x14: {  	s13 =	sshrl.u32 @!p1 s10, $0x3;
	s12 =	sshll.u32 @!p1 s12, $0x8  }
0x15: {  	s14 =	sand.u32 @!p1 $0x7, s10;
	s13 =	sadd.s32 @!p1 s3, s13;
	s12 =	sand.u32 @!p1 $0x100, s12  }
0x16: {  	[tilespmem:s12], [sflag:$0x2] =	stream.linear.gather @!p1 [hbm4b:s13+s14], $0x100, $0x38;
	[tilespmem:$0x10200] =	vst v63  }
0x17: {  	p1 =	seq.s32 s9, $0x0  }
0x18: {  	p2 =	seq.s32 @!p1 s9, $0x11  }
0x19: {  	p1 =	por p1, p2  }
.Ltmp2:
0x1a: {  	_ = 	snop;
	(pc) =	sbr.rel @p1 .LBB2_7-.Ltmp2, $1  }
0x1b: {  	_ =	sdelay $0x3  }
0x1c: {  	s12 =	simm.s32 $0x1  }
0x1d: {  	_ =	swait.ge [sflag:s5], $0x100;
	s12 =	simm.s32 @!p0 $0x0  }
0x1e: {  	[sflag:s5] =	ssyncset.done $0x0;
	s14 =	sshll.u32 s12, $0x8  }
0x1f: {  	[sflag:s5] =	ssyncadd.s32 $0xFFFFFF00;
	s13 =	sadd.s32 $0x0, s14  }
0x20: {  	v0 =	vld.msk [tilespmem:s13+$0x0 ss:$0x1], $0xffff;
	_ =	sdelay $0x4  }
0x21: {  	v1 =	vshll.u32 v0, $0x3  }
0x22: {  	vm2 =	veq.s32 v0, $0x80000000;
	v0 =	vshll.u32 v0, $0x14;
	v1 =	vand.u32 $0xFFF80, v1  }
0x23: {  	v0 =	vand.u32 $0xF00000, v0;
	v1 =	vsel vm2, $0xFFFFFF80, v1  }
0x24: {  	v0 =	vsel vm2, $0xFFF00000, v0;
	v2 =	vand.u32 $0xFFFFFC00, v1  }
0x25: {  	v1 =	vand.u32 $0x380, v1;
	v0 =	vadd.s32 v0, v2  }
0x26: {  	v0 =	vor.u32 v1, v0  }
0x27: {  	v0 =	vshrl.u32 v0, $0x3;
	_ =	sdelay $0x2  }
0x28: {  	s12 =	sshll.u32 s12, $0xF  }
0x29: {  	s12 =	sor.u32 $0x200, s12  }
0x2a: {  	[tilespmem:s12], [sflag:$0x1] =	stream.indirect_vreg.gather [hbm:s2], $0x80, v0, vm0, $0x38;
	[tilespmem:$0x10200] =	vst v63  }
0x2b: {  	s15 =	sadd.s32 $0x10, s14;
	s13 =	sadd.s32 $0x400, s12  }
0x2c: {  	[tilespmem:s13], [sflag:$0x1] =	stream.indirect_vreg.gather [hbm:s2], $0x80, v0, vm1, $0x38;
	[tilespmem:$0x10200] =	vst v63  }
0x2d: {  	s16 =	simm.s32 $0x80;
	v0 =	vld.msk [tilespmem:s15+$0x0 ss:$0x1], $0xffff;
	s15 =	smov.u32 s12  }
.LBB2_3:
0x2e: {  	p1 =	sne.s32 s16, $0x3C0;
	_ =	sdelay $0x4  }
0x2f: {  	v1 =	vshll.u32 v0, $0x3  }
0x30: {  	vm2 =	veq.s32 v0, $0x80000000;
	v0 =	vshll.u32 v0, $0x14;
	v1 =	vand.u32 $0xFFF80, v1  }
0x31: {  	v0 =	vand.u32 $0xF00000, v0;
	v1 =	vsel vm2, $0xFFFFFF80, v1  }
0x32: {  	v0 =	vsel vm2, $0xFFF00000, v0;
	v2 =	vand.u32 $0xFFFFFC00, v1  }
0x33: {  	v1 =	vand.u32 $0x380, v1;
	v0 =	vadd.s32 v0, v2  }
0x34: {  	v0 =	vor.u32 v1, v0  }
0x35: {  	v0 =	vshrl.u32 v0, $0x3;
	_ =	sdelay $0x3  }
.Ltmp3:
0x36: {  	s17 =	sshra.s32 s16, $0x2;
	s15 =	sadd.s32 $0x800, s15;
	(pc) =	sbr.rel @p1 .LBB2_3-.Ltmp3, $4  }
0x37: {  	[tilespmem:s15], [sflag:$0x1] =	stream.indirect_vreg.gather [hbm:s2], $0x80, v0, vm0, $0x38;
	[tilespmem:$0x10200] =	vst v63  }
0x38: {  	s17 =	sadd.s32 s17, s14;
	s18 =	sadd.s32 $0x400, s15  }
0x39: {  	[tilespmem:s18], [sflag:$0x1] =	stream.indirect_vreg.gather [hbm:s2], $0x80, v0, vm1, $0x38;
	[tilespmem:$0x10200] =	vst v63  }
0x3a: {  	s16 =	sadd.s32 $0x40, s16;
	v0 =	vld.msk [tilespmem:s17+$0x0 ss:$0x1], $0xffff  }
0x3b: {  	_ =	sdelay $0x3  }
0x3c: {  	v1 =	vshll.u32 v0, $0x3  }
0x3d: {  	vm2 =	veq.s32 v0, $0x80000000;
	v63 =	vshll.u32 v0, $0x14;
	v1 =	vand.u32 $0xFFF80, v1  }
0x3e: {  	v0 =	vand.u32 $0xF00000, v63;
	v1 =	vsel vm2, $0xFFFFFF80, v1  }
0x3f: {  	v0 =	vsel vm2, $0xFFF00000, v0;
	v2 =	vand.u32 $0xFFFFFC00, v1  }
0x40: {  	v1 =	vand.u32 $0x380, v1;
	v0 =	vadd.s32 v0, v2  }
0x41: {  	v0 =	vor.u32 v1, v0  }
0x42: {  	v0 =	vshrl.u32 v0, $0x3;
	_ =	sdelay $0x3  }
0x43: {  	s14 =	sadd.s32 $0x800, s15  }
0x44: {  	[tilespmem:s14], [sflag:$0x1] =	stream.indirect_vreg.gather [hbm:s2], $0x80, v0, vm0, $0x38;
	[tilespmem:$0x10200] =	vst v63  }
0x45: {  	s14 =	sadd.s32 $0x400, s14  }
0x46: {  	[tilespmem:s14], [sflag:$0x1] =	stream.indirect_vreg.gather [hbm:s2], $0x80, v0, vm1, $0x38;
	[tilespmem:$0x10200] =	vst v63  }
0x47: {  	s11 =	sshll.u32 s11, $0x4;
	_ =	swait.ge [sflag:s4], $0x8000  }
0x48: {  	s11 =	sadd.s32 s11, s7;
	[sflag:s4] =	ssyncset.done $0x0  }
0x49: {  	s15 =	sadd.s32 $0x0, s11;
	s14 =	simm.s32 $0x80;
	[sflag:s4] =	ssyncadd.s32 $0xFFFF8000  }
.LBB2_5:
0x4a: {  	[hbm:s15] =	stream.linear.scatter [tilespmem:s12], [sflag:$0x3], $0x400, $0x38;
	[tilespmem:$0x10200] =	vst v63  }
0x4b: {  	s15 =	smov.u32 s14;
	s12 =	smov.u32 s13;
	p1 =	sne.s32 s14, $0xF80  }
.Ltmp4:
0x4c: {  	s14 =	sadd.s32 $0x80, s14;
	(pc) =	sbr.rel @p1 .LBB2_5-.Ltmp4, $2  }
0x4d: {  	_ =	sdelay $0x2  }
0x4e: {  	s13 =	sadd.s32 $0x400, s13;
	s15 =	sadd.s32 s15, s11  }
.Ltmp5:
0x4f: {  	(pc) =	sbr.rel .LBB2_7-.Ltmp5, $2  }
0x50: {  	_ =	sdelay $0x2  }
0x51: {  	[hbm:s15] =	stream.linear.scatter [tilespmem:s12], [sflag:$0x3], $0x400, $0x38;
	[tilespmem:$0x10200] =	vst v63  }
.LBB2_8:
0x52: {  	_ =	sfence.sel $0x180000  }
0x53: {  	s2 =	simm.s32 $0x2;
	[bflag:$0x0] =	sbarrier.arrive $0xFFFF  }
0x54: {  	s30 =	simm.s32 $0x3;
	[sflag:s2] =	ssyncpa.u1 $0x1  }
0x55: {  	s31 =	simm.s32 $0x1;
	[sflag:s30] =	ssyncpa.u1 $0x1  }
0x56: {  	[sflag:s31] =	ssyncpa.u1 $0x1  }
0x57: {  	p0 =	sne.s32 s1, $0x0;
	_ =	strace $0x90000050  }
0x58: {  	s0 =	sadd.s32 @!p0 $0x100000, s0;
	[bflag:$0x2] =	sbarrier.arrive $0xFFFF  }
0x59: {  	[sflag:s0] =	ssyncadd.tile.s32 @!p0 $0x1;
	_ =	shalt  }
.Lfunc_end2:
_tile_overlayer_lowered:
.L_overlay_start_2:
0x5a: {  	(tag) =	ssettag $0x2  }
0x5b: {  	s0 =	rddreg [dreg:$0x0];
	s2 =	stileid.u32  }
0x5c: {  	s1 =	rddreg [dreg:$0x1];
	p0 =	sne.s32 s2, $0x0  }
0x5d: {  	s3 =	rddreg [dreg:$0x2];
	[bflag:$0x3] =	sbarrier.arrive $0xFFFF;
	s2 =	simm.s32 @!p0 $0x1C01  }
0x5e: {  	[timem:s3], [sflag:s2] =	dma.local @!p0 [hbm:s0], s1  }
0x5f: {  	s0 =	simm.s32 @!p0 $0x1  }
0x60: {  	_ =	swait.ge @!p0 [sflag:s0], s1  }
0x61: {  	s1 =	ssub.s32 @!p0 $0x0, s1;
	[sflag:s0] =	ssyncset.done @!p0 $0x0  }
0x62: {  	[sflag:s0] =	ssyncadd.s32 @!p0 s1  }
0x63: {  	[bflag:$0x3] =	sbarrier.arrive $0xFFFF  }
0x64: {  	_ =	shalt  }

// kernel: gather_offload_async_start.3
scs
__scs_entry_jumppad:
0x0: {  	(pc) =	sbr.rel $0x88, $3  }
0x1: {  	(tag) =	ssettag $0x0;
	lr =	simm.s32 $0x1  }
0x2: {  	[smem:$0x3F87] =	sst lr;
	_ =	strace $0xD0000000  }
0x3: {  	_ = 	snop  }
0x4: {  	_ = 	snop  }
0x5: {  	_ = 	snop  }
0x6: {  	_ = 	snop  }
0x7: {  	_ = 	snop  }
__scs_overlays_trampoline_lowered:
0x8: {  	[smem:$0x3F96] =	sst s0  }
0x9: {  	[smem:$0x3F97] =	sst s1  }
0xa: {  	[smem:$0x3F98] =	sst s2  }
0xb: {  	[smem:$0x3F99] =	sst s3  }
0xc: {  	[smem:$0x3F9A] =	sst s4  }
0xd: {  	[smem:$0x3F9B] =	sst s5  }
0xe: {  	[smem:$0x3F9C] =	sst s6  }
0xf: {  	[smem:$0x3F9D] =	sst s7  }
0x10: {  	[smem:$0x3F9E] =	sst s8  }
0x11: {  	[smem:$0x3F9F] =	sst s9;
	s0 =	simm.s32 @!p0 $0x0  }
0x12: {  	s1 =	sld [smem:$0x3F85];
	s0 =	simm.s32 @p0 $0x1  }
0x13: {  	[smem:$0x3FA0] =	sst s0;
	s0 =	simm.s32 @!p1 $0x0  }
0x14: {  	s2 =	sld [smem:$0x3F84];
	s0 =	simm.s32 @p1 $0x1  }
0x15: {  	[smem:$0x3FA1] =	sst s0;
	s0 =	simm.s32 @!p2 $0x0  }
0x16: {  	s3 =	sld [smem:$0x3FDB];
	s0 =	simm.s32 @p2 $0x1  }
0x17: {  	s4 =	simm.s32 $0x1BF5;
	[smem:$0x3FA3] =	sst s0  }
0x18: {  	s0 =	sld [smem:$0x3F86];
	_ =	swait.ge [sflag:s4], $0x0  }
0x19: {  	s7 =	sld [smem:$0x3F87]  }
0x1a: {  	s8 =	sadd.s32 $0xFFFFE003, lr  }
0x1b: {  	s9 =	sadd.s32 $0xFFFFFEF7, lr;
	s5 =	simm.s32 $0xFFFFFFFF;
	p2 =	slt.u32 s8, $0xFFFFF086  }
0x1c: {  	p1 =	slt.u32 s9, $0xF7A;
	s5 =	simm.s32 @!p2 $0x0  }
0x1d: {  	s5 =	simm.s32 @p1 $0x1;
	p0 =	seq.s32 s7, s2  }
0x1e: {  	s7 =	smul.u32 @!p0 $0xF7A, s2;
	p2 =	seq.s32 @!p0 s5, $0x0  }
0x1f: {  	s9 =	smul.u32 $0xF7A, s1;
	s8 =	simm.s32 @!p0 $0x1BF5;
	p2 =	por !p2, p0  }
0x20: {  	[sflag:s8] =	ssyncset.s32 @!p0 $0xFFFFF086;
	s6 =	sadd.s32 @!p0 s3, s7;
	s7 =	simm.s32 @!p0 $0x108  }
0x21: {  	s3 =	sadd.s32 s3, s9;
	s6 =	sadd.s32 @!p0 $0x88, s6;
	s7 =	simm.s32 @p2 $0x1082  }
0x22: {  	[simem:s7], [sflag:s8] =	dma.local @!p0 [hbm:s6], $0xF7A  }
0x23: {  	s9 =	sor.u32 $0xD0000000, s2;
	s6 =	simm.s32 $0x108;
	_ =	swait.ge @!p0 [sflag:s8], $0x0  }
0x24: {  	s3 =	sadd.s32 $0x88, s3;
	s6 =	simm.s32 @!p1 $0x1082;
	[sflag:s4] =	ssyncset.s32 $0xFFFFF086  }
0x25: {  	[simem:s6], [sflag:s4] =	dma.local [hbm:s3], $0xF7A  }
0x26: {  	[smem:$0x3F87] =	sst s1;
	(tag) =	ssettag s2;
	_ =	strace s9  }
0x27: {  	s1 =	sld [smem:$0x3F97]  }
0x28: {  	s2 =	sld [smem:$0x3F98]  }
0x29: {  	s4 =	sld [smem:$0x3F9A]  }
0x2a: {  	p0 =	seq.s32 s5, $0x0;
	s5 =	sld [smem:$0x3F9B]  }
0x2b: {  	s6 =	sld [smem:$0x3F9C]  }
0x2c: {  	s7 =	sld [smem:$0x3F9D]  }
0x2d: {  	s3 =	simm.s32 $0x108;
	s8 =	sld [smem:$0x3F9E]  }
0x2e: {  	s3 =	simm.s32 @!p0 $0x1082;
	s9 =	sld [smem:$0x3F9F]  }
0x2f: {  	lr =	sadd.s32 s0, s3;
	s0 =	sld [smem:$0x3F96]  }
0x30: {  	s3 =	sld [smem:$0x3F99]  }
0x31: {  	[smem:$0x3FA2] =	sst s10  }
0x32: {  	s10 =	sld [smem:$0x3FA0];
	_ =	sdelay $0x3  }
0x33: {  	p0 =	seq.s32 s10, $0x1;
	s10 =	sld [smem:$0x3FA2];
	_ =	sdelay $0x3  }
0x34: {  	[smem:$0x3FA2] =	sst s10  }
0x35: {  	s10 =	sld [smem:$0x3FA1];
	_ =	sdelay $0x3  }
0x36: {  	p1 =	seq.s32 s10, $0x1;
	s10 =	sld [smem:$0x3FA2];
	_ =	sdelay $0x3  }
0x37: {  	[smem:$0x3FA2] =	sst s10  }
0x38: {  	s10 =	sld [smem:$0x3FA3]  }
0x39: {  	_ = 	snop;
	(pc) =	sbr.ind lr, $3  }
0x3a: {  	_ = 	snop  }
0x3b: {  	_ = 	snop  }
0x3c: {  	p2 =	seq.s32 s10, $0x1;
	s10 =	sld [smem:$0x3FA2]  }
0x3d: {  	_ =	shalt  }
0x3e: {  	_ =	shalt  }
0x3f: {  	_ =	shalt  }
0x40: {  	_ =	shalt  }
0x41: {  	_ =	shalt  }
0x42: {  	_ =	shalt  }
0x43: {  	_ =	shalt  }
0x44: {  	_ =	shalt  }
0x45: {  	_ =	shalt  }
0x46: {  	_ =	shalt  }
0x47: {  	_ =	shalt  }
0x48: {  	_ =	shalt  }
0x49: {  	_ =	shalt  }
0x4a: {  	_ =	shalt  }
0x4b: {  	_ =	shalt  }
0x4c: {  	_ =	shalt  }
0x4d: {  	_ =	shalt  }
0x4e: {  	_ =	shalt  }
0x4f: {  	_ =	shalt  }
0x50: {  	_ =	shalt  }
0x51: {  	_ =	shalt  }
0x52: {  	_ =	shalt  }
0x53: {  	_ =	shalt  }
0x54: {  	_ =	shalt  }
0x55: {  	_ =	shalt  }
0x56: {  	_ =	shalt  }
0x57: {  	_ =	shalt  }
0x58: {  	_ =	shalt  }
0x59: {  	_ =	shalt  }
0x5a: {  	_ =	shalt  }
0x5b: {  	_ =	shalt  }
0x5c: {  	_ =	shalt  }
0x5d: {  	_ =	shalt  }
0x5e: {  	_ =	shalt  }
0x5f: {  	_ =	shalt  }
0x60: {  	_ =	shalt  }
0x61: {  	_ =	shalt  }
0x62: {  	_ =	shalt  }
0x63: {  	_ =	shalt  }
0x64: {  	_ =	shalt  }
0x65: {  	_ =	shalt  }
0x66: {  	_ =	shalt  }
0x67: {  	_ =	shalt  }
0x68: {  	_ =	shalt  }
0x69: {  	_ =	shalt  }
0x6a: {  	_ =	shalt  }
0x6b: {  	_ =	shalt  }
0x6c: {  	_ =	shalt  }
0x6d: {  	_ =	shalt  }
0x6e: {  	_ =	shalt  }
0x6f: {  	_ =	shalt  }
0x70: {  	_ =	shalt  }
0x71: {  	_ =	shalt  }
0x72: {  	_ =	shalt  }
0x73: {  	_ =	shalt  }
0x74: {  	_ =	shalt  }
0x75: {  	_ =	shalt  }
0x76: {  	_ =	shalt  }
0x77: {  	_ =	shalt  }
0x78: {  	_ =	shalt  }
0x79: {  	_ =	shalt  }
0x7a: {  	_ =	shalt  }
0x7b: {  	_ =	shalt  }
0x7c: {  	_ =	shalt  }
0x7d: {  	_ =	shalt  }
0x7e: {  	_ =	shalt  }
0x7f: {  	_ =	shalt  }
0x80: {  	_ =	shalt  }
0x81: {  	_ =	shalt  }
0x82: {  	_ =	shalt  }
0x83: {  	_ =	shalt  }
0x84: {  	_ =	shalt  }
0x85: {  	_ =	shalt  }
0x86: {  	_ =	shalt  }
0x87: {  	_ =	shalt  }
.Lfunc_end0:
.L_simem_size_0:
called_computation.3_lowered:
.L_overlay_start_0:
0x88: {  	s2 =	sld [smem:$0x3FD9]  }
0x89: {  	s3 =	sld [smem:$0x3FFE];
	_ =	sdelay $0x1  }
0x8a: {  	s1 =	srdreg.scid  }
0x8b: {  	s0 =	sand.u32 $0x1, s1  }
0x8c: {  	s16 =	sshll.u32 s0, $0xA;
	s2 =	sadd.s32 s3, s2  }
0x8d: {  	s2 =	sadd.s32 s2, s16  }
0x8e: {  	[smem:$0x3FAE] =	sst s2  }
0x8f: {  	_ = 	snop  }
0x90: {  	(tm) =	ssettm $0x1  }
0x91: {  	s17 =	sld [smem:$0x3FFB];
	_ =	sdelay $0x3  }
0x92: {  	_ =	strace s17  }
0x93: {  	s2 =	sld [smem:$0x3FFC];
	_ =	sdelay $0x3  }
0x94: {  	_ =	strace s2  }
0x95: {  	s2 =	sld [smem:$0x3FFD];
	_ =	sdelay $0x3  }
0x96: {  	_ =	strace s2  }
0x97: {  	_ =	strace $0x8FFFFFFF  }
0x98: {  	s18 =	sld [smem:$0x3FDB];
	_ =	sdelay $0x1  }
0x99: {  	s19 =	simm.s32 $_scs_section_size  }
0x9a: {  	s4 =	simm.s32 $_size__tile_overlayer_lowered;
	s5 =	simm.s32 $_tile_overlayer_lowered  }
0x9b: {  	s22 =	simm.s32 $0x1BFF;
	s21 =	sshll.u32 s5, $0x1;
	s2 =	sadd.s32 s19, s18  }
0x9c: {  	s6 =	simm.s32 $0x0;
	s20 =	sshll.u32 s4, $0x1;
	s4 =	sadd.s32 s21, s2  }
0x9d: {  	[timem:s6], [sflag:s22] =	dma.local [hbm:s4], s20  }
0x9e: {  	_ =	swait.ge [sflag:s22], s20  }
0x9f: {  	s3 =	ssub.s32 $0x0, s20;
	[sflag:s22] =	ssyncset.done $0x0  }
0xa0: {  	[sflag:s22] =	ssyncadd.s32 s3;
	_ =	sdelay $0x1  }
0xa1: {  	s23 =	simm.s32 $0x1B8B  }
0xa2: {  	_ =	swait.ge [sflag:s23], $0x1  }
0xa3: {  	[sflag:s23] =	ssyncset.done $0x0  }
0xa4: {  	s25 =	simm.s32 $0x1B8E;
	s24 =	sld [smem:$0x3FFE];
	[sflag:s23] =	ssyncadd.s32 $0xFFFFFFFF  }
0xa5: {  	s26 =	simm.s32 $execute0_lowered;
	[smem:$0x3FD2] =	sst s25  }
0xa6: {  	s4 =	sshll.u32 s26, $0x1;
	_ =	strace $0x8000004C;
	[dreg:$0x1] =	wrdreg $0xFFFFFFFF  }
0xa7: {  	s28 =	simm.s32 $_size_execute0_lowered;
	s2 =	sadd.s32 s2, s4;
	[dreg:$0x0] =	wrdreg $0x0  }
0xa8: {  	s4 =	sshll.u32 s28, $0x1;
	[dreg:$0x2] =	wrdreg s2  }
0xa9: {  	[dreg:$0x3] =	wrdreg s4  }
0xaa: {  	[dreg:$0x4] =	wrdreg $0xC0  }
0xab: {  	_ =	task [dreg:s6], $0x5FFFF  }
0xac: {  	[dreg:$0x1] =	wrdreg $0xFFFFFFFF  }
0xad: {  	[dreg:$0x0] =	wrdreg $0x60  }
0xae: {  	[dreg:$0x2] =	wrdreg s24  }
0xaf: {  	[dreg:$0x3] =	wrdreg $0xA  }
0xb0: {  	_ =	task.clear_ibuf [dreg:s6], $0x4FFFF;
	_ =	strace $0x9000004C  }
0xb1: {  	s29 =	simm.s32 $0xA;
	_ =	strace $0x8000004E  }
0xb2: {  	_ =	swait.ge [sflag:s29], $0x1  }
0xb3: {  	[sflag:s29] =	ssyncadd.s32 $0xFFFFFFFF  }
0xb4: {  	_ =	strace $0x9000004E  }
0xb5: {  	_ =	sfence  }
0xb6: {  	s30 =	sld [smem:$0x0];
	_ =	sdelay $0x2  }
0xb7: {  	s31 =	sshll.u32 s1, $0xD;
	s1 =	sshrl.u32 s1, $0x2  }
0xb8: {  	s3 =	sand.u32 $0x4000, s31;
	s1 =	sadd.s32 s1, s30  }
0xb9: {  	s0 =	sor.u32 s3, s0;
	s1 =	sshll.u32 s1, $0x11  }
0xba: {  	s0 =	sor.u32 s1, s0  }
0xbb: {  	s0 =	sadd.s32 $0x8F2B, s0  }
0xbc: {  	[sflag:s0] =	ssyncadd.remote.s32 $0x1  }
0xbd: {  	_ =	sfence.sel $0xFFFF  }
0xbe: {  	[dreg:$0x0] =	wrdreg $0xFFFFFFFF;
	(pc) =	sbr.abs _section_cstart, $3  }
0xbf: {  	[dreg:$0x1] =	wrdreg $0xFFFFFFFF  }
0xc0: {  	_ =	task.clear_ibuf [dreg:s6], $0x2FFFF;
	_ =	strace $0x9FFFFFFF  }
0xc1: {  	(tm) =	ssettm $0x7FFFFFFF  }
tec
execute0_lowered:
.L_overlay_start_1:
0x0: {  	(tag) =	ssettag $0x1  }
0x1: {  	s0 =	srdreg.scid;
	s5 =	rddreg [dreg:$0x0]  }
0x2: {  	s1 =	stileid.u32;
	s6 =	simm.s32 $0x1;
	s9 =	simm.s32 $0x1  }
0x3: {  	s10 =	simm.s32 $0x3;
	s13 =	simm.s32 $0x0;
	s2 =	sshll.u32 s0, $0xB  }
0x4: {  	s12 =	simm.s32 $0x0;
	s3 =	sshll.u32 s1, $0xC;
	s2 =	sand.u32 $0x800, s2  }
0x5: {  	s0 =	rddreg [dreg:$0x1];
	_ =	strace $0x8000004D;
	s2 =	sor.u32 s3, s2  }
0x6: {  	s4 =	sadd.s32 $0x19000, s5;
	[sflag:s6] =	ssyncpa.u1 $0x0;
	s8 =	ssub.s32 $0x20000, s2  }
.Ltmp0:
0x7: {  	s3 =	sadd.s32 $0x1D000, s5;
	s7 =	sand.u32 $0xF800, s8;
	(pc) =	sbr.rel .LBB2_1-.Ltmp0, $4  }
0x8: {  	s5 =	sadd.s32 $0x21000, s5;
	s11 =	smov.u32 s2;
	p0 =	sne.s32 s7, $0x0  }
0x9: {  	s8 =	sshrl.u32 s8, $0x10;
	s7 =	simm.s32 $0x2;
	s9 =	simm.s32 @!p0 $0x0  }
0xa: {  	[sflag:s7] =	ssyncpa.u1 $0x0;
	p0 =	por $0x0, $0x0;
	s8 =	sadd.s32 s9, s8  }
0xb: {  	vm0 =	vmmov $0xffff;
	[sflag:s10] =	ssyncpa.u1 $0x0;
	s10 =	simm.s32 $0x0;
	s9 =	sadd.s32 $0x1, s8  }
.LBB2_4:
0xc: {  	vm1 =	veq.s32 v0, $0x80000000;
	v63 =	vand.u32 $0xF, v0;
	v2 =	vand.u32 $0x1FFF, v2  }
0xd: {  	v0 =	vsel vm1, $0xFFFFFFFF, v63;
	v2 =	vsel vm1, $0xFFFFFFFF, v2  }
0xe: {  	v3 =	vshll.u32 v0, $0xD;
	v4 =	vshll.u32 v2, $0x3  }
0xf: {  	v0 =	vshll.u32 v0, $0x7;
	v3 =	vand.u32 $0xFFFF0000, v3;
	v4 =	vand.u32 $0xFFFFFC00, v4  }
0x10: {  	v0 =	vand.u32 $0x380, v0;
	v3 =	vadd.s32 v3, v4  }
0x11: {  	v2 =	vand.u32 $0x7F, v2;
	v0 =	vor.u32 v0, v3  }
0x12: {  	v0 =	vor.u32 v2, v0;
	_ =	sdelay $0x1  }
0x13: {  	(ifvalue) =	ssetifvalue $0x7FFFFFFF;
	s14 =	sadd.s32 $0x10, s14  }
0x14: {  	[tilespmem:s14], [sflag:$0x1] =	stream.indirect_vreg.gather [hbm4b:s3+s10], $0x1, v1, vm0, $0x4038;
	[tilespmem:$0x2000] =	vst v63  }
0x15: {  	(ifvalue) =	ssetifvalue $0x7FFFFFFF;
	s14 =	sadd.s32 $0x10, s14  }
0x16: {  	[tilespmem:s14], [sflag:$0x1] =	stream.indirect_vreg.gather [hbm4b:s3+s10], $0x1, v0, vm0, $0x4038;
	[tilespmem:$0x2000] =	vst v63  }
0x17: {  	_ =	swait.ge [sflag:s6], $0x800  }
0x18: {  	s30 =	sshrl.u32 s13, $0x3;
	[sflag:s6] =	ssyncset.done $0x0  }
0x19: {  	s31 =	sand.u32 $0x7, s13;
	s14 =	sadd.s32 s5, s30;
	[sflag:s6] =	ssyncadd.s32 $0xFFFFF800  }
0x1a: {  	[hbm4b:s14+s31] =	stream.linear.scatter [tilespmem:s15], [sflag:$0x3], $0x800, $0x38;
	[tilespmem:$0x2000] =	vst v63  }
.LBB2_5:
0x1b: {  	s15 =	sadd.s32 $0x10000, s11  }
0x1c: {  	p2 =	sgt.s32 s15, $0x1FFFF  }
0x1d: {  	s15 =	smov.u32 @p2 s2;
	p2 =	sne.s32 s12, s9  }
.Ltmp1:
0x1e: {  	p1 =	slt.u32 s12, $0x2;
	(pc) =	sbr.rel @!p2 .LBB2_6-.Ltmp1, $4  }
0x1f: {  	s14 =	simm.s32 @!p1 $0x3  }
0x20: {  	s16 =	sadd.s32 $0x1, s12;
	_ =	swait.ge @!p1 [sflag:s14], $0x800  }
0x21: {  	s13 =	smov.u32 s11;
	p0 =	por !p0, !p0;
	[sflag:s14] =	ssyncset.done @!p1 $0x0  }
0x22: {  	s12 =	smov.u32 s16;
	s11 =	smov.u32 s15;
	[sflag:s14] =	ssyncadd.s32 @!p1 $0xFFFFF800  }
.LBB2_1:
0x23: {  	p1 =	sge.u32 s12, s8  }
0x24: {  	s14 =	sxor.u32 @!p1 $0xFFFFFFFF, s12  }
0x25: {  	s31 =	sadd.s32 $0xFFFFFFFF, s12;
	s15 =	sshrl.u32 @!p1 s11, $0x3;
	s14 =	sshll.u32 @!p1 s14, $0xB  }
0x26: {  	s16 =	sand.u32 @!p1 $0x7, s11;
	s15 =	sadd.s32 @!p1 s4, s15;
	s14 =	sand.u32 @!p1 $0x800, s14  }
0x27: {  	[tilespmem:s14], [sflag:$0x2] =	stream.linear.gather @!p1 [hbm4b:s15+s16], $0x800, $0x38;
	[tilespmem:$0x2000] =	vst v63  }
0x28: {  	p1 =	sge.u32 s31, s8  }
.Ltmp2:
0x29: {  	_ = 	snop;
	(pc) =	sbr.rel @p1 .LBB2_5-.Ltmp2, $1  }
0x2a: {  	_ =	sdelay $0x3  }
0x2b: {  	s14 =	simm.s32 $0x1  }
0x2c: {  	_ =	swait.ge [sflag:s7], $0x800;
	s14 =	simm.s32 @!p0 $0x0  }
0x2d: {  	[sflag:s7] =	ssyncset.done $0x0;
	s14 =	sshll.u32 s14, $0xB  }
0x2e: {  	[sflag:s7] =	ssyncadd.s32 $0xFFFFF800;
	(ifvalue) =	ssetifvalue $0x7FFFFFFF;
	v0 =	vld.msk [tilespmem:s14+$0x0 ss:$0x1], $0xffff;
	_ =	sdelay $0x3  }
0x2f: {  	s15 =	sadd.s32 $0x10, s14  }
0x30: {  	v2 =	vld.msk [tilespmem:s15+$0x0 ss:$0x1], $0xffff;
	v1 =	vshrl.u32 v0, $0x4  }
0x31: {  	vm1 =	veq.s32 v0, $0x80000000;
	v0 =	vand.u32 $0xF, v0;
	v1 =	vand.u32 $0x1FFF, v1  }
0x32: {  	v0 =	vsel vm1, $0xFFFFFFFF, v0;
	v1 =	vsel vm1, $0xFFFFFFFF, v1  }
0x33: {  	v3 =	vshll.u32 v0, $0xD;
	v4 =	vshll.u32 v1, $0x3  }
0x34: {  	v0 =	vshll.u32 v0, $0x7;
	v3 =	vand.u32 $0xFFFF0000, v3;
	v4 =	vand.u32 $0xFFFFFC00, v4  }
0x35: {  	vm1 =	veq.s32 v2, $0x80000000;
	v0 =	vand.u32 $0x380, v0;
	v3 =	vadd.s32 v3, v4  }
0x36: {  	v1 =	vand.u32 $0x7F, v1;
	v0 =	vor.u32 v0, v3;
	v3 =	vshrl.u32 v2, $0x4  }
0x37: {  	s17 =	sadd.s32 $0x10, s15;
	v2 =	vand.u32 $0xF, v2;
	v1 =	vor.u32 v1, v0;
	v3 =	vand.u32 $0x1FFF, v3  }
0x38: {  	v0 =	vld.msk [tilespmem:s17+$0x0 ss:$0x1], $0xffff;
	v2 =	vsel vm1, $0xFFFFFFFF, v2;
	v3 =	vsel vm1, $0xFFFFFFFF, v3  }
0x39: {  	v63 =	vshll.u32 v2, $0xD;
	v5 =	vshll.u32 v3, $0x3  }
0x3a: {  	s31 =	sshll.u32 s12, $0xB;
	v2 =	vshll.u32 v2, $0x7;
	v4 =	vand.u32 $0xFFFF0000, v63;
	v5 =	vand.u32 $0xFFFFFC00, v5  }
0x3b: {  	s14 =	sor.u32 $0x1000, s14;
	s15 =	sand.u32 $0x800, s31;
	(ifvalue) =	ssetifvalue $0x7FFFFFFF;
	v2 =	vand.u32 $0x380, v2;
	v4 =	vadd.s32 v4, v5  }
0x3c: {  	[tilespmem:s14], [sflag:$0x1] =	stream.indirect_vreg.gather [hbm4b:s3+s10], $0x1, v1, vm0, $0x4038;
	v1 =	vand.u32 $0x7F, v3;
	v3 =	vor.u32 v2, v4;
	[tilespmem:$0x2000] =	vst v63  }
0x3d: {  	s16 =	simm.s32 $0x20;
	s15 =	sor.u32 $0x1000, s15;
	s17 =	sadd.s32 $0x10, s17;
	v2 =	vshrl.u32 v0, $0x4;
	v1 =	vor.u32 v1, v3  }
.LBB2_3:
0x3e: {  	s16 =	sadd.s32 $0x10, s16;
	vm1 =	veq.s32 v0, $0x80000000;
	v3 =	vand.u32 $0xF, v0;
	v0 =	vld.msk [tilespmem:s17+$0x0 ss:$0x1], $0xffff;
	v2 =	vand.u32 $0x1FFF, v2  }
0x3f: {  	p1 =	slt.u32 s16, $0x7F0;
	v3 =	vsel vm1, $0xFFFFFFFF, v3;
	v2 =	vsel vm1, $0xFFFFFFFF, v2  }
.Ltmp3:
0x40: {  	v4 =	vshll.u32 v3, $0xD;
	v5 =	vshll.u32 v2, $0x3;
	(pc) =	sbr.rel @p1 .LBB2_3-.Ltmp3, $4  }
0x41: {  	s14 =	sadd.s32 $0x10, s14;
	v3 =	vshll.u32 v3, $0x7;
	v4 =	vand.u32 $0xFFFF0000, v4;
	v5 =	vand.u32 $0xFFFFFC00, v5;
	(ifvalue) =	ssetifvalue $0x7FFFFFFF  }
0x42: {  	v3 =	vand.u32 $0x380, v3;
	v4 =	vadd.s32 v4, v5;
	[tilespmem:s14], [sflag:$0x1] =	stream.indirect_vreg.gather [hbm4b:s3+s10], $0x1, v1, vm0, $0x4038;
	[tilespmem:$0x2000] =	vst v63  }
0x43: {  	v1 =	vand.u32 $0x7F, v2;
	v3 =	vor.u32 v3, v4  }
0x44: {  	s17 =	sadd.s32 $0x10, s17;
	v2 =	vshrl.u32 v0, $0x4;
	v1 =	vor.u32 v1, v3  }
.Ltmp4:
0x45: {  	_ = 	snop;
	(pc) =	sbr.rel .LBB2_4-.Ltmp4, $1  }
0x46: {  	_ =	sdelay $0x3  }
.LBB2_6:
0x47: {  	_ =	sfence.sel $0x180000  }
0x48: {  	s2 =	simm.s32 $0x2;
	[bflag:$0x0] =	sbarrier.arrive $0xFFFF  }
0x49: {  	s30 =	simm.s32 $0x3;
	[sflag:s2] =	ssyncpa.u1 $0x1  }
0x4a: {  	s31 =	simm.s32 $0x1;
	[sflag:s30] =	ssyncpa.u1 $0x1  }
0x4b: {  	[sflag:s31] =	ssyncpa.u1 $0x1  }
0x4c: {  	p0 =	sne.s32 s1, $0x0;
	_ =	strace $0x9000004D  }
0x4d: {  	s0 =	sadd.s32 @!p0 $0x100000, s0;
	[bflag:$0x2] =	sbarrier.arrive $0xFFFF  }
0x4e: {  	[sflag:s0] =	ssyncadd.tile.s32 @!p0 $0x1;
	_ =	shalt  }
.Lfunc_end2:
_tile_overlayer_lowered:
.L_overlay_start_2:
0x4f: {  	(tag) =	ssettag $0x2  }
0x50: {  	s0 =	rddreg [dreg:$0x0];
	s2 =	stileid.u32  }
0x51: {  	s1 =	rddreg [dreg:$0x1];
	p0 =	sne.s32 s2, $0x0  }
0x52: {  	s3 =	rddreg [dreg:$0x2];
	[bflag:$0x3] =	sbarrier.arrive $0xFFFF;
	s2 =	simm.s32 @!p0 $0x1C01  }
0x53: {  	[timem:s3], [sflag:s2] =	dma.local @!p0 [hbm:s0], s1  }
0x54: {  	s0 =	simm.s32 @!p0 $0x1  }
0x55: {  	_ =	swait.ge @!p0 [sflag:s0], s1  }
0x56: {  	s1 =	ssub.s32 @!p0 $0x0, s1;
	[sflag:s0] =	ssyncset.done @!p0 $0x0  }
0x57: {  	[sflag:s0] =	ssyncadd.s32 @!p0 s1  }
0x58: {  	[bflag:$0x3] =	sbarrier.arrive $0xFFFF  }
0x59: {  	_ =	shalt  }

// kernel: gather_offload_async_start.4
scs
__scs_entry_jumppad:
0x0: {  	(pc) =	sbr.rel $0x88, $3  }
0x1: {  	(tag) =	ssettag $0x0;
	lr =	simm.s32 $0x1  }
0x2: {  	[smem:$0x3F87] =	sst lr;
	_ =	strace $0xD0000000  }
0x3: {  	_ = 	snop  }
0x4: {  	_ = 	snop  }
0x5: {  	_ = 	snop  }
0x6: {  	_ = 	snop  }
0x7: {  	_ = 	snop  }
__scs_overlays_trampoline_lowered:
0x8: {  	[smem:$0x3F96] =	sst s0  }
0x9: {  	[smem:$0x3F97] =	sst s1  }
0xa: {  	[smem:$0x3F98] =	sst s2  }
0xb: {  	[smem:$0x3F99] =	sst s3  }
0xc: {  	[smem:$0x3F9A] =	sst s4  }
0xd: {  	[smem:$0x3F9B] =	sst s5  }
0xe: {  	[smem:$0x3F9C] =	sst s6  }
0xf: {  	[smem:$0x3F9D] =	sst s7  }
0x10: {  	[smem:$0x3F9E] =	sst s8  }
0x11: {  	[smem:$0x3F9F] =	sst s9;
	s0 =	simm.s32 @!p0 $0x0  }
0x12: {  	s1 =	sld [smem:$0x3F85];
	s0 =	simm.s32 @p0 $0x1  }
0x13: {  	[smem:$0x3FA0] =	sst s0;
	s0 =	simm.s32 @!p1 $0x0  }
0x14: {  	s2 =	sld [smem:$0x3F84];
	s0 =	simm.s32 @p1 $0x1  }
0x15: {  	[smem:$0x3FA1] =	sst s0;
	s0 =	simm.s32 @!p2 $0x0  }
0x16: {  	s3 =	sld [smem:$0x3FDB];
	s0 =	simm.s32 @p2 $0x1  }
0x17: {  	s4 =	simm.s32 $0x1BF5;
	[smem:$0x3FA3] =	sst s0  }
0x18: {  	s0 =	sld [smem:$0x3F86];
	_ =	swait.ge [sflag:s4], $0x0  }
0x19: {  	s7 =	sld [smem:$0x3F87]  }
0x1a: {  	s8 =	sadd.s32 $0xFFFFE003, lr  }
0x1b: {  	s9 =	sadd.s32 $0xFFFFFEF7, lr;
	s5 =	simm.s32 $0xFFFFFFFF;
	p2 =	slt.u32 s8, $0xFFFFF086  }
0x1c: {  	p1 =	slt.u32 s9, $0xF7A;
	s5 =	simm.s32 @!p2 $0x0  }
0x1d: {  	s5 =	simm.s32 @p1 $0x1;
	p0 =	seq.s32 s7, s2  }
0x1e: {  	s7 =	smul.u32 @!p0 $0xF7A, s2;
	p2 =	seq.s32 @!p0 s5, $0x0  }
0x1f: {  	s9 =	smul.u32 $0xF7A, s1;
	s8 =	simm.s32 @!p0 $0x1BF5;
	p2 =	por !p2, p0  }
0x20: {  	[sflag:s8] =	ssyncset.s32 @!p0 $0xFFFFF086;
	s6 =	sadd.s32 @!p0 s3, s7;
	s7 =	simm.s32 @!p0 $0x108  }
0x21: {  	s3 =	sadd.s32 s3, s9;
	s6 =	sadd.s32 @!p0 $0x88, s6;
	s7 =	simm.s32 @p2 $0x1082  }
0x22: {  	[simem:s7], [sflag:s8] =	dma.local @!p0 [hbm:s6], $0xF7A  }
0x23: {  	s9 =	sor.u32 $0xD0000000, s2;
	s6 =	simm.s32 $0x108;
	_ =	swait.ge @!p0 [sflag:s8], $0x0  }
0x24: {  	s3 =	sadd.s32 $0x88, s3;
	s6 =	simm.s32 @!p1 $0x1082;
	[sflag:s4] =	ssyncset.s32 $0xFFFFF086  }
0x25: {  	[simem:s6], [sflag:s4] =	dma.local [hbm:s3], $0xF7A  }
0x26: {  	[smem:$0x3F87] =	sst s1;
	(tag) =	ssettag s2;
	_ =	strace s9  }
0x27: {  	s1 =	sld [smem:$0x3F97]  }
0x28: {  	s2 =	sld [smem:$0x3F98]  }
0x29: {  	s4 =	sld [smem:$0x3F9A]  }
0x2a: {  	p0 =	seq.s32 s5, $0x0;
	s5 =	sld [smem:$0x3F9B]  }
0x2b: {  	s6 =	sld [smem:$0x3F9C]  }
0x2c: {  	s7 =	sld [smem:$0x3F9D]  }
0x2d: {  	s3 =	simm.s32 $0x108;
	s8 =	sld [smem:$0x3F9E]  }
0x2e: {  	s3 =	simm.s32 @!p0 $0x1082;
	s9 =	sld [smem:$0x3F9F]  }
0x2f: {  	lr =	sadd.s32 s0, s3;
	s0 =	sld [smem:$0x3F96]  }
0x30: {  	s3 =	sld [smem:$0x3F99]  }
0x31: {  	[smem:$0x3FA2] =	sst s10  }
0x32: {  	s10 =	sld [smem:$0x3FA0];
	_ =	sdelay $0x3  }
0x33: {  	p0 =	seq.s32 s10, $0x1;
	s10 =	sld [smem:$0x3FA2];
	_ =	sdelay $0x3  }
0x34: {  	[smem:$0x3FA2] =	sst s10  }
0x35: {  	s10 =	sld [smem:$0x3FA1];
	_ =	sdelay $0x3  }
0x36: {  	p1 =	seq.s32 s10, $0x1;
	s10 =	sld [smem:$0x3FA2];
	_ =	sdelay $0x3  }
0x37: {  	[smem:$0x3FA2] =	sst s10  }
0x38: {  	s10 =	sld [smem:$0x3FA3]  }
0x39: {  	_ = 	snop;
	(pc) =	sbr.ind lr, $3  }
0x3a: {  	_ = 	snop  }
0x3b: {  	_ = 	snop  }
0x3c: {  	p2 =	seq.s32 s10, $0x1;
	s10 =	sld [smem:$0x3FA2]  }
0x3d: {  	_ =	shalt  }
0x3e: {  	_ =	shalt  }
0x3f: {  	_ =	shalt  }
0x40: {  	_ =	shalt  }
0x41: {  	_ =	shalt  }
0x42: {  	_ =	shalt  }
0x43: {  	_ =	shalt  }
0x44: {  	_ =	shalt  }
0x45: {  	_ =	shalt  }
0x46: {  	_ =	shalt  }
0x47: {  	_ =	shalt  }
0x48: {  	_ =	shalt  }
0x49: {  	_ =	shalt  }
0x4a: {  	_ =	shalt  }
0x4b: {  	_ =	shalt  }
0x4c: {  	_ =	shalt  }
0x4d: {  	_ =	shalt  }
0x4e: {  	_ =	shalt  }
0x4f: {  	_ =	shalt  }
0x50: {  	_ =	shalt  }
0x51: {  	_ =	shalt  }
0x52: {  	_ =	shalt  }
0x53: {  	_ =	shalt  }
0x54: {  	_ =	shalt  }
0x55: {  	_ =	shalt  }
0x56: {  	_ =	shalt  }
0x57: {  	_ =	shalt  }
0x58: {  	_ =	shalt  }
0x59: {  	_ =	shalt  }
0x5a: {  	_ =	shalt  }
0x5b: {  	_ =	shalt  }
0x5c: {  	_ =	shalt  }
0x5d: {  	_ =	shalt  }
0x5e: {  	_ =	shalt  }
0x5f: {  	_ =	shalt  }
0x60: {  	_ =	shalt  }
0x61: {  	_ =	shalt  }
0x62: {  	_ =	shalt  }
0x63: {  	_ =	shalt  }
0x64: {  	_ =	shalt  }
0x65: {  	_ =	shalt  }
0x66: {  	_ =	shalt  }
0x67: {  	_ =	shalt  }
0x68: {  	_ =	shalt  }
0x69: {  	_ =	shalt  }
0x6a: {  	_ =	shalt  }
0x6b: {  	_ =	shalt  }
0x6c: {  	_ =	shalt  }
0x6d: {  	_ =	shalt  }
0x6e: {  	_ =	shalt  }
0x6f: {  	_ =	shalt  }
0x70: {  	_ =	shalt  }
0x71: {  	_ =	shalt  }
0x72: {  	_ =	shalt  }
0x73: {  	_ =	shalt  }
0x74: {  	_ =	shalt  }
0x75: {  	_ =	shalt  }
0x76: {  	_ =	shalt  }
0x77: {  	_ =	shalt  }
0x78: {  	_ =	shalt  }
0x79: {  	_ =	shalt  }
0x7a: {  	_ =	shalt  }
0x7b: {  	_ =	shalt  }
0x7c: {  	_ =	shalt  }
0x7d: {  	_ =	shalt  }
0x7e: {  	_ =	shalt  }
0x7f: {  	_ =	shalt  }
0x80: {  	_ =	shalt  }
0x81: {  	_ =	shalt  }
0x82: {  	_ =	shalt  }
0x83: {  	_ =	shalt  }
0x84: {  	_ =	shalt  }
0x85: {  	_ =	shalt  }
0x86: {  	_ =	shalt  }
0x87: {  	_ =	shalt  }
.Lfunc_end0:
.L_simem_size_0:
called_computation.4_lowered:
.L_overlay_start_0:
0x88: {  	s2 =	sld [smem:$0x3FD9]  }
0x89: {  	s3 =	sld [smem:$0x3FFE];
	_ =	sdelay $0x1  }
0x8a: {  	s1 =	srdreg.scid  }
0x8b: {  	s0 =	sand.u32 $0x1, s1  }
0x8c: {  	s17 =	sshll.u32 s0, $0xA;
	s2 =	sadd.s32 s3, s2  }
0x8d: {  	s2 =	sadd.s32 s2, s17  }
0x8e: {  	[smem:$0x3FAE] =	sst s2  }
0x8f: {  	_ = 	snop  }
0x90: {  	(tm) =	ssettm $0x1  }
0x91: {  	s18 =	sld [smem:$0x3FFB];
	_ =	sdelay $0x3  }
0x92: {  	_ =	strace s18  }
0x93: {  	s2 =	sld [smem:$0x3FFC];
	_ =	sdelay $0x3  }
0x94: {  	_ =	strace s2  }
0x95: {  	s2 =	sld [smem:$0x3FFD];
	_ =	sdelay $0x3  }
0x96: {  	_ =	strace s2  }
0x97: {  	_ =	strace $0x8FFFFFFF  }
0x98: {  	s19 =	sld [smem:$0x3FDB];
	_ =	sdelay $0x1  }
0x99: {  	s20 =	simm.s32 $_scs_section_size  }
0x9a: {  	s4 =	simm.s32 $_size__tile_overlayer_lowered;
	s5 =	simm.s32 $_tile_overlayer_lowered  }
0x9b: {  	s6 =	simm.s32 $0x1BFF;
	s21 =	sshll.u32 s5, $0x1;
	s3 =	sadd.s32 s20, s19  }
0x9c: {  	s22 =	simm.s32 $0x0;
	s4 =	sshll.u32 s4, $0x1;
	s5 =	sadd.s32 s21, s3  }
0x9d: {  	[timem:s22], [sflag:s6] =	dma.local [hbm:s5], s4  }
0x9e: {  	_ =	swait.ge [sflag:s6], s4  }
0x9f: {  	s4 =	ssub.s32 $0x0, s4;
	[sflag:s6] =	ssyncset.done $0x0  }
0xa0: {  	[sflag:s6] =	ssyncadd.s32 s4;
	_ =	sdelay $0x1  }
0xa1: {  	s23 =	simm.s32 $0x1B8B  }
0xa2: {  	_ =	swait.ge [sflag:s23], $0x1  }
0xa3: {  	[sflag:s23] =	ssyncset.done $0x0  }
0xa4: {  	[sflag:s23] =	ssyncadd.s32 $0xFFFFFFFF  }
0xa5: {  	s4 =	sld [smem:$0x0]  }
0xa6: {  	s5 =	sand.u32 $0xFFFFFFFE, s1  }
0xa7: {  	p0 =	sne.s32 s1, s5  }
0xa8: {  	s5 =	sshll.u32 @p0 s5, $0xE  }
0xa9: {  	s5 =	sadd.s32 @p0 $0x11B8D, s5;
	s6 =	sshll.u32 @p0 s4, $0x11  }
0xaa: {  	s5 =	sor.u32 @p0 s6, s5  }
0xab: {  	[sflag:s5] =	ssyncadd.remote.s32 @p0 $0x1;
	_ =	sdelay $0x1  }
0xac: {  	s5 =	simm.s32 @p0 $0x1B8D  }
0xad: {  	_ =	swait.eq @p0 [sflag:s5], $0x1  }
0xae: {  	[sflag:s5] =	ssyncadd.s32 @p0 $0xFFFFFFFF  }
0xaf: {  	s6 =	sshll.u32 @!p0 s1, $0xE  }
0xb0: {  	s6 =	sor.u32 @!p0 $0x4000, s6;
	s5 =	simm.s32 @!p0 $0x1B8D  }
0xb1: {  	s4 =	sshll.u32 @!p0 s4, $0x11;
	s6 =	sadd.s32 @!p0 $0x11B8D, s6;
	_ =	swait.eq @!p0 [sflag:s5], $0x1  }
0xb2: {  	s4 =	sor.u32 @!p0 s4, s6;
	[sflag:s5] =	ssyncadd.s32 @!p0 $0xFFFFFFFF  }
0xb3: {  	s25 =	simm.s32 $0x1B8E;
	s24 =	sld [smem:$0x3FFE];
	[sflag:s4] =	ssyncadd.remote.s32 @!p0 $0x1  }
0xb4: {  	s26 =	simm.s32 $execute0_lowered;
	[smem:$0x3FD2] =	sst s25  }
0xb5: {  	s5 =	sshll.u32 s26, $0x1;
	_ =	strace $0x80000055;
	[dreg:$0x1] =	wrdreg $0xFFFFFFFF  }
0xb6: {  	s28 =	simm.s32 $_size_execute0_lowered;
	s3 =	sadd.s32 s3, s5;
	[dreg:$0x0] =	wrdreg $0x0  }
0xb7: {  	s5 =	sshll.u32 s28, $0x1;
	[dreg:$0x2] =	wrdreg s3  }
0xb8: {  	[dreg:$0x3] =	wrdreg s5  }
0xb9: {  	[dreg:$0x4] =	wrdreg $0xC0  }
0xba: {  	_ =	task [dreg:s22], $0x5FFFF  }
0xbb: {  	[dreg:$0x1] =	wrdreg $0xFFFFFFFF  }
0xbc: {  	[dreg:$0x0] =	wrdreg $0x60  }
0xbd: {  	[dreg:$0x2] =	wrdreg s24  }
0xbe: {  	[dreg:$0x3] =	wrdreg $0x9  }
0xbf: {  	_ =	task.clear_ibuf [dreg:s22], $0x4FFFF;
	_ =	strace $0x90000055  }
0xc0: {  	s29 =	simm.s32 $0x9;
	_ =	strace $0x80000057  }
0xc1: {  	_ =	swait.ge [sflag:s29], $0x1  }
0xc2: {  	[sflag:s29] =	ssyncadd.s32 $0xFFFFFFFF  }
0xc3: {  	_ =	strace $0x90000057  }
0xc4: {  	_ =	sfence  }
0xc5: {  	s30 =	sld [smem:$0x0];
	_ =	sdelay $0x2  }
0xc6: {  	s31 =	sshll.u32 s1, $0xD;
	s1 =	sshrl.u32 s1, $0x2  }
0xc7: {  	s4 =	sand.u32 $0x4000, s31;
	s1 =	sadd.s32 s1, s30  }
0xc8: {  	s0 =	sor.u32 s4, s0;
	s1 =	sshll.u32 s1, $0x11  }
0xc9: {  	s0 =	sor.u32 s1, s0  }
0xca: {  	s0 =	sadd.s32 $0x8F2B, s0  }
0xcb: {  	[sflag:s0] =	ssyncadd.remote.s32 $0x1  }
0xcc: {  	_ =	sfence.sel $0xFFFF  }
0xcd: {  	[dreg:$0x0] =	wrdreg $0xFFFFFFFF;
	(pc) =	sbr.abs _section_cstart, $3  }
0xce: {  	[dreg:$0x1] =	wrdreg $0xFFFFFFFF  }
0xcf: {  	_ =	task.clear_ibuf [dreg:s22], $0x2FFFF;
	_ =	strace $0x9FFFFFFF  }
0xd0: {  	(tm) =	ssettm $0x7FFFFFFF  }
0xd1: {  	_ =	shalt  }
tec
execute0_lowered:
.L_overlay_start_1:
0x0: {  	(tag) =	ssettag $0x1  }
0x1: {  	s7 =	rddreg [dreg:$0x0]  }
0x2: {  	s0 =	rddreg [dreg:$0x1];
	_ =	strace $0x80000056  }
0x3: {  	s1 =	srdreg.scid;
	s4 =	simm.s32 $0x1;
	s9 =	simm.s32 $0x3  }
0x4: {  	s11 =	simm.s32 $0x0;
	p0 =	por $0x0, $0x0;
	s5 =	sshll.u32 s1, $0x4  }
.Ltmp0:
0x5: {  	s1 =	stileid.u32;
	s5 =	sand.u32 $0x10, s5;
	(pc) =	sbr.rel .LBB2_1-.Ltmp0, $4  }
0x6: {  	s2 =	sadd.s32 $0x83D000, s7;
	s3 =	sadd.s32 $0x66A00, s7;
	s6 =	sor.u32 s1, s5  }
0x7: {  	[sflag:s4] =	ssyncpa.u1 $0x0;
	s5 =	simm.s32 $0x2;
	s6 =	sshll.u32 s6, $0xC  }
0x8: {  	s7 =	sadd.s32 $0x43D000, s7;
	[sflag:s5] =	ssyncpa.u1 $0x0;
	s8 =	sadd.s32 $0x1000, s6  }
0x9: {  	vm0 =	vmmov $0xff;
	vm1 =	vcmask $0x3F20;
	[sflag:s9] =	ssyncpa.u1 $0x0;
	s10 =	smov.u32 s6;
	s9 =	simm.s32 $0x0  }
.LBB2_7:
0xa: {  	p1 =	slt.u32 s9, $0x2;
	s11 =	sadd.s32 $0x100, s10  }
0xb: {  	s13 =	smov.u32 s6;
	s9 =	sadd.s32 $0x1, s9;
	p2 =	slt.s32 s11, s8  }
0xc: {  	s13 =	smov.u32 @p2 s11;
	p2 =	sne.s32 s9, $0x12  }
.Ltmp1:
0xd: {  	_ = 	snop;
	(pc) =	sbr.rel @!p2 .LBB2_8-.Ltmp1, $4  }
0xe: {  	s12 =	simm.s32 @!p1 $0x3  }
0xf: {  	_ =	swait.ge @!p1 [sflag:s12], $0x8000  }
0x10: {  	p0 =	por !p0, !p0;
	[sflag:s12] =	ssyncset.done @!p1 $0x0  }
0x11: {  	s11 =	smov.u32 s10;
	s10 =	smov.u32 s13;
	[sflag:s12] =	ssyncadd.s32 @!p1 $0xFFFF8000  }
.LBB2_1:
0x12: {  	p1 =	sgt.u32 s9, $0xF  }
0x13: {  	s12 =	sxor.u32 @!p1 $0xFFFFFFFF, s9  }
0x14: {  	s13 =	sshrl.u32 @!p1 s10, $0x3;
	s12 =	sshll.u32 @!p1 s12, $0x8  }
0x15: {  	s14 =	sand.u32 @!p1 $0x7, s10;
	s13 =	sadd.s32 @!p1 s3, s13;
	s12 =	sand.u32 @!p1 $0x100, s12  }
0x16: {  	[tilespmem:s12], [sflag:$0x2] =	stream.linear.gather @!p1 [hbm4b:s13+s14], $0x100, $0x38;
	[tilespmem:$0x10200] =	vst v63  }
0x17: {  	p1 =	seq.s32 s9, $0x0  }
0x18: {  	p2 =	seq.s32 @!p1 s9, $0x11  }
0x19: {  	p1 =	por p1, p2  }
.Ltmp2:
0x1a: {  	_ = 	snop;
	(pc) =	sbr.rel @p1 .LBB2_7-.Ltmp2, $1  }
0x1b: {  	_ =	sdelay $0x3  }
0x1c: {  	s12 =	simm.s32 $0x1  }
0x1d: {  	_ =	swait.ge [sflag:s5], $0x100;
	s12 =	simm.s32 @!p0 $0x0  }
0x1e: {  	[sflag:s5] =	ssyncset.done $0x0;
	s14 =	sshll.u32 s12, $0x8  }
0x1f: {  	[sflag:s5] =	ssyncadd.s32 $0xFFFFFF00;
	s13 =	sadd.s32 $0x0, s14  }
0x20: {  	v0 =	vld.msk [tilespmem:s13+$0x0 ss:$0x1], $0xffff;
	_ =	sdelay $0x4  }
0x21: {  	v1 =	vshll.u32 v0, $0x3  }
0x22: {  	vm2 =	veq.s32 v0, $0x80000000;
	v0 =	vshll.u32 v0, $0x14;
	v1 =	vand.u32 $0xFFF80, v1  }
0x23: {  	v0 =	vand.u32 $0xF00000, v0;
	v1 =	vsel vm2, $0xFFFFFF80, v1  }
0x24: {  	v0 =	vsel vm2, $0xFFF00000, v0;
	v2 =	vand.u32 $0xFFFFFC00, v1  }
0x25: {  	v1 =	vand.u32 $0x380, v1;
	v0 =	vadd.s32 v0, v2  }
0x26: {  	v0 =	vor.u32 v1, v0  }
0x27: {  	v0 =	vshrl.u32 v0, $0x3;
	_ =	sdelay $0x2  }
0x28: {  	s12 =	sshll.u32 s12, $0xF  }
0x29: {  	s12 =	sor.u32 $0x200, s12  }
0x2a: {  	[tilespmem:s12], [sflag:$0x1] =	stream.indirect_vreg.gather [hbm:s2], $0x80, v0, vm0, $0x38;
	[tilespmem:$0x10200] =	vst v63  }
0x2b: {  	s15 =	sadd.s32 $0x10, s14;
	s13 =	sadd.s32 $0x400, s12  }
0x2c: {  	[tilespmem:s13], [sflag:$0x1] =	stream.indirect_vreg.gather [hbm:s2], $0x80, v0, vm1, $0x38;
	[tilespmem:$0x10200] =	vst v63  }
0x2d: {  	s16 =	simm.s32 $0x80;
	v0 =	vld.msk [tilespmem:s15+$0x0 ss:$0x1], $0xffff;
	s15 =	smov.u32 s12  }
.LBB2_3:
0x2e: {  	p1 =	sne.s32 s16, $0x3C0;
	_ =	sdelay $0x4  }
0x2f: {  	v1 =	vshll.u32 v0, $0x3  }
0x30: {  	vm2 =	veq.s32 v0, $0x80000000;
	v0 =	vshll.u32 v0, $0x14;
	v1 =	vand.u32 $0xFFF80, v1  }
0x31: {  	v0 =	vand.u32 $0xF00000, v0;
	v1 =	vsel vm2, $0xFFFFFF80, v1  }
0x32: {  	v0 =	vsel vm2, $0xFFF00000, v0;
	v2 =	vand.u32 $0xFFFFFC00, v1  }
0x33: {  	v1 =	vand.u32 $0x380, v1;
	v0 =	vadd.s32 v0, v2  }
0x34: {  	v0 =	vor.u32 v1, v0  }
0x35: {  	v0 =	vshrl.u32 v0, $0x3;
	_ =	sdelay $0x3  }
.Ltmp3:
0x36: {  	s17 =	sshra.s32 s16, $0x2;
	s15 =	sadd.s32 $0x800, s15;
	(pc) =	sbr.rel @p1 .LBB2_3-.Ltmp3, $4  }
0x37: {  	[tilespmem:s15], [sflag:$0x1] =	stream.indirect_vreg.gather [hbm:s2], $0x80, v0, vm0, $0x38;
	[tilespmem:$0x10200] =	vst v63  }
0x38: {  	s17 =	sadd.s32 s17, s14;
	s18 =	sadd.s32 $0x400, s15  }
0x39: {  	[tilespmem:s18], [sflag:$0x1] =	stream.indirect_vreg.gather [hbm:s2], $0x80, v0, vm1, $0x38;
	[tilespmem:$0x10200] =	vst v63  }
0x3a: {  	s16 =	sadd.s32 $0x40, s16;
	v0 =	vld.msk [tilespmem:s17+$0x0 ss:$0x1], $0xffff  }
0x3b: {  	_ =	sdelay $0x3  }
0x3c: {  	v1 =	vshll.u32 v0, $0x3  }
0x3d: {  	vm2 =	veq.s32 v0, $0x80000000;
	v63 =	vshll.u32 v0, $0x14;
	v1 =	vand.u32 $0xFFF80, v1  }
0x3e: {  	v0 =	vand.u32 $0xF00000, v63;
	v1 =	vsel vm2, $0xFFFFFF80, v1  }
0x3f: {  	v0 =	vsel vm2, $0xFFF00000, v0;
	v2 =	vand.u32 $0xFFFFFC00, v1  }
0x40: {  	v1 =	vand.u32 $0x380, v1;
	v0 =	vadd.s32 v0, v2  }
0x41: {  	v0 =	vor.u32 v1, v0  }
0x42: {  	v0 =	vshrl.u32 v0, $0x3;
	_ =	sdelay $0x3  }
0x43: {  	s14 =	sadd.s32 $0x800, s15  }
0x44: {  	[tilespmem:s14], [sflag:$0x1] =	stream.indirect_vreg.gather [hbm:s2], $0x80, v0, vm0, $0x38;
	[tilespmem:$0x10200] =	vst v63  }
0x45: {  	s14 =	sadd.s32 $0x400, s14  }
0x46: {  	[tilespmem:s14], [sflag:$0x1] =	stream.indirect_vreg.gather [hbm:s2], $0x80, v0, vm1, $0x38;
	[tilespmem:$0x10200] =	vst v63  }
0x47: {  	s11 =	sshll.u32 s11, $0x4;
	_ =	swait.ge [sflag:s4], $0x8000  }
0x48: {  	s11 =	sadd.s32 s11, s7;
	[sflag:s4] =	ssyncset.done $0x0  }
0x49: {  	s15 =	sadd.s32 $0x0, s11;
	s14 =	simm.s32 $0x80;
	[sflag:s4] =	ssyncadd.s32 $0xFFFF8000  }
.LBB2_5:
0x4a: {  	[hbm:s15] =	stream.linear.scatter [tilespmem:s12], [sflag:$0x3], $0x400, $0x38;
	[tilespmem:$0x10200] =	vst v63  }
0x4b: {  	s15 =	smov.u32 s14;
	s12 =	smov.u32 s13;
	p1 =	sne.s32 s14, $0xF80  }
.Ltmp4:
0x4c: {  	s14 =	sadd.s32 $0x80, s14;
	(pc) =	sbr.rel @p1 .LBB2_5-.Ltmp4, $2  }
0x4d: {  	_ =	sdelay $0x2  }
0x4e: {  	s13 =	sadd.s32 $0x400, s13;
	s15 =	sadd.s32 s15, s11  }
.Ltmp5:
0x4f: {  	(pc) =	sbr.rel .LBB2_7-.Ltmp5, $2  }
0x50: {  	_ =	sdelay $0x2  }
0x51: {  	[hbm:s15] =	stream.linear.scatter [tilespmem:s12], [sflag:$0x3], $0x400, $0x38;
	[tilespmem:$0x10200] =	vst v63  }
.LBB2_8:
0x52: {  	_ =	sfence.sel $0x180000  }
0x53: {  	s2 =	simm.s32 $0x2;
	[bflag:$0x0] =	sbarrier.arrive $0xFFFF  }
0x54: {  	s30 =	simm.s32 $0x3;
	[sflag:s2] =	ssyncpa.u1 $0x1  }
0x55: {  	s31 =	simm.s32 $0x1;
	[sflag:s30] =	ssyncpa.u1 $0x1  }
0x56: {  	[sflag:s31] =	ssyncpa.u1 $0x1  }
0x57: {  	p0 =	sne.s32 s1, $0x0;
	_ =	strace $0x90000056  }
0x58: {  	s0 =	sadd.s32 @!p0 $0x100000, s0;
	[bflag:$0x2] =	sbarrier.arrive $0xFFFF  }
0x59: {  	[sflag:s0] =	ssyncadd.tile.s32 @!p0 $0x1;
	_ =	shalt  }
.Lfunc_end2:
_tile_overlayer_lowered:
.L_overlay_start_2:
0x5a: {  	(tag) =	ssettag $0x2  }
0x5b: {  	s0 =	rddreg [dreg:$0x0];
	s2 =	stileid.u32  }
0x5c: {  	s1 =	rddreg [dreg:$0x1];
	p0 =	sne.s32 s2, $0x0  }
0x5d: {  	s3 =	rddreg [dreg:$0x2];
	[bflag:$0x3] =	sbarrier.arrive $0xFFFF;
	s2 =	simm.s32 @!p0 $0x1C01  }
0x5e: {  	[timem:s3], [sflag:s2] =	dma.local @!p0 [hbm:s0], s1  }
0x5f: {  	s0 =	simm.s32 @!p0 $0x1  }
0x60: {  	_ =	swait.ge @!p0 [sflag:s0], s1  }
0x61: {  	s1 =	ssub.s32 @!p0 $0x0, s1;
	[sflag:s0] =	ssyncset.done @!p0 $0x0  }
0x62: {  	[sflag:s0] =	ssyncadd.s32 @!p0 s1  }
0x63: {  	[bflag:$0x3] =	sbarrier.arrive $0xFFFF  }
0x64: {  	_ =	shalt  }

// kernel: gather_offload_async_start.5
scs
__scs_entry_jumppad:
0x0: {  	(pc) =	sbr.rel $0x88, $3  }
0x1: {  	(tag) =	ssettag $0x0;
	lr =	simm.s32 $0x1  }
0x2: {  	[smem:$0x3F87] =	sst lr;
	_ =	strace $0xD0000000  }
0x3: {  	_ = 	snop  }
0x4: {  	_ = 	snop  }
0x5: {  	_ = 	snop  }
0x6: {  	_ = 	snop  }
0x7: {  	_ = 	snop  }
__scs_overlays_trampoline_lowered:
0x8: {  	[smem:$0x3F96] =	sst s0  }
0x9: {  	[smem:$0x3F97] =	sst s1  }
0xa: {  	[smem:$0x3F98] =	sst s2  }
0xb: {  	[smem:$0x3F99] =	sst s3  }
0xc: {  	[smem:$0x3F9A] =	sst s4  }
0xd: {  	[smem:$0x3F9B] =	sst s5  }
0xe: {  	[smem:$0x3F9C] =	sst s6  }
0xf: {  	[smem:$0x3F9D] =	sst s7  }
0x10: {  	[smem:$0x3F9E] =	sst s8  }
0x11: {  	[smem:$0x3F9F] =	sst s9;
	s0 =	simm.s32 @!p0 $0x0  }
0x12: {  	s1 =	sld [smem:$0x3F85];
	s0 =	simm.s32 @p0 $0x1  }
0x13: {  	[smem:$0x3FA0] =	sst s0;
	s0 =	simm.s32 @!p1 $0x0  }
0x14: {  	s2 =	sld [smem:$0x3F84];
	s0 =	simm.s32 @p1 $0x1  }
0x15: {  	[smem:$0x3FA1] =	sst s0;
	s0 =	simm.s32 @!p2 $0x0  }
0x16: {  	s3 =	sld [smem:$0x3FDB];
	s0 =	simm.s32 @p2 $0x1  }
0x17: {  	s4 =	simm.s32 $0x1BF5;
	[smem:$0x3FA3] =	sst s0  }
0x18: {  	s0 =	sld [smem:$0x3F86];
	_ =	swait.ge [sflag:s4], $0x0  }
0x19: {  	s7 =	sld [smem:$0x3F87]  }
0x1a: {  	s8 =	sadd.s32 $0xFFFFE003, lr  }
0x1b: {  	s9 =	sadd.s32 $0xFFFFFEF7, lr;
	s5 =	simm.s32 $0xFFFFFFFF;
	p2 =	slt.u32 s8, $0xFFFFF086  }
0x1c: {  	p1 =	slt.u32 s9, $0xF7A;
	s5 =	simm.s32 @!p2 $0x0  }
0x1d: {  	s5 =	simm.s32 @p1 $0x1;
	p0 =	seq.s32 s7, s2  }
0x1e: {  	s7 =	smul.u32 @!p0 $0xF7A, s2;
	p2 =	seq.s32 @!p0 s5, $0x0  }
0x1f: {  	s9 =	smul.u32 $0xF7A, s1;
	s8 =	simm.s32 @!p0 $0x1BF5;
	p2 =	por !p2, p0  }
0x20: {  	[sflag:s8] =	ssyncset.s32 @!p0 $0xFFFFF086;
	s6 =	sadd.s32 @!p0 s3, s7;
	s7 =	simm.s32 @!p0 $0x108  }
0x21: {  	s3 =	sadd.s32 s3, s9;
	s6 =	sadd.s32 @!p0 $0x88, s6;
	s7 =	simm.s32 @p2 $0x1082  }
0x22: {  	[simem:s7], [sflag:s8] =	dma.local @!p0 [hbm:s6], $0xF7A  }
0x23: {  	s9 =	sor.u32 $0xD0000000, s2;
	s6 =	simm.s32 $0x108;
	_ =	swait.ge @!p0 [sflag:s8], $0x0  }
0x24: {  	s3 =	sadd.s32 $0x88, s3;
	s6 =	simm.s32 @!p1 $0x1082;
	[sflag:s4] =	ssyncset.s32 $0xFFFFF086  }
0x25: {  	[simem:s6], [sflag:s4] =	dma.local [hbm:s3], $0xF7A  }
0x26: {  	[smem:$0x3F87] =	sst s1;
	(tag) =	ssettag s2;
	_ =	strace s9  }
0x27: {  	s1 =	sld [smem:$0x3F97]  }
0x28: {  	s2 =	sld [smem:$0x3F98]  }
0x29: {  	s4 =	sld [smem:$0x3F9A]  }
0x2a: {  	p0 =	seq.s32 s5, $0x0;
	s5 =	sld [smem:$0x3F9B]  }
0x2b: {  	s6 =	sld [smem:$0x3F9C]  }
0x2c: {  	s7 =	sld [smem:$0x3F9D]  }
0x2d: {  	s3 =	simm.s32 $0x108;
	s8 =	sld [smem:$0x3F9E]  }
0x2e: {  	s3 =	simm.s32 @!p0 $0x1082;
	s9 =	sld [smem:$0x3F9F]  }
0x2f: {  	lr =	sadd.s32 s0, s3;
	s0 =	sld [smem:$0x3F96]  }
0x30: {  	s3 =	sld [smem:$0x3F99]  }
0x31: {  	[smem:$0x3FA2] =	sst s10  }
0x32: {  	s10 =	sld [smem:$0x3FA0];
	_ =	sdelay $0x3  }
0x33: {  	p0 =	seq.s32 s10, $0x1;
	s10 =	sld [smem:$0x3FA2];
	_ =	sdelay $0x3  }
0x34: {  	[smem:$0x3FA2] =	sst s10  }
0x35: {  	s10 =	sld [smem:$0x3FA1];
	_ =	sdelay $0x3  }
0x36: {  	p1 =	seq.s32 s10, $0x1;
	s10 =	sld [smem:$0x3FA2];
	_ =	sdelay $0x3  }
0x37: {  	[smem:$0x3FA2] =	sst s10  }
0x38: {  	s10 =	sld [smem:$0x3FA3]  }
0x39: {  	_ = 	snop;
	(pc) =	sbr.ind lr, $3  }
0x3a: {  	_ = 	snop  }
0x3b: {  	_ = 	snop  }
0x3c: {  	p2 =	seq.s32 s10, $0x1;
	s10 =	sld [smem:$0x3FA2]  }
0x3d: {  	_ =	shalt  }
0x3e: {  	_ =	shalt  }
0x3f: {  	_ =	shalt  }
0x40: {  	_ =	shalt  }
0x41: {  	_ =	shalt  }
0x42: {  	_ =	shalt  }
0x43: {  	_ =	shalt  }
0x44: {  	_ =	shalt  }
0x45: {  	_ =	shalt  }
0x46: {  	_ =	shalt  }
0x47: {  	_ =	shalt  }
0x48: {  	_ =	shalt  }
0x49: {  	_ =	shalt  }
0x4a: {  	_ =	shalt  }
0x4b: {  	_ =	shalt  }
0x4c: {  	_ =	shalt  }
0x4d: {  	_ =	shalt  }
0x4e: {  	_ =	shalt  }
0x4f: {  	_ =	shalt  }
0x50: {  	_ =	shalt  }
0x51: {  	_ =	shalt  }
0x52: {  	_ =	shalt  }
0x53: {  	_ =	shalt  }
0x54: {  	_ =	shalt  }
0x55: {  	_ =	shalt  }
0x56: {  	_ =	shalt  }
0x57: {  	_ =	shalt  }
0x58: {  	_ =	shalt  }
0x59: {  	_ =	shalt  }
0x5a: {  	_ =	shalt  }
0x5b: {  	_ =	shalt  }
0x5c: {  	_ =	shalt  }
0x5d: {  	_ =	shalt  }
0x5e: {  	_ =	shalt  }
0x5f: {  	_ =	shalt  }
0x60: {  	_ =	shalt  }
0x61: {  	_ =	shalt  }
0x62: {  	_ =	shalt  }
0x63: {  	_ =	shalt  }
0x64: {  	_ =	shalt  }
0x65: {  	_ =	shalt  }
0x66: {  	_ =	shalt  }
0x67: {  	_ =	shalt  }
0x68: {  	_ =	shalt  }
0x69: {  	_ =	shalt  }
0x6a: {  	_ =	shalt  }
0x6b: {  	_ =	shalt  }
0x6c: {  	_ =	shalt  }
0x6d: {  	_ =	shalt  }
0x6e: {  	_ =	shalt  }
0x6f: {  	_ =	shalt  }
0x70: {  	_ =	shalt  }
0x71: {  	_ =	shalt  }
0x72: {  	_ =	shalt  }
0x73: {  	_ =	shalt  }
0x74: {  	_ =	shalt  }
0x75: {  	_ =	shalt  }
0x76: {  	_ =	shalt  }
0x77: {  	_ =	shalt  }
0x78: {  	_ =	shalt  }
0x79: {  	_ =	shalt  }
0x7a: {  	_ =	shalt  }
0x7b: {  	_ =	shalt  }
0x7c: {  	_ =	shalt  }
0x7d: {  	_ =	shalt  }
0x7e: {  	_ =	shalt  }
0x7f: {  	_ =	shalt  }
0x80: {  	_ =	shalt  }
0x81: {  	_ =	shalt  }
0x82: {  	_ =	shalt  }
0x83: {  	_ =	shalt  }
0x84: {  	_ =	shalt  }
0x85: {  	_ =	shalt  }
0x86: {  	_ =	shalt  }
0x87: {  	_ =	shalt  }
.Lfunc_end0:
.L_simem_size_0:
called_computation.5_lowered:
.L_overlay_start_0:
0x88: {  	s2 =	sld [smem:$0x3FD9]  }
0x89: {  	s3 =	sld [smem:$0x3FFE];
	_ =	sdelay $0x1  }
0x8a: {  	s1 =	srdreg.scid  }
0x8b: {  	s0 =	sand.u32 $0x1, s1  }
0x8c: {  	s16 =	sshll.u32 s0, $0xA;
	s2 =	sadd.s32 s3, s2  }
0x8d: {  	s2 =	sadd.s32 s2, s16  }
0x8e: {  	[smem:$0x3FAE] =	sst s2  }
0x8f: {  	_ = 	snop  }
0x90: {  	(tm) =	ssettm $0x1  }
0x91: {  	s17 =	sld [smem:$0x3FFB];
	_ =	sdelay $0x3  }
0x92: {  	_ =	strace s17  }
0x93: {  	s2 =	sld [smem:$0x3FFC];
	_ =	sdelay $0x3  }
0x94: {  	_ =	strace s2  }
0x95: {  	s2 =	sld [smem:$0x3FFD];
	_ =	sdelay $0x3  }
0x96: {  	_ =	strace s2  }
0x97: {  	_ =	strace $0x8FFFFFFF  }
0x98: {  	s18 =	sld [smem:$0x3FDB];
	_ =	sdelay $0x1  }
0x99: {  	s19 =	simm.s32 $_scs_section_size  }
0x9a: {  	s4 =	simm.s32 $_size__tile_overlayer_lowered;
	s5 =	simm.s32 $_tile_overlayer_lowered  }
0x9b: {  	s22 =	simm.s32 $0x1BFF;
	s21 =	sshll.u32 s5, $0x1;
	s2 =	sadd.s32 s19, s18  }
0x9c: {  	s6 =	simm.s32 $0x0;
	s20 =	sshll.u32 s4, $0x1;
	s4 =	sadd.s32 s21, s2  }
0x9d: {  	[timem:s6], [sflag:s22] =	dma.local [hbm:s4], s20  }
0x9e: {  	_ =	swait.ge [sflag:s22], s20  }
0x9f: {  	s3 =	ssub.s32 $0x0, s20;
	[sflag:s22] =	ssyncset.done $0x0  }
0xa0: {  	[sflag:s22] =	ssyncadd.s32 s3;
	_ =	sdelay $0x1  }
0xa1: {  	s23 =	simm.s32 $0x1B8B  }
0xa2: {  	_ =	swait.ge [sflag:s23], $0x1  }
0xa3: {  	[sflag:s23] =	ssyncset.done $0x0  }
0xa4: {  	s25 =	simm.s32 $0x1B8E;
	s24 =	sld [smem:$0x3FFE];
	[sflag:s23] =	ssyncadd.s32 $0xFFFFFFFF  }
0xa5: {  	s26 =	simm.s32 $execute0_lowered;
	[smem:$0x3FD2] =	sst s25  }
0xa6: {  	s4 =	sshll.u32 s26, $0x1;
	_ =	strace $0x80000052;
	[dreg:$0x1] =	wrdreg $0xFFFFFFFF  }
0xa7: {  	s28 =	simm.s32 $_size_execute0_lowered;
	s2 =	sadd.s32 s2, s4;
	[dreg:$0x0] =	wrdreg $0x0  }
0xa8: {  	s4 =	sshll.u32 s28, $0x1;
	[dreg:$0x2] =	wrdreg s2  }
0xa9: {  	[dreg:$0x3] =	wrdreg s4  }
0xaa: {  	[dreg:$0x4] =	wrdreg $0xC0  }
0xab: {  	_ =	task [dreg:s6], $0x5FFFF  }
0xac: {  	[dreg:$0x1] =	wrdreg $0xFFFFFFFF  }
0xad: {  	[dreg:$0x0] =	wrdreg $0x60  }
0xae: {  	[dreg:$0x2] =	wrdreg s24  }
0xaf: {  	[dreg:$0x3] =	wrdreg $0xA  }
0xb0: {  	_ =	task.clear_ibuf [dreg:s6], $0x4FFFF;
	_ =	strace $0x90000052  }
0xb1: {  	s29 =	simm.s32 $0xA;
	_ =	strace $0x80000054  }
0xb2: {  	_ =	swait.ge [sflag:s29], $0x1  }
0xb3: {  	[sflag:s29] =	ssyncadd.s32 $0xFFFFFFFF  }
0xb4: {  	_ =	strace $0x90000054  }
0xb5: {  	_ =	sfence  }
0xb6: {  	s30 =	sld [smem:$0x0];
	_ =	sdelay $0x2  }
0xb7: {  	s31 =	sshll.u32 s1, $0xD;
	s1 =	sshrl.u32 s1, $0x2  }
0xb8: {  	s3 =	sand.u32 $0x4000, s31;
	s1 =	sadd.s32 s1, s30  }
0xb9: {  	s0 =	sor.u32 s3, s0;
	s1 =	sshll.u32 s1, $0x11  }
0xba: {  	s0 =	sor.u32 s1, s0  }
0xbb: {  	s0 =	sadd.s32 $0x8F2B, s0  }
0xbc: {  	[sflag:s0] =	ssyncadd.remote.s32 $0x1  }
0xbd: {  	_ =	sfence.sel $0xFFFF  }
0xbe: {  	[dreg:$0x0] =	wrdreg $0xFFFFFFFF;
	(pc) =	sbr.abs _section_cstart, $3  }
0xbf: {  	[dreg:$0x1] =	wrdreg $0xFFFFFFFF  }
0xc0: {  	_ =	task.clear_ibuf [dreg:s6], $0x2FFFF;
	_ =	strace $0x9FFFFFFF  }
0xc1: {  	(tm) =	ssettm $0x7FFFFFFF  }
tec
execute0_lowered:
.L_overlay_start_1:
0x0: {  	(tag) =	ssettag $0x1  }
0x1: {  	s0 =	srdreg.scid;
	s5 =	rddreg [dreg:$0x0]  }
0x2: {  	s1 =	stileid.u32;
	s6 =	simm.s32 $0x1;
	s9 =	simm.s32 $0x1  }
0x3: {  	s10 =	simm.s32 $0x3;
	s13 =	simm.s32 $0x0;
	s2 =	sshll.u32 s0, $0xB  }
0x4: {  	s12 =	simm.s32 $0x0;
	s3 =	sshll.u32 s1, $0xC;
	s2 =	sand.u32 $0x800, s2  }
0x5: {  	s0 =	rddreg [dreg:$0x1];
	_ =	strace $0x80000053;
	s2 =	sor.u32 s3, s2  }
0x6: {  	s4 =	sadd.s32 $0x5EA00, s5;
	[sflag:s6] =	ssyncpa.u1 $0x0;
	s8 =	ssub.s32 $0x20000, s2  }
.Ltmp0:
0x7: {  	s3 =	sadd.s32 $0x41400, s5;
	s7 =	sand.u32 $0xF800, s8;
	(pc) =	sbr.rel .LBB2_1-.Ltmp0, $4  }
0x8: {  	s5 =	sadd.s32 $0x62A00, s5;
	s11 =	smov.u32 s2;
	p0 =	sne.s32 s7, $0x0  }
0x9: {  	s8 =	sshrl.u32 s8, $0x10;
	s7 =	simm.s32 $0x2;
	s9 =	simm.s32 @!p0 $0x0  }
0xa: {  	[sflag:s7] =	ssyncpa.u1 $0x0;
	p0 =	por $0x0, $0x0;
	s8 =	sadd.s32 s9, s8  }
0xb: {  	vm0 =	vmmov $0xffff;
	[sflag:s10] =	ssyncpa.u1 $0x0;
	s10 =	simm.s32 $0x0;
	s9 =	sadd.s32 $0x1, s8  }
.LBB2_4:
0xc: {  	vm1 =	veq.s32 v0, $0x80000000;
	v63 =	vand.u32 $0xF, v0;
	v2 =	vand.u32 $0x1FFF, v2  }
0xd: {  	v0 =	vsel vm1, $0xFFFFFFFF, v63;
	v2 =	vsel vm1, $0xFFFFFFFF, v2  }
0xe: {  	v3 =	vshll.u32 v0, $0xD;
	v4 =	vshll.u32 v2, $0x3  }
0xf: {  	v0 =	vshll.u32 v0, $0x7;
	v3 =	vand.u32 $0xFFFF0000, v3;
	v4 =	vand.u32 $0xFFFFFC00, v4  }
0x10: {  	v0 =	vand.u32 $0x380, v0;
	v3 =	vadd.s32 v3, v4  }
0x11: {  	v2 =	vand.u32 $0x7F, v2;
	v0 =	vor.u32 v0, v3  }
0x12: {  	v0 =	vor.u32 v2, v0;
	_ =	sdelay $0x1  }
0x13: {  	(ifvalue) =	ssetifvalue $0x7FFFFFFF;
	s14 =	sadd.s32 $0x10, s14  }
0x14: {  	[tilespmem:s14], [sflag:$0x1] =	stream.indirect_vreg.gather [hbm4b:s3+s10], $0x1, v1, vm0, $0x4038;
	[tilespmem:$0x2000] =	vst v63  }
0x15: {  	(ifvalue) =	ssetifvalue $0x7FFFFFFF;
	s14 =	sadd.s32 $0x10, s14  }
0x16: {  	[tilespmem:s14], [sflag:$0x1] =	stream.indirect_vreg.gather [hbm4b:s3+s10], $0x1, v0, vm0, $0x4038;
	[tilespmem:$0x2000] =	vst v63  }
0x17: {  	_ =	swait.ge [sflag:s6], $0x800  }
0x18: {  	s30 =	sshrl.u32 s13, $0x3;
	[sflag:s6] =	ssyncset.done $0x0  }
0x19: {  	s31 =	sand.u32 $0x7, s13;
	s14 =	sadd.s32 s5, s30;
	[sflag:s6] =	ssyncadd.s32 $0xFFFFF800  }
0x1a: {  	[hbm4b:s14+s31] =	stream.linear.scatter [tilespmem:s15], [sflag:$0x3], $0x800, $0x38;
	[tilespmem:$0x2000] =	vst v63  }
.LBB2_5:
0x1b: {  	s15 =	sadd.s32 $0x10000, s11  }
0x1c: {  	p2 =	sgt.s32 s15, $0x1FFFF  }
0x1d: {  	s15 =	smov.u32 @p2 s2;
	p2 =	sne.s32 s12, s9  }
.Ltmp1:
0x1e: {  	p1 =	slt.u32 s12, $0x2;
	(pc) =	sbr.rel @!p2 .LBB2_6-.Ltmp1, $4  }
0x1f: {  	s14 =	simm.s32 @!p1 $0x3  }
0x20: {  	s16 =	sadd.s32 $0x1, s12;
	_ =	swait.ge @!p1 [sflag:s14], $0x800  }
0x21: {  	s13 =	smov.u32 s11;
	p0 =	por !p0, !p0;
	[sflag:s14] =	ssyncset.done @!p1 $0x0  }
0x22: {  	s12 =	smov.u32 s16;
	s11 =	smov.u32 s15;
	[sflag:s14] =	ssyncadd.s32 @!p1 $0xFFFFF800  }
.LBB2_1:
0x23: {  	p1 =	sge.u32 s12, s8  }
0x24: {  	s14 =	sxor.u32 @!p1 $0xFFFFFFFF, s12  }
0x25: {  	s31 =	sadd.s32 $0xFFFFFFFF, s12;
	s15 =	sshrl.u32 @!p1 s11, $0x3;
	s14 =	sshll.u32 @!p1 s14, $0xB  }
0x26: {  	s16 =	sand.u32 @!p1 $0x7, s11;
	s15 =	sadd.s32 @!p1 s4, s15;
	s14 =	sand.u32 @!p1 $0x800, s14  }
0x27: {  	[tilespmem:s14], [sflag:$0x2] =	stream.linear.gather @!p1 [hbm4b:s15+s16], $0x800, $0x38;
	[tilespmem:$0x2000] =	vst v63  }
0x28: {  	p1 =	sge.u32 s31, s8  }
.Ltmp2:
0x29: {  	_ = 	snop;
	(pc) =	sbr.rel @p1 .LBB2_5-.Ltmp2, $1  }
0x2a: {  	_ =	sdelay $0x3  }
0x2b: {  	s14 =	simm.s32 $0x1  }
0x2c: {  	_ =	swait.ge [sflag:s7], $0x800;
	s14 =	simm.s32 @!p0 $0x0  }
0x2d: {  	[sflag:s7] =	ssyncset.done $0x0;
	s14 =	sshll.u32 s14, $0xB  }
0x2e: {  	[sflag:s7] =	ssyncadd.s32 $0xFFFFF800;
	(ifvalue) =	ssetifvalue $0x7FFFFFFF;
	v0 =	vld.msk [tilespmem:s14+$0x0 ss:$0x1], $0xffff;
	_ =	sdelay $0x3  }
0x2f: {  	s15 =	sadd.s32 $0x10, s14  }
0x30: {  	v2 =	vld.msk [tilespmem:s15+$0x0 ss:$0x1], $0xffff;
	v1 =	vshrl.u32 v0, $0x4  }
0x31: {  	vm1 =	veq.s32 v0, $0x80000000;
	v0 =	vand.u32 $0xF, v0;
	v1 =	vand.u32 $0x1FFF, v1  }
0x32: {  	v0 =	vsel vm1, $0xFFFFFFFF, v0;
	v1 =	vsel vm1, $0xFFFFFFFF, v1  }
0x33: {  	v3 =	vshll.u32 v0, $0xD;
	v4 =	vshll.u32 v1, $0x3  }
0x34: {  	v0 =	vshll.u32 v0, $0x7;
	v3 =	vand.u32 $0xFFFF0000, v3;
	v4 =	vand.u32 $0xFFFFFC00, v4  }
0x35: {  	vm1 =	veq.s32 v2, $0x80000000;
	v0 =	vand.u32 $0x380, v0;
	v3 =	vadd.s32 v3, v4  }
0x36: {  	v1 =	vand.u32 $0x7F, v1;
	v0 =	vor.u32 v0, v3;
	v3 =	vshrl.u32 v2, $0x4  }
0x37: {  	s17 =	sadd.s32 $0x10, s15;
	v2 =	vand.u32 $0xF, v2;
	v1 =	vor.u32 v1, v0;
	v3 =	vand.u32 $0x1FFF, v3  }
0x38: {  	v0 =	vld.msk [tilespmem:s17+$0x0 ss:$0x1], $0xffff;
	v2 =	vsel vm1, $0xFFFFFFFF, v2;
	v3 =	vsel vm1, $0xFFFFFFFF, v3  }
0x39: {  	v63 =	vshll.u32 v2, $0xD;
	v5 =	vshll.u32 v3, $0x3  }
0x3a: {  	s31 =	sshll.u32 s12, $0xB;
	v2 =	vshll.u32 v2, $0x7;
	v4 =	vand.u32 $0xFFFF0000, v63;
	v5 =	vand.u32 $0xFFFFFC00, v5  }
0x3b: {  	s14 =	sor.u32 $0x1000, s14;
	s15 =	sand.u32 $0x800, s31;
	(ifvalue) =	ssetifvalue $0x7FFFFFFF;
	v2 =	vand.u32 $0x380, v2;
	v4 =	vadd.s32 v4, v5  }
0x3c: {  	[tilespmem:s14], [sflag:$0x1] =	stream.indirect_vreg.gather [hbm4b:s3+s10], $0x1, v1, vm0, $0x4038;
	v1 =	vand.u32 $0x7F, v3;
	v3 =	vor.u32 v2, v4;
	[tilespmem:$0x2000] =	vst v63  }
0x3d: {  	s16 =	simm.s32 $0x20;
	s15 =	sor.u32 $0x1000, s15;
	s17 =	sadd.s32 $0x10, s17;
	v2 =	vshrl.u32 v0, $0x4;
	v1 =	vor.u32 v1, v3  }
.LBB2_3:
0x3e: {  	s16 =	sadd.s32 $0x10, s16;
	vm1 =	veq.s32 v0, $0x80000000;
	v3 =	vand.u32 $0xF, v0;
	v0 =	vld.msk [tilespmem:s17+$0x0 ss:$0x1], $0xffff;
	v2 =	vand.u32 $0x1FFF, v2  }
0x3f: {  	p1 =	slt.u32 s16, $0x7F0;
	v3 =	vsel vm1, $0xFFFFFFFF, v3;
	v2 =	vsel vm1, $0xFFFFFFFF, v2  }
.Ltmp3:
0x40: {  	v4 =	vshll.u32 v3, $0xD;
	v5 =	vshll.u32 v2, $0x3;
	(pc) =	sbr.rel @p1 .LBB2_3-.Ltmp3, $4  }
0x41: {  	s14 =	sadd.s32 $0x10, s14;
	v3 =	vshll.u32 v3, $0x7;
	v4 =	vand.u32 $0xFFFF0000, v4;
	v5 =	vand.u32 $0xFFFFFC00, v5;
	(ifvalue) =	ssetifvalue $0x7FFFFFFF  }
0x42: {  	v3 =	vand.u32 $0x380, v3;
	v4 =	vadd.s32 v4, v5;
	[tilespmem:s14], [sflag:$0x1] =	stream.indirect_vreg.gather [hbm4b:s3+s10], $0x1, v1, vm0, $0x4038;
	[tilespmem:$0x2000] =	vst v63  }
0x43: {  	v1 =	vand.u32 $0x7F, v2;
	v3 =	vor.u32 v3, v4  }
0x44: {  	s17 =	sadd.s32 $0x10, s17;
	v2 =	vshrl.u32 v0, $0x4;
	v1 =	vor.u32 v1, v3  }
.Ltmp4:
0x45: {  	_ = 	snop;
	(pc) =	sbr.rel .LBB2_4-.Ltmp4, $1  }
0x46: {  	_ =	sdelay $0x3  }
.LBB2_6:
0x47: {  	_ =	sfence.sel $0x180000  }
0x48: {  	s2 =	simm.s32 $0x2;
	[bflag:$0x0] =	sbarrier.arrive $0xFFFF  }
0x49: {  	s30 =	simm.s32 $0x3;
	[sflag:s2] =	ssyncpa.u1 $0x1  }
0x4a: {  	s31 =	simm.s32 $0x1;
	[sflag:s30] =	ssyncpa.u1 $0x1  }
0x4b: {  	[sflag:s31] =	ssyncpa.u1 $0x1  }
0x4c: {  	p0 =	sne.s32 s1, $0x0;
	_ =	strace $0x90000053  }
0x4d: {  	s0 =	sadd.s32 @!p0 $0x100000, s0;
	[bflag:$0x2] =	sbarrier.arrive $0xFFFF  }
0x4e: {  	[sflag:s0] =	ssyncadd.tile.s32 @!p0 $0x1;
	_ =	shalt  }
.Lfunc_end2:
_tile_overlayer_lowered:
.L_overlay_start_2:
0x4f: {  	(tag) =	ssettag $0x2  }
0x50: {  	s0 =	rddreg [dreg:$0x0];
	s2 =	stileid.u32  }
0x51: {  	s1 =	rddreg [dreg:$0x1];
	p0 =	sne.s32 s2, $0x0  }
0x52: {  	s3 =	rddreg [dreg:$0x2];
	[bflag:$0x3] =	sbarrier.arrive $0xFFFF;
	s2 =	simm.s32 @!p0 $0x1C01  }
0x53: {  	[timem:s3], [sflag:s2] =	dma.local @!p0 [hbm:s0], s1  }
0x54: {  	s0 =	simm.s32 @!p0 $0x1  }
0x55: {  	_ =	swait.ge @!p0 [sflag:s0], s1  }
0x56: {  	s1 =	ssub.s32 @!p0 $0x0, s1;
	[sflag:s0] =	ssyncset.done @!p0 $0x0  }
0x57: {  	[sflag:s0] =	ssyncadd.s32 @!p0 s1  }
0x58: {  	[bflag:$0x3] =	sbarrier.arrive $0xFFFF  }
0x59: {  	_ =	shalt  }

// kernel: gather_offload_async_start.6
scs
__scs_entry_jumppad:
0x0: {  	(pc) =	sbr.rel $0x88, $3  }
0x1: {  	(tag) =	ssettag $0x0;
	lr =	simm.s32 $0x1  }
0x2: {  	[smem:$0x3F87] =	sst lr;
	_ =	strace $0xD0000000  }
0x3: {  	_ = 	snop  }
0x4: {  	_ = 	snop  }
0x5: {  	_ = 	snop  }
0x6: {  	_ = 	snop  }
0x7: {  	_ = 	snop  }
__scs_overlays_trampoline_lowered:
0x8: {  	[smem:$0x3F96] =	sst s0  }
0x9: {  	[smem:$0x3F97] =	sst s1  }
0xa: {  	[smem:$0x3F98] =	sst s2  }
0xb: {  	[smem:$0x3F99] =	sst s3  }
0xc: {  	[smem:$0x3F9A] =	sst s4  }
0xd: {  	[smem:$0x3F9B] =	sst s5  }
0xe: {  	[smem:$0x3F9C] =	sst s6  }
0xf: {  	[smem:$0x3F9D] =	sst s7  }
0x10: {  	[smem:$0x3F9E] =	sst s8  }
0x11: {  	[smem:$0x3F9F] =	sst s9;
	s0 =	simm.s32 @!p0 $0x0  }
0x12: {  	s1 =	sld [smem:$0x3F85];
	s0 =	simm.s32 @p0 $0x1  }
0x13: {  	[smem:$0x3FA0] =	sst s0;
	s0 =	simm.s32 @!p1 $0x0  }
0x14: {  	s2 =	sld [smem:$0x3F84];
	s0 =	simm.s32 @p1 $0x1  }
0x15: {  	[smem:$0x3FA1] =	sst s0;
	s0 =	simm.s32 @!p2 $0x0  }
0x16: {  	s3 =	sld [smem:$0x3FDB];
	s0 =	simm.s32 @p2 $0x1  }
0x17: {  	s4 =	simm.s32 $0x1BF5;
	[smem:$0x3FA3] =	sst s0  }
0x18: {  	s0 =	sld [smem:$0x3F86];
	_ =	swait.ge [sflag:s4], $0x0  }
0x19: {  	s7 =	sld [smem:$0x3F87]  }
0x1a: {  	s8 =	sadd.s32 $0xFFFFE003, lr  }
0x1b: {  	s9 =	sadd.s32 $0xFFFFFEF7, lr;
	s5 =	simm.s32 $0xFFFFFFFF;
	p2 =	slt.u32 s8, $0xFFFFF086  }
0x1c: {  	p1 =	slt.u32 s9, $0xF7A;
	s5 =	simm.s32 @!p2 $0x0  }
0x1d: {  	s5 =	simm.s32 @p1 $0x1;
	p0 =	seq.s32 s7, s2  }
0x1e: {  	s7 =	smul.u32 @!p0 $0xF7A, s2;
	p2 =	seq.s32 @!p0 s5, $0x0  }
0x1f: {  	s9 =	smul.u32 $0xF7A, s1;
	s8 =	simm.s32 @!p0 $0x1BF5;
	p2 =	por !p2, p0  }
0x20: {  	[sflag:s8] =	ssyncset.s32 @!p0 $0xFFFFF086;
	s6 =	sadd.s32 @!p0 s3, s7;
	s7 =	simm.s32 @!p0 $0x108  }
0x21: {  	s3 =	sadd.s32 s3, s9;
	s6 =	sadd.s32 @!p0 $0x88, s6;
	s7 =	simm.s32 @p2 $0x1082  }
0x22: {  	[simem:s7], [sflag:s8] =	dma.local @!p0 [hbm:s6], $0xF7A  }
0x23: {  	s9 =	sor.u32 $0xD0000000, s2;
	s6 =	simm.s32 $0x108;
	_ =	swait.ge @!p0 [sflag:s8], $0x0  }
0x24: {  	s3 =	sadd.s32 $0x88, s3;
	s6 =	simm.s32 @!p1 $0x1082;
	[sflag:s4] =	ssyncset.s32 $0xFFFFF086  }
0x25: {  	[simem:s6], [sflag:s4] =	dma.local [hbm:s3], $0xF7A  }
0x26: {  	[smem:$0x3F87] =	sst s1;
	(tag) =	ssettag s2;
	_ =	strace s9  }
0x27: {  	s1 =	sld [smem:$0x3F97]  }
0x28: {  	s2 =	sld [smem:$0x3F98]  }
0x29: {  	s4 =	sld [smem:$0x3F9A]  }
0x2a: {  	p0 =	seq.s32 s5, $0x0;
	s5 =	sld [smem:$0x3F9B]  }
0x2b: {  	s6 =	sld [smem:$0x3F9C]  }
0x2c: {  	s7 =	sld [smem:$0x3F9D]  }
0x2d: {  	s3 =	simm.s32 $0x108;
	s8 =	sld [smem:$0x3F9E]  }
0x2e: {  	s3 =	simm.s32 @!p0 $0x1082;
	s9 =	sld [smem:$0x3F9F]  }
0x2f: {  	lr =	sadd.s32 s0, s3;
	s0 =	sld [smem:$0x3F96]  }
0x30: {  	s3 =	sld [smem:$0x3F99]  }
0x31: {  	[smem:$0x3FA2] =	sst s10  }
0x32: {  	s10 =	sld [smem:$0x3FA0];
	_ =	sdelay $0x3  }
0x33: {  	p0 =	seq.s32 s10, $0x1;
	s10 =	sld [smem:$0x3FA2];
	_ =	sdelay $0x3  }
0x34: {  	[smem:$0x3FA2] =	sst s10  }
0x35: {  	s10 =	sld [smem:$0x3FA1];
	_ =	sdelay $0x3  }
0x36: {  	p1 =	seq.s32 s10, $0x1;
	s10 =	sld [smem:$0x3FA2];
	_ =	sdelay $0x3  }
0x37: {  	[smem:$0x3FA2] =	sst s10  }
0x38: {  	s10 =	sld [smem:$0x3FA3]  }
0x39: {  	_ = 	snop;
	(pc) =	sbr.ind lr, $3  }
0x3a: {  	_ = 	snop  }
0x3b: {  	_ = 	snop  }
0x3c: {  	p2 =	seq.s32 s10, $0x1;
	s10 =	sld [smem:$0x3FA2]  }
0x3d: {  	_ =	shalt  }
0x3e: {  	_ =	shalt  }
0x3f: {  	_ =	shalt  }
0x40: {  	_ =	shalt  }
0x41: {  	_ =	shalt  }
0x42: {  	_ =	shalt  }
0x43: {  	_ =	shalt  }
0x44: {  	_ =	shalt  }
0x45: {  	_ =	shalt  }
0x46: {  	_ =	shalt  }
0x47: {  	_ =	shalt  }
0x48: {  	_ =	shalt  }
0x49: {  	_ =	shalt  }
0x4a: {  	_ =	shalt  }
0x4b: {  	_ =	shalt  }
0x4c: {  	_ =	shalt  }
0x4d: {  	_ =	shalt  }
0x4e: {  	_ =	shalt  }
0x4f: {  	_ =	shalt  }
0x50: {  	_ =	shalt  }
0x51: {  	_ =	shalt  }
0x52: {  	_ =	shalt  }
0x53: {  	_ =	shalt  }
0x54: {  	_ =	shalt  }
0x55: {  	_ =	shalt  }
0x56: {  	_ =	shalt  }
0x57: {  	_ =	shalt  }
0x58: {  	_ =	shalt  }
0x59: {  	_ =	shalt  }
0x5a: {  	_ =	shalt  }
0x5b: {  	_ =	shalt  }
0x5c: {  	_ =	shalt  }
0x5d: {  	_ =	shalt  }
0x5e: {  	_ =	shalt  }
0x5f: {  	_ =	shalt  }
0x60: {  	_ =	shalt  }
0x61: {  	_ =	shalt  }
0x62: {  	_ =	shalt  }
0x63: {  	_ =	shalt  }
0x64: {  	_ =	shalt  }
0x65: {  	_ =	shalt  }
0x66: {  	_ =	shalt  }
0x67: {  	_ =	shalt  }
0x68: {  	_ =	shalt  }
0x69: {  	_ =	shalt  }
0x6a: {  	_ =	shalt  }
0x6b: {  	_ =	shalt  }
0x6c: {  	_ =	shalt  }
0x6d: {  	_ =	shalt  }
0x6e: {  	_ =	shalt  }
0x6f: {  	_ =	shalt  }
0x70: {  	_ =	shalt  }
0x71: {  	_ =	shalt  }
0x72: {  	_ =	shalt  }
0x73: {  	_ =	shalt  }
0x74: {  	_ =	shalt  }
0x75: {  	_ =	shalt  }
0x76: {  	_ =	shalt  }
0x77: {  	_ =	shalt  }
0x78: {  	_ =	shalt  }
0x79: {  	_ =	shalt  }
0x7a: {  	_ =	shalt  }
0x7b: {  	_ =	shalt  }
0x7c: {  	_ =	shalt  }
0x7d: {  	_ =	shalt  }
0x7e: {  	_ =	shalt  }
0x7f: {  	_ =	shalt  }
0x80: {  	_ =	shalt  }
0x81: {  	_ =	shalt  }
0x82: {  	_ =	shalt  }
0x83: {  	_ =	shalt  }
0x84: {  	_ =	shalt  }
0x85: {  	_ =	shalt  }
0x86: {  	_ =	shalt  }
0x87: {  	_ =	shalt  }
.Lfunc_end0:
.L_simem_size_0:
called_computation.6_lowered:
.L_overlay_start_0:
0x88: {  	s2 =	sld [smem:$0x3FD9]  }
0x89: {  	s3 =	sld [smem:$0x3FFE];
	_ =	sdelay $0x1  }
0x8a: {  	s1 =	srdreg.scid  }
0x8b: {  	s0 =	sand.u32 $0x1, s1  }
0x8c: {  	s17 =	sshll.u32 s0, $0xA;
	s2 =	sadd.s32 s3, s2  }
0x8d: {  	s2 =	sadd.s32 s2, s17  }
0x8e: {  	[smem:$0x3FAE] =	sst s2  }
0x8f: {  	_ = 	snop  }
0x90: {  	(tm) =	ssettm $0x1  }
0x91: {  	s18 =	sld [smem:$0x3FFB];
	_ =	sdelay $0x3  }
0x92: {  	_ =	strace s18  }
0x93: {  	s2 =	sld [smem:$0x3FFC];
	_ =	sdelay $0x3  }
0x94: {  	_ =	strace s2  }
0x95: {  	s2 =	sld [smem:$0x3FFD];
	_ =	sdelay $0x3  }
0x96: {  	_ =	strace s2  }
0x97: {  	_ =	strace $0x8FFFFFFF  }
0x98: {  	s19 =	sld [smem:$0x3FDB];
	_ =	sdelay $0x1  }
0x99: {  	s20 =	simm.s32 $_scs_section_size  }
0x9a: {  	s4 =	simm.s32 $_size__tile_overlayer_lowered;
	s5 =	simm.s32 $_tile_overlayer_lowered  }
0x9b: {  	s6 =	simm.s32 $0x1BFF;
	s21 =	sshll.u32 s5, $0x1;
	s3 =	sadd.s32 s20, s19  }
0x9c: {  	s22 =	simm.s32 $0x0;
	s4 =	sshll.u32 s4, $0x1;
	s5 =	sadd.s32 s21, s3  }
0x9d: {  	[timem:s22], [sflag:s6] =	dma.local [hbm:s5], s4  }
0x9e: {  	_ =	swait.ge [sflag:s6], s4  }
0x9f: {  	s4 =	ssub.s32 $0x0, s4;
	[sflag:s6] =	ssyncset.done $0x0  }
0xa0: {  	[sflag:s6] =	ssyncadd.s32 s4;
	_ =	sdelay $0x1  }
0xa1: {  	s23 =	simm.s32 $0x1B8B  }
0xa2: {  	_ =	swait.ge [sflag:s23], $0x1  }
0xa3: {  	[sflag:s23] =	ssyncset.done $0x0  }
0xa4: {  	[sflag:s23] =	ssyncadd.s32 $0xFFFFFFFF  }
0xa5: {  	s4 =	sld [smem:$0x0]  }
0xa6: {  	s5 =	sand.u32 $0xFFFFFFFE, s1  }
0xa7: {  	p0 =	sne.s32 s1, s5  }
0xa8: {  	s5 =	sshll.u32 @p0 s5, $0xE  }
0xa9: {  	s5 =	sadd.s32 @p0 $0x11B8D, s5;
	s6 =	sshll.u32 @p0 s4, $0x11  }
0xaa: {  	s5 =	sor.u32 @p0 s6, s5  }
0xab: {  	[sflag:s5] =	ssyncadd.remote.s32 @p0 $0x1;
	_ =	sdelay $0x1  }
0xac: {  	s5 =	simm.s32 @p0 $0x1B8D  }
0xad: {  	_ =	swait.eq @p0 [sflag:s5], $0x1  }
0xae: {  	[sflag:s5] =	ssyncadd.s32 @p0 $0xFFFFFFFF  }
0xaf: {  	s6 =	sshll.u32 @!p0 s1, $0xE  }
0xb0: {  	s6 =	sor.u32 @!p0 $0x4000, s6;
	s5 =	simm.s32 @!p0 $0x1B8D  }
0xb1: {  	s4 =	sshll.u32 @!p0 s4, $0x11;
	s6 =	sadd.s32 @!p0 $0x11B8D, s6;
	_ =	swait.eq @!p0 [sflag:s5], $0x1  }
0xb2: {  	s4 =	sor.u32 @!p0 s4, s6;
	[sflag:s5] =	ssyncadd.s32 @!p0 $0xFFFFFFFF  }
0xb3: {  	s25 =	simm.s32 $0x1B8E;
	s24 =	sld [smem:$0x3FFE];
	[sflag:s4] =	ssyncadd.remote.s32 @!p0 $0x1  }
0xb4: {  	s26 =	simm.s32 $execute0_lowered;
	[smem:$0x3FD2] =	sst s25  }
0xb5: {  	s5 =	sshll.u32 s26, $0x1;
	_ =	strace $0x8000005B;
	[dreg:$0x1] =	wrdreg $0xFFFFFFFF  }
0xb6: {  	s28 =	simm.s32 $_size_execute0_lowered;
	s3 =	sadd.s32 s3, s5;
	[dreg:$0x0] =	wrdreg $0x0  }
0xb7: {  	s5 =	sshll.u32 s28, $0x1;
	[dreg:$0x2] =	wrdreg s3  }
0xb8: {  	[dreg:$0x3] =	wrdreg s5  }
0xb9: {  	[dreg:$0x4] =	wrdreg $0xC0  }
0xba: {  	_ =	task [dreg:s22], $0x5FFFF  }
0xbb: {  	[dreg:$0x1] =	wrdreg $0xFFFFFFFF  }
0xbc: {  	[dreg:$0x0] =	wrdreg $0x60  }
0xbd: {  	[dreg:$0x2] =	wrdreg s24  }
0xbe: {  	[dreg:$0x3] =	wrdreg $0x9  }
0xbf: {  	_ =	task.clear_ibuf [dreg:s22], $0x4FFFF;
	_ =	strace $0x9000005B  }
0xc0: {  	s29 =	simm.s32 $0x9;
	_ =	strace $0x8000005D  }
0xc1: {  	_ =	swait.ge [sflag:s29], $0x1  }
0xc2: {  	[sflag:s29] =	ssyncadd.s32 $0xFFFFFFFF  }
0xc3: {  	_ =	strace $0x9000005D  }
0xc4: {  	_ =	sfence  }
0xc5: {  	s30 =	sld [smem:$0x0];
	_ =	sdelay $0x2  }
0xc6: {  	s31 =	sshll.u32 s1, $0xD;
	s1 =	sshrl.u32 s1, $0x2  }
0xc7: {  	s4 =	sand.u32 $0x4000, s31;
	s1 =	sadd.s32 s1, s30  }
0xc8: {  	s0 =	sor.u32 s4, s0;
	s1 =	sshll.u32 s1, $0x11  }
0xc9: {  	s0 =	sor.u32 s1, s0  }
0xca: {  	s0 =	sadd.s32 $0x8F2B, s0  }
0xcb: {  	[sflag:s0] =	ssyncadd.remote.s32 $0x1  }
0xcc: {  	_ =	sfence.sel $0xFFFF  }
0xcd: {  	[dreg:$0x0] =	wrdreg $0xFFFFFFFF;
	(pc) =	sbr.abs _section_cstart, $3  }
0xce: {  	[dreg:$0x1] =	wrdreg $0xFFFFFFFF  }
0xcf: {  	_ =	task.clear_ibuf [dreg:s22], $0x2FFFF;
	_ =	strace $0x9FFFFFFF  }
0xd0: {  	(tm) =	ssettm $0x7FFFFFFF  }
0xd1: {  	_ =	shalt  }
tec
execute0_lowered:
.L_overlay_start_1:
0x0: {  	(tag) =	ssettag $0x1  }
0x1: {  	s7 =	rddreg [dreg:$0x0]  }
0x2: {  	s0 =	rddreg [dreg:$0x1];
	_ =	strace $0x8000005C  }
0x3: {  	s1 =	srdreg.scid;
	s4 =	simm.s32 $0x1;
	s9 =	simm.s32 $0x3  }
0x4: {  	s11 =	simm.s32 $0x0;
	p0 =	por $0x0, $0x0;
	s5 =	sshll.u32 s1, $0x4  }
.Ltmp0:
0x5: {  	s1 =	stileid.u32;
	s5 =	sand.u32 $0x10, s5;
	(pc) =	sbr.rel .LBB2_1-.Ltmp0, $4  }
0x6: {  	s2 =	sadd.s32 $0x83D000, s7;
	s3 =	sadd.s32 $0x62A00, s7;
	s6 =	sor.u32 s1, s5  }
0x7: {  	[sflag:s4] =	ssyncpa.u1 $0x0;
	s5 =	simm.s32 $0x2;
	s6 =	sshll.u32 s6, $0xC  }
0x8: {  	s7 =	sadd.s32 $0x43D000, s7;
	[sflag:s5] =	ssyncpa.u1 $0x0;
	s8 =	sadd.s32 $0x1000, s6  }
0x9: {  	vm0 =	vmmov $0xff;
	vm1 =	vcmask $0x3F20;
	[sflag:s9] =	ssyncpa.u1 $0x0;
	s10 =	smov.u32 s6;
	s9 =	simm.s32 $0x0  }
.LBB2_7:
0xa: {  	p1 =	slt.u32 s9, $0x2;
	s11 =	sadd.s32 $0x100, s10  }
0xb: {  	s13 =	smov.u32 s6;
	s9 =	sadd.s32 $0x1, s9;
	p2 =	slt.s32 s11, s8  }
0xc: {  	s13 =	smov.u32 @p2 s11;
	p2 =	sne.s32 s9, $0x12  }
.Ltmp1:
0xd: {  	_ = 	snop;
	(pc) =	sbr.rel @!p2 .LBB2_8-.Ltmp1, $4  }
0xe: {  	s12 =	simm.s32 @!p1 $0x3  }
0xf: {  	_ =	swait.ge @!p1 [sflag:s12], $0x8000  }
0x10: {  	p0 =	por !p0, !p0;
	[sflag:s12] =	ssyncset.done @!p1 $0x0  }
0x11: {  	s11 =	smov.u32 s10;
	s10 =	smov.u32 s13;
	[sflag:s12] =	ssyncadd.s32 @!p1 $0xFFFF8000  }
.LBB2_1:
0x12: {  	p1 =	sgt.u32 s9, $0xF  }
0x13: {  	s12 =	sxor.u32 @!p1 $0xFFFFFFFF, s9  }
0x14: {  	s13 =	sshrl.u32 @!p1 s10, $0x3;
	s12 =	sshll.u32 @!p1 s12, $0x8  }
0x15: {  	s14 =	sand.u32 @!p1 $0x7, s10;
	s13 =	sadd.s32 @!p1 s3, s13;
	s12 =	sand.u32 @!p1 $0x100, s12  }
0x16: {  	[tilespmem:s12], [sflag:$0x2] =	stream.linear.gather @!p1 [hbm4b:s13+s14], $0x100, $0x38;
	[tilespmem:$0x10200] =	vst v63  }
0x17: {  	p1 =	seq.s32 s9, $0x0  }
0x18: {  	p2 =	seq.s32 @!p1 s9, $0x11  }
0x19: {  	p1 =	por p1, p2  }
.Ltmp2:
0x1a: {  	_ = 	snop;
	(pc) =	sbr.rel @p1 .LBB2_7-.Ltmp2, $1  }
0x1b: {  	_ =	sdelay $0x3  }
0x1c: {  	s12 =	simm.s32 $0x1  }
0x1d: {  	_ =	swait.ge [sflag:s5], $0x100;
	s12 =	simm.s32 @!p0 $0x0  }
0x1e: {  	[sflag:s5] =	ssyncset.done $0x0;
	s14 =	sshll.u32 s12, $0x8  }
0x1f: {  	[sflag:s5] =	ssyncadd.s32 $0xFFFFFF00;
	s13 =	sadd.s32 $0x0, s14  }
0x20: {  	v0 =	vld.msk [tilespmem:s13+$0x0 ss:$0x1], $0xffff;
	_ =	sdelay $0x4  }
0x21: {  	v1 =	vshll.u32 v0, $0x3  }
0x22: {  	vm2 =	veq.s32 v0, $0x80000000;
	v0 =	vshll.u32 v0, $0x14;
	v1 =	vand.u32 $0xFFF80, v1  }
0x23: {  	v0 =	vand.u32 $0xF00000, v0;
	v1 =	vsel vm2, $0xFFFFFF80, v1  }
0x24: {  	v0 =	vsel vm2, $0xFFF00000, v0;
	v2 =	vand.u32 $0xFFFFFC00, v1  }
0x25: {  	v1 =	vand.u32 $0x380, v1;
	v0 =	vadd.s32 v0, v2  }
0x26: {  	v0 =	vor.u32 v1, v0  }
0x27: {  	v0 =	vshrl.u32 v0, $0x3;
	_ =	sdelay $0x2  }
0x28: {  	s12 =	sshll.u32 s12, $0xF  }
0x29: {  	s12 =	sor.u32 $0x200, s12  }
0x2a: {  	[tilespmem:s12], [sflag:$0x1] =	stream.indirect_vreg.gather [hbm:s2], $0x80, v0, vm0, $0x38;
	[tilespmem:$0x10200] =	vst v63  }
0x2b: {  	s15 =	sadd.s32 $0x10, s14;
	s13 =	sadd.s32 $0x400, s12  }
0x2c: {  	[tilespmem:s13], [sflag:$0x1] =	stream.indirect_vreg.gather [hbm:s2], $0x80, v0, vm1, $0x38;
	[tilespmem:$0x10200] =	vst v63  }
0x2d: {  	s16 =	simm.s32 $0x80;
	v0 =	vld.msk [tilespmem:s15+$0x0 ss:$0x1], $0xffff;
	s15 =	smov.u32 s12  }
.LBB2_3:
0x2e: {  	p1 =	sne.s32 s16, $0x3C0;
	_ =	sdelay $0x4  }
0x2f: {  	v1 =	vshll.u32 v0, $0x3  }
0x30: {  	vm2 =	veq.s32 v0, $0x80000000;
	v0 =	vshll.u32 v0, $0x14;
	v1 =	vand.u32 $0xFFF80, v1  }
0x31: {  	v0 =	vand.u32 $0xF00000, v0;
	v1 =	vsel vm2, $0xFFFFFF80, v1  }
0x32: {  	v0 =	vsel vm2, $0xFFF00000, v0;
	v2 =	vand.u32 $0xFFFFFC00, v1  }
0x33: {  	v1 =	vand.u32 $0x380, v1;
	v0 =	vadd.s32 v0, v2  }
0x34: {  	v0 =	vor.u32 v1, v0  }
0x35: {  	v0 =	vshrl.u32 v0, $0x3;
	_ =	sdelay $0x3  }
.Ltmp3:
0x36: {  	s17 =	sshra.s32 s16, $0x2;
	s15 =	sadd.s32 $0x800, s15;
	(pc) =	sbr.rel @p1 .LBB2_3-.Ltmp3, $4  }
0x37: {  	[tilespmem:s15], [sflag:$0x1] =	stream.indirect_vreg.gather [hbm:s2], $0x80, v0, vm0, $0x38;
	[tilespmem:$0x10200] =	vst v63  }
0x38: {  	s17 =	sadd.s32 s17, s14;
	s18 =	sadd.s32 $0x400, s15  }
0x39: {  	[tilespmem:s18], [sflag:$0x1] =	stream.indirect_vreg.gather [hbm:s2], $0x80, v0, vm1, $0x38;
	[tilespmem:$0x10200] =	vst v63  }
0x3a: {  	s16 =	sadd.s32 $0x40, s16;
	v0 =	vld.msk [tilespmem:s17+$0x0 ss:$0x1], $0xffff  }
0x3b: {  	_ =	sdelay $0x3  }
0x3c: {  	v1 =	vshll.u32 v0, $0x3  }
0x3d: {  	vm2 =	veq.s32 v0, $0x80000000;
	v63 =	vshll.u32 v0, $0x14;
	v1 =	vand.u32 $0xFFF80, v1  }
0x3e: {  	v0 =	vand.u32 $0xF00000, v63;
	v1 =	vsel vm2, $0xFFFFFF80, v1  }
0x3f: {  	v0 =	vsel vm2, $0xFFF00000, v0;
	v2 =	vand.u32 $0xFFFFFC00, v1  }
0x40: {  	v1 =	vand.u32 $0x380, v1;
	v0 =	vadd.s32 v0, v2  }
0x41: {  	v0 =	vor.u32 v1, v0  }
0x42: {  	v0 =	vshrl.u32 v0, $0x3;
	_ =	sdelay $0x3  }
0x43: {  	s14 =	sadd.s32 $0x800, s15  }
0x44: {  	[tilespmem:s14], [sflag:$0x1] =	stream.indirect_vreg.gather [hbm:s2], $0x80, v0, vm0, $0x38;
	[tilespmem:$0x10200] =	vst v63  }
0x45: {  	s14 =	sadd.s32 $0x400, s14  }
0x46: {  	[tilespmem:s14], [sflag:$0x1] =	stream.indirect_vreg.gather [hbm:s2], $0x80, v0, vm1, $0x38;
	[tilespmem:$0x10200] =	vst v63  }
0x47: {  	s11 =	sshll.u32 s11, $0x4;
	_ =	swait.ge [sflag:s4], $0x8000  }
0x48: {  	s11 =	sadd.s32 s11, s7;
	[sflag:s4] =	ssyncset.done $0x0  }
0x49: {  	s15 =	sadd.s32 $0x0, s11;
	s14 =	simm.s32 $0x80;
	[sflag:s4] =	ssyncadd.s32 $0xFFFF8000  }
.LBB2_5:
0x4a: {  	[hbm:s15] =	stream.linear.scatter [tilespmem:s12], [sflag:$0x3], $0x400, $0x38;
	[tilespmem:$0x10200] =	vst v63  }
0x4b: {  	s15 =	smov.u32 s14;
	s12 =	smov.u32 s13;
	p1 =	sne.s32 s14, $0xF80  }
.Ltmp4:
0x4c: {  	s14 =	sadd.s32 $0x80, s14;
	(pc) =	sbr.rel @p1 .LBB2_5-.Ltmp4, $2  }
0x4d: {  	_ =	sdelay $0x2  }
0x4e: {  	s13 =	sadd.s32 $0x400, s13;
	s15 =	sadd.s32 s15, s11  }
.Ltmp5:
0x4f: {  	(pc) =	sbr.rel .LBB2_7-.Ltmp5, $2  }
0x50: {  	_ =	sdelay $0x2  }
0x51: {  	[hbm:s15] =	stream.linear.scatter [tilespmem:s12], [sflag:$0x3], $0x400, $0x38;
	[tilespmem:$0x10200] =	vst v63  }
.LBB2_8:
0x52: {  	_ =	sfence.sel $0x180000  }
0x53: {  	s2 =	simm.s32 $0x2;
	[bflag:$0x0] =	sbarrier.arrive $0xFFFF  }
0x54: {  	s30 =	simm.s32 $0x3;
	[sflag:s2] =	ssyncpa.u1 $0x1  }
0x55: {  	s31 =	simm.s32 $0x1;
	[sflag:s30] =	ssyncpa.u1 $0x1  }
0x56: {  	[sflag:s31] =	ssyncpa.u1 $0x1  }
0x57: {  	p0 =	sne.s32 s1, $0x0;
	_ =	strace $0x9000005C  }
0x58: {  	s0 =	sadd.s32 @!p0 $0x100000, s0;
	[bflag:$0x2] =	sbarrier.arrive $0xFFFF  }
0x59: {  	[sflag:s0] =	ssyncadd.tile.s32 @!p0 $0x1;
	_ =	shalt  }
.Lfunc_end2:
_tile_overlayer_lowered:
.L_overlay_start_2:
0x5a: {  	(tag) =	ssettag $0x2  }
0x5b: {  	s0 =	rddreg [dreg:$0x0];
	s2 =	stileid.u32  }
0x5c: {  	s1 =	rddreg [dreg:$0x1];
	p0 =	sne.s32 s2, $0x0  }
0x5d: {  	s3 =	rddreg [dreg:$0x2];
	[bflag:$0x3] =	sbarrier.arrive $0xFFFF;
	s2 =	simm.s32 @!p0 $0x1C01  }
0x5e: {  	[timem:s3], [sflag:s2] =	dma.local @!p0 [hbm:s0], s1  }
0x5f: {  	s0 =	simm.s32 @!p0 $0x1  }
0x60: {  	_ =	swait.ge @!p0 [sflag:s0], s1  }
0x61: {  	s1 =	ssub.s32 @!p0 $0x0, s1;
	[sflag:s0] =	ssyncset.done @!p0 $0x0  }
0x62: {  	[sflag:s0] =	ssyncadd.s32 @!p0 s1  }
0x63: {  	[bflag:$0x3] =	sbarrier.arrive $0xFFFF  }
0x64: {  	_ =	shalt  }

// kernel: gather_offload_async_start.7
scs
__scs_entry_jumppad:
0x0: {  	(pc) =	sbr.rel $0x88, $3  }
0x1: {  	(tag) =	ssettag $0x0;
	lr =	simm.s32 $0x1  }
0x2: {  	[smem:$0x3F87] =	sst lr;
	_ =	strace $0xD0000000  }
0x3: {  	_ = 	snop  }
0x4: {  	_ = 	snop  }
0x5: {  	_ = 	snop  }
0x6: {  	_ = 	snop  }
0x7: {  	_ = 	snop  }
__scs_overlays_trampoline_lowered:
0x8: {  	[smem:$0x3F96] =	sst s0  }
0x9: {  	[smem:$0x3F97] =	sst s1  }
0xa: {  	[smem:$0x3F98] =	sst s2  }
0xb: {  	[smem:$0x3F99] =	sst s3  }
0xc: {  	[smem:$0x3F9A] =	sst s4  }
0xd: {  	[smem:$0x3F9B] =	sst s5  }
0xe: {  	[smem:$0x3F9C] =	sst s6  }
0xf: {  	[smem:$0x3F9D] =	sst s7  }
0x10: {  	[smem:$0x3F9E] =	sst s8  }
0x11: {  	[smem:$0x3F9F] =	sst s9;
	s0 =	simm.s32 @!p0 $0x0  }
0x12: {  	s1 =	sld [smem:$0x3F85];
	s0 =	simm.s32 @p0 $0x1  }
0x13: {  	[smem:$0x3FA0] =	sst s0;
	s0 =	simm.s32 @!p1 $0x0  }
0x14: {  	s2 =	sld [smem:$0x3F84];
	s0 =	simm.s32 @p1 $0x1  }
0x15: {  	[smem:$0x3FA1] =	sst s0;
	s0 =	simm.s32 @!p2 $0x0  }
0x16: {  	s3 =	sld [smem:$0x3FDB];
	s0 =	simm.s32 @p2 $0x1  }
0x17: {  	s4 =	simm.s32 $0x1BF5;
	[smem:$0x3FA3] =	sst s0  }
0x18: {  	s0 =	sld [smem:$0x3F86];
	_ =	swait.ge [sflag:s4], $0x0  }
0x19: {  	s7 =	sld [smem:$0x3F87]  }
0x1a: {  	s8 =	sadd.s32 $0xFFFFE003, lr  }
0x1b: {  	s9 =	sadd.s32 $0xFFFFFEF7, lr;
	s5 =	simm.s32 $0xFFFFFFFF;
	p2 =	slt.u32 s8, $0xFFFFF086  }
0x1c: {  	p1 =	slt.u32 s9, $0xF7A;
	s5 =	simm.s32 @!p2 $0x0  }
0x1d: {  	s5 =	simm.s32 @p1 $0x1;
	p0 =	seq.s32 s7, s2  }
0x1e: {  	s7 =	smul.u32 @!p0 $0xF7A, s2;
	p2 =	seq.s32 @!p0 s5, $0x0  }
0x1f: {  	s9 =	smul.u32 $0xF7A, s1;
	s8 =	simm.s32 @!p0 $0x1BF5;
	p2 =	por !p2, p0  }
0x20: {  	[sflag:s8] =	ssyncset.s32 @!p0 $0xFFFFF086;
	s6 =	sadd.s32 @!p0 s3, s7;
	s7 =	simm.s32 @!p0 $0x108  }
0x21: {  	s3 =	sadd.s32 s3, s9;
	s6 =	sadd.s32 @!p0 $0x88, s6;
	s7 =	simm.s32 @p2 $0x1082  }
0x22: {  	[simem:s7], [sflag:s8] =	dma.local @!p0 [hbm:s6], $0xF7A  }
0x23: {  	s9 =	sor.u32 $0xD0000000, s2;
	s6 =	simm.s32 $0x108;
	_ =	swait.ge @!p0 [sflag:s8], $0x0  }
0x24: {  	s3 =	sadd.s32 $0x88, s3;
	s6 =	simm.s32 @!p1 $0x1082;
	[sflag:s4] =	ssyncset.s32 $0xFFFFF086  }
0x25: {  	[simem:s6], [sflag:s4] =	dma.local [hbm:s3], $0xF7A  }
0x26: {  	[smem:$0x3F87] =	sst s1;
	(tag) =	ssettag s2;
	_ =	strace s9  }
0x27: {  	s1 =	sld [smem:$0x3F97]  }
0x28: {  	s2 =	sld [smem:$0x3F98]  }
0x29: {  	s4 =	sld [smem:$0x3F9A]  }
0x2a: {  	p0 =	seq.s32 s5, $0x0;
	s5 =	sld [smem:$0x3F9B]  }
0x2b: {  	s6 =	sld [smem:$0x3F9C]  }
0x2c: {  	s7 =	sld [smem:$0x3F9D]  }
0x2d: {  	s3 =	simm.s32 $0x108;
	s8 =	sld [smem:$0x3F9E]  }
0x2e: {  	s3 =	simm.s32 @!p0 $0x1082;
	s9 =	sld [smem:$0x3F9F]  }
0x2f: {  	lr =	sadd.s32 s0, s3;
	s0 =	sld [smem:$0x3F96]  }
0x30: {  	s3 =	sld [smem:$0x3F99]  }
0x31: {  	[smem:$0x3FA2] =	sst s10  }
0x32: {  	s10 =	sld [smem:$0x3FA0];
	_ =	sdelay $0x3  }
0x33: {  	p0 =	seq.s32 s10, $0x1;
	s10 =	sld [smem:$0x3FA2];
	_ =	sdelay $0x3  }
0x34: {  	[smem:$0x3FA2] =	sst s10  }
0x35: {  	s10 =	sld [smem:$0x3FA1];
	_ =	sdelay $0x3  }
0x36: {  	p1 =	seq.s32 s10, $0x1;
	s10 =	sld [smem:$0x3FA2];
	_ =	sdelay $0x3  }
0x37: {  	[smem:$0x3FA2] =	sst s10  }
0x38: {  	s10 =	sld [smem:$0x3FA3]  }
0x39: {  	_ = 	snop;
	(pc) =	sbr.ind lr, $3  }
0x3a: {  	_ = 	snop  }
0x3b: {  	_ = 	snop  }
0x3c: {  	p2 =	seq.s32 s10, $0x1;
	s10 =	sld [smem:$0x3FA2]  }
0x3d: {  	_ =	shalt  }
0x3e: {  	_ =	shalt  }
0x3f: {  	_ =	shalt  }
0x40: {  	_ =	shalt  }
0x41: {  	_ =	shalt  }
0x42: {  	_ =	shalt  }
0x43: {  	_ =	shalt  }
0x44: {  	_ =	shalt  }
0x45: {  	_ =	shalt  }
0x46: {  	_ =	shalt  }
0x47: {  	_ =	shalt  }
0x48: {  	_ =	shalt  }
0x49: {  	_ =	shalt  }
0x4a: {  	_ =	shalt  }
0x4b: {  	_ =	shalt  }
0x4c: {  	_ =	shalt  }
0x4d: {  	_ =	shalt  }
0x4e: {  	_ =	shalt  }
0x4f: {  	_ =	shalt  }
0x50: {  	_ =	shalt  }
0x51: {  	_ =	shalt  }
0x52: {  	_ =	shalt  }
0x53: {  	_ =	shalt  }
0x54: {  	_ =	shalt  }
0x55: {  	_ =	shalt  }
0x56: {  	_ =	shalt  }
0x57: {  	_ =	shalt  }
0x58: {  	_ =	shalt  }
0x59: {  	_ =	shalt  }
0x5a: {  	_ =	shalt  }
0x5b: {  	_ =	shalt  }
0x5c: {  	_ =	shalt  }
0x5d: {  	_ =	shalt  }
0x5e: {  	_ =	shalt  }
0x5f: {  	_ =	shalt  }
0x60: {  	_ =	shalt  }
0x61: {  	_ =	shalt  }
0x62: {  	_ =	shalt  }
0x63: {  	_ =	shalt  }
0x64: {  	_ =	shalt  }
0x65: {  	_ =	shalt  }
0x66: {  	_ =	shalt  }
0x67: {  	_ =	shalt  }
0x68: {  	_ =	shalt  }
0x69: {  	_ =	shalt  }
0x6a: {  	_ =	shalt  }
0x6b: {  	_ =	shalt  }
0x6c: {  	_ =	shalt  }
0x6d: {  	_ =	shalt  }
0x6e: {  	_ =	shalt  }
0x6f: {  	_ =	shalt  }
0x70: {  	_ =	shalt  }
0x71: {  	_ =	shalt  }
0x72: {  	_ =	shalt  }
0x73: {  	_ =	shalt  }
0x74: {  	_ =	shalt  }
0x75: {  	_ =	shalt  }
0x76: {  	_ =	shalt  }
0x77: {  	_ =	shalt  }
0x78: {  	_ =	shalt  }
0x79: {  	_ =	shalt  }
0x7a: {  	_ =	shalt  }
0x7b: {  	_ =	shalt  }
0x7c: {  	_ =	shalt  }
0x7d: {  	_ =	shalt  }
0x7e: {  	_ =	shalt  }
0x7f: {  	_ =	shalt  }
0x80: {  	_ =	shalt  }
0x81: {  	_ =	shalt  }
0x82: {  	_ =	shalt  }
0x83: {  	_ =	shalt  }
0x84: {  	_ =	shalt  }
0x85: {  	_ =	shalt  }
0x86: {  	_ =	shalt  }
0x87: {  	_ =	shalt  }
.Lfunc_end0:
.L_simem_size_0:
called_computation.7_lowered:
.L_overlay_start_0:
0x88: {  	s2 =	sld [smem:$0x3FD9]  }
0x89: {  	s3 =	sld [smem:$0x3FFE];
	_ =	sdelay $0x1  }
0x8a: {  	s1 =	srdreg.scid  }
0x8b: {  	s0 =	sand.u32 $0x1, s1  }
0x8c: {  	s16 =	sshll.u32 s0, $0xA;
	s2 =	sadd.s32 s3, s2  }
0x8d: {  	s2 =	sadd.s32 s2, s16  }
0x8e: {  	[smem:$0x3FAE] =	sst s2  }
0x8f: {  	_ = 	snop  }
0x90: {  	(tm) =	ssettm $0x1  }
0x91: {  	s17 =	sld [smem:$0x3FFB];
	_ =	sdelay $0x3  }
0x92: {  	_ =	strace s17  }
0x93: {  	s2 =	sld [smem:$0x3FFC];
	_ =	sdelay $0x3  }
0x94: {  	_ =	strace s2  }
0x95: {  	s2 =	sld [smem:$0x3FFD];
	_ =	sdelay $0x3  }
0x96: {  	_ =	strace s2  }
0x97: {  	_ =	strace $0x8FFFFFFF  }
0x98: {  	s18 =	sld [smem:$0x3FDB];
	_ =	sdelay $0x1  }
0x99: {  	s19 =	simm.s32 $_scs_section_size  }
0x9a: {  	s4 =	simm.s32 $_size__tile_overlayer_lowered;
	s5 =	simm.s32 $_tile_overlayer_lowered  }
0x9b: {  	s22 =	simm.s32 $0x1BFF;
	s21 =	sshll.u32 s5, $0x1;
	s2 =	sadd.s32 s19, s18  }
0x9c: {  	s6 =	simm.s32 $0x0;
	s20 =	sshll.u32 s4, $0x1;
	s4 =	sadd.s32 s21, s2  }
0x9d: {  	[timem:s6], [sflag:s22] =	dma.local [hbm:s4], s20  }
0x9e: {  	_ =	swait.ge [sflag:s22], s20  }
0x9f: {  	s3 =	ssub.s32 $0x0, s20;
	[sflag:s22] =	ssyncset.done $0x0  }
0xa0: {  	[sflag:s22] =	ssyncadd.s32 s3;
	_ =	sdelay $0x1  }
0xa1: {  	s23 =	simm.s32 $0x1B8B  }
0xa2: {  	_ =	swait.ge [sflag:s23], $0x1  }
0xa3: {  	[sflag:s23] =	ssyncset.done $0x0  }
0xa4: {  	s25 =	simm.s32 $0x1B8E;
	s24 =	sld [smem:$0x3FFE];
	[sflag:s23] =	ssyncadd.s32 $0xFFFFFFFF  }
0xa5: {  	s26 =	simm.s32 $execute0_lowered;
	[smem:$0x3FD2] =	sst s25  }
0xa6: {  	s4 =	sshll.u32 s26, $0x1;
	_ =	strace $0x80000058;
	[dreg:$0x1] =	wrdreg $0xFFFFFFFF  }
0xa7: {  	s28 =	simm.s32 $_size_execute0_lowered;
	s2 =	sadd.s32 s2, s4;
	[dreg:$0x0] =	wrdreg $0x0  }
0xa8: {  	s4 =	sshll.u32 s28, $0x1;
	[dreg:$0x2] =	wrdreg s2  }
0xa9: {  	[dreg:$0x3] =	wrdreg s4  }
0xaa: {  	[dreg:$0x4] =	wrdreg $0xC0  }
0xab: {  	_ =	task [dreg:s6], $0x5FFFF  }
0xac: {  	[dreg:$0x1] =	wrdreg $0xFFFFFFFF  }
0xad: {  	[dreg:$0x0] =	wrdreg $0x60  }
0xae: {  	[dreg:$0x2] =	wrdreg s24  }
0xaf: {  	[dreg:$0x3] =	wrdreg $0xA  }
0xb0: {  	_ =	task.clear_ibuf [dreg:s6], $0x4FFFF;
	_ =	strace $0x90000058  }
0xb1: {  	s29 =	simm.s32 $0xA;
	_ =	strace $0x8000005A  }
0xb2: {  	_ =	swait.ge [sflag:s29], $0x1  }
0xb3: {  	[sflag:s29] =	ssyncadd.s32 $0xFFFFFFFF  }
0xb4: {  	_ =	strace $0x9000005A  }
0xb5: {  	_ =	sfence  }
0xb6: {  	s30 =	sld [smem:$0x0];
	_ =	sdelay $0x2  }
0xb7: {  	s31 =	sshll.u32 s1, $0xD;
	s1 =	sshrl.u32 s1, $0x2  }
0xb8: {  	s3 =	sand.u32 $0x4000, s31;
	s1 =	sadd.s32 s1, s30  }
0xb9: {  	s0 =	sor.u32 s3, s0;
	s1 =	sshll.u32 s1, $0x11  }
0xba: {  	s0 =	sor.u32 s1, s0  }
0xbb: {  	s0 =	sadd.s32 $0x8F2B, s0  }
0xbc: {  	[sflag:s0] =	ssyncadd.remote.s32 $0x1  }
0xbd: {  	_ =	sfence.sel $0xFFFF  }
0xbe: {  	[dreg:$0x0] =	wrdreg $0xFFFFFFFF;
	(pc) =	sbr.abs _section_cstart, $3  }
0xbf: {  	[dreg:$0x1] =	wrdreg $0xFFFFFFFF  }
0xc0: {  	_ =	task.clear_ibuf [dreg:s6], $0x2FFFF;
	_ =	strace $0x9FFFFFFF  }
0xc1: {  	(tm) =	ssettm $0x7FFFFFFF  }
tec
execute0_lowered:
.L_overlay_start_1:
0x0: {  	(tag) =	ssettag $0x1  }
0x1: {  	s0 =	srdreg.scid;
	s5 =	rddreg [dreg:$0x0]  }
0x2: {  	s1 =	stileid.u32;
	s6 =	simm.s32 $0x1;
	s9 =	simm.s32 $0x1  }
0x3: {  	s10 =	simm.s32 $0x3;
	s13 =	simm.s32 $0x0;
	s2 =	sshll.u32 s0, $0xB  }
0x4: {  	s12 =	simm.s32 $0x0;
	s3 =	sshll.u32 s1, $0xC;
	s2 =	sand.u32 $0x800, s2  }
0x5: {  	s0 =	rddreg [dreg:$0x1];
	_ =	strace $0x80000059;
	s2 =	sor.u32 s3, s2  }
0x6: {  	s4 =	sadd.s32 $0x66A00, s5;
	[sflag:s6] =	ssyncpa.u1 $0x0;
	s8 =	ssub.s32 $0x20000, s2  }
.Ltmp0:
0x7: {  	s3 =	sadd.s32 $0x6AA00, s5;
	s7 =	sand.u32 $0xF800, s8;
	(pc) =	sbr.rel .LBB2_1-.Ltmp0, $4  }
0x8: {  	s5 =	sadd.s32 $0x6EA00, s5;
	s11 =	smov.u32 s2;
	p0 =	sne.s32 s7, $0x0  }
0x9: {  	s8 =	sshrl.u32 s8, $0x10;
	s7 =	simm.s32 $0x2;
	s9 =	simm.s32 @!p0 $0x0  }
0xa: {  	[sflag:s7] =	ssyncpa.u1 $0x0;
	p0 =	por $0x0, $0x0;
	s8 =	sadd.s32 s9, s8  }
0xb: {  	vm0 =	vmmov $0xffff;
	[sflag:s10] =	ssyncpa.u1 $0x0;
	s10 =	simm.s32 $0x0;
	s9 =	sadd.s32 $0x1, s8  }
.LBB2_4:
0xc: {  	vm1 =	veq.s32 v0, $0x80000000;
	v63 =	vand.u32 $0xF, v0;
	v2 =	vand.u32 $0x1FFF, v2  }
0xd: {  	v0 =	vsel vm1, $0xFFFFFFFF, v63;
	v2 =	vsel vm1, $0xFFFFFFFF, v2  }
0xe: {  	v3 =	vshll.u32 v0, $0xD;
	v4 =	vshll.u32 v2, $0x3  }
0xf: {  	v0 =	vshll.u32 v0, $0x7;
	v3 =	vand.u32 $0xFFFF0000, v3;
	v4 =	vand.u32 $0xFFFFFC00, v4  }
0x10: {  	v0 =	vand.u32 $0x380, v0;
	v3 =	vadd.s32 v3, v4  }
0x11: {  	v2 =	vand.u32 $0x7F, v2;
	v0 =	vor.u32 v0, v3  }
0x12: {  	v0 =	vor.u32 v2, v0;
	_ =	sdelay $0x1  }
0x13: {  	(ifvalue) =	ssetifvalue $0x7FFFFFFF;
	s14 =	sadd.s32 $0x10, s14  }
0x14: {  	[tilespmem:s14], [sflag:$0x1] =	stream.indirect_vreg.gather [hbm4b:s3+s10], $0x1, v1, vm0, $0x4038;
	[tilespmem:$0x2000] =	vst v63  }
0x15: {  	(ifvalue) =	ssetifvalue $0x7FFFFFFF;
	s14 =	sadd.s32 $0x10, s14  }
0x16: {  	[tilespmem:s14], [sflag:$0x1] =	stream.indirect_vreg.gather [hbm4b:s3+s10], $0x1, v0, vm0, $0x4038;
	[tilespmem:$0x2000] =	vst v63  }
0x17: {  	_ =	swait.ge [sflag:s6], $0x800  }
0x18: {  	s30 =	sshrl.u32 s13, $0x3;
	[sflag:s6] =	ssyncset.done $0x0  }
0x19: {  	s31 =	sand.u32 $0x7, s13;
	s14 =	sadd.s32 s5, s30;
	[sflag:s6] =	ssyncadd.s32 $0xFFFFF800  }
0x1a: {  	[hbm4b:s14+s31] =	stream.linear.scatter [tilespmem:s15], [sflag:$0x3], $0x800, $0x38;
	[tilespmem:$0x2000] =	vst v63  }
.LBB2_5:
0x1b: {  	s15 =	sadd.s32 $0x10000, s11  }
0x1c: {  	p2 =	sgt.s32 s15, $0x1FFFF  }
0x1d: {  	s15 =	smov.u32 @p2 s2;
	p2 =	sne.s32 s12, s9  }
.Ltmp1:
0x1e: {  	p1 =	slt.u32 s12, $0x2;
	(pc) =	sbr.rel @!p2 .LBB2_6-.Ltmp1, $4  }
0x1f: {  	s14 =	simm.s32 @!p1 $0x3  }
0x20: {  	s16 =	sadd.s32 $0x1, s12;
	_ =	swait.ge @!p1 [sflag:s14], $0x800  }
0x21: {  	s13 =	smov.u32 s11;
	p0 =	por !p0, !p0;
	[sflag:s14] =	ssyncset.done @!p1 $0x0  }
0x22: {  	s12 =	smov.u32 s16;
	s11 =	smov.u32 s15;
	[sflag:s14] =	ssyncadd.s32 @!p1 $0xFFFFF800  }
.LBB2_1:
0x23: {  	p1 =	sge.u32 s12, s8  }
0x24: {  	s14 =	sxor.u32 @!p1 $0xFFFFFFFF, s12  }
0x25: {  	s31 =	sadd.s32 $0xFFFFFFFF, s12;
	s15 =	sshrl.u32 @!p1 s11, $0x3;
	s14 =	sshll.u32 @!p1 s14, $0xB  }
0x26: {  	s16 =	sand.u32 @!p1 $0x7, s11;
	s15 =	sadd.s32 @!p1 s4, s15;
	s14 =	sand.u32 @!p1 $0x800, s14  }
0x27: {  	[tilespmem:s14], [sflag:$0x2] =	stream.linear.gather @!p1 [hbm4b:s15+s16], $0x800, $0x38;
	[tilespmem:$0x2000] =	vst v63  }
0x28: {  	p1 =	sge.u32 s31, s8  }
.Ltmp2:
0x29: {  	_ = 	snop;
	(pc) =	sbr.rel @p1 .LBB2_5-.Ltmp2, $1  }
0x2a: {  	_ =	sdelay $0x3  }
0x2b: {  	s14 =	simm.s32 $0x1  }
0x2c: {  	_ =	swait.ge [sflag:s7], $0x800;
	s14 =	simm.s32 @!p0 $0x0  }
0x2d: {  	[sflag:s7] =	ssyncset.done $0x0;
	s14 =	sshll.u32 s14, $0xB  }
0x2e: {  	[sflag:s7] =	ssyncadd.s32 $0xFFFFF800;
	(ifvalue) =	ssetifvalue $0x7FFFFFFF;
	v0 =	vld.msk [tilespmem:s14+$0x0 ss:$0x1], $0xffff;
	_ =	sdelay $0x3  }
0x2f: {  	s15 =	sadd.s32 $0x10, s14  }
0x30: {  	v2 =	vld.msk [tilespmem:s15+$0x0 ss:$0x1], $0xffff;
	v1 =	vshrl.u32 v0, $0x4  }
0x31: {  	vm1 =	veq.s32 v0, $0x80000000;
	v0 =	vand.u32 $0xF, v0;
	v1 =	vand.u32 $0x1FFF, v1  }
0x32: {  	v0 =	vsel vm1, $0xFFFFFFFF, v0;
	v1 =	vsel vm1, $0xFFFFFFFF, v1  }
0x33: {  	v3 =	vshll.u32 v0, $0xD;
	v4 =	vshll.u32 v1, $0x3  }
0x34: {  	v0 =	vshll.u32 v0, $0x7;
	v3 =	vand.u32 $0xFFFF0000, v3;
	v4 =	vand.u32 $0xFFFFFC00, v4  }
0x35: {  	vm1 =	veq.s32 v2, $0x80000000;
	v0 =	vand.u32 $0x380, v0;
	v3 =	vadd.s32 v3, v4  }
0x36: {  	v1 =	vand.u32 $0x7F, v1;
	v0 =	vor.u32 v0, v3;
	v3 =	vshrl.u32 v2, $0x4  }
0x37: {  	s17 =	sadd.s32 $0x10, s15;
	v2 =	vand.u32 $0xF, v2;
	v1 =	vor.u32 v1, v0;
	v3 =	vand.u32 $0x1FFF, v3  }
0x38: {  	v0 =	vld.msk [tilespmem:s17+$0x0 ss:$0x1], $0xffff;
	v2 =	vsel vm1, $0xFFFFFFFF, v2;
	v3 =	vsel vm1, $0xFFFFFFFF, v3  }
0x39: {  	v63 =	vshll.u32 v2, $0xD;
	v5 =	vshll.u32 v3, $0x3  }
0x3a: {  	s31 =	sshll.u32 s12, $0xB;
	v2 =	vshll.u32 v2, $0x7;
	v4 =	vand.u32 $0xFFFF0000, v63;
	v5 =	vand.u32 $0xFFFFFC00, v5  }
0x3b: {  	s14 =	sor.u32 $0x1000, s14;
	s15 =	sand.u32 $0x800, s31;
	(ifvalue) =	ssetifvalue $0x7FFFFFFF;
	v2 =	vand.u32 $0x380, v2;
	v4 =	vadd.s32 v4, v5  }
0x3c: {  	[tilespmem:s14], [sflag:$0x1] =	stream.indirect_vreg.gather [hbm4b:s3+s10], $0x1, v1, vm0, $0x4038;
	v1 =	vand.u32 $0x7F, v3;
	v3 =	vor.u32 v2, v4;
	[tilespmem:$0x2000] =	vst v63  }
0x3d: {  	s16 =	simm.s32 $0x20;
	s15 =	sor.u32 $0x1000, s15;
	s17 =	sadd.s32 $0x10, s17;
	v2 =	vshrl.u32 v0, $0x4;
	v1 =	vor.u32 v1, v3  }
.LBB2_3:
0x3e: {  	s16 =	sadd.s32 $0x10, s16;
	vm1 =	veq.s32 v0, $0x80000000;
	v3 =	vand.u32 $0xF, v0;
	v0 =	vld.msk [tilespmem:s17+$0x0 ss:$0x1], $0xffff;
	v2 =	vand.u32 $0x1FFF, v2  }
0x3f: {  	p1 =	slt.u32 s16, $0x7F0;
	v3 =	vsel vm1, $0xFFFFFFFF, v3;
	v2 =	vsel vm1, $0xFFFFFFFF, v2  }
.Ltmp3:
0x40: {  	v4 =	vshll.u32 v3, $0xD;
	v5 =	vshll.u32 v2, $0x3;
	(pc) =	sbr.rel @p1 .LBB2_3-.Ltmp3, $4  }
0x41: {  	s14 =	sadd.s32 $0x10, s14;
	v3 =	vshll.u32 v3, $0x7;
	v4 =	vand.u32 $0xFFFF0000, v4;
	v5 =	vand.u32 $0xFFFFFC00, v5;
	(ifvalue) =	ssetifvalue $0x7FFFFFFF  }
0x42: {  	v3 =	vand.u32 $0x380, v3;
	v4 =	vadd.s32 v4, v5;
	[tilespmem:s14], [sflag:$0x1] =	stream.indirect_vreg.gather [hbm4b:s3+s10], $0x1, v1, vm0, $0x4038;
	[tilespmem:$0x2000] =	vst v63  }
0x43: {  	v1 =	vand.u32 $0x7F, v2;
	v3 =	vor.u32 v3, v4  }
0x44: {  	s17 =	sadd.s32 $0x10, s17;
	v2 =	vshrl.u32 v0, $0x4;
	v1 =	vor.u32 v1, v3  }
.Ltmp4:
0x45: {  	_ = 	snop;
	(pc) =	sbr.rel .LBB2_4-.Ltmp4, $1  }
0x46: {  	_ =	sdelay $0x3  }
.LBB2_6:
0x47: {  	_ =	sfence.sel $0x180000  }
0x48: {  	s2 =	simm.s32 $0x2;
	[bflag:$0x0] =	sbarrier.arrive $0xFFFF  }
0x49: {  	s30 =	simm.s32 $0x3;
	[sflag:s2] =	ssyncpa.u1 $0x1  }
0x4a: {  	s31 =	simm.s32 $0x1;
	[sflag:s30] =	ssyncpa.u1 $0x1  }
0x4b: {  	[sflag:s31] =	ssyncpa.u1 $0x1  }
0x4c: {  	p0 =	sne.s32 s1, $0x0;
	_ =	strace $0x90000059  }
0x4d: {  	s0 =	sadd.s32 @!p0 $0x100000, s0;
	[bflag:$0x2] =	sbarrier.arrive $0xFFFF  }
0x4e: {  	[sflag:s0] =	ssyncadd.tile.s32 @!p0 $0x1;
	_ =	shalt  }
.Lfunc_end2:
_tile_overlayer_lowered:
.L_overlay_start_2:
0x4f: {  	(tag) =	ssettag $0x2  }
0x50: {  	s0 =	rddreg [dreg:$0x0];
	s2 =	stileid.u32  }
0x51: {  	s1 =	rddreg [dreg:$0x1];
	p0 =	sne.s32 s2, $0x0  }
0x52: {  	s3 =	rddreg [dreg:$0x2];
	[bflag:$0x3] =	sbarrier.arrive $0xFFFF;
	s2 =	simm.s32 @!p0 $0x1C01  }
0x53: {  	[timem:s3], [sflag:s2] =	dma.local @!p0 [hbm:s0], s1  }
0x54: {  	s0 =	simm.s32 @!p0 $0x1  }
0x55: {  	_ =	swait.ge @!p0 [sflag:s0], s1  }
0x56: {  	s1 =	ssub.s32 @!p0 $0x0, s1;
	[sflag:s0] =	ssyncset.done @!p0 $0x0  }
0x57: {  	[sflag:s0] =	ssyncadd.s32 @!p0 s1  }
0x58: {  	[bflag:$0x3] =	sbarrier.arrive $0xFFFF  }
0x59: {  	_ =	shalt  }

// kernel: gather_offload_async_start
scs
__scs_entry_jumppad:
0x0: {  	(pc) =	sbr.rel $0x88, $3  }
0x1: {  	(tag) =	ssettag $0x0;
	lr =	simm.s32 $0x1  }
0x2: {  	[smem:$0x3F87] =	sst lr;
	_ =	strace $0xD0000000  }
0x3: {  	_ = 	snop  }
0x4: {  	_ = 	snop  }
0x5: {  	_ = 	snop  }
0x6: {  	_ = 	snop  }
0x7: {  	_ = 	snop  }
__scs_overlays_trampoline_lowered:
0x8: {  	[smem:$0x3F96] =	sst s0  }
0x9: {  	[smem:$0x3F97] =	sst s1  }
0xa: {  	[smem:$0x3F98] =	sst s2  }
0xb: {  	[smem:$0x3F99] =	sst s3  }
0xc: {  	[smem:$0x3F9A] =	sst s4  }
0xd: {  	[smem:$0x3F9B] =	sst s5  }
0xe: {  	[smem:$0x3F9C] =	sst s6  }
0xf: {  	[smem:$0x3F9D] =	sst s7  }
0x10: {  	[smem:$0x3F9E] =	sst s8  }
0x11: {  	[smem:$0x3F9F] =	sst s9;
	s0 =	simm.s32 @!p0 $0x0  }
0x12: {  	s1 =	sld [smem:$0x3F85];
	s0 =	simm.s32 @p0 $0x1  }
0x13: {  	[smem:$0x3FA0] =	sst s0;
	s0 =	simm.s32 @!p1 $0x0  }
0x14: {  	s2 =	sld [smem:$0x3F84];
	s0 =	simm.s32 @p1 $0x1  }
0x15: {  	[smem:$0x3FA1] =	sst s0;
	s0 =	simm.s32 @!p2 $0x0  }
0x16: {  	s3 =	sld [smem:$0x3FDB];
	s0 =	simm.s32 @p2 $0x1  }
0x17: {  	s4 =	simm.s32 $0x1BF5;
	[smem:$0x3FA3] =	sst s0  }
0x18: {  	s0 =	sld [smem:$0x3F86];
	_ =	swait.ge [sflag:s4], $0x0  }
0x19: {  	s7 =	sld [smem:$0x3F87]  }
0x1a: {  	s8 =	sadd.s32 $0xFFFFE003, lr  }
0x1b: {  	s9 =	sadd.s32 $0xFFFFFEF7, lr;
	s5 =	simm.s32 $0xFFFFFFFF;
	p2 =	slt.u32 s8, $0xFFFFF086  }
0x1c: {  	p1 =	slt.u32 s9, $0xF7A;
	s5 =	simm.s32 @!p2 $0x0  }
0x1d: {  	s5 =	simm.s32 @p1 $0x1;
	p0 =	seq.s32 s7, s2  }
0x1e: {  	s7 =	smul.u32 @!p0 $0xF7A, s2;
	p2 =	seq.s32 @!p0 s5, $0x0  }
0x1f: {  	s9 =	smul.u32 $0xF7A, s1;
	s8 =	simm.s32 @!p0 $0x1BF5;
	p2 =	por !p2, p0  }
0x20: {  	[sflag:s8] =	ssyncset.s32 @!p0 $0xFFFFF086;
	s6 =	sadd.s32 @!p0 s3, s7;
	s7 =	simm.s32 @!p0 $0x108  }
0x21: {  	s3 =	sadd.s32 s3, s9;
	s6 =	sadd.s32 @!p0 $0x88, s6;
	s7 =	simm.s32 @p2 $0x1082  }
0x22: {  	[simem:s7], [sflag:s8] =	dma.local @!p0 [hbm:s6], $0xF7A  }
0x23: {  	s9 =	sor.u32 $0xD0000000, s2;
	s6 =	simm.s32 $0x108;
	_ =	swait.ge @!p0 [sflag:s8], $0x0  }
0x24: {  	s3 =	sadd.s32 $0x88, s3;
	s6 =	simm.s32 @!p1 $0x1082;
	[sflag:s4] =	ssyncset.s32 $0xFFFFF086  }
0x25: {  	[simem:s6], [sflag:s4] =	dma.local [hbm:s3], $0xF7A  }
0x26: {  	[smem:$0x3F87] =	sst s1;
	(tag) =	ssettag s2;
	_ =	strace s9  }
0x27: {  	s1 =	sld [smem:$0x3F97]  }
0x28: {  	s2 =	sld [smem:$0x3F98]  }
0x29: {  	s4 =	sld [smem:$0x3F9A]  }
0x2a: {  	p0 =	seq.s32 s5, $0x0;
	s5 =	sld [smem:$0x3F9B]  }
0x2b: {  	s6 =	sld [smem:$0x3F9C]  }
0x2c: {  	s7 =	sld [smem:$0x3F9D]  }
0x2d: {  	s3 =	simm.s32 $0x108;
	s8 =	sld [smem:$0x3F9E]  }
0x2e: {  	s3 =	simm.s32 @!p0 $0x1082;
	s9 =	sld [smem:$0x3F9F]  }
0x2f: {  	lr =	sadd.s32 s0, s3;
	s0 =	sld [smem:$0x3F96]  }
0x30: {  	s3 =	sld [smem:$0x3F99]  }
0x31: {  	[smem:$0x3FA2] =	sst s10  }
0x32: {  	s10 =	sld [smem:$0x3FA0];
	_ =	sdelay $0x3  }
0x33: {  	p0 =	seq.s32 s10, $0x1;
	s10 =	sld [smem:$0x3FA2];
	_ =	sdelay $0x3  }
0x34: {  	[smem:$0x3FA2] =	sst s10  }
0x35: {  	s10 =	sld [smem:$0x3FA1];
	_ =	sdelay $0x3  }
0x36: {  	p1 =	seq.s32 s10, $0x1;
	s10 =	sld [smem:$0x3FA2];
	_ =	sdelay $0x3  }
0x37: {  	[smem:$0x3FA2] =	sst s10  }
0x38: {  	s10 =	sld [smem:$0x3FA3]  }
0x39: {  	_ = 	snop;
	(pc) =	sbr.ind lr, $3  }
0x3a: {  	_ = 	snop  }
0x3b: {  	_ = 	snop  }
0x3c: {  	p2 =	seq.s32 s10, $0x1;
	s10 =	sld [smem:$0x3FA2]  }
0x3d: {  	_ =	shalt  }
0x3e: {  	_ =	shalt  }
0x3f: {  	_ =	shalt  }
0x40: {  	_ =	shalt  }
0x41: {  	_ =	shalt  }
0x42: {  	_ =	shalt  }
0x43: {  	_ =	shalt  }
0x44: {  	_ =	shalt  }
0x45: {  	_ =	shalt  }
0x46: {  	_ =	shalt  }
0x47: {  	_ =	shalt  }
0x48: {  	_ =	shalt  }
0x49: {  	_ =	shalt  }
0x4a: {  	_ =	shalt  }
0x4b: {  	_ =	shalt  }
0x4c: {  	_ =	shalt  }
0x4d: {  	_ =	shalt  }
0x4e: {  	_ =	shalt  }
0x4f: {  	_ =	shalt  }
0x50: {  	_ =	shalt  }
0x51: {  	_ =	shalt  }
0x52: {  	_ =	shalt  }
0x53: {  	_ =	shalt  }
0x54: {  	_ =	shalt  }
0x55: {  	_ =	shalt  }
0x56: {  	_ =	shalt  }
0x57: {  	_ =	shalt  }
0x58: {  	_ =	shalt  }
0x59: {  	_ =	shalt  }
0x5a: {  	_ =	shalt  }
0x5b: {  	_ =	shalt  }
0x5c: {  	_ =	shalt  }
0x5d: {  	_ =	shalt  }
0x5e: {  	_ =	shalt  }
0x5f: {  	_ =	shalt  }
0x60: {  	_ =	shalt  }
0x61: {  	_ =	shalt  }
0x62: {  	_ =	shalt  }
0x63: {  	_ =	shalt  }
0x64: {  	_ =	shalt  }
0x65: {  	_ =	shalt  }
0x66: {  	_ =	shalt  }
0x67: {  	_ =	shalt  }
0x68: {  	_ =	shalt  }
0x69: {  	_ =	shalt  }
0x6a: {  	_ =	shalt  }
0x6b: {  	_ =	shalt  }
0x6c: {  	_ =	shalt  }
0x6d: {  	_ =	shalt  }
0x6e: {  	_ =	shalt  }
0x6f: {  	_ =	shalt  }
0x70: {  	_ =	shalt  }
0x71: {  	_ =	shalt  }
0x72: {  	_ =	shalt  }
0x73: {  	_ =	shalt  }
0x74: {  	_ =	shalt  }
0x75: {  	_ =	shalt  }
0x76: {  	_ =	shalt  }
0x77: {  	_ =	shalt  }
0x78: {  	_ =	shalt  }
0x79: {  	_ =	shalt  }
0x7a: {  	_ =	shalt  }
0x7b: {  	_ =	shalt  }
0x7c: {  	_ =	shalt  }
0x7d: {  	_ =	shalt  }
0x7e: {  	_ =	shalt  }
0x7f: {  	_ =	shalt  }
0x80: {  	_ =	shalt  }
0x81: {  	_ =	shalt  }
0x82: {  	_ =	shalt  }
0x83: {  	_ =	shalt  }
0x84: {  	_ =	shalt  }
0x85: {  	_ =	shalt  }
0x86: {  	_ =	shalt  }
0x87: {  	_ =	shalt  }
.Lfunc_end0:
.L_simem_size_0:
called_computation_lowered:
.L_overlay_start_0:
0x88: {  	s2 =	sld [smem:$0x3FD9]  }
0x89: {  	s3 =	sld [smem:$0x3FFE];
	_ =	sdelay $0x1  }
0x8a: {  	s1 =	srdreg.scid  }
0x8b: {  	s0 =	sand.u32 $0x1, s1  }
0x8c: {  	s17 =	sshll.u32 s0, $0xA;
	s2 =	sadd.s32 s3, s2  }
0x8d: {  	s2 =	sadd.s32 s2, s17  }
0x8e: {  	[smem:$0x3FAE] =	sst s2  }
0x8f: {  	_ = 	snop  }
0x90: {  	(tm) =	ssettm $0x1  }
0x91: {  	s18 =	sld [smem:$0x3FFB];
	_ =	sdelay $0x3  }
0x92: {  	_ =	strace s18  }
0x93: {  	s2 =	sld [smem:$0x3FFC];
	_ =	sdelay $0x3  }
0x94: {  	_ =	strace s2  }
0x95: {  	s2 =	sld [smem:$0x3FFD];
	_ =	sdelay $0x3  }
0x96: {  	_ =	strace s2  }
0x97: {  	_ =	strace $0x8FFFFFFF  }
0x98: {  	s19 =	sld [smem:$0x3FDB];
	_ =	sdelay $0x1  }
0x99: {  	s20 =	simm.s32 $_scs_section_size  }
0x9a: {  	s4 =	simm.s32 $_size__tile_overlayer_lowered;
	s5 =	simm.s32 $_tile_overlayer_lowered  }
0x9b: {  	s6 =	simm.s32 $0x1BFF;
	s21 =	sshll.u32 s5, $0x1;
	s3 =	sadd.s32 s20, s19  }
0x9c: {  	s22 =	simm.s32 $0x0;
	s4 =	sshll.u32 s4, $0x1;
	s5 =	sadd.s32 s21, s3  }
0x9d: {  	[timem:s22], [sflag:s6] =	dma.local [hbm:s5], s4  }
0x9e: {  	_ =	swait.ge [sflag:s6], s4  }
0x9f: {  	s4 =	ssub.s32 $0x0, s4;
	[sflag:s6] =	ssyncset.done $0x0  }
0xa0: {  	[sflag:s6] =	ssyncadd.s32 s4;
	_ =	sdelay $0x1  }
0xa1: {  	s23 =	simm.s32 $0x1B8B  }
0xa2: {  	_ =	swait.ge [sflag:s23], $0x1  }
0xa3: {  	[sflag:s23] =	ssyncset.done $0x0  }
0xa4: {  	[sflag:s23] =	ssyncadd.s32 $0xFFFFFFFF  }
0xa5: {  	s4 =	sld [smem:$0x0]  }
0xa6: {  	s5 =	sand.u32 $0xFFFFFFFE, s1  }
0xa7: {  	p0 =	sne.s32 s1, s5  }
0xa8: {  	s5 =	sshll.u32 @p0 s5, $0xE  }
0xa9: {  	s5 =	sadd.s32 @p0 $0x11B8D, s5;
	s6 =	sshll.u32 @p0 s4, $0x11  }
0xaa: {  	s5 =	sor.u32 @p0 s6, s5  }
0xab: {  	[sflag:s5] =	ssyncadd.remote.s32 @p0 $0x1;
	_ =	sdelay $0x1  }
0xac: {  	s5 =	simm.s32 @p0 $0x1B8D  }
0xad: {  	_ =	swait.eq @p0 [sflag:s5], $0x1  }
0xae: {  	[sflag:s5] =	ssyncadd.s32 @p0 $0xFFFFFFFF  }
0xaf: {  	s6 =	sshll.u32 @!p0 s1, $0xE  }
0xb0: {  	s6 =	sor.u32 @!p0 $0x4000, s6;
	s5 =	simm.s32 @!p0 $0x1B8D  }
0xb1: {  	s4 =	sshll.u32 @!p0 s4, $0x11;
	s6 =	sadd.s32 @!p0 $0x11B8D, s6;
	_ =	swait.eq @!p0 [sflag:s5], $0x1  }
0xb2: {  	s4 =	sor.u32 @!p0 s4, s6;
	[sflag:s5] =	ssyncadd.s32 @!p0 $0xFFFFFFFF  }
0xb3: {  	s25 =	simm.s32 $0x1B8E;
	s24 =	sld [smem:$0x3FFE];
	[sflag:s4] =	ssyncadd.remote.s32 @!p0 $0x1  }
0xb4: {  	s26 =	simm.s32 $execute0_lowered;
	[smem:$0x3FD2] =	sst s25  }
0xb5: {  	s5 =	sshll.u32 s26, $0x1;
	_ =	strace $0x80000049;
	[dreg:$0x1] =	wrdreg $0xFFFFFFFF  }
0xb6: {  	s28 =	simm.s32 $_size_execute0_lowered;
	s3 =	sadd.s32 s3, s5;
	[dreg:$0x0] =	wrdreg $0x0  }
0xb7: {  	s5 =	sshll.u32 s28, $0x1;
	[dreg:$0x2] =	wrdreg s3  }
0xb8: {  	[dreg:$0x3] =	wrdreg s5  }
0xb9: {  	[dreg:$0x4] =	wrdreg $0xC0  }
0xba: {  	_ =	task [dreg:s22], $0x5FFFF  }
0xbb: {  	[dreg:$0x1] =	wrdreg $0xFFFFFFFF  }
0xbc: {  	[dreg:$0x0] =	wrdreg $0x60  }
0xbd: {  	[dreg:$0x2] =	wrdreg s24  }
0xbe: {  	[dreg:$0x3] =	wrdreg $0x9  }
0xbf: {  	_ =	task.clear_ibuf [dreg:s22], $0x4FFFF;
	_ =	strace $0x90000049  }
0xc0: {  	s29 =	simm.s32 $0x9;
	_ =	strace $0x8000004B  }
0xc1: {  	_ =	swait.ge [sflag:s29], $0x1  }
0xc2: {  	[sflag:s29] =	ssyncadd.s32 $0xFFFFFFFF  }
0xc3: {  	_ =	strace $0x9000004B  }
0xc4: {  	_ =	sfence  }
0xc5: {  	s30 =	sld [smem:$0x0];
	_ =	sdelay $0x2  }
0xc6: {  	s31 =	sshll.u32 s1, $0xD;
	s1 =	sshrl.u32 s1, $0x2  }
0xc7: {  	s4 =	sand.u32 $0x4000, s31;
	s1 =	sadd.s32 s1, s30  }
0xc8: {  	s0 =	sor.u32 s4, s0;
	s1 =	sshll.u32 s1, $0x11  }
0xc9: {  	s0 =	sor.u32 s1, s0  }
0xca: {  	s0 =	sadd.s32 $0x8F2B, s0  }
0xcb: {  	[sflag:s0] =	ssyncadd.remote.s32 $0x1  }
0xcc: {  	_ =	sfence.sel $0xFFFF  }
0xcd: {  	[dreg:$0x0] =	wrdreg $0xFFFFFFFF;
	(pc) =	sbr.abs _section_cstart, $3  }
0xce: {  	[dreg:$0x1] =	wrdreg $0xFFFFFFFF  }
0xcf: {  	_ =	task.clear_ibuf [dreg:s22], $0x2FFFF;
	_ =	strace $0x9FFFFFFF  }
0xd0: {  	(tm) =	ssettm $0x7FFFFFFF  }
0xd1: {  	_ =	shalt  }
tec
execute0_lowered:
.L_overlay_start_1:
0x0: {  	(tag) =	ssettag $0x1  }
0x1: {  	s7 =	rddreg [dreg:$0x0]  }
0x2: {  	s0 =	rddreg [dreg:$0x1];
	_ =	strace $0x8000004A  }
0x3: {  	s1 =	srdreg.scid;
	s4 =	simm.s32 $0x1;
	s9 =	simm.s32 $0x3  }
0x4: {  	s11 =	simm.s32 $0x0;
	p0 =	por $0x0, $0x0;
	s5 =	sshll.u32 s1, $0x4  }
.Ltmp0:
0x5: {  	s1 =	stileid.u32;
	s5 =	sand.u32 $0x10, s5;
	(pc) =	sbr.rel .LBB2_1-.Ltmp0, $4  }
0x6: {  	s2 =	sadd.s32 $0x7BD000, s7;
	s3 =	sadd.s32 $0x56600, s7;
	s6 =	sor.u32 s1, s5  }
0x7: {  	[sflag:s4] =	ssyncpa.u1 $0x0;
	s5 =	simm.s32 $0x2;
	s6 =	sshll.u32 s6, $0xC  }
0x8: {  	s7 =	sadd.s32 $0x33D000, s7;
	[sflag:s5] =	ssyncpa.u1 $0x0;
	s8 =	sadd.s32 $0x1000, s6  }
0x9: {  	vm0 =	vmmov $0xff;
	vm1 =	vcmask $0x3F20;
	[sflag:s9] =	ssyncpa.u1 $0x0;
	s10 =	smov.u32 s6;
	s9 =	simm.s32 $0x0  }
.LBB2_7:
0xa: {  	p1 =	slt.u32 s9, $0x2;
	s11 =	sadd.s32 $0x100, s10  }
0xb: {  	s13 =	smov.u32 s6;
	s9 =	sadd.s32 $0x1, s9;
	p2 =	slt.s32 s11, s8  }
0xc: {  	s13 =	smov.u32 @p2 s11;
	p2 =	sne.s32 s9, $0x12  }
.Ltmp1:
0xd: {  	_ = 	snop;
	(pc) =	sbr.rel @!p2 .LBB2_8-.Ltmp1, $4  }
0xe: {  	s12 =	simm.s32 @!p1 $0x3  }
0xf: {  	_ =	swait.ge @!p1 [sflag:s12], $0x8000  }
0x10: {  	p0 =	por !p0, !p0;
	[sflag:s12] =	ssyncset.done @!p1 $0x0  }
0x11: {  	s11 =	smov.u32 s10;
	s10 =	smov.u32 s13;
	[sflag:s12] =	ssyncadd.s32 @!p1 $0xFFFF8000  }
.LBB2_1:
0x12: {  	p1 =	sgt.u32 s9, $0xF  }
0x13: {  	s12 =	sxor.u32 @!p1 $0xFFFFFFFF, s9  }
0x14: {  	s13 =	sshrl.u32 @!p1 s10, $0x3;
	s12 =	sshll.u32 @!p1 s12, $0x8  }
0x15: {  	s14 =	sand.u32 @!p1 $0x7, s10;
	s13 =	sadd.s32 @!p1 s3, s13;
	s12 =	sand.u32 @!p1 $0x100, s12  }
0x16: {  	[tilespmem:s12], [sflag:$0x2] =	stream.linear.gather @!p1 [hbm4b:s13+s14], $0x100, $0x38;
	[tilespmem:$0x10200] =	vst v63  }
0x17: {  	p1 =	seq.s32 s9, $0x0  }
0x18: {  	p2 =	seq.s32 @!p1 s9, $0x11  }
0x19: {  	p1 =	por p1, p2  }
.Ltmp2:
0x1a: {  	_ = 	snop;
	(pc) =	sbr.rel @p1 .LBB2_7-.Ltmp2, $1  }
0x1b: {  	_ =	sdelay $0x3  }
0x1c: {  	s12 =	simm.s32 $0x1  }
0x1d: {  	_ =	swait.ge [sflag:s5], $0x100;
	s12 =	simm.s32 @!p0 $0x0  }
0x1e: {  	[sflag:s5] =	ssyncset.done $0x0;
	s14 =	sshll.u32 s12, $0x8  }
0x1f: {  	[sflag:s5] =	ssyncadd.s32 $0xFFFFFF00;
	s13 =	sadd.s32 $0x0, s14  }
0x20: {  	v0 =	vld.msk [tilespmem:s13+$0x0 ss:$0x1], $0xffff;
	_ =	sdelay $0x4  }
0x21: {  	v1 =	vshll.u32 v0, $0x3  }
0x22: {  	vm2 =	veq.s32 v0, $0x80000000;
	v0 =	vshll.u32 v0, $0x14;
	v1 =	vand.u32 $0xFFF80, v1  }
0x23: {  	v0 =	vand.u32 $0xF00000, v0;
	v1 =	vsel vm2, $0xFFFFFF80, v1  }
0x24: {  	v0 =	vsel vm2, $0xFFF00000, v0;
	v2 =	vand.u32 $0xFFFFFC00, v1  }
0x25: {  	v1 =	vand.u32 $0x380, v1;
	v0 =	vadd.s32 v0, v2  }
0x26: {  	v0 =	vor.u32 v1, v0  }
0x27: {  	v0 =	vshrl.u32 v0, $0x3;
	_ =	sdelay $0x2  }
0x28: {  	s12 =	sshll.u32 s12, $0xF  }
0x29: {  	s12 =	sor.u32 $0x200, s12  }
0x2a: {  	[tilespmem:s12], [sflag:$0x1] =	stream.indirect_vreg.gather [hbm:s2], $0x80, v0, vm0, $0x38;
	[tilespmem:$0x10200] =	vst v63  }
0x2b: {  	s15 =	sadd.s32 $0x10, s14;
	s13 =	sadd.s32 $0x400, s12  }
0x2c: {  	[tilespmem:s13], [sflag:$0x1] =	stream.indirect_vreg.gather [hbm:s2], $0x80, v0, vm1, $0x38;
	[tilespmem:$0x10200] =	vst v63  }
0x2d: {  	s16 =	simm.s32 $0x80;
	v0 =	vld.msk [tilespmem:s15+$0x0 ss:$0x1], $0xffff;
	s15 =	smov.u32 s12  }
.LBB2_3:
0x2e: {  	p1 =	sne.s32 s16, $0x3C0;
	_ =	sdelay $0x4  }
0x2f: {  	v1 =	vshll.u32 v0, $0x3  }
0x30: {  	vm2 =	veq.s32 v0, $0x80000000;
	v0 =	vshll.u32 v0, $0x14;
	v1 =	vand.u32 $0xFFF80, v1  }
0x31: {  	v0 =	vand.u32 $0xF00000, v0;
	v1 =	vsel vm2, $0xFFFFFF80, v1  }
0x32: {  	v0 =	vsel vm2, $0xFFF00000, v0;
	v2 =	vand.u32 $0xFFFFFC00, v1  }
0x33: {  	v1 =	vand.u32 $0x380, v1;
	v0 =	vadd.s32 v0, v2  }
0x34: {  	v0 =	vor.u32 v1, v0  }
0x35: {  	v0 =	vshrl.u32 v0, $0x3;
	_ =	sdelay $0x3  }
.Ltmp3:
0x36: {  	s17 =	sshra.s32 s16, $0x2;
	s15 =	sadd.s32 $0x800, s15;
	(pc) =	sbr.rel @p1 .LBB2_3-.Ltmp3, $4  }
0x37: {  	[tilespmem:s15], [sflag:$0x1] =	stream.indirect_vreg.gather [hbm:s2], $0x80, v0, vm0, $0x38;
	[tilespmem:$0x10200] =	vst v63  }
0x38: {  	s17 =	sadd.s32 s17, s14;
	s18 =	sadd.s32 $0x400, s15  }
0x39: {  	[tilespmem:s18], [sflag:$0x1] =	stream.indirect_vreg.gather [hbm:s2], $0x80, v0, vm1, $0x38;
	[tilespmem:$0x10200] =	vst v63  }
0x3a: {  	s16 =	sadd.s32 $0x40, s16;
	v0 =	vld.msk [tilespmem:s17+$0x0 ss:$0x1], $0xffff  }
0x3b: {  	_ =	sdelay $0x3  }
0x3c: {  	v1 =	vshll.u32 v0, $0x3  }
0x3d: {  	vm2 =	veq.s32 v0, $0x80000000;
	v63 =	vshll.u32 v0, $0x14;
	v1 =	vand.u32 $0xFFF80, v1  }
0x3e: {  	v0 =	vand.u32 $0xF00000, v63;
	v1 =	vsel vm2, $0xFFFFFF80, v1  }
0x3f: {  	v0 =	vsel vm2, $0xFFF00000, v0;
	v2 =	vand.u32 $0xFFFFFC00, v1  }
0x40: {  	v1 =	vand.u32 $0x380, v1;
	v0 =	vadd.s32 v0, v2  }
0x41: {  	v0 =	vor.u32 v1, v0  }
0x42: {  	v0 =	vshrl.u32 v0, $0x3;
	_ =	sdelay $0x3  }
0x43: {  	s14 =	sadd.s32 $0x800, s15  }
0x44: {  	[tilespmem:s14], [sflag:$0x1] =	stream.indirect_vreg.gather [hbm:s2], $0x80, v0, vm0, $0x38;
	[tilespmem:$0x10200] =	vst v63  }
0x45: {  	s14 =	sadd.s32 $0x400, s14  }
0x46: {  	[tilespmem:s14], [sflag:$0x1] =	stream.indirect_vreg.gather [hbm:s2], $0x80, v0, vm1, $0x38;
	[tilespmem:$0x10200] =	vst v63  }
0x47: {  	s11 =	sshll.u32 s11, $0x4;
	_ =	swait.ge [sflag:s4], $0x8000  }
0x48: {  	s11 =	sadd.s32 s11, s7;
	[sflag:s4] =	ssyncset.done $0x0  }
0x49: {  	s15 =	sadd.s32 $0x0, s11;
	s14 =	simm.s32 $0x80;
	[sflag:s4] =	ssyncadd.s32 $0xFFFF8000  }
.LBB2_5:
0x4a: {  	[hbm:s15] =	stream.linear.scatter [tilespmem:s12], [sflag:$0x3], $0x400, $0x38;
	[tilespmem:$0x10200] =	vst v63  }
0x4b: {  	s15 =	smov.u32 s14;
	s12 =	smov.u32 s13;
	p1 =	sne.s32 s14, $0xF80  }
.Ltmp4:
0x4c: {  	s14 =	sadd.s32 $0x80, s14;
	(pc) =	sbr.rel @p1 .LBB2_5-.Ltmp4, $2  }
0x4d: {  	_ =	sdelay $0x2  }
0x4e: {  	s13 =	sadd.s32 $0x400, s13;
	s15 =	sadd.s32 s15, s11  }
.Ltmp5:
0x4f: {  	(pc) =	sbr.rel .LBB2_7-.Ltmp5, $2  }
0x50: {  	_ =	sdelay $0x2  }
0x51: {  	[hbm:s15] =	stream.linear.scatter [tilespmem:s12], [sflag:$0x3], $0x400, $0x38;
	[tilespmem:$0x10200] =	vst v63  }
.LBB2_8:
0x52: {  	_ =	sfence.sel $0x180000  }
0x53: {  	s2 =	simm.s32 $0x2;
	[bflag:$0x0] =	sbarrier.arrive $0xFFFF  }
0x54: {  	s30 =	simm.s32 $0x3;
	[sflag:s2] =	ssyncpa.u1 $0x1  }
0x55: {  	s31 =	simm.s32 $0x1;
	[sflag:s30] =	ssyncpa.u1 $0x1  }
0x56: {  	[sflag:s31] =	ssyncpa.u1 $0x1  }
0x57: {  	p0 =	sne.s32 s1, $0x0;
	_ =	strace $0x9000004A  }
0x58: {  	s0 =	sadd.s32 @!p0 $0x100000, s0;
	[bflag:$0x2] =	sbarrier.arrive $0xFFFF  }
0x59: {  	[sflag:s0] =	ssyncadd.tile.s32 @!p0 $0x1;
	_ =	shalt  }
.Lfunc_end2:
_tile_overlayer_lowered:
.L_overlay_start_2:
0x5a: {  	(tag) =	ssettag $0x2  }
0x5b: {  	s0 =	rddreg [dreg:$0x0];
	s2 =	stileid.u32  }
0x5c: {  	s1 =	rddreg [dreg:$0x1];
	p0 =	sne.s32 s2, $0x0  }
0x5d: {  	s3 =	rddreg [dreg:$0x2];
	[bflag:$0x3] =	sbarrier.arrive $0xFFFF;
	s2 =	simm.s32 @!p0 $0x1C01  }
0x5e: {  	[timem:s3], [sflag:s2] =	dma.local @!p0 [hbm:s0], s1  }
0x5f: {  	s0 =	simm.s32 @!p0 $0x1  }
0x60: {  	_ =	swait.ge @!p0 [sflag:s0], s1  }
0x61: {  	s1 =	ssub.s32 @!p0 $0x0, s1;
	[sflag:s0] =	ssyncset.done @!p0 $0x0  }
0x62: {  	[sflag:s0] =	ssyncadd.s32 @!p0 s1  }
0x63: {  	[bflag:$0x3] =	sbarrier.arrive $0xFFFF  }
0x64: {  	_ =	shalt  }

</sc_bundles>
